<compile_context>
chip_gen: v7x
topology: tpu7x:2x2x1
jax: 0.10.2.dev20260603
libtpu: 0.0.44.dev20260713+nightly
codegen_flags: <defaults>
</compile_context>

<pallas_src>
import functools

import jax
import jax.numpy as jnp
from jax import lax
from jax.experimental import pallas as pl
from jax.experimental.pallas import tpu as pltpu
from jax.experimental.pallas import tpu_sc as plsc

_N = 10000
_E = 320000
_DP = 128
_DO = 128
_NTILES = 32
_EPT = _E // _NTILES
_CH = 125
_NCH = _EPT // _CH
_NPAD = 10240
_RPT = _NPAD // 16


def _flat_tile_id():
    c = lax.axis_index("c")
    s = lax.axis_index("s")
    return c, s, c * 16 + s


@functools.cache
def _make_edge_kernel(d):
    mesh = plsc.VectorSubcoreMesh(core_axis_name="c", subcore_axis_name="s")

    nbuf = 2
    hch = _NCH // 2

    @functools.partial(
        pl.kernel,
        out_type=jax.ShapeDtypeStruct((2, _NPAD, d), jnp.float32),
        mesh=mesh,
        scratch_types=[
            pltpu.VMEM((hch, _CH), jnp.int32),
            pltpu.VMEM((hch, _CH), jnp.int32),
            pltpu.VMEM((nbuf, _CH, d), jnp.float32),
            pltpu.VMEM_SHARED((_NPAD, d), jnp.float32),
            pltpu.SemaphoreType.DMA,
            pltpu.SemaphoreType.DMA,
        ],
    )
    def edge_kernel(z_hbm, src_hbm, dst_hbm, zero_hbm, out_hbm,
                    src_v, dst_v, rows_v, acc_sh, sem0, sem1):
        sems = (sem0, sem1)
        c, s, w = _flat_tile_id()
        row0 = pl.multiple_of(s * _RPT, 8)
        pltpu.sync_copy(zero_hbm.at[pl.ds(row0, _RPT)],
                        acc_sh.at[pl.ds(row0, _RPT)])
        plsc.subcore_barrier()

        def gather(j, b):
            pltpu.async_copy(z_hbm.at[src_v.at[j]], rows_v.at[b], sems[b])

        def gather_wait(j, b):
            pltpu.make_async_copy(z_hbm.at[src_v.at[j]], rows_v.at[b],
                                  sems[b]).wait()

        def scatter(j, b):
            pltpu.sync_copy(rows_v.at[b], acc_sh.at[dst_v.at[j]], add=True)

        for h in range(2):
            pltpu.sync_copy(src_hbm.at[w, h], src_v)
            pltpu.sync_copy(dst_hbm.at[w, h], dst_v)
            gather(0, 0)
            gather(1, 1)

            def body(t, carry):
                j = 2 * t
                gather_wait(j, 0)
                scatter(j, 0)

                @pl.when(j + 2 < hch)
                def _():
                    gather(j + 2, 0)

                gather_wait(j + 1, 1)
                scatter(j + 1, 1)

                @pl.when(j + 3 < hch)
                def _():
                    gather(j + 3, 1)

                return carry

            lax.fori_loop(0, hch // 2, body, 0)

        plsc.subcore_barrier()
        pltpu.sync_copy(acc_sh.at[pl.ds(row0, _RPT)],
                        out_hbm.at[c, pl.ds(row0, _RPT)])

    return edge_kernel


@functools.cache
def _make_deg_kernel():
    mesh = plsc.VectorSubcoreMesh(core_axis_name="c", subcore_axis_name="s")

    @functools.partial(
        pl.kernel,
        out_type=jax.ShapeDtypeStruct((2, _NPAD, 128), jnp.float32),
        mesh=mesh,
        scratch_types=[
            pltpu.VMEM((_NCH // 2, _CH), jnp.int32),
            pltpu.VMEM((_CH, 128), jnp.float32),
            pltpu.VMEM_SHARED((_NPAD, 128), jnp.float32),
        ],
    )
    def deg_kernel(dst_hbm, ones_hbm, zero_hbm, out_hbm, dst_v, ones_v, acc_sh):
        c, s, w = _flat_tile_id()
        row0 = pl.multiple_of(s * _RPT, 8)
        pltpu.sync_copy(ones_hbm, ones_v)
        pltpu.sync_copy(zero_hbm.at[pl.ds(row0, _RPT)],
                        acc_sh.at[pl.ds(row0, _RPT)])
        plsc.subcore_barrier()

        def body(j, carry):
            pltpu.sync_copy(ones_v, acc_sh.at[dst_v.at[j]], add=True)
            return carry

        for h in range(2):
            pltpu.sync_copy(dst_hbm.at[w, h], dst_v)
            lax.fori_loop(0, _NCH // 2, body, 0)
        plsc.subcore_barrier()
        pltpu.sync_copy(acc_sh.at[pl.ds(row0, _RPT)],
                        out_hbm.at[c, pl.ds(row0, _RPT)])

    return deg_kernel


_TCR = 2000


def _dinv_block(degp_ref):
    deg = degp_ref[0, :, 0:1] + degp_ref[1, :, 0:1] + 1.0
    return lax.rsqrt(deg)


def _tc_first(degp, x, w0):
    din, dout = x.shape[1], w0.shape[1]

    def body(degp_ref, x_ref, w_ref, z_ref):
        dinv = _dinv_block(degp_ref)
        z_ref[...] = dinv * jnp.dot(x_ref[...], w_ref[...],
                                    preferred_element_type=jnp.float32)

    return pl.pallas_call(
        body,
        grid=(_N // _TCR,),
        in_specs=[
            pl.BlockSpec((2, _TCR, 128), lambda i: (0, i, 0)),
            pl.BlockSpec((_TCR, din), lambda i: (i, 0)),
            pl.BlockSpec((din, dout), lambda i: (0, 0)),
        ],
        out_specs=pl.BlockSpec((_TCR, dout), lambda i: (i, 0)),
        out_shape=jax.ShapeDtypeStruct((_N, dout), jnp.float32),
    )(degp, x, w0)


def _tc_mid(degp, u, zp, b, w):
    din, dout = w.shape

    def body(degp_ref, u_ref, zp_ref, b_ref, w_ref, z_ref):
        dinv = _dinv_block(degp_ref)
        h = jnp.maximum(dinv * (u_ref[0] + u_ref[1] + zp_ref[...]) + b_ref[...], 0.0)
        z_ref[...] = dinv * jnp.dot(h, w_ref[...],
                                    preferred_element_type=jnp.float32)

    return pl.pallas_call(
        body,
        grid=(_N // _TCR,),
        in_specs=[
            pl.BlockSpec((2, _TCR, 128), lambda i: (0, i, 0)),
            pl.BlockSpec((2, _TCR, din), lambda i: (0, i, 0)),
            pl.BlockSpec((_TCR, din), lambda i: (i, 0)),
            pl.BlockSpec((1, din), lambda i: (0, 0)),
            pl.BlockSpec((din, dout), lambda i: (0, 0)),
        ],
        out_specs=pl.BlockSpec((_TCR, dout), lambda i: (i, 0)),
        out_shape=jax.ShapeDtypeStruct((_N, dout), jnp.float32),
    )(degp, u, zp, b, w)


def _tc_last(degp, u, zp, b):
    dout = zp.shape[1]

    def body(degp_ref, u_ref, zp_ref, b_ref, o_ref):
        dinv = _dinv_block(degp_ref)
        o_ref[...] = jnp.maximum(
            dinv * (u_ref[0] + u_ref[1] + zp_ref[...]) + b_ref[...], 0.0)

    return pl.pallas_call(
        body,
        grid=(_N // _TCR,),
        in_specs=[
            pl.BlockSpec((2, _TCR, 128), lambda i: (0, i, 0)),
            pl.BlockSpec((2, _TCR, dout), lambda i: (0, i, 0)),
            pl.BlockSpec((_TCR, dout), lambda i: (i, 0)),
            pl.BlockSpec((1, dout), lambda i: (0, 0)),
        ],
        out_specs=pl.BlockSpec((_TCR, dout), lambda i: (i, 0)),
        out_shape=jax.ShapeDtypeStruct((_N, dout), jnp.float32),
    )(degp, u, zp, b)


def _pad_w(w, rows, cols):
    return jnp.pad(w, ((0, rows - w.shape[0]), (0, cols - w.shape[1])))


def _pad_b(b, cols):
    return jnp.pad(b, (0, cols - b.shape[0])).reshape(1, cols)


def kernel(x, edge_index, enc_W0, enc_b0, enc_W1, enc_b1,
           dec_W0, dec_b0, dec_W1, dec_b1):
    src = edge_index[0].reshape(_NTILES, 2, _NCH // 2, _CH)
    dst = edge_index[1].reshape(_NTILES, 2, _NCH // 2, _CH)

    w0 = _pad_w(enc_W0, 128, _DP)
    w1 = _pad_w(enc_W1, _DP, _DP)
    w2 = _pad_w(dec_W0, _DP, _DP)
    w3 = _pad_w(dec_W1, _DP, _DO)
    b0 = _pad_b(enc_b0, _DP)
    b1 = _pad_b(enc_b1, _DP)
    b2 = _pad_b(dec_b0, _DP)
    b3 = _pad_b(dec_b1, _DO)

    zeros_dp = jnp.zeros((_NPAD, _DP), jnp.float32)
    zeros_do = jnp.zeros((_NPAD, _DO), jnp.float32)
    ones128 = jnp.ones((_CH, 128), jnp.float32)

    degp = _make_deg_kernel()(dst, ones128, zeros_dp)

    edge_dp = _make_edge_kernel(_DP)
    edge_do = _make_edge_kernel(_DO)

    z0 = _tc_first(degp, x, w0)
    u0 = edge_dp(z0, src, dst, zeros_dp)
    z1 = _tc_mid(degp, u0, z0, b0, w1)
    u1 = edge_dp(z1, src, dst, zeros_dp)
    z2 = _tc_mid(degp, u1, z1, b1, w2)
    u2 = edge_dp(z2, src, dst, zeros_dp)
    z3 = _tc_mid(degp, u2, z2, b2, w3)
    u3 = edge_do(z3, src, dst, zeros_do)
    return _tc_last(degp, u3, z3, b3)

# --- scband reference (transcript-rebuilt; emitter-appended) ---
"""Pipeline reference for scband-auto-encoder-31610959299311 (READ-ONLY COPY).

The authoritative reference and input builder live on the scoring server;
editing this copy changes nothing except your own understanding.
"""

import jax, jax.numpy as jnp
import numpy as np

N = 10000
E = 320000
D_IN = 128
D_H = 100


def _glorot(key, shape):
    lim = np.sqrt(6.0 / (shape[0] + shape[1]))
    return jax.random.uniform(key, shape, jnp.float32, -lim, lim)


def setup_inputs(seed: int = 0) -> dict:
    key = jax.random.key(seed)
    ks = jax.random.split(key, 10)
    x = jax.random.normal(ks[0], (N, D_IN), jnp.float32)
    edge_index = jax.random.randint(ks[1], (2, E), 0, N, dtype=jnp.int32)
    return {
        'x': x,
        'edge_index': edge_index,
        'enc_W0': _glorot(ks[2], (D_IN, D_H)),
        'enc_b0': jnp.zeros((D_H,), jnp.float32),
        'enc_W1': _glorot(ks[3], (D_H, D_H)),
        'enc_b1': jnp.zeros((D_H,), jnp.float32),
        'dec_W0': _glorot(ks[4], (D_H, D_H)),
        'dec_b0': jnp.zeros((D_H,), jnp.float32),
        'dec_W1': _glorot(ks[5], (D_H, D_IN)),
        'dec_b1': jnp.zeros((D_IN,), jnp.float32),
    }


def _gcn_conv(x, edge_index, W, b):
    # PyG GCNConv: linear transform, add self loops, symmetric normalization, scatter-add, bias
    xw = x @ W
    loop = jnp.arange(N, dtype=edge_index.dtype)
    src = jnp.concatenate([edge_index[0], loop])
    dst = jnp.concatenate([edge_index[1], loop])
    deg = jax.ops.segment_sum(jnp.ones(src.shape[0], dtype=xw.dtype), dst, num_segments=N)
    dinv = jnp.where(deg > 0, jax.lax.rsqrt(deg), 0.0)
    norm = dinv[src] * dinv[dst]
    msgs = norm[:, None] * jnp.take(xw, src, axis=0)
    out = jax.ops.segment_sum(msgs, dst, num_segments=N) + b
    return out


def reference(x, edge_index, enc_W0, enc_b0, enc_W1, enc_b1, dec_W0, dec_b0, dec_W1, dec_b1):
    h = jax.nn.relu(_gcn_conv(x, edge_index, enc_W0, enc_b0))
    h = jax.nn.relu(_gcn_conv(h, edge_index, enc_W1, enc_b1))
    h = jax.nn.relu(_gcn_conv(h, edge_index, dec_W0, dec_b0))
    h = jax.nn.relu(_gcn_conv(h, edge_index, dec_W1, dec_b1))
    return h

if __name__ == "__main__":
    import jax
    _d = setup_inputs()
    print(jax.jit(kernel)(*tuple(_d.values())))

</pallas_src>

<mosaic_0001>
#map = affine_map<(d0, d1) -> (0, 0)>
#map1 = affine_map<(d0, d1) -> (0, 0, 0, 0)>
#map2 = affine_map<(d0, d1) -> (0, 0, 0)>
module attributes {stable_mosaic.version = 14 : i64} {
  func.func @edge_kernel(%arg0: i32, %arg1: i32, %arg2: memref<10000x128xf32, #tpu.memory_space<hbm>>, %arg3: memref<32x2x40x125xi32, #tpu.memory_space<hbm>>, %arg4: memref<32x2x40x125xi32, #tpu.memory_space<hbm>>, %arg5: memref<10240x128xf32, #tpu.memory_space<hbm>>, %arg6: memref<2x10240x128xf32, #tpu.memory_space<hbm>>, %arg7: memref<40x125xi32, #tpu.memory_space<vmem>>, %arg8: memref<40x125xi32, #tpu.memory_space<vmem>>, %arg9: memref<2x125x128xf32, #tpu.memory_space<vmem>>, %arg10: memref<10240x128xf32, #tpu.memory_space<vmem_shared>>, %arg11: memref<!tpu.dma_semaphore, #tpu.memory_space<semaphore_mem>>, %arg12: memref<!tpu.dma_semaphore, #tpu.memory_space<semaphore_mem>>) attributes {dimension_semantics = [#tpu.dimension_semantics<core_parallel>, #tpu.dimension_semantics<subcore_parallel>], iteration_bounds = array<i64: 2, 16>, scalar_prefetch = 0 : i64, scratch_operands = 6 : i64, tpu.core_type = #tpu.core_type<sc_vector_subcore>, window_params = [{transform_indices = #map}, {transform_indices = #map1}, {transform_indices = #map1}, {transform_indices = #map}, {transform_indices = #map2}]} {
    %mul3A = arith.constant 16 : i32
    %mul3A_0 = arith.muli %arg0, %mul3A : i32
    %add3A = arith.addi %mul3A_0, %arg1 : i32
    %mul3A_1 = arith.constant 640 : i32
    %mul3A_2 = arith.muli %arg1, %mul3A_1 : i32
    %multiple_of3A = tpu.assume_multiple %mul3A_2, 8 : i32
    "tpu.region"() ({
      %run_scoped3A_65 = tpu.sem_alloc : memref<!tpu.dma_semaphore, #tpu.memory_space<semaphore_mem>>
      %dma_start3A_66 = arith.constant 0 : i32
      %dma_start3A_67 = tpu.memref_slice %arg10[%multiple_of3A, %dma_start3A_66] : memref<10240x128xf32, #tpu.memory_space<vmem_shared>> -> memref<640x128xf32, #tpu.memory_space<vmem_shared>>
      %dma_start3A_68 = arith.constant 0 : i32
      %dma_start3A_69 = tpu.memref_slice %arg5[%multiple_of3A, %dma_start3A_68] : memref<10240x128xf32, #tpu.memory_space<hbm>> -> memref<640x128xf32, #tpu.memory_space<hbm>>
      tpu.enqueue_dma source(%dma_start3A_69 : memref<640x128xf32, #tpu.memory_space<hbm>>) target(%dma_start3A_67 : memref<640x128xf32, #tpu.memory_space<vmem_shared>>) target_semaphore(%run_scoped3A_65 : memref<!tpu.dma_semaphore, #tpu.memory_space<semaphore_mem>>)
      %dma_wait3A = arith.constant 0 : i32
      %dma_wait3A_70 = tpu.memref_slice %arg10[%multiple_of3A, %dma_wait3A] : memref<10240x128xf32, #tpu.memory_space<vmem_shared>> -> memref<640x128xf32, #tpu.memory_space<vmem_shared>>
      %dma_wait3A_71 = arith.constant 0 : i32
      %dma_wait3A_72 = tpu.memref_slice %arg5[%multiple_of3A, %dma_wait3A_71] : memref<10240x128xf32, #tpu.memory_space<hbm>> -> memref<640x128xf32, #tpu.memory_space<hbm>>
      tpu.wait_dma2 semaphore(%run_scoped3A_65 : memref<!tpu.dma_semaphore, #tpu.memory_space<semaphore_mem>>) src(%dma_wait3A_72 : memref<640x128xf32, #tpu.memory_space<hbm>>) dst(%dma_wait3A_70 : memref<640x128xf32, #tpu.memory_space<vmem_shared>>)
      tpu.yield
    }) : () -> ()
    %barrier3A = arith.constant 0 : index
    tpu.barrier barrier_id(%barrier3A)
    %run_scoped3A = arith.constant 0 : i32
    "tpu.region"() ({
      %run_scoped3A_65 = tpu.sem_alloc : memref<!tpu.dma_semaphore, #tpu.memory_space<semaphore_mem>>
      %dma_start3A_66 = arith.constant 0 : i32
      %dma_start3A_67 = arith.constant 0 : i32
      %dma_start3A_68 = tpu.memref_slice %arg3[%add3A, %run_scoped3A, %dma_start3A_66, %dma_start3A_67] : memref<32x2x40x125xi32, #tpu.memory_space<hbm>> -> memref<1x1x40x125xi32, #tpu.memory_space<hbm>>
      %dma_start3A_69 = tpu.memref_squeeze %dma_start3A_68 : memref<1x1x40x125xi32, #tpu.memory_space<hbm>> -> memref<40x125xi32, #tpu.memory_space<hbm>>
      %dma_start3A_70 = arith.constant 0 : i32
      %dma_start3A_71 = arith.constant 0 : i32
      %dma_start3A_72 = tpu.memref_slice %arg3[%add3A, %run_scoped3A, %dma_start3A_70, %dma_start3A_71] : memref<32x2x40x125xi32, #tpu.memory_space<hbm>> -> memref<1x1x40x125xi32, #tpu.memory_space<hbm>>
      %dma_start3A_73 = tpu.memref_squeeze %dma_start3A_72 : memref<1x1x40x125xi32, #tpu.memory_space<hbm>> -> memref<40x125xi32, #tpu.memory_space<hbm>>
      tpu.enqueue_dma source(%dma_start3A_73 : memref<40x125xi32, #tpu.memory_space<hbm>>) target(%arg7 : memref<40x125xi32, #tpu.memory_space<vmem>>) target_semaphore(%run_scoped3A_65 : memref<!tpu.dma_semaphore, #tpu.memory_space<semaphore_mem>>)
      %dma_wait3A = arith.constant 0 : i32
      %dma_wait3A_74 = arith.constant 0 : i32
      %dma_wait3A_75 = tpu.memref_slice %arg3[%add3A, %run_scoped3A, %dma_wait3A, %dma_wait3A_74] : memref<32x2x40x125xi32, #tpu.memory_space<hbm>> -> memref<1x1x40x125xi32, #tpu.memory_space<hbm>>
      %dma_wait3A_76 = tpu.memref_squeeze %dma_wait3A_75 : memref<1x1x40x125xi32, #tpu.memory_space<hbm>> -> memref<40x125xi32, #tpu.memory_space<hbm>>
      %dma_wait3A_77 = arith.constant 0 : i32
      %dma_wait3A_78 = arith.constant 0 : i32
      %dma_wait3A_79 = tpu.memref_slice %arg3[%add3A, %run_scoped3A, %dma_wait3A_77, %dma_wait3A_78] : memref<32x2x40x125xi32, #tpu.memory_space<hbm>> -> memref<1x1x40x125xi32, #tpu.memory_space<hbm>>
      %dma_wait3A_80 = tpu.memref_squeeze %dma_wait3A_79 : memref<1x1x40x125xi32, #tpu.memory_space<hbm>> -> memref<40x125xi32, #tpu.memory_space<hbm>>
      tpu.wait_dma2 semaphore(%run_scoped3A_65 : memref<!tpu.dma_semaphore, #tpu.memory_space<semaphore_mem>>) src(%dma_wait3A_80 : memref<40x125xi32, #tpu.memory_space<hbm>>) dst(%arg7 : memref<40x125xi32, #tpu.memory_space<vmem>>)
      tpu.yield
    }) : () -> ()
    %run_scoped3A_3 = arith.constant 0 : i32
    "tpu.region"() ({
      %run_scoped3A_65 = tpu.sem_alloc : memref<!tpu.dma_semaphore, #tpu.memory_space<semaphore_mem>>
      %dma_start3A_66 = arith.constant 0 : i32
      %dma_start3A_67 = arith.constant 0 : i32
      %dma_start3A_68 = tpu.memref_slice %arg4[%add3A, %run_scoped3A_3, %dma_start3A_66, %dma_start3A_67] : memref<32x2x40x125xi32, #tpu.memory_space<hbm>> -> memref<1x1x40x125xi32, #tpu.memory_space<hbm>>
      %dma_start3A_69 = tpu.memref_squeeze %dma_start3A_68 : memref<1x1x40x125xi32, #tpu.memory_space<hbm>> -> memref<40x125xi32, #tpu.memory_space<hbm>>
      %dma_start3A_70 = arith.constant 0 : i32
      %dma_start3A_71 = arith.constant 0 : i32
      %dma_start3A_72 = tpu.memref_slice %arg4[%add3A, %run_scoped3A_3, %dma_start3A_70, %dma_start3A_71] : memref<32x2x40x125xi32, #tpu.memory_space<hbm>> -> memref<1x1x40x125xi32, #tpu.memory_space<hbm>>
      %dma_start3A_73 = tpu.memref_squeeze %dma_start3A_72 : memref<1x1x40x125xi32, #tpu.memory_space<hbm>> -> memref<40x125xi32, #tpu.memory_space<hbm>>
      tpu.enqueue_dma source(%dma_start3A_73 : memref<40x125xi32, #tpu.memory_space<hbm>>) target(%arg8 : memref<40x125xi32, #tpu.memory_space<vmem>>) target_semaphore(%run_scoped3A_65 : memref<!tpu.dma_semaphore, #tpu.memory_space<semaphore_mem>>)
      %dma_wait3A = arith.constant 0 : i32
      %dma_wait3A_74 = arith.constant 0 : i32
      %dma_wait3A_75 = tpu.memref_slice %arg4[%add3A, %run_scoped3A_3, %dma_wait3A, %dma_wait3A_74] : memref<32x2x40x125xi32, #tpu.memory_space<hbm>> -> memref<1x1x40x125xi32, #tpu.memory_space<hbm>>
      %dma_wait3A_76 = tpu.memref_squeeze %dma_wait3A_75 : memref<1x1x40x125xi32, #tpu.memory_space<hbm>> -> memref<40x125xi32, #tpu.memory_space<hbm>>
      %dma_wait3A_77 = arith.constant 0 : i32
      %dma_wait3A_78 = arith.constant 0 : i32
      %dma_wait3A_79 = tpu.memref_slice %arg4[%add3A, %run_scoped3A_3, %dma_wait3A_77, %dma_wait3A_78] : memref<32x2x40x125xi32, #tpu.memory_space<hbm>> -> memref<1x1x40x125xi32, #tpu.memory_space<hbm>>
      %dma_wait3A_80 = tpu.memref_squeeze %dma_wait3A_79 : memref<1x1x40x125xi32, #tpu.memory_space<hbm>> -> memref<40x125xi32, #tpu.memory_space<hbm>>
      tpu.wait_dma2 semaphore(%run_scoped3A_65 : memref<!tpu.dma_semaphore, #tpu.memory_space<semaphore_mem>>) src(%dma_wait3A_80 : memref<40x125xi32, #tpu.memory_space<hbm>>) dst(%arg8 : memref<40x125xi32, #tpu.memory_space<vmem>>)
      tpu.yield
    }) : () -> ()
    %dma_start3A = arith.constant 0 : i32
    %dma_start3A_4 = arith.constant 0 : i32
    %dma_start3A_5 = arith.constant 0 : i32
    %dma_start3A_6 = arith.constant 0 : i32
    %dma_start3A_7 = tpu.memref_slice %arg9[%dma_start3A_4, %dma_start3A_5, %dma_start3A_6] : memref<2x125x128xf32, #tpu.memory_space<vmem>> -> memref<1x125x128xf32, #tpu.memory_space<vmem>>
    %dma_start3A_8 = tpu.memref_squeeze %dma_start3A_7 : memref<1x125x128xf32, #tpu.memory_space<vmem>> -> memref<125x128xf32, #tpu.memory_space<vmem>>
    %dma_start3A_9 = arith.constant 0 : i32
    %dma_start3A_10 = tpu.memref_slice %arg7[%dma_start3A, %dma_start3A_9] : memref<40x125xi32, #tpu.memory_space<vmem>> -> memref<1x125xi32, #tpu.memory_space<vmem>>
    %dma_start3A_11 = tpu.memref_squeeze %dma_start3A_10 : memref<1x125xi32, #tpu.memory_space<vmem>> -> memref<125xi32, #tpu.memory_space<vmem>>
    %dma_start3A_12 = arith.constant 0 : i32
    %dma_start3A_13 = arith.constant 0 : i32
    %dma_start3A_14 = tpu.memref_slice %arg2[%dma_start3A_12, %dma_start3A_13] : memref<10000x128xf32, #tpu.memory_space<hbm>> -> memref<10000x128xf32, #tpu.memory_space<hbm>>
    tpu.enqueue_indirect_dma source(%dma_start3A_14 : memref<10000x128xf32, #tpu.memory_space<hbm>>) target(%dma_start3A_8 : memref<125x128xf32, #tpu.memory_space<vmem>>) offsets(%dma_start3A_11 : memref<125xi32, #tpu.memory_space<vmem>>) semaphore(%arg11 : memref<!tpu.dma_semaphore, #tpu.memory_space<semaphore_mem>>)
    %dma_start3A_15 = arith.constant 1 : i32
    %dma_start3A_16 = arith.constant 1 : i32
    %dma_start3A_17 = arith.constant 0 : i32
    %dma_start3A_18 = arith.constant 0 : i32
    %dma_start3A_19 = tpu.memref_slice %arg9[%dma_start3A_16, %dma_start3A_17, %dma_start3A_18] : memref<2x125x128xf32, #tpu.memory_space<vmem>> -> memref<1x125x128xf32, #tpu.memory_space<vmem>>
    %dma_start3A_20 = tpu.memref_squeeze %dma_start3A_19 : memref<1x125x128xf32, #tpu.memory_space<vmem>> -> memref<125x128xf32, #tpu.memory_space<vmem>>
    %dma_start3A_21 = arith.constant 0 : i32
    %dma_start3A_22 = tpu.memref_slice %arg7[%dma_start3A_15, %dma_start3A_21] : memref<40x125xi32, #tpu.memory_space<vmem>> -> memref<1x125xi32, #tpu.memory_space<vmem>>
    %dma_start3A_23 = tpu.memref_squeeze %dma_start3A_22 : memref<1x125xi32, #tpu.memory_space<vmem>> -> memref<125xi32, #tpu.memory_space<vmem>>
    %dma_start3A_24 = arith.constant 0 : i32
    %dma_start3A_25 = arith.constant 0 : i32
    %dma_start3A_26 = tpu.memref_slice %arg2[%dma_start3A_24, %dma_start3A_25] : memref<10000x128xf32, #tpu.memory_space<hbm>> -> memref<10000x128xf32, #tpu.memory_space<hbm>>
    tpu.enqueue_indirect_dma source(%dma_start3A_26 : memref<10000x128xf32, #tpu.memory_space<hbm>>) target(%dma_start3A_20 : memref<125x128xf32, #tpu.memory_space<vmem>>) offsets(%dma_start3A_23 : memref<125xi32, #tpu.memory_space<vmem>>) semaphore(%arg12 : memref<!tpu.dma_semaphore, #tpu.memory_space<semaphore_mem>>)
    %scan3A = arith.constant 0 : i32
    %scan3A_27 = arith.constant 0 : i32
    %scan3A_28 = arith.constant 20 : i32
    %scan3A_29 = arith.addi %scan3A_27, %scan3A_28 : i32
    %scan3A_30 = arith.constant 1 : i32
    scf.for %scan3A_65 = %scan3A_27 to %scan3A_29 step %scan3A_30  : i32 {
      %mul3A_66 = arith.constant 2 : i32
      %mul3A_67 = arith.muli %mul3A_66, %scan3A_65 : i32
      %dma_wait3A = arith.constant 0 : i32
      %dma_wait3A_68 = arith.constant 0 : i32
      %dma_wait3A_69 = arith.constant 0 : i32
      %dma_wait3A_70 = tpu.memref_slice %arg9[%dma_wait3A, %dma_wait3A_68, %dma_wait3A_69] : memref<2x125x128xf32, #tpu.memory_space<vmem>> -> memref<1x125x128xf32, #tpu.memory_space<vmem>>
      %dma_wait3A_71 = tpu.memref_squeeze %dma_wait3A_70 : memref<1x125x128xf32, #tpu.memory_space<vmem>> -> memref<125x128xf32, #tpu.memory_space<vmem>>
      %dma_wait3A_72 = arith.constant 0 : i32
      %dma_wait3A_73 = tpu.memref_slice %arg7[%mul3A_67, %dma_wait3A_72] : memref<40x125xi32, #tpu.memory_space<vmem>> -> memref<1x125xi32, #tpu.memory_space<vmem>>
      %dma_wait3A_74 = tpu.memref_squeeze %dma_wait3A_73 : memref<1x125xi32, #tpu.memory_space<vmem>> -> memref<125xi32, #tpu.memory_space<vmem>>
      %dma_wait3A_75 = arith.constant 0 : i32
      %dma_wait3A_76 = arith.constant 0 : i32
      %dma_wait3A_77 = tpu.memref_slice %arg2[%dma_wait3A_75, %dma_wait3A_76] : memref<10000x128xf32, #tpu.memory_space<hbm>> -> memref<10000x128xf32, #tpu.memory_space<hbm>>
      tpu.wait_indirect_dma semaphore(%arg11 : memref<!tpu.dma_semaphore, #tpu.memory_space<semaphore_mem>>) src(%dma_wait3A_77 : memref<10000x128xf32, #tpu.memory_space<hbm>>) dst(%dma_wait3A_71 : memref<125x128xf32, #tpu.memory_space<vmem>>)
      %run_scoped3A_78 = arith.constant 0 : i32
      "tpu.region"() ({
        %run_scoped3A_106 = tpu.sem_alloc : memref<!tpu.dma_semaphore, #tpu.memory_space<semaphore_mem>>
        %dma_start3A_107 = arith.constant 0 : i32
        %dma_start3A_108 = arith.constant 0 : i32
        %dma_start3A_109 = tpu.memref_slice %arg9[%run_scoped3A_78, %dma_start3A_107, %dma_start3A_108] : memref<2x125x128xf32, #tpu.memory_space<vmem>> -> memref<1x125x128xf32, #tpu.memory_space<vmem>>
        %dma_start3A_110 = tpu.memref_squeeze %dma_start3A_109 : memref<1x125x128xf32, #tpu.memory_space<vmem>> -> memref<125x128xf32, #tpu.memory_space<vmem>>
        %dma_start3A_111 = arith.constant 0 : i32
        %dma_start3A_112 = tpu.memref_slice %arg8[%mul3A_67, %dma_start3A_111] : memref<40x125xi32, #tpu.memory_space<vmem>> -> memref<1x125xi32, #tpu.memory_space<vmem>>
        %dma_start3A_113 = tpu.memref_squeeze %dma_start3A_112 : memref<1x125xi32, #tpu.memory_space<vmem>> -> memref<125xi32, #tpu.memory_space<vmem>>
        %dma_start3A_114 = arith.constant 0 : i32
        %dma_start3A_115 = arith.constant 0 : i32
        %dma_start3A_116 = tpu.memref_slice %arg10[%dma_start3A_114, %dma_start3A_115] : memref<10240x128xf32, #tpu.memory_space<vmem_shared>> -> memref<10240x128xf32, #tpu.memory_space<vmem_shared>>
        tpu.enqueue_indirect_dma source(%dma_start3A_110 : memref<125x128xf32, #tpu.memory_space<vmem>>) target(%dma_start3A_116 : memref<10240x128xf32, #tpu.memory_space<vmem_shared>>) offsets(%dma_start3A_113 : memref<125xi32, #tpu.memory_space<vmem>>) semaphore(%run_scoped3A_106 : memref<!tpu.dma_semaphore, #tpu.memory_space<semaphore_mem>>) {add = true}
        %dma_wait3A_117 = arith.constant 0 : i32
        %dma_wait3A_118 = arith.constant 0 : i32
        %dma_wait3A_119 = tpu.memref_slice %arg9[%run_scoped3A_78, %dma_wait3A_117, %dma_wait3A_118] : memref<2x125x128xf32, #tpu.memory_space<vmem>> -> memref<1x125x128xf32, #tpu.memory_space<vmem>>
        %dma_wait3A_120 = tpu.memref_squeeze %dma_wait3A_119 : memref<1x125x128xf32, #tpu.memory_space<vmem>> -> memref<125x128xf32, #tpu.memory_space<vmem>>
        %dma_wait3A_121 = arith.constant 0 : i32
        %dma_wait3A_122 = tpu.memref_slice %arg8[%mul3A_67, %dma_wait3A_121] : memref<40x125xi32, #tpu.memory_space<vmem>> -> memref<1x125xi32, #tpu.memory_space<vmem>>
        %dma_wait3A_123 = tpu.memref_squeeze %dma_wait3A_122 : memref<1x125xi32, #tpu.memory_space<vmem>> -> memref<125xi32, #tpu.memory_space<vmem>>
        %dma_wait3A_124 = arith.constant 0 : i32
        %dma_wait3A_125 = arith.constant 0 : i32
        %dma_wait3A_126 = tpu.memref_slice %arg10[%dma_wait3A_124, %dma_wait3A_125] : memref<10240x128xf32, #tpu.memory_space<vmem_shared>> -> memref<10240x128xf32, #tpu.memory_space<vmem_shared>>
        tpu.wait_indirect_dma semaphore(%run_scoped3A_106 : memref<!tpu.dma_semaphore, #tpu.memory_space<semaphore_mem>>) src(%dma_wait3A_120 : memref<125x128xf32, #tpu.memory_space<vmem>>) dst(%dma_wait3A_126 : memref<10240x128xf32, #tpu.memory_space<vmem_shared>>)
        tpu.yield
      }) : () -> ()
      %add3A_79 = arith.constant 2 : i32
      %add3A_80 = arith.addi %mul3A_67, %add3A_79 : i32
      %lt3A = arith.constant 40 : i32
      %lt3A_81 = arith.cmpi slt, %add3A_80, %lt3A : i32
      %convert_element_type3A = arith.extui %lt3A_81 : i1 to i32
      %cond3A = arith.constant 0 : i32
      %cond3A_82 = arith.cmpi ne, %convert_element_type3A, %cond3A : i32
      scf.if %cond3A_82 {
        %add3A_106 = arith.constant 2 : i32
        %add3A_107 = arith.addi %mul3A_67, %add3A_106 : i32
        %dma_start3A_108 = arith.constant 0 : i32
        %dma_start3A_109 = arith.constant 0 : i32
        %dma_start3A_110 = arith.constant 0 : i32
        %dma_start3A_111 = tpu.memref_slice %arg9[%dma_start3A_108, %dma_start3A_109, %dma_start3A_110] : memref<2x125x128xf32, #tpu.memory_space<vmem>> -> memref<1x125x128xf32, #tpu.memory_space<vmem>>
        %dma_start3A_112 = tpu.memref_squeeze %dma_start3A_111 : memref<1x125x128xf32, #tpu.memory_space<vmem>> -> memref<125x128xf32, #tpu.memory_space<vmem>>
        %dma_start3A_113 = arith.constant 0 : i32
        %dma_start3A_114 = tpu.memref_slice %arg7[%add3A_107, %dma_start3A_113] : memref<40x125xi32, #tpu.memory_space<vmem>> -> memref<1x125xi32, #tpu.memory_space<vmem>>
        %dma_start3A_115 = tpu.memref_squeeze %dma_start3A_114 : memref<1x125xi32, #tpu.memory_space<vmem>> -> memref<125xi32, #tpu.memory_space<vmem>>
        %dma_start3A_116 = arith.constant 0 : i32
        %dma_start3A_117 = arith.constant 0 : i32
        %dma_start3A_118 = tpu.memref_slice %arg2[%dma_start3A_116, %dma_start3A_117] : memref<10000x128xf32, #tpu.memory_space<hbm>> -> memref<10000x128xf32, #tpu.memory_space<hbm>>
        tpu.enqueue_indirect_dma source(%dma_start3A_118 : memref<10000x128xf32, #tpu.memory_space<hbm>>) target(%dma_start3A_112 : memref<125x128xf32, #tpu.memory_space<vmem>>) offsets(%dma_start3A_115 : memref<125xi32, #tpu.memory_space<vmem>>) semaphore(%arg11 : memref<!tpu.dma_semaphore, #tpu.memory_space<semaphore_mem>>)
      } else {
      }
      %add3A_83 = arith.constant 1 : i32
      %add3A_84 = arith.addi %mul3A_67, %add3A_83 : i32
      %dma_wait3A_85 = arith.constant 1 : i32
      %dma_wait3A_86 = arith.constant 0 : i32
      %dma_wait3A_87 = arith.constant 0 : i32
      %dma_wait3A_88 = tpu.memref_slice %arg9[%dma_wait3A_85, %dma_wait3A_86, %dma_wait3A_87] : memref<2x125x128xf32, #tpu.memory_space<vmem>> -> memref<1x125x128xf32, #tpu.memory_space<vmem>>
      %dma_wait3A_89 = tpu.memref_squeeze %dma_wait3A_88 : memref<1x125x128xf32, #tpu.memory_space<vmem>> -> memref<125x128xf32, #tpu.memory_space<vmem>>
      %dma_wait3A_90 = arith.constant 0 : i32
      %dma_wait3A_91 = tpu.memref_slice %arg7[%add3A_84, %dma_wait3A_90] : memref<40x125xi32, #tpu.memory_space<vmem>> -> memref<1x125xi32, #tpu.memory_space<vmem>>
      %dma_wait3A_92 = tpu.memref_squeeze %dma_wait3A_91 : memref<1x125xi32, #tpu.memory_space<vmem>> -> memref<125xi32, #tpu.memory_space<vmem>>
      %dma_wait3A_93 = arith.constant 0 : i32
      %dma_wait3A_94 = arith.constant 0 : i32
      %dma_wait3A_95 = tpu.memref_slice %arg2[%dma_wait3A_93, %dma_wait3A_94] : memref<10000x128xf32, #tpu.memory_space<hbm>> -> memref<10000x128xf32, #tpu.memory_space<hbm>>
      tpu.wait_indirect_dma semaphore(%arg12 : memref<!tpu.dma_semaphore, #tpu.memory_space<semaphore_mem>>) src(%dma_wait3A_95 : memref<10000x128xf32, #tpu.memory_space<hbm>>) dst(%dma_wait3A_89 : memref<125x128xf32, #tpu.memory_space<vmem>>)
      %add3A_96 = arith.constant 1 : i32
      %add3A_97 = arith.addi %mul3A_67, %add3A_96 : i32
      %run_scoped3A_98 = arith.constant 1 : i32
      "tpu.region"() ({
        %run_scoped3A_106 = tpu.sem_alloc : memref<!tpu.dma_semaphore, #tpu.memory_space<semaphore_mem>>
        %dma_start3A_107 = arith.constant 0 : i32
        %dma_start3A_108 = arith.constant 0 : i32
        %dma_start3A_109 = tpu.memref_slice %arg9[%run_scoped3A_98, %dma_start3A_107, %dma_start3A_108] : memref<2x125x128xf32, #tpu.memory_space<vmem>> -> memref<1x125x128xf32, #tpu.memory_space<vmem>>
        %dma_start3A_110 = tpu.memref_squeeze %dma_start3A_109 : memref<1x125x128xf32, #tpu.memory_space<vmem>> -> memref<125x128xf32, #tpu.memory_space<vmem>>
        %dma_start3A_111 = arith.constant 0 : i32
        %dma_start3A_112 = tpu.memref_slice %arg8[%add3A_97, %dma_start3A_111] : memref<40x125xi32, #tpu.memory_space<vmem>> -> memref<1x125xi32, #tpu.memory_space<vmem>>
        %dma_start3A_113 = tpu.memref_squeeze %dma_start3A_112 : memref<1x125xi32, #tpu.memory_space<vmem>> -> memref<125xi32, #tpu.memory_space<vmem>>
        %dma_start3A_114 = arith.constant 0 : i32
        %dma_start3A_115 = arith.constant 0 : i32
        %dma_start3A_116 = tpu.memref_slice %arg10[%dma_start3A_114, %dma_start3A_115] : memref<10240x128xf32, #tpu.memory_space<vmem_shared>> -> memref<10240x128xf32, #tpu.memory_space<vmem_shared>>
        tpu.enqueue_indirect_dma source(%dma_start3A_110 : memref<125x128xf32, #tpu.memory_space<vmem>>) target(%dma_start3A_116 : memref<10240x128xf32, #tpu.memory_space<vmem_shared>>) offsets(%dma_start3A_113 : memref<125xi32, #tpu.memory_space<vmem>>) semaphore(%run_scoped3A_106 : memref<!tpu.dma_semaphore, #tpu.memory_space<semaphore_mem>>) {add = true}
        %dma_wait3A_117 = arith.constant 0 : i32
        %dma_wait3A_118 = arith.constant 0 : i32
        %dma_wait3A_119 = tpu.memref_slice %arg9[%run_scoped3A_98, %dma_wait3A_117, %dma_wait3A_118] : memref<2x125x128xf32, #tpu.memory_space<vmem>> -> memref<1x125x128xf32, #tpu.memory_space<vmem>>
        %dma_wait3A_120 = tpu.memref_squeeze %dma_wait3A_119 : memref<1x125x128xf32, #tpu.memory_space<vmem>> -> memref<125x128xf32, #tpu.memory_space<vmem>>
        %dma_wait3A_121 = arith.constant 0 : i32
        %dma_wait3A_122 = tpu.memref_slice %arg8[%add3A_97, %dma_wait3A_121] : memref<40x125xi32, #tpu.memory_space<vmem>> -> memref<1x125xi32, #tpu.memory_space<vmem>>
        %dma_wait3A_123 = tpu.memref_squeeze %dma_wait3A_122 : memref<1x125xi32, #tpu.memory_space<vmem>> -> memref<125xi32, #tpu.memory_space<vmem>>
        %dma_wait3A_124 = arith.constant 0 : i32
        %dma_wait3A_125 = arith.constant 0 : i32
        %dma_wait3A_126 = tpu.memref_slice %arg10[%dma_wait3A_124, %dma_wait3A_125] : memref<10240x128xf32, #tpu.memory_space<vmem_shared>> -> memref<10240x128xf32, #tpu.memory_space<vmem_shared>>
        tpu.wait_indirect_dma semaphore(%run_scoped3A_106 : memref<!tpu.dma_semaphore, #tpu.memory_space<semaphore_mem>>) src(%dma_wait3A_120 : memref<125x128xf32, #tpu.memory_space<vmem>>) dst(%dma_wait3A_126 : memref<10240x128xf32, #tpu.memory_space<vmem_shared>>)
        tpu.yield
      }) : () -> ()
      %add3A_99 = arith.constant 3 : i32
      %add3A_100 = arith.addi %mul3A_67, %add3A_99 : i32
      %lt3A_101 = arith.constant 40 : i32
      %lt3A_102 = arith.cmpi slt, %add3A_100, %lt3A_101 : i32
      %convert_element_type3A_103 = arith.extui %lt3A_102 : i1 to i32
      %cond3A_104 = arith.constant 0 : i32
      %cond3A_105 = arith.cmpi ne, %convert_element_type3A_103, %cond3A_104 : i32
      scf.if %cond3A_105 {
        %add3A_106 = arith.constant 3 : i32
        %add3A_107 = arith.addi %mul3A_67, %add3A_106 : i32
        %dma_start3A_108 = arith.constant 1 : i32
        %dma_start3A_109 = arith.constant 0 : i32
        %dma_start3A_110 = arith.constant 0 : i32
        %dma_start3A_111 = tpu.memref_slice %arg9[%dma_start3A_108, %dma_start3A_109, %dma_start3A_110] : memref<2x125x128xf32, #tpu.memory_space<vmem>> -> memref<1x125x128xf32, #tpu.memory_space<vmem>>
        %dma_start3A_112 = tpu.memref_squeeze %dma_start3A_111 : memref<1x125x128xf32, #tpu.memory_space<vmem>> -> memref<125x128xf32, #tpu.memory_space<vmem>>
        %dma_start3A_113 = arith.constant 0 : i32
        %dma_start3A_114 = tpu.memref_slice %arg7[%add3A_107, %dma_start3A_113] : memref<40x125xi32, #tpu.memory_space<vmem>> -> memref<1x125xi32, #tpu.memory_space<vmem>>
        %dma_start3A_115 = tpu.memref_squeeze %dma_start3A_114 : memref<1x125xi32, #tpu.memory_space<vmem>> -> memref<125xi32, #tpu.memory_space<vmem>>
        %dma_start3A_116 = arith.constant 0 : i32
        %dma_start3A_117 = arith.constant 0 : i32
        %dma_start3A_118 = tpu.memref_slice %arg2[%dma_start3A_116, %dma_start3A_117] : memref<10000x128xf32, #tpu.memory_space<hbm>> -> memref<10000x128xf32, #tpu.memory_space<hbm>>
        tpu.enqueue_indirect_dma source(%dma_start3A_118 : memref<10000x128xf32, #tpu.memory_space<hbm>>) target(%dma_start3A_112 : memref<125x128xf32, #tpu.memory_space<vmem>>) offsets(%dma_start3A_115 : memref<125xi32, #tpu.memory_space<vmem>>) semaphore(%arg12 : memref<!tpu.dma_semaphore, #tpu.memory_space<semaphore_mem>>)
      } else {
      }
    }
    %scan3A_31 = arith.constant 20 : i32
    %run_scoped3A_32 = arith.constant 1 : i32
    "tpu.region"() ({
      %run_scoped3A_65 = tpu.sem_alloc : memref<!tpu.dma_semaphore, #tpu.memory_space<semaphore_mem>>
      %dma_start3A_66 = arith.constant 0 : i32
      %dma_start3A_67 = arith.constant 0 : i32
      %dma_start3A_68 = tpu.memref_slice %arg3[%add3A, %run_scoped3A_32, %dma_start3A_66, %dma_start3A_67] : memref<32x2x40x125xi32, #tpu.memory_space<hbm>> -> memref<1x1x40x125xi32, #tpu.memory_space<hbm>>
      %dma_start3A_69 = tpu.memref_squeeze %dma_start3A_68 : memref<1x1x40x125xi32, #tpu.memory_space<hbm>> -> memref<40x125xi32, #tpu.memory_space<hbm>>
      %dma_start3A_70 = arith.constant 0 : i32
      %dma_start3A_71 = arith.constant 0 : i32
      %dma_start3A_72 = tpu.memref_slice %arg3[%add3A, %run_scoped3A_32, %dma_start3A_70, %dma_start3A_71] : memref<32x2x40x125xi32, #tpu.memory_space<hbm>> -> memref<1x1x40x125xi32, #tpu.memory_space<hbm>>
      %dma_start3A_73 = tpu.memref_squeeze %dma_start3A_72 : memref<1x1x40x125xi32, #tpu.memory_space<hbm>> -> memref<40x125xi32, #tpu.memory_space<hbm>>
      tpu.enqueue_dma source(%dma_start3A_73 : memref<40x125xi32, #tpu.memory_space<hbm>>) target(%arg7 : memref<40x125xi32, #tpu.memory_space<vmem>>) target_semaphore(%run_scoped3A_65 : memref<!tpu.dma_semaphore, #tpu.memory_space<semaphore_mem>>)
      %dma_wait3A = arith.constant 0 : i32
      %dma_wait3A_74 = arith.constant 0 : i32
      %dma_wait3A_75 = tpu.memref_slice %arg3[%add3A, %run_scoped3A_32, %dma_wait3A, %dma_wait3A_74] : memref<32x2x40x125xi32, #tpu.memory_space<hbm>> -> memref<1x1x40x125xi32, #tpu.memory_space<hbm>>
      %dma_wait3A_76 = tpu.memref_squeeze %dma_wait3A_75 : memref<1x1x40x125xi32, #tpu.memory_space<hbm>> -> memref<40x125xi32, #tpu.memory_space<hbm>>
      %dma_wait3A_77 = arith.constant 0 : i32
      %dma_wait3A_78 = arith.constant 0 : i32
      %dma_wait3A_79 = tpu.memref_slice %arg3[%add3A, %run_scoped3A_32, %dma_wait3A_77, %dma_wait3A_78] : memref<32x2x40x125xi32, #tpu.memory_space<hbm>> -> memref<1x1x40x125xi32, #tpu.memory_space<hbm>>
      %dma_wait3A_80 = tpu.memref_squeeze %dma_wait3A_79 : memref<1x1x40x125xi32, #tpu.memory_space<hbm>> -> memref<40x125xi32, #tpu.memory_space<hbm>>
      tpu.wait_dma2 semaphore(%run_scoped3A_65 : memref<!tpu.dma_semaphore, #tpu.memory_space<semaphore_mem>>) src(%dma_wait3A_80 : memref<40x125xi32, #tpu.memory_space<hbm>>) dst(%arg7 : memref<40x125xi32, #tpu.memory_space<vmem>>)
      tpu.yield
    }) : () -> ()
    %run_scoped3A_33 = arith.constant 1 : i32
    "tpu.region"() ({
      %run_scoped3A_65 = tpu.sem_alloc : memref<!tpu.dma_semaphore, #tpu.memory_space<semaphore_mem>>
      %dma_start3A_66 = arith.constant 0 : i32
      %dma_start3A_67 = arith.constant 0 : i32
      %dma_start3A_68 = tpu.memref_slice %arg4[%add3A, %run_scoped3A_33, %dma_start3A_66, %dma_start3A_67] : memref<32x2x40x125xi32, #tpu.memory_space<hbm>> -> memref<1x1x40x125xi32, #tpu.memory_space<hbm>>
      %dma_start3A_69 = tpu.memref_squeeze %dma_start3A_68 : memref<1x1x40x125xi32, #tpu.memory_space<hbm>> -> memref<40x125xi32, #tpu.memory_space<hbm>>
      %dma_start3A_70 = arith.constant 0 : i32
      %dma_start3A_71 = arith.constant 0 : i32
      %dma_start3A_72 = tpu.memref_slice %arg4[%add3A, %run_scoped3A_33, %dma_start3A_70, %dma_start3A_71] : memref<32x2x40x125xi32, #tpu.memory_space<hbm>> -> memref<1x1x40x125xi32, #tpu.memory_space<hbm>>
      %dma_start3A_73 = tpu.memref_squeeze %dma_start3A_72 : memref<1x1x40x125xi32, #tpu.memory_space<hbm>> -> memref<40x125xi32, #tpu.memory_space<hbm>>
      tpu.enqueue_dma source(%dma_start3A_73 : memref<40x125xi32, #tpu.memory_space<hbm>>) target(%arg8 : memref<40x125xi32, #tpu.memory_space<vmem>>) target_semaphore(%run_scoped3A_65 : memref<!tpu.dma_semaphore, #tpu.memory_space<semaphore_mem>>)
      %dma_wait3A = arith.constant 0 : i32
      %dma_wait3A_74 = arith.constant 0 : i32
      %dma_wait3A_75 = tpu.memref_slice %arg4[%add3A, %run_scoped3A_33, %dma_wait3A, %dma_wait3A_74] : memref<32x2x40x125xi32, #tpu.memory_space<hbm>> -> memref<1x1x40x125xi32, #tpu.memory_space<hbm>>
      %dma_wait3A_76 = tpu.memref_squeeze %dma_wait3A_75 : memref<1x1x40x125xi32, #tpu.memory_space<hbm>> -> memref<40x125xi32, #tpu.memory_space<hbm>>
      %dma_wait3A_77 = arith.constant 0 : i32
      %dma_wait3A_78 = arith.constant 0 : i32
      %dma_wait3A_79 = tpu.memref_slice %arg4[%add3A, %run_scoped3A_33, %dma_wait3A_77, %dma_wait3A_78] : memref<32x2x40x125xi32, #tpu.memory_space<hbm>> -> memref<1x1x40x125xi32, #tpu.memory_space<hbm>>
      %dma_wait3A_80 = tpu.memref_squeeze %dma_wait3A_79 : memref<1x1x40x125xi32, #tpu.memory_space<hbm>> -> memref<40x125xi32, #tpu.memory_space<hbm>>
      tpu.wait_dma2 semaphore(%run_scoped3A_65 : memref<!tpu.dma_semaphore, #tpu.memory_space<semaphore_mem>>) src(%dma_wait3A_80 : memref<40x125xi32, #tpu.memory_space<hbm>>) dst(%arg8 : memref<40x125xi32, #tpu.memory_space<vmem>>)
      tpu.yield
    }) : () -> ()
    %dma_start3A_34 = arith.constant 0 : i32
    %dma_start3A_35 = arith.constant 0 : i32
    %dma_start3A_36 = arith.constant 0 : i32
    %dma_start3A_37 = arith.constant 0 : i32
    %dma_start3A_38 = tpu.memref_slice %arg9[%dma_start3A_35, %dma_start3A_36, %dma_start3A_37] : memref<2x125x128xf32, #tpu.memory_space<vmem>> -> memref<1x125x128xf32, #tpu.memory_space<vmem>>
    %dma_start3A_39 = tpu.memref_squeeze %dma_start3A_38 : memref<1x125x128xf32, #tpu.memory_space<vmem>> -> memref<125x128xf32, #tpu.memory_space<vmem>>
    %dma_start3A_40 = arith.constant 0 : i32
    %dma_start3A_41 = tpu.memref_slice %arg7[%dma_start3A_34, %dma_start3A_40] : memref<40x125xi32, #tpu.memory_space<vmem>> -> memref<1x125xi32, #tpu.memory_space<vmem>>
    %dma_start3A_42 = tpu.memref_squeeze %dma_start3A_41 : memref<1x125xi32, #tpu.memory_space<vmem>> -> memref<125xi32, #tpu.memory_space<vmem>>
    %dma_start3A_43 = arith.constant 0 : i32
    %dma_start3A_44 = arith.constant 0 : i32
    %dma_start3A_45 = tpu.memref_slice %arg2[%dma_start3A_43, %dma_start3A_44] : memref<10000x128xf32, #tpu.memory_space<hbm>> -> memref<10000x128xf32, #tpu.memory_space<hbm>>
    tpu.enqueue_indirect_dma source(%dma_start3A_45 : memref<10000x128xf32, #tpu.memory_space<hbm>>) target(%dma_start3A_39 : memref<125x128xf32, #tpu.memory_space<vmem>>) offsets(%dma_start3A_42 : memref<125xi32, #tpu.memory_space<vmem>>) semaphore(%arg11 : memref<!tpu.dma_semaphore, #tpu.memory_space<semaphore_mem>>)
    %dma_start3A_46 = arith.constant 1 : i32
    %dma_start3A_47 = arith.constant 1 : i32
    %dma_start3A_48 = arith.constant 0 : i32
    %dma_start3A_49 = arith.constant 0 : i32
    %dma_start3A_50 = tpu.memref_slice %arg9[%dma_start3A_47, %dma_start3A_48, %dma_start3A_49] : memref<2x125x128xf32, #tpu.memory_space<vmem>> -> memref<1x125x128xf32, #tpu.memory_space<vmem>>
    %dma_start3A_51 = tpu.memref_squeeze %dma_start3A_50 : memref<1x125x128xf32, #tpu.memory_space<vmem>> -> memref<125x128xf32, #tpu.memory_space<vmem>>
    %dma_start3A_52 = arith.constant 0 : i32
    %dma_start3A_53 = tpu.memref_slice %arg7[%dma_start3A_46, %dma_start3A_52] : memref<40x125xi32, #tpu.memory_space<vmem>> -> memref<1x125xi32, #tpu.memory_space<vmem>>
    %dma_start3A_54 = tpu.memref_squeeze %dma_start3A_53 : memref<1x125xi32, #tpu.memory_space<vmem>> -> memref<125xi32, #tpu.memory_space<vmem>>
    %dma_start3A_55 = arith.constant 0 : i32
    %dma_start3A_56 = arith.constant 0 : i32
    %dma_start3A_57 = tpu.memref_slice %arg2[%dma_start3A_55, %dma_start3A_56] : memref<10000x128xf32, #tpu.memory_space<hbm>> -> memref<10000x128xf32, #tpu.memory_space<hbm>>
    tpu.enqueue_indirect_dma source(%dma_start3A_57 : memref<10000x128xf32, #tpu.memory_space<hbm>>) target(%dma_start3A_51 : memref<125x128xf32, #tpu.memory_space<vmem>>) offsets(%dma_start3A_54 : memref<125xi32, #tpu.memory_space<vmem>>) semaphore(%arg12 : memref<!tpu.dma_semaphore, #tpu.memory_space<semaphore_mem>>)
    %scan3A_58 = arith.constant 0 : i32
    %scan3A_59 = arith.constant 0 : i32
    %scan3A_60 = arith.constant 20 : i32
    %scan3A_61 = arith.addi %scan3A_59, %scan3A_60 : i32
    %scan3A_62 = arith.constant 1 : i32
    scf.for %scan3A_65 = %scan3A_59 to %scan3A_61 step %scan3A_62  : i32 {
      %mul3A_66 = arith.constant 2 : i32
      %mul3A_67 = arith.muli %mul3A_66, %scan3A_65 : i32
      %dma_wait3A = arith.constant 0 : i32
      %dma_wait3A_68 = arith.constant 0 : i32
      %dma_wait3A_69 = arith.constant 0 : i32
      %dma_wait3A_70 = tpu.memref_slice %arg9[%dma_wait3A, %dma_wait3A_68, %dma_wait3A_69] : memref<2x125x128xf32, #tpu.memory_space<vmem>> -> memref<1x125x128xf32, #tpu.memory_space<vmem>>
      %dma_wait3A_71 = tpu.memref_squeeze %dma_wait3A_70 : memref<1x125x128xf32, #tpu.memory_space<vmem>> -> memref<125x128xf32, #tpu.memory_space<vmem>>
      %dma_wait3A_72 = arith.constant 0 : i32
      %dma_wait3A_73 = tpu.memref_slice %arg7[%mul3A_67, %dma_wait3A_72] : memref<40x125xi32, #tpu.memory_space<vmem>> -> memref<1x125xi32, #tpu.memory_space<vmem>>
      %dma_wait3A_74 = tpu.memref_squeeze %dma_wait3A_73 : memref<1x125xi32, #tpu.memory_space<vmem>> -> memref<125xi32, #tpu.memory_space<vmem>>
      %dma_wait3A_75 = arith.constant 0 : i32
      %dma_wait3A_76 = arith.constant 0 : i32
      %dma_wait3A_77 = tpu.memref_slice %arg2[%dma_wait3A_75, %dma_wait3A_76] : memref<10000x128xf32, #tpu.memory_space<hbm>> -> memref<10000x128xf32, #tpu.memory_space<hbm>>
      tpu.wait_indirect_dma semaphore(%arg11 : memref<!tpu.dma_semaphore, #tpu.memory_space<semaphore_mem>>) src(%dma_wait3A_77 : memref<10000x128xf32, #tpu.memory_space<hbm>>) dst(%dma_wait3A_71 : memref<125x128xf32, #tpu.memory_space<vmem>>)
      %run_scoped3A_78 = arith.constant 0 : i32
      "tpu.region"() ({
        %run_scoped3A_106 = tpu.sem_alloc : memref<!tpu.dma_semaphore, #tpu.memory_space<semaphore_mem>>
        %dma_start3A_107 = arith.constant 0 : i32
        %dma_start3A_108 = arith.constant 0 : i32
        %dma_start3A_109 = tpu.memref_slice %arg9[%run_scoped3A_78, %dma_start3A_107, %dma_start3A_108] : memref<2x125x128xf32, #tpu.memory_space<vmem>> -> memref<1x125x128xf32, #tpu.memory_space<vmem>>
        %dma_start3A_110 = tpu.memref_squeeze %dma_start3A_109 : memref<1x125x128xf32, #tpu.memory_space<vmem>> -> memref<125x128xf32, #tpu.memory_space<vmem>>
        %dma_start3A_111 = arith.constant 0 : i32
        %dma_start3A_112 = tpu.memref_slice %arg8[%mul3A_67, %dma_start3A_111] : memref<40x125xi32, #tpu.memory_space<vmem>> -> memref<1x125xi32, #tpu.memory_space<vmem>>
        %dma_start3A_113 = tpu.memref_squeeze %dma_start3A_112 : memref<1x125xi32, #tpu.memory_space<vmem>> -> memref<125xi32, #tpu.memory_space<vmem>>
        %dma_start3A_114 = arith.constant 0 : i32
        %dma_start3A_115 = arith.constant 0 : i32
        %dma_start3A_116 = tpu.memref_slice %arg10[%dma_start3A_114, %dma_start3A_115] : memref<10240x128xf32, #tpu.memory_space<vmem_shared>> -> memref<10240x128xf32, #tpu.memory_space<vmem_shared>>
        tpu.enqueue_indirect_dma source(%dma_start3A_110 : memref<125x128xf32, #tpu.memory_space<vmem>>) target(%dma_start3A_116 : memref<10240x128xf32, #tpu.memory_space<vmem_shared>>) offsets(%dma_start3A_113 : memref<125xi32, #tpu.memory_space<vmem>>) semaphore(%run_scoped3A_106 : memref<!tpu.dma_semaphore, #tpu.memory_space<semaphore_mem>>) {add = true}
        %dma_wait3A_117 = arith.constant 0 : i32
        %dma_wait3A_118 = arith.constant 0 : i32
        %dma_wait3A_119 = tpu.memref_slice %arg9[%run_scoped3A_78, %dma_wait3A_117, %dma_wait3A_118] : memref<2x125x128xf32, #tpu.memory_space<vmem>> -> memref<1x125x128xf32, #tpu.memory_space<vmem>>
        %dma_wait3A_120 = tpu.memref_squeeze %dma_wait3A_119 : memref<1x125x128xf32, #tpu.memory_space<vmem>> -> memref<125x128xf32, #tpu.memory_space<vmem>>
        %dma_wait3A_121 = arith.constant 0 : i32
        %dma_wait3A_122 = tpu.memref_slice %arg8[%mul3A_67, %dma_wait3A_121] : memref<40x125xi32, #tpu.memory_space<vmem>> -> memref<1x125xi32, #tpu.memory_space<vmem>>
        %dma_wait3A_123 = tpu.memref_squeeze %dma_wait3A_122 : memref<1x125xi32, #tpu.memory_space<vmem>> -> memref<125xi32, #tpu.memory_space<vmem>>
        %dma_wait3A_124 = arith.constant 0 : i32
        %dma_wait3A_125 = arith.constant 0 : i32
        %dma_wait3A_126 = tpu.memref_slice %arg10[%dma_wait3A_124, %dma_wait3A_125] : memref<10240x128xf32, #tpu.memory_space<vmem_shared>> -> memref<10240x128xf32, #tpu.memory_space<vmem_shared>>
        tpu.wait_indirect_dma semaphore(%run_scoped3A_106 : memref<!tpu.dma_semaphore, #tpu.memory_space<semaphore_mem>>) src(%dma_wait3A_120 : memref<125x128xf32, #tpu.memory_space<vmem>>) dst(%dma_wait3A_126 : memref<10240x128xf32, #tpu.memory_space<vmem_shared>>)
        tpu.yield
      }) : () -> ()
      %add3A_79 = arith.constant 2 : i32
      %add3A_80 = arith.addi %mul3A_67, %add3A_79 : i32
      %lt3A = arith.constant 40 : i32
      %lt3A_81 = arith.cmpi slt, %add3A_80, %lt3A : i32
      %convert_element_type3A = arith.extui %lt3A_81 : i1 to i32
      %cond3A = arith.constant 0 : i32
      %cond3A_82 = arith.cmpi ne, %convert_element_type3A, %cond3A : i32
      scf.if %cond3A_82 {
        %add3A_106 = arith.constant 2 : i32
        %add3A_107 = arith.addi %mul3A_67, %add3A_106 : i32
        %dma_start3A_108 = arith.constant 0 : i32
        %dma_start3A_109 = arith.constant 0 : i32
        %dma_start3A_110 = arith.constant 0 : i32
        %dma_start3A_111 = tpu.memref_slice %arg9[%dma_start3A_108, %dma_start3A_109, %dma_start3A_110] : memref<2x125x128xf32, #tpu.memory_space<vmem>> -> memref<1x125x128xf32, #tpu.memory_space<vmem>>
        %dma_start3A_112 = tpu.memref_squeeze %dma_start3A_111 : memref<1x125x128xf32, #tpu.memory_space<vmem>> -> memref<125x128xf32, #tpu.memory_space<vmem>>
        %dma_start3A_113 = arith.constant 0 : i32
        %dma_start3A_114 = tpu.memref_slice %arg7[%add3A_107, %dma_start3A_113] : memref<40x125xi32, #tpu.memory_space<vmem>> -> memref<1x125xi32, #tpu.memory_space<vmem>>
        %dma_start3A_115 = tpu.memref_squeeze %dma_start3A_114 : memref<1x125xi32, #tpu.memory_space<vmem>> -> memref<125xi32, #tpu.memory_space<vmem>>
        %dma_start3A_116 = arith.constant 0 : i32
        %dma_start3A_117 = arith.constant 0 : i32
        %dma_start3A_118 = tpu.memref_slice %arg2[%dma_start3A_116, %dma_start3A_117] : memref<10000x128xf32, #tpu.memory_space<hbm>> -> memref<10000x128xf32, #tpu.memory_space<hbm>>
        tpu.enqueue_indirect_dma source(%dma_start3A_118 : memref<10000x128xf32, #tpu.memory_space<hbm>>) target(%dma_start3A_112 : memref<125x128xf32, #tpu.memory_space<vmem>>) offsets(%dma_start3A_115 : memref<125xi32, #tpu.memory_space<vmem>>) semaphore(%arg11 : memref<!tpu.dma_semaphore, #tpu.memory_space<semaphore_mem>>)
      } else {
      }
      %add3A_83 = arith.constant 1 : i32
      %add3A_84 = arith.addi %mul3A_67, %add3A_83 : i32
      %dma_wait3A_85 = arith.constant 1 : i32
      %dma_wait3A_86 = arith.constant 0 : i32
      %dma_wait3A_87 = arith.constant 0 : i32
      %dma_wait3A_88 = tpu.memref_slice %arg9[%dma_wait3A_85, %dma_wait3A_86, %dma_wait3A_87] : memref<2x125x128xf32, #tpu.memory_space<vmem>> -> memref<1x125x128xf32, #tpu.memory_space<vmem>>
      %dma_wait3A_89 = tpu.memref_squeeze %dma_wait3A_88 : memref<1x125x128xf32, #tpu.memory_space<vmem>> -> memref<125x128xf32, #tpu.memory_space<vmem>>
      %dma_wait3A_90 = arith.constant 0 : i32
      %dma_wait3A_91 = tpu.memref_slice %arg7[%add3A_84, %dma_wait3A_90] : memref<40x125xi32, #tpu.memory_space<vmem>> -> memref<1x125xi32, #tpu.memory_space<vmem>>
      %dma_wait3A_92 = tpu.memref_squeeze %dma_wait3A_91 : memref<1x125xi32, #tpu.memory_space<vmem>> -> memref<125xi32, #tpu.memory_space<vmem>>
      %dma_wait3A_93 = arith.constant 0 : i32
      %dma_wait3A_94 = arith.constant 0 : i32
      %dma_wait3A_95 = tpu.memref_slice %arg2[%dma_wait3A_93, %dma_wait3A_94] : memref<10000x128xf32, #tpu.memory_space<hbm>> -> memref<10000x128xf32, #tpu.memory_space<hbm>>
      tpu.wait_indirect_dma semaphore(%arg12 : memref<!tpu.dma_semaphore, #tpu.memory_space<semaphore_mem>>) src(%dma_wait3A_95 : memref<10000x128xf32, #tpu.memory_space<hbm>>) dst(%dma_wait3A_89 : memref<125x128xf32, #tpu.memory_space<vmem>>)
      %add3A_96 = arith.constant 1 : i32
      %add3A_97 = arith.addi %mul3A_67, %add3A_96 : i32
      %run_scoped3A_98 = arith.constant 1 : i32
      "tpu.region"() ({
        %run_scoped3A_106 = tpu.sem_alloc : memref<!tpu.dma_semaphore, #tpu.memory_space<semaphore_mem>>
        %dma_start3A_107 = arith.constant 0 : i32
        %dma_start3A_108 = arith.constant 0 : i32
        %dma_start3A_109 = tpu.memref_slice %arg9[%run_scoped3A_98, %dma_start3A_107, %dma_start3A_108] : memref<2x125x128xf32, #tpu.memory_space<vmem>> -> memref<1x125x128xf32, #tpu.memory_space<vmem>>
        %dma_start3A_110 = tpu.memref_squeeze %dma_start3A_109 : memref<1x125x128xf32, #tpu.memory_space<vmem>> -> memref<125x128xf32, #tpu.memory_space<vmem>>
        %dma_start3A_111 = arith.constant 0 : i32
        %dma_start3A_112 = tpu.memref_slice %arg8[%add3A_97, %dma_start3A_111] : memref<40x125xi32, #tpu.memory_space<vmem>> -> memref<1x125xi32, #tpu.memory_space<vmem>>
        %dma_start3A_113 = tpu.memref_squeeze %dma_start3A_112 : memref<1x125xi32, #tpu.memory_space<vmem>> -> memref<125xi32, #tpu.memory_space<vmem>>
        %dma_start3A_114 = arith.constant 0 : i32
        %dma_start3A_115 = arith.constant 0 : i32
        %dma_start3A_116 = tpu.memref_slice %arg10[%dma_start3A_114, %dma_start3A_115] : memref<10240x128xf32, #tpu.memory_space<vmem_shared>> -> memref<10240x128xf32, #tpu.memory_space<vmem_shared>>
        tpu.enqueue_indirect_dma source(%dma_start3A_110 : memref<125x128xf32, #tpu.memory_space<vmem>>) target(%dma_start3A_116 : memref<10240x128xf32, #tpu.memory_space<vmem_shared>>) offsets(%dma_start3A_113 : memref<125xi32, #tpu.memory_space<vmem>>) semaphore(%run_scoped3A_106 : memref<!tpu.dma_semaphore, #tpu.memory_space<semaphore_mem>>) {add = true}
        %dma_wait3A_117 = arith.constant 0 : i32
        %dma_wait3A_118 = arith.constant 0 : i32
        %dma_wait3A_119 = tpu.memref_slice %arg9[%run_scoped3A_98, %dma_wait3A_117, %dma_wait3A_118] : memref<2x125x128xf32, #tpu.memory_space<vmem>> -> memref<1x125x128xf32, #tpu.memory_space<vmem>>
        %dma_wait3A_120 = tpu.memref_squeeze %dma_wait3A_119 : memref<1x125x128xf32, #tpu.memory_space<vmem>> -> memref<125x128xf32, #tpu.memory_space<vmem>>
        %dma_wait3A_121 = arith.constant 0 : i32
        %dma_wait3A_122 = tpu.memref_slice %arg8[%add3A_97, %dma_wait3A_121] : memref<40x125xi32, #tpu.memory_space<vmem>> -> memref<1x125xi32, #tpu.memory_space<vmem>>
        %dma_wait3A_123 = tpu.memref_squeeze %dma_wait3A_122 : memref<1x125xi32, #tpu.memory_space<vmem>> -> memref<125xi32, #tpu.memory_space<vmem>>
        %dma_wait3A_124 = arith.constant 0 : i32
        %dma_wait3A_125 = arith.constant 0 : i32
        %dma_wait3A_126 = tpu.memref_slice %arg10[%dma_wait3A_124, %dma_wait3A_125] : memref<10240x128xf32, #tpu.memory_space<vmem_shared>> -> memref<10240x128xf32, #tpu.memory_space<vmem_shared>>
        tpu.wait_indirect_dma semaphore(%run_scoped3A_106 : memref<!tpu.dma_semaphore, #tpu.memory_space<semaphore_mem>>) src(%dma_wait3A_120 : memref<125x128xf32, #tpu.memory_space<vmem>>) dst(%dma_wait3A_126 : memref<10240x128xf32, #tpu.memory_space<vmem_shared>>)
        tpu.yield
      }) : () -> ()
      %add3A_99 = arith.constant 3 : i32
      %add3A_100 = arith.addi %mul3A_67, %add3A_99 : i32
      %lt3A_101 = arith.constant 40 : i32
      %lt3A_102 = arith.cmpi slt, %add3A_100, %lt3A_101 : i32
      %convert_element_type3A_103 = arith.extui %lt3A_102 : i1 to i32
      %cond3A_104 = arith.constant 0 : i32
      %cond3A_105 = arith.cmpi ne, %convert_element_type3A_103, %cond3A_104 : i32
      scf.if %cond3A_105 {
        %add3A_106 = arith.constant 3 : i32
        %add3A_107 = arith.addi %mul3A_67, %add3A_106 : i32
        %dma_start3A_108 = arith.constant 1 : i32
        %dma_start3A_109 = arith.constant 0 : i32
        %dma_start3A_110 = arith.constant 0 : i32
        %dma_start3A_111 = tpu.memref_slice %arg9[%dma_start3A_108, %dma_start3A_109, %dma_start3A_110] : memref<2x125x128xf32, #tpu.memory_space<vmem>> -> memref<1x125x128xf32, #tpu.memory_space<vmem>>
        %dma_start3A_112 = tpu.memref_squeeze %dma_start3A_111 : memref<1x125x128xf32, #tpu.memory_space<vmem>> -> memref<125x128xf32, #tpu.memory_space<vmem>>
        %dma_start3A_113 = arith.constant 0 : i32
        %dma_start3A_114 = tpu.memref_slice %arg7[%add3A_107, %dma_start3A_113] : memref<40x125xi32, #tpu.memory_space<vmem>> -> memref<1x125xi32, #tpu.memory_space<vmem>>
        %dma_start3A_115 = tpu.memref_squeeze %dma_start3A_114 : memref<1x125xi32, #tpu.memory_space<vmem>> -> memref<125xi32, #tpu.memory_space<vmem>>
        %dma_start3A_116 = arith.constant 0 : i32
        %dma_start3A_117 = arith.constant 0 : i32
        %dma_start3A_118 = tpu.memref_slice %arg2[%dma_start3A_116, %dma_start3A_117] : memref<10000x128xf32, #tpu.memory_space<hbm>> -> memref<10000x128xf32, #tpu.memory_space<hbm>>
        tpu.enqueue_indirect_dma source(%dma_start3A_118 : memref<10000x128xf32, #tpu.memory_space<hbm>>) target(%dma_start3A_112 : memref<125x128xf32, #tpu.memory_space<vmem>>) offsets(%dma_start3A_115 : memref<125xi32, #tpu.memory_space<vmem>>) semaphore(%arg12 : memref<!tpu.dma_semaphore, #tpu.memory_space<semaphore_mem>>)
      } else {
      }
    }
    %scan3A_63 = arith.constant 20 : i32
    %barrier3A_64 = arith.constant 0 : index
    tpu.barrier barrier_id(%barrier3A_64)
    "tpu.region"() ({
      %run_scoped3A_65 = tpu.sem_alloc : memref<!tpu.dma_semaphore, #tpu.memory_space<semaphore_mem>>
      %dma_start3A_66 = arith.constant 0 : i32
      %dma_start3A_67 = tpu.memref_slice %arg6[%arg0, %multiple_of3A, %dma_start3A_66] : memref<2x10240x128xf32, #tpu.memory_space<hbm>> -> memref<1x640x128xf32, #tpu.memory_space<hbm>>
      %dma_start3A_68 = tpu.memref_squeeze %dma_start3A_67 : memref<1x640x128xf32, #tpu.memory_space<hbm>> -> memref<640x128xf32, #tpu.memory_space<hbm>>
      %dma_start3A_69 = arith.constant 0 : i32
      %dma_start3A_70 = tpu.memref_slice %arg10[%multiple_of3A, %dma_start3A_69] : memref<10240x128xf32, #tpu.memory_space<vmem_shared>> -> memref<640x128xf32, #tpu.memory_space<vmem_shared>>
      tpu.enqueue_dma source(%dma_start3A_70 : memref<640x128xf32, #tpu.memory_space<vmem_shared>>) target(%dma_start3A_68 : memref<640x128xf32, #tpu.memory_space<hbm>>) target_semaphore(%run_scoped3A_65 : memref<!tpu.dma_semaphore, #tpu.memory_space<semaphore_mem>>)
      %dma_wait3A = arith.constant 0 : i32
      %dma_wait3A_71 = tpu.memref_slice %arg6[%arg0, %multiple_of3A, %dma_wait3A] : memref<2x10240x128xf32, #tpu.memory_space<hbm>> -> memref<1x640x128xf32, #tpu.memory_space<hbm>>
      %dma_wait3A_72 = tpu.memref_squeeze %dma_wait3A_71 : memref<1x640x128xf32, #tpu.memory_space<hbm>> -> memref<640x128xf32, #tpu.memory_space<hbm>>
      %dma_wait3A_73 = arith.constant 0 : i32
      %dma_wait3A_74 = tpu.memref_slice %arg10[%multiple_of3A, %dma_wait3A_73] : memref<10240x128xf32, #tpu.memory_space<vmem_shared>> -> memref<640x128xf32, #tpu.memory_space<vmem_shared>>
      tpu.wait_dma2 semaphore(%run_scoped3A_65 : memref<!tpu.dma_semaphore, #tpu.memory_space<semaphore_mem>>) src(%dma_wait3A_74 : memref<640x128xf32, #tpu.memory_space<vmem_shared>>) dst(%dma_wait3A_72 : memref<640x128xf32, #tpu.memory_space<hbm>>)
      tpu.yield
    }) : () -> ()
    return
  }
}

#map = affine_map<(d0, d1) -> (0, 0, 0, 0)>
#map1 = affine_map<(d0, d1) -> (0, 0)>
#map2 = affine_map<(d0, d1) -> (0, 0, 0)>
module attributes {stable_mosaic.version = 14 : i64} {
  func.func @deg_kernel(%arg0: i32, %arg1: i32, %arg2: memref<32x2x40x125xi32, #tpu.memory_space<hbm>>, %arg3: memref<125x128xf32, #tpu.memory_space<hbm>>, %arg4: memref<10240x128xf32, #tpu.memory_space<hbm>>, %arg5: memref<2x10240x128xf32, #tpu.memory_space<hbm>>, %arg6: memref<40x125xi32, #tpu.memory_space<vmem>>, %arg7: memref<125x128xf32, #tpu.memory_space<vmem>>, %arg8: memref<10240x128xf32, #tpu.memory_space<vmem_shared>>) attributes {dimension_semantics = [#tpu.dimension_semantics<core_parallel>, #tpu.dimension_semantics<subcore_parallel>], iteration_bounds = array<i64: 2, 16>, scalar_prefetch = 0 : i64, scratch_operands = 3 : i64, tpu.core_type = #tpu.core_type<sc_vector_subcore>, window_params = [{transform_indices = #map}, {transform_indices = #map1}, {transform_indices = #map1}, {transform_indices = #map2}]} {
    %mul3A = arith.constant 16 : i32
    %mul3A_0 = arith.muli %arg0, %mul3A : i32
    %add3A = arith.addi %mul3A_0, %arg1 : i32
    %mul3A_1 = arith.constant 640 : i32
    %mul3A_2 = arith.muli %arg1, %mul3A_1 : i32
    %multiple_of3A = tpu.assume_multiple %mul3A_2, 8 : i32
    "tpu.region"() ({
      %run_scoped3A_16 = tpu.sem_alloc : memref<!tpu.dma_semaphore, #tpu.memory_space<semaphore_mem>>
      tpu.enqueue_dma source(%arg3 : memref<125x128xf32, #tpu.memory_space<hbm>>) target(%arg7 : memref<125x128xf32, #tpu.memory_space<vmem>>) target_semaphore(%run_scoped3A_16 : memref<!tpu.dma_semaphore, #tpu.memory_space<semaphore_mem>>)
      tpu.wait_dma2 semaphore(%run_scoped3A_16 : memref<!tpu.dma_semaphore, #tpu.memory_space<semaphore_mem>>) src(%arg3 : memref<125x128xf32, #tpu.memory_space<hbm>>) dst(%arg7 : memref<125x128xf32, #tpu.memory_space<vmem>>)
      tpu.yield
    }) : () -> ()
    "tpu.region"() ({
      %run_scoped3A_16 = tpu.sem_alloc : memref<!tpu.dma_semaphore, #tpu.memory_space<semaphore_mem>>
      %dma_start3A = arith.constant 0 : i32
      %dma_start3A_17 = tpu.memref_slice %arg8[%multiple_of3A, %dma_start3A] : memref<10240x128xf32, #tpu.memory_space<vmem_shared>> -> memref<640x128xf32, #tpu.memory_space<vmem_shared>>
      %dma_start3A_18 = arith.constant 0 : i32
      %dma_start3A_19 = tpu.memref_slice %arg4[%multiple_of3A, %dma_start3A_18] : memref<10240x128xf32, #tpu.memory_space<hbm>> -> memref<640x128xf32, #tpu.memory_space<hbm>>
      tpu.enqueue_dma source(%dma_start3A_19 : memref<640x128xf32, #tpu.memory_space<hbm>>) target(%dma_start3A_17 : memref<640x128xf32, #tpu.memory_space<vmem_shared>>) target_semaphore(%run_scoped3A_16 : memref<!tpu.dma_semaphore, #tpu.memory_space<semaphore_mem>>)
      %dma_wait3A = arith.constant 0 : i32
      %dma_wait3A_20 = tpu.memref_slice %arg8[%multiple_of3A, %dma_wait3A] : memref<10240x128xf32, #tpu.memory_space<vmem_shared>> -> memref<640x128xf32, #tpu.memory_space<vmem_shared>>
      %dma_wait3A_21 = arith.constant 0 : i32
      %dma_wait3A_22 = tpu.memref_slice %arg4[%multiple_of3A, %dma_wait3A_21] : memref<10240x128xf32, #tpu.memory_space<hbm>> -> memref<640x128xf32, #tpu.memory_space<hbm>>
      tpu.wait_dma2 semaphore(%run_scoped3A_16 : memref<!tpu.dma_semaphore, #tpu.memory_space<semaphore_mem>>) src(%dma_wait3A_22 : memref<640x128xf32, #tpu.memory_space<hbm>>) dst(%dma_wait3A_20 : memref<640x128xf32, #tpu.memory_space<vmem_shared>>)
      tpu.yield
    }) : () -> ()
    %barrier3A = arith.constant 0 : index
    tpu.barrier barrier_id(%barrier3A)
    %run_scoped3A = arith.constant 0 : i32
    "tpu.region"() ({
      %run_scoped3A_16 = tpu.sem_alloc : memref<!tpu.dma_semaphore, #tpu.memory_space<semaphore_mem>>
      %dma_start3A = arith.constant 0 : i32
      %dma_start3A_17 = arith.constant 0 : i32
      %dma_start3A_18 = tpu.memref_slice %arg2[%add3A, %run_scoped3A, %dma_start3A, %dma_start3A_17] : memref<32x2x40x125xi32, #tpu.memory_space<hbm>> -> memref<1x1x40x125xi32, #tpu.memory_space<hbm>>
      %dma_start3A_19 = tpu.memref_squeeze %dma_start3A_18 : memref<1x1x40x125xi32, #tpu.memory_space<hbm>> -> memref<40x125xi32, #tpu.memory_space<hbm>>
      %dma_start3A_20 = arith.constant 0 : i32
      %dma_start3A_21 = arith.constant 0 : i32
      %dma_start3A_22 = tpu.memref_slice %arg2[%add3A, %run_scoped3A, %dma_start3A_20, %dma_start3A_21] : memref<32x2x40x125xi32, #tpu.memory_space<hbm>> -> memref<1x1x40x125xi32, #tpu.memory_space<hbm>>
      %dma_start3A_23 = tpu.memref_squeeze %dma_start3A_22 : memref<1x1x40x125xi32, #tpu.memory_space<hbm>> -> memref<40x125xi32, #tpu.memory_space<hbm>>
      tpu.enqueue_dma source(%dma_start3A_23 : memref<40x125xi32, #tpu.memory_space<hbm>>) target(%arg6 : memref<40x125xi32, #tpu.memory_space<vmem>>) target_semaphore(%run_scoped3A_16 : memref<!tpu.dma_semaphore, #tpu.memory_space<semaphore_mem>>)
      %dma_wait3A = arith.constant 0 : i32
      %dma_wait3A_24 = arith.constant 0 : i32
      %dma_wait3A_25 = tpu.memref_slice %arg2[%add3A, %run_scoped3A, %dma_wait3A, %dma_wait3A_24] : memref<32x2x40x125xi32, #tpu.memory_space<hbm>> -> memref<1x1x40x125xi32, #tpu.memory_space<hbm>>
      %dma_wait3A_26 = tpu.memref_squeeze %dma_wait3A_25 : memref<1x1x40x125xi32, #tpu.memory_space<hbm>> -> memref<40x125xi32, #tpu.memory_space<hbm>>
      %dma_wait3A_27 = arith.constant 0 : i32
      %dma_wait3A_28 = arith.constant 0 : i32
      %dma_wait3A_29 = tpu.memref_slice %arg2[%add3A, %run_scoped3A, %dma_wait3A_27, %dma_wait3A_28] : memref<32x2x40x125xi32, #tpu.memory_space<hbm>> -> memref<1x1x40x125xi32, #tpu.memory_space<hbm>>
      %dma_wait3A_30 = tpu.memref_squeeze %dma_wait3A_29 : memref<1x1x40x125xi32, #tpu.memory_space<hbm>> -> memref<40x125xi32, #tpu.memory_space<hbm>>
      tpu.wait_dma2 semaphore(%run_scoped3A_16 : memref<!tpu.dma_semaphore, #tpu.memory_space<semaphore_mem>>) src(%dma_wait3A_30 : memref<40x125xi32, #tpu.memory_space<hbm>>) dst(%arg6 : memref<40x125xi32, #tpu.memory_space<vmem>>)
      tpu.yield
    }) : () -> ()
    %scan3A = arith.constant 0 : i32
    %scan3A_3 = arith.constant 0 : i32
    %scan3A_4 = arith.constant 40 : i32
    %scan3A_5 = arith.addi %scan3A_3, %scan3A_4 : i32
    %scan3A_6 = arith.constant 1 : i32
    scf.for %scan3A_16 = %scan3A_3 to %scan3A_5 step %scan3A_6  : i32 {
      "tpu.region"() ({
        %run_scoped3A_17 = tpu.sem_alloc : memref<!tpu.dma_semaphore, #tpu.memory_space<semaphore_mem>>
        %dma_start3A = arith.constant 0 : i32
        %dma_start3A_18 = tpu.memref_slice %arg6[%scan3A_16, %dma_start3A] : memref<40x125xi32, #tpu.memory_space<vmem>> -> memref<1x125xi32, #tpu.memory_space<vmem>>
        %dma_start3A_19 = tpu.memref_squeeze %dma_start3A_18 : memref<1x125xi32, #tpu.memory_space<vmem>> -> memref<125xi32, #tpu.memory_space<vmem>>
        %dma_start3A_20 = arith.constant 0 : i32
        %dma_start3A_21 = arith.constant 0 : i32
        %dma_start3A_22 = tpu.memref_slice %arg8[%dma_start3A_20, %dma_start3A_21] : memref<10240x128xf32, #tpu.memory_space<vmem_shared>> -> memref<10240x128xf32, #tpu.memory_space<vmem_shared>>
        tpu.enqueue_indirect_dma source(%arg7 : memref<125x128xf32, #tpu.memory_space<vmem>>) target(%dma_start3A_22 : memref<10240x128xf32, #tpu.memory_space<vmem_shared>>) offsets(%dma_start3A_19 : memref<125xi32, #tpu.memory_space<vmem>>) semaphore(%run_scoped3A_17 : memref<!tpu.dma_semaphore, #tpu.memory_space<semaphore_mem>>) {add = true}
        %dma_wait3A = arith.constant 0 : i32
        %dma_wait3A_23 = tpu.memref_slice %arg6[%scan3A_16, %dma_wait3A] : memref<40x125xi32, #tpu.memory_space<vmem>> -> memref<1x125xi32, #tpu.memory_space<vmem>>
        %dma_wait3A_24 = tpu.memref_squeeze %dma_wait3A_23 : memref<1x125xi32, #tpu.memory_space<vmem>> -> memref<125xi32, #tpu.memory_space<vmem>>
        %dma_wait3A_25 = arith.constant 0 : i32
        %dma_wait3A_26 = arith.constant 0 : i32
        %dma_wait3A_27 = tpu.memref_slice %arg8[%dma_wait3A_25, %dma_wait3A_26] : memref<10240x128xf32, #tpu.memory_space<vmem_shared>> -> memref<10240x128xf32, #tpu.memory_space<vmem_shared>>
        tpu.wait_indirect_dma semaphore(%run_scoped3A_17 : memref<!tpu.dma_semaphore, #tpu.memory_space<semaphore_mem>>) src(%arg7 : memref<125x128xf32, #tpu.memory_space<vmem>>) dst(%dma_wait3A_27 : memref<10240x128xf32, #tpu.memory_space<vmem_shared>>)
        tpu.yield
      }) : () -> ()
    }
    %scan3A_7 = arith.constant 40 : i32
    %run_scoped3A_8 = arith.constant 1 : i32
    "tpu.region"() ({
      %run_scoped3A_16 = tpu.sem_alloc : memref<!tpu.dma_semaphore, #tpu.memory_space<semaphore_mem>>
      %dma_start3A = arith.constant 0 : i32
      %dma_start3A_17 = arith.constant 0 : i32
      %dma_start3A_18 = tpu.memref_slice %arg2[%add3A, %run_scoped3A_8, %dma_start3A, %dma_start3A_17] : memref<32x2x40x125xi32, #tpu.memory_space<hbm>> -> memref<1x1x40x125xi32, #tpu.memory_space<hbm>>
      %dma_start3A_19 = tpu.memref_squeeze %dma_start3A_18 : memref<1x1x40x125xi32, #tpu.memory_space<hbm>> -> memref<40x125xi32, #tpu.memory_space<hbm>>
      %dma_start3A_20 = arith.constant 0 : i32
      %dma_start3A_21 = arith.constant 0 : i32
      %dma_start3A_22 = tpu.memref_slice %arg2[%add3A, %run_scoped3A_8, %dma_start3A_20, %dma_start3A_21] : memref<32x2x40x125xi32, #tpu.memory_space<hbm>> -> memref<1x1x40x125xi32, #tpu.memory_space<hbm>>
      %dma_start3A_23 = tpu.memref_squeeze %dma_start3A_22 : memref<1x1x40x125xi32, #tpu.memory_space<hbm>> -> memref<40x125xi32, #tpu.memory_space<hbm>>
      tpu.enqueue_dma source(%dma_start3A_23 : memref<40x125xi32, #tpu.memory_space<hbm>>) target(%arg6 : memref<40x125xi32, #tpu.memory_space<vmem>>) target_semaphore(%run_scoped3A_16 : memref<!tpu.dma_semaphore, #tpu.memory_space<semaphore_mem>>)
      %dma_wait3A = arith.constant 0 : i32
      %dma_wait3A_24 = arith.constant 0 : i32
      %dma_wait3A_25 = tpu.memref_slice %arg2[%add3A, %run_scoped3A_8, %dma_wait3A, %dma_wait3A_24] : memref<32x2x40x125xi32, #tpu.memory_space<hbm>> -> memref<1x1x40x125xi32, #tpu.memory_space<hbm>>
      %dma_wait3A_26 = tpu.memref_squeeze %dma_wait3A_25 : memref<1x1x40x125xi32, #tpu.memory_space<hbm>> -> memref<40x125xi32, #tpu.memory_space<hbm>>
      %dma_wait3A_27 = arith.constant 0 : i32
      %dma_wait3A_28 = arith.constant 0 : i32
      %dma_wait3A_29 = tpu.memref_slice %arg2[%add3A, %run_scoped3A_8, %dma_wait3A_27, %dma_wait3A_28] : memref<32x2x40x125xi32, #tpu.memory_space<hbm>> -> memref<1x1x40x125xi32, #tpu.memory_space<hbm>>
      %dma_wait3A_30 = tpu.memref_squeeze %dma_wait3A_29 : memref<1x1x40x125xi32, #tpu.memory_space<hbm>> -> memref<40x125xi32, #tpu.memory_space<hbm>>
      tpu.wait_dma2 semaphore(%run_scoped3A_16 : memref<!tpu.dma_semaphore, #tpu.memory_space<semaphore_mem>>) src(%dma_wait3A_30 : memref<40x125xi32, #tpu.memory_space<hbm>>) dst(%arg6 : memref<40x125xi32, #tpu.memory_space<vmem>>)
      tpu.yield
    }) : () -> ()
    %scan3A_9 = arith.constant 0 : i32
    %scan3A_10 = arith.constant 0 : i32
    %scan3A_11 = arith.constant 40 : i32
    %scan3A_12 = arith.addi %scan3A_10, %scan3A_11 : i32
    %scan3A_13 = arith.constant 1 : i32
    scf.for %scan3A_16 = %scan3A_10 to %scan3A_12 step %scan3A_13  : i32 {
      "tpu.region"() ({
        %run_scoped3A_17 = tpu.sem_alloc : memref<!tpu.dma_semaphore, #tpu.memory_space<semaphore_mem>>
        %dma_start3A = arith.constant 0 : i32
        %dma_start3A_18 = tpu.memref_slice %arg6[%scan3A_16, %dma_start3A] : memref<40x125xi32, #tpu.memory_space<vmem>> -> memref<1x125xi32, #tpu.memory_space<vmem>>
        %dma_start3A_19 = tpu.memref_squeeze %dma_start3A_18 : memref<1x125xi32, #tpu.memory_space<vmem>> -> memref<125xi32, #tpu.memory_space<vmem>>
        %dma_start3A_20 = arith.constant 0 : i32
        %dma_start3A_21 = arith.constant 0 : i32
        %dma_start3A_22 = tpu.memref_slice %arg8[%dma_start3A_20, %dma_start3A_21] : memref<10240x128xf32, #tpu.memory_space<vmem_shared>> -> memref<10240x128xf32, #tpu.memory_space<vmem_shared>>
        tpu.enqueue_indirect_dma source(%arg7 : memref<125x128xf32, #tpu.memory_space<vmem>>) target(%dma_start3A_22 : memref<10240x128xf32, #tpu.memory_space<vmem_shared>>) offsets(%dma_start3A_19 : memref<125xi32, #tpu.memory_space<vmem>>) semaphore(%run_scoped3A_17 : memref<!tpu.dma_semaphore, #tpu.memory_space<semaphore_mem>>) {add = true}
        %dma_wait3A = arith.constant 0 : i32
        %dma_wait3A_23 = tpu.memref_slice %arg6[%scan3A_16, %dma_wait3A] : memref<40x125xi32, #tpu.memory_space<vmem>> -> memref<1x125xi32, #tpu.memory_space<vmem>>
        %dma_wait3A_24 = tpu.memref_squeeze %dma_wait3A_23 : memref<1x125xi32, #tpu.memory_space<vmem>> -> memref<125xi32, #tpu.memory_space<vmem>>
        %dma_wait3A_25 = arith.constant 0 : i32
        %dma_wait3A_26 = arith.constant 0 : i32
        %dma_wait3A_27 = tpu.memref_slice %arg8[%dma_wait3A_25, %dma_wait3A_26] : memref<10240x128xf32, #tpu.memory_space<vmem_shared>> -> memref<10240x128xf32, #tpu.memory_space<vmem_shared>>
        tpu.wait_indirect_dma semaphore(%run_scoped3A_17 : memref<!tpu.dma_semaphore, #tpu.memory_space<semaphore_mem>>) src(%arg7 : memref<125x128xf32, #tpu.memory_space<vmem>>) dst(%dma_wait3A_27 : memref<10240x128xf32, #tpu.memory_space<vmem_shared>>)
        tpu.yield
      }) : () -> ()
    }
    %scan3A_14 = arith.constant 40 : i32
    %barrier3A_15 = arith.constant 0 : index
    tpu.barrier barrier_id(%barrier3A_15)
    "tpu.region"() ({
      %run_scoped3A_16 = tpu.sem_alloc : memref<!tpu.dma_semaphore, #tpu.memory_space<semaphore_mem>>
      %dma_start3A = arith.constant 0 : i32
      %dma_start3A_17 = tpu.memref_slice %arg5[%arg0, %multiple_of3A, %dma_start3A] : memref<2x10240x128xf32, #tpu.memory_space<hbm>> -> memref<1x640x128xf32, #tpu.memory_space<hbm>>
      %dma_start3A_18 = tpu.memref_squeeze %dma_start3A_17 : memref<1x640x128xf32, #tpu.memory_space<hbm>> -> memref<640x128xf32, #tpu.memory_space<hbm>>
      %dma_start3A_19 = arith.constant 0 : i32
      %dma_start3A_20 = tpu.memref_slice %arg8[%multiple_of3A, %dma_start3A_19] : memref<10240x128xf32, #tpu.memory_space<vmem_shared>> -> memref<640x128xf32, #tpu.memory_space<vmem_shared>>
      tpu.enqueue_dma source(%dma_start3A_20 : memref<640x128xf32, #tpu.memory_space<vmem_shared>>) target(%dma_start3A_18 : memref<640x128xf32, #tpu.memory_space<hbm>>) target_semaphore(%run_scoped3A_16 : memref<!tpu.dma_semaphore, #tpu.memory_space<semaphore_mem>>)
      %dma_wait3A = arith.constant 0 : i32
      %dma_wait3A_21 = tpu.memref_slice %arg5[%arg0, %multiple_of3A, %dma_wait3A] : memref<2x10240x128xf32, #tpu.memory_space<hbm>> -> memref<1x640x128xf32, #tpu.memory_space<hbm>>
      %dma_wait3A_22 = tpu.memref_squeeze %dma_wait3A_21 : memref<1x640x128xf32, #tpu.memory_space<hbm>> -> memref<640x128xf32, #tpu.memory_space<hbm>>
      %dma_wait3A_23 = arith.constant 0 : i32
      %dma_wait3A_24 = tpu.memref_slice %arg8[%multiple_of3A, %dma_wait3A_23] : memref<10240x128xf32, #tpu.memory_space<vmem_shared>> -> memref<640x128xf32, #tpu.memory_space<vmem_shared>>
      tpu.wait_dma2 semaphore(%run_scoped3A_16 : memref<!tpu.dma_semaphore, #tpu.memory_space<semaphore_mem>>) src(%dma_wait3A_24 : memref<640x128xf32, #tpu.memory_space<vmem_shared>>) dst(%dma_wait3A_22 : memref<640x128xf32, #tpu.memory_space<hbm>>)
      tpu.yield
    }) : () -> ()
    return
  }
}

#map = affine_map<(d0, d1) -> (0, 0)>
#map1 = affine_map<(d0, d1) -> (0, 0, 0, 0)>
#map2 = affine_map<(d0, d1) -> (0, 0, 0)>
module attributes {stable_mosaic.version = 14 : i64} {
  func.func @edge_kernel(%arg0: i32, %arg1: i32, %arg2: memref<10000x128xf32, #tpu.memory_space<hbm>>, %arg3: memref<32x2x40x125xi32, #tpu.memory_space<hbm>>, %arg4: memref<32x2x40x125xi32, #tpu.memory_space<hbm>>, %arg5: memref<10240x128xf32, #tpu.memory_space<hbm>>, %arg6: memref<2x10240x128xf32, #tpu.memory_space<hbm>>, %arg7: memref<40x125xi32, #tpu.memory_space<vmem>>, %arg8: memref<40x125xi32, #tpu.memory_space<vmem>>, %arg9: memref<2x125x128xf32, #tpu.memory_space<vmem>>, %arg10: memref<10240x128xf32, #tpu.memory_space<vmem_shared>>, %arg11: memref<!tpu.dma_semaphore, #tpu.memory_space<semaphore_mem>>, %arg12: memref<!tpu.dma_semaphore, #tpu.memory_space<semaphore_mem>>) attributes {dimension_semantics = [#tpu.dimension_semantics<core_parallel>, #tpu.dimension_semantics<subcore_parallel>], iteration_bounds = array<i64: 2, 16>, scalar_prefetch = 0 : i64, scratch_operands = 6 : i64, tpu.core_type = #tpu.core_type<sc_vector_subcore>, window_params = [{transform_indices = #map}, {transform_indices = #map1}, {transform_indices = #map1}, {transform_indices = #map}, {transform_indices = #map2}]} {
    %mul3A = arith.constant 16 : i32
    %mul3A_0 = arith.muli %arg0, %mul3A : i32
    %add3A = arith.addi %mul3A_0, %arg1 : i32
    %mul3A_1 = arith.constant 640 : i32
    %mul3A_2 = arith.muli %arg1, %mul3A_1 : i32
    %multiple_of3A = tpu.assume_multiple %mul3A_2, 8 : i32
    "tpu.region"() ({
      %run_scoped3A_65 = tpu.sem_alloc : memref<!tpu.dma_semaphore, #tpu.memory_space<semaphore_mem>>
      %dma_start3A_66 = arith.constant 0 : i32
      %dma_start3A_67 = tpu.memref_slice %arg10[%multiple_of3A, %dma_start3A_66] : memref<10240x128xf32, #tpu.memory_space<vmem_shared>> -> memref<640x128xf32, #tpu.memory_space<vmem_shared>>
      %dma_start3A_68 = arith.constant 0 : i32
      %dma_start3A_69 = tpu.memref_slice %arg5[%multiple_of3A, %dma_start3A_68] : memref<10240x128xf32, #tpu.memory_space<hbm>> -> memref<640x128xf32, #tpu.memory_space<hbm>>
      tpu.enqueue_dma source(%dma_start3A_69 : memref<640x128xf32, #tpu.memory_space<hbm>>) target(%dma_start3A_67 : memref<640x128xf32, #tpu.memory_space<vmem_shared>>) target_semaphore(%run_scoped3A_65 : memref<!tpu.dma_semaphore, #tpu.memory_space<semaphore_mem>>)
      %dma_wait3A = arith.constant 0 : i32
      %dma_wait3A_70 = tpu.memref_slice %arg10[%multiple_of3A, %dma_wait3A] : memref<10240x128xf32, #tpu.memory_space<vmem_shared>> -> memref<640x128xf32, #tpu.memory_space<vmem_shared>>
      %dma_wait3A_71 = arith.constant 0 : i32
      %dma_wait3A_72 = tpu.memref_slice %arg5[%multiple_of3A, %dma_wait3A_71] : memref<10240x128xf32, #tpu.memory_space<hbm>> -> memref<640x128xf32, #tpu.memory_space<hbm>>
      tpu.wait_dma2 semaphore(%run_scoped3A_65 : memref<!tpu.dma_semaphore, #tpu.memory_space<semaphore_mem>>) src(%dma_wait3A_72 : memref<640x128xf32, #tpu.memory_space<hbm>>) dst(%dma_wait3A_70 : memref<640x128xf32, #tpu.memory_space<vmem_shared>>)
      tpu.yield
    }) : () -> ()
    %barrier3A = arith.constant 0 : index
    tpu.barrier barrier_id(%barrier3A)
    %run_scoped3A = arith.constant 0 : i32
    "tpu.region"() ({
      %run_scoped3A_65 = tpu.sem_alloc : memref<!tpu.dma_semaphore, #tpu.memory_space<semaphore_mem>>
      %dma_start3A_66 = arith.constant 0 : i32
      %dma_start3A_67 = arith.constant 0 : i32
      %dma_start3A_68 = tpu.memref_slice %arg3[%add3A, %run_scoped3A, %dma_start3A_66, %dma_start3A_67] : memref<32x2x40x125xi32, #tpu.memory_space<hbm>> -> memref<1x1x40x125xi32, #tpu.memory_space<hbm>>
      %dma_start3A_69 = tpu.memref_squeeze %dma_start3A_68 : memref<1x1x40x125xi32, #tpu.memory_space<hbm>> -> memref<40x125xi32, #tpu.memory_space<hbm>>
      %dma_start3A_70 = arith.constant 0 : i32
      %dma_start3A_71 = arith.constant 0 : i32
      %dma_start3A_72 = tpu.memref_slice %arg3[%add3A, %run_scoped3A, %dma_start3A_70, %dma_start3A_71] : memref<32x2x40x125xi32, #tpu.memory_space<hbm>> -> memref<1x1x40x125xi32, #tpu.memory_space<hbm>>
      %dma_start3A_73 = tpu.memref_squeeze %dma_start3A_72 : memref<1x1x40x125xi32, #tpu.memory_space<hbm>> -> memref<40x125xi32, #tpu.memory_space<hbm>>
      tpu.enqueue_dma source(%dma_start3A_73 : memref<40x125xi32, #tpu.memory_space<hbm>>) target(%arg7 : memref<40x125xi32, #tpu.memory_space<vmem>>) target_semaphore(%run_scoped3A_65 : memref<!tpu.dma_semaphore, #tpu.memory_space<semaphore_mem>>)
      %dma_wait3A = arith.constant 0 : i32
      %dma_wait3A_74 = arith.constant 0 : i32
      %dma_wait3A_75 = tpu.memref_slice %arg3[%add3A, %run_scoped3A, %dma_wait3A, %dma_wait3A_74] : memref<32x2x40x125xi32, #tpu.memory_space<hbm>> -> memref<1x1x40x125xi32, #tpu.memory_space<hbm>>
      %dma_wait3A_76 = tpu.memref_squeeze %dma_wait3A_75 : memref<1x1x40x125xi32, #tpu.memory_space<hbm>> -> memref<40x125xi32, #tpu.memory_space<hbm>>
      %dma_wait3A_77 = arith.constant 0 : i32
      %dma_wait3A_78 = arith.constant 0 : i32
      %dma_wait3A_79 = tpu.memref_slice %arg3[%add3A, %run_scoped3A, %dma_wait3A_77, %dma_wait3A_78] : memref<32x2x40x125xi32, #tpu.memory_space<hbm>> -> memref<1x1x40x125xi32, #tpu.memory_space<hbm>>
      %dma_wait3A_80 = tpu.memref_squeeze %dma_wait3A_79 : memref<1x1x40x125xi32, #tpu.memory_space<hbm>> -> memref<40x125xi32, #tpu.memory_space<hbm>>
      tpu.wait_dma2 semaphore(%run_scoped3A_65 : memref<!tpu.dma_semaphore, #tpu.memory_space<semaphore_mem>>) src(%dma_wait3A_80 : memref<40x125xi32, #tpu.memory_space<hbm>>) dst(%arg7 : memref<40x125xi32, #tpu.memory_space<vmem>>)
      tpu.yield
    }) : () -> ()
    %run_scoped3A_3 = arith.constant 0 : i32
    "tpu.region"() ({
      %run_scoped3A_65 = tpu.sem_alloc : memref<!tpu.dma_semaphore, #tpu.memory_space<semaphore_mem>>
      %dma_start3A_66 = arith.constant 0 : i32
      %dma_start3A_67 = arith.constant 0 : i32
      %dma_start3A_68 = tpu.memref_slice %arg4[%add3A, %run_scoped3A_3, %dma_start3A_66, %dma_start3A_67] : memref<32x2x40x125xi32, #tpu.memory_space<hbm>> -> memref<1x1x40x125xi32, #tpu.memory_space<hbm>>
      %dma_start3A_69 = tpu.memref_squeeze %dma_start3A_68 : memref<1x1x40x125xi32, #tpu.memory_space<hbm>> -> memref<40x125xi32, #tpu.memory_space<hbm>>
      %dma_start3A_70 = arith.constant 0 : i32
      %dma_start3A_71 = arith.constant 0 : i32
      %dma_start3A_72 = tpu.memref_slice %arg4[%add3A, %run_scoped3A_3, %dma_start3A_70, %dma_start3A_71] : memref<32x2x40x125xi32, #tpu.memory_space<hbm>> -> memref<1x1x40x125xi32, #tpu.memory_space<hbm>>
      %dma_start3A_73 = tpu.memref_squeeze %dma_start3A_72 : memref<1x1x40x125xi32, #tpu.memory_space<hbm>> -> memref<40x125xi32, #tpu.memory_space<hbm>>
      tpu.enqueue_dma source(%dma_start3A_73 : memref<40x125xi32, #tpu.memory_space<hbm>>) target(%arg8 : memref<40x125xi32, #tpu.memory_space<vmem>>) target_semaphore(%run_scoped3A_65 : memref<!tpu.dma_semaphore, #tpu.memory_space<semaphore_mem>>)
      %dma_wait3A = arith.constant 0 : i32
      %dma_wait3A_74 = arith.constant 0 : i32
      %dma_wait3A_75 = tpu.memref_slice %arg4[%add3A, %run_scoped3A_3, %dma_wait3A, %dma_wait3A_74] : memref<32x2x40x125xi32, #tpu.memory_space<hbm>> -> memref<1x1x40x125xi32, #tpu.memory_space<hbm>>
      %dma_wait3A_76 = tpu.memref_squeeze %dma_wait3A_75 : memref<1x1x40x125xi32, #tpu.memory_space<hbm>> -> memref<40x125xi32, #tpu.memory_space<hbm>>
      %dma_wait3A_77 = arith.constant 0 : i32
      %dma_wait3A_78 = arith.constant 0 : i32
      %dma_wait3A_79 = tpu.memref_slice %arg4[%add3A, %run_scoped3A_3, %dma_wait3A_77, %dma_wait3A_78] : memref<32x2x40x125xi32, #tpu.memory_space<hbm>> -> memref<1x1x40x125xi32, #tpu.memory_space<hbm>>
      %dma_wait3A_80 = tpu.memref_squeeze %dma_wait3A_79 : memref<1x1x40x125xi32, #tpu.memory_space<hbm>> -> memref<40x125xi32, #tpu.memory_space<hbm>>
      tpu.wait_dma2 semaphore(%run_scoped3A_65 : memref<!tpu.dma_semaphore, #tpu.memory_space<semaphore_mem>>) src(%dma_wait3A_80 : memref<40x125xi32, #tpu.memory_space<hbm>>) dst(%arg8 : memref<40x125xi32, #tpu.memory_space<vmem>>)
      tpu.yield
    }) : () -> ()
    %dma_start3A = arith.constant 0 : i32
    %dma_start3A_4 = arith.constant 0 : i32
    %dma_start3A_5 = arith.constant 0 : i32
    %dma_start3A_6 = arith.constant 0 : i32
    %dma_start3A_7 = tpu.memref_slice %arg9[%dma_start3A_4, %dma_start3A_5, %dma_start3A_6] : memref<2x125x128xf32, #tpu.memory_space<vmem>> -> memref<1x125x128xf32, #tpu.memory_space<vmem>>
    %dma_start3A_8 = tpu.memref_squeeze %dma_start3A_7 : memref<1x125x128xf32, #tpu.memory_space<vmem>> -> memref<125x128xf32, #tpu.memory_space<vmem>>
    %dma_start3A_9 = arith.constant 0 : i32
    %dma_start3A_10 = tpu.memref_slice %arg7[%dma_start3A, %dma_start3A_9] : memref<40x125xi32, #tpu.memory_space<vmem>> -> memref<1x125xi32, #tpu.memory_space<vmem>>
    %dma_start3A_11 = tpu.memref_squeeze %dma_start3A_10 : memref<1x125xi32, #tpu.memory_space<vmem>> -> memref<125xi32, #tpu.memory_space<vmem>>
    %dma_start3A_12 = arith.constant 0 : i32
    %dma_start3A_13 = arith.constant 0 : i32
    %dma_start3A_14 = tpu.memref_slice %arg2[%dma_start3A_12, %dma_start3A_13] : memref<10000x128xf32, #tpu.memory_space<hbm>> -> memref<10000x128xf32, #tpu.memory_space<hbm>>
    tpu.enqueue_indirect_dma source(%dma_start3A_14 : memref<10000x128xf32, #tpu.memory_space<hbm>>) target(%dma_start3A_8 : memref<125x128xf32, #tpu.memory_space<vmem>>) offsets(%dma_start3A_11 : memref<125xi32, #tpu.memory_space<vmem>>) semaphore(%arg11 : memref<!tpu.dma_semaphore, #tpu.memory_space<semaphore_mem>>)
    %dma_start3A_15 = arith.constant 1 : i32
    %dma_start3A_16 = arith.constant 1 : i32
    %dma_start3A_17 = arith.constant 0 : i32
    %dma_start3A_18 = arith.constant 0 : i32
    %dma_start3A_19 = tpu.memref_slice %arg9[%dma_start3A_16, %dma_start3A_17, %dma_start3A_18] : memref<2x125x128xf32, #tpu.memory_space<vmem>> -> memref<1x125x128xf32, #tpu.memory_space<vmem>>
    %dma_start3A_20 = tpu.memref_squeeze %dma_start3A_19 : memref<1x125x128xf32, #tpu.memory_space<vmem>> -> memref<125x128xf32, #tpu.memory_space<vmem>>
    %dma_start3A_21 = arith.constant 0 : i32
    %dma_start3A_22 = tpu.memref_slice %arg7[%dma_start3A_15, %dma_start3A_21] : memref<40x125xi32, #tpu.memory_space<vmem>> -> memref<1x125xi32, #tpu.memory_space<vmem>>
    %dma_start3A_23 = tpu.memref_squeeze %dma_start3A_22 : memref<1x125xi32, #tpu.memory_space<vmem>> -> memref<125xi32, #tpu.memory_space<vmem>>
    %dma_start3A_24 = arith.constant 0 : i32
    %dma_start3A_25 = arith.constant 0 : i32
    %dma_start3A_26 = tpu.memref_slice %arg2[%dma_start3A_24, %dma_start3A_25] : memref<10000x128xf32, #tpu.memory_space<hbm>> -> memref<10000x128xf32, #tpu.memory_space<hbm>>
    tpu.enqueue_indirect_dma source(%dma_start3A_26 : memref<10000x128xf32, #tpu.memory_space<hbm>>) target(%dma_start3A_20 : memref<125x128xf32, #tpu.memory_space<vmem>>) offsets(%dma_start3A_23 : memref<125xi32, #tpu.memory_space<vmem>>) semaphore(%arg12 : memref<!tpu.dma_semaphore, #tpu.memory_space<semaphore_mem>>)
    %scan3A = arith.constant 0 : i32
    %scan3A_27 = arith.constant 0 : i32
    %scan3A_28 = arith.constant 20 : i32
    %scan3A_29 = arith.addi %scan3A_27, %scan3A_28 : i32
    %scan3A_30 = arith.constant 1 : i32
    scf.for %scan3A_65 = %scan3A_27 to %scan3A_29 step %scan3A_30  : i32 {
      %mul3A_66 = arith.constant 2 : i32
      %mul3A_67 = arith.muli %mul3A_66, %scan3A_65 : i32
      %dma_wait3A = arith.constant 0 : i32
      %dma_wait3A_68 = arith.constant 0 : i32
      %dma_wait3A_69 = arith.constant 0 : i32
      %dma_wait3A_70 = tpu.memref_slice %arg9[%dma_wait3A, %dma_wait3A_68, %dma_wait3A_69] : memref<2x125x128xf32, #tpu.memory_space<vmem>> -> memref<1x125x128xf32, #tpu.memory_space<vmem>>
      %dma_wait3A_71 = tpu.memref_squeeze %dma_wait3A_70 : memref<1x125x128xf32, #tpu.memory_space<vmem>> -> memref<125x128xf32, #tpu.memory_space<vmem>>
      %dma_wait3A_72 = arith.constant 0 : i32
      %dma_wait3A_73 = tpu.memref_slice %arg7[%mul3A_67, %dma_wait3A_72] : memref<40x125xi32, #tpu.memory_space<vmem>> -> memref<1x125xi32, #tpu.memory_space<vmem>>
      %dma_wait3A_74 = tpu.memref_squeeze %dma_wait3A_73 : memref<1x125xi32, #tpu.memory_space<vmem>> -> memref<125xi32, #tpu.memory_space<vmem>>
      %dma_wait3A_75 = arith.constant 0 : i32
      %dma_wait3A_76 = arith.constant 0 : i32
      %dma_wait3A_77 = tpu.memref_slice %arg2[%dma_wait3A_75, %dma_wait3A_76] : memref<10000x128xf32, #tpu.memory_space<hbm>> -> memref<10000x128xf32, #tpu.memory_space<hbm>>
      tpu.wait_indirect_dma semaphore(%arg11 : memref<!tpu.dma_semaphore, #tpu.memory_space<semaphore_mem>>) src(%dma_wait3A_77 : memref<10000x128xf32, #tpu.memory_space<hbm>>) dst(%dma_wait3A_71 : memref<125x128xf32, #tpu.memory_space<vmem>>)
      %run_scoped3A_78 = arith.constant 0 : i32
      "tpu.region"() ({
        %run_scoped3A_106 = tpu.sem_alloc : memref<!tpu.dma_semaphore, #tpu.memory_space<semaphore_mem>>
        %dma_start3A_107 = arith.constant 0 : i32
        %dma_start3A_108 = arith.constant 0 : i32
        %dma_start3A_109 = tpu.memref_slice %arg9[%run_scoped3A_78, %dma_start3A_107, %dma_start3A_108] : memref<2x125x128xf32, #tpu.memory_space<vmem>> -> memref<1x125x128xf32, #tpu.memory_space<vmem>>
        %dma_start3A_110 = tpu.memref_squeeze %dma_start3A_109 : memref<1x125x128xf32, #tpu.memory_space<vmem>> -> memref<125x128xf32, #tpu.memory_space<vmem>>
        %dma_start3A_111 = arith.constant 0 : i32
        %dma_start3A_112 = tpu.memref_slice %arg8[%mul3A_67, %dma_start3A_111] : memref<40x125xi32, #tpu.memory_space<vmem>> -> memref<1x125xi32, #tpu.memory_space<vmem>>
        %dma_start3A_113 = tpu.memref_squeeze %dma_start3A_112 : memref<1x125xi32, #tpu.memory_space<vmem>> -> memref<125xi32, #tpu.memory_space<vmem>>
        %dma_start3A_114 = arith.constant 0 : i32
        %dma_start3A_115 = arith.constant 0 : i32
        %dma_start3A_116 = tpu.memref_slice %arg10[%dma_start3A_114, %dma_start3A_115] : memref<10240x128xf32, #tpu.memory_space<vmem_shared>> -> memref<10240x128xf32, #tpu.memory_space<vmem_shared>>
        tpu.enqueue_indirect_dma source(%dma_start3A_110 : memref<125x128xf32, #tpu.memory_space<vmem>>) target(%dma_start3A_116 : memref<10240x128xf32, #tpu.memory_space<vmem_shared>>) offsets(%dma_start3A_113 : memref<125xi32, #tpu.memory_space<vmem>>) semaphore(%run_scoped3A_106 : memref<!tpu.dma_semaphore, #tpu.memory_space<semaphore_mem>>) {add = true}
        %dma_wait3A_117 = arith.constant 0 : i32
        %dma_wait3A_118 = arith.constant 0 : i32
        %dma_wait3A_119 = tpu.memref_slice %arg9[%run_scoped3A_78, %dma_wait3A_117, %dma_wait3A_118] : memref<2x125x128xf32, #tpu.memory_space<vmem>> -> memref<1x125x128xf32, #tpu.memory_space<vmem>>
        %dma_wait3A_120 = tpu.memref_squeeze %dma_wait3A_119 : memref<1x125x128xf32, #tpu.memory_space<vmem>> -> memref<125x128xf32, #tpu.memory_space<vmem>>
        %dma_wait3A_121 = arith.constant 0 : i32
        %dma_wait3A_122 = tpu.memref_slice %arg8[%mul3A_67, %dma_wait3A_121] : memref<40x125xi32, #tpu.memory_space<vmem>> -> memref<1x125xi32, #tpu.memory_space<vmem>>
        %dma_wait3A_123 = tpu.memref_squeeze %dma_wait3A_122 : memref<1x125xi32, #tpu.memory_space<vmem>> -> memref<125xi32, #tpu.memory_space<vmem>>
        %dma_wait3A_124 = arith.constant 0 : i32
        %dma_wait3A_125 = arith.constant 0 : i32
        %dma_wait3A_126 = tpu.memref_slice %arg10[%dma_wait3A_124, %dma_wait3A_125] : memref<10240x128xf32, #tpu.memory_space<vmem_shared>> -> memref<10240x128xf32, #tpu.memory_space<vmem_shared>>
        tpu.wait_indirect_dma semaphore(%run_scoped3A_106 : memref<!tpu.dma_semaphore, #tpu.memory_space<semaphore_mem>>) src(%dma_wait3A_120 : memref<125x128xf32, #tpu.memory_space<vmem>>) dst(%dma_wait3A_126 : memref<10240x128xf32, #tpu.memory_space<vmem_shared>>)
        tpu.yield
      }) : () -> ()
      %add3A_79 = arith.constant 2 : i32
      %add3A_80 = arith.addi %mul3A_67, %add3A_79 : i32
      %lt3A = arith.constant 40 : i32
      %lt3A_81 = arith.cmpi slt, %add3A_80, %lt3A : i32
      %convert_element_type3A = arith.extui %lt3A_81 : i1 to i32
      %cond3A = arith.constant 0 : i32
      %cond3A_82 = arith.cmpi ne, %convert_element_type3A, %cond3A : i32
      scf.if %cond3A_82 {
        %add3A_106 = arith.constant 2 : i32
        %add3A_107 = arith.addi %mul3A_67, %add3A_106 : i32
        %dma_start3A_108 = arith.constant 0 : i32
        %dma_start3A_109 = arith.constant 0 : i32
        %dma_start3A_110 = arith.constant 0 : i32
        %dma_start3A_111 = tpu.memref_slice %arg9[%dma_start3A_108, %dma_start3A_109, %dma_start3A_110] : memref<2x125x128xf32, #tpu.memory_space<vmem>> -> memref<1x125x128xf32, #tpu.memory_space<vmem>>
        %dma_start3A_112 = tpu.memref_squeeze %dma_start3A_111 : memref<1x125x128xf32, #tpu.memory_space<vmem>> -> memref<125x128xf32, #tpu.memory_space<vmem>>
        %dma_start3A_113 = arith.constant 0 : i32
        %dma_start3A_114 = tpu.memref_slice %arg7[%add3A_107, %dma_start3A_113] : memref<40x125xi32, #tpu.memory_space<vmem>> -> memref<1x125xi32, #tpu.memory_space<vmem>>
        %dma_start3A_115 = tpu.memref_squeeze %dma_start3A_114 : memref<1x125xi32, #tpu.memory_space<vmem>> -> memref<125xi32, #tpu.memory_space<vmem>>
        %dma_start3A_116 = arith.constant 0 : i32
        %dma_start3A_117 = arith.constant 0 : i32
        %dma_start3A_118 = tpu.memref_slice %arg2[%dma_start3A_116, %dma_start3A_117] : memref<10000x128xf32, #tpu.memory_space<hbm>> -> memref<10000x128xf32, #tpu.memory_space<hbm>>
        tpu.enqueue_indirect_dma source(%dma_start3A_118 : memref<10000x128xf32, #tpu.memory_space<hbm>>) target(%dma_start3A_112 : memref<125x128xf32, #tpu.memory_space<vmem>>) offsets(%dma_start3A_115 : memref<125xi32, #tpu.memory_space<vmem>>) semaphore(%arg11 : memref<!tpu.dma_semaphore, #tpu.memory_space<semaphore_mem>>)
      } else {
      }
      %add3A_83 = arith.constant 1 : i32
      %add3A_84 = arith.addi %mul3A_67, %add3A_83 : i32
      %dma_wait3A_85 = arith.constant 1 : i32
      %dma_wait3A_86 = arith.constant 0 : i32
      %dma_wait3A_87 = arith.constant 0 : i32
      %dma_wait3A_88 = tpu.memref_slice %arg9[%dma_wait3A_85, %dma_wait3A_86, %dma_wait3A_87] : memref<2x125x128xf32, #tpu.memory_space<vmem>> -> memref<1x125x128xf32, #tpu.memory_space<vmem>>
      %dma_wait3A_89 = tpu.memref_squeeze %dma_wait3A_88 : memref<1x125x128xf32, #tpu.memory_space<vmem>> -> memref<125x128xf32, #tpu.memory_space<vmem>>
      %dma_wait3A_90 = arith.constant 0 : i32
      %dma_wait3A_91 = tpu.memref_slice %arg7[%add3A_84, %dma_wait3A_90] : memref<40x125xi32, #tpu.memory_space<vmem>> -> memref<1x125xi32, #tpu.memory_space<vmem>>
      %dma_wait3A_92 = tpu.memref_squeeze %dma_wait3A_91 : memref<1x125xi32, #tpu.memory_space<vmem>> -> memref<125xi32, #tpu.memory_space<vmem>>
      %dma_wait3A_93 = arith.constant 0 : i32
      %dma_wait3A_94 = arith.constant 0 : i32
      %dma_wait3A_95 = tpu.memref_slice %arg2[%dma_wait3A_93, %dma_wait3A_94] : memref<10000x128xf32, #tpu.memory_space<hbm>> -> memref<10000x128xf32, #tpu.memory_space<hbm>>
      tpu.wait_indirect_dma semaphore(%arg12 : memref<!tpu.dma_semaphore, #tpu.memory_space<semaphore_mem>>) src(%dma_wait3A_95 : memref<10000x128xf32, #tpu.memory_space<hbm>>) dst(%dma_wait3A_89 : memref<125x128xf32, #tpu.memory_space<vmem>>)
      %add3A_96 = arith.constant 1 : i32
      %add3A_97 = arith.addi %mul3A_67, %add3A_96 : i32
      %run_scoped3A_98 = arith.constant 1 : i32
      "tpu.region"() ({
        %run_scoped3A_106 = tpu.sem_alloc : memref<!tpu.dma_semaphore, #tpu.memory_space<semaphore_mem>>
        %dma_start3A_107 = arith.constant 0 : i32
        %dma_start3A_108 = arith.constant 0 : i32
        %dma_start3A_109 = tpu.memref_slice %arg9[%run_scoped3A_98, %dma_start3A_107, %dma_start3A_108] : memref<2x125x128xf32, #tpu.memory_space<vmem>> -> memref<1x125x128xf32, #tpu.memory_space<vmem>>
        %dma_start3A_110 = tpu.memref_squeeze %dma_start3A_109 : memref<1x125x128xf32, #tpu.memory_space<vmem>> -> memref<125x128xf32, #tpu.memory_space<vmem>>
        %dma_start3A_111 = arith.constant 0 : i32
        %dma_start3A_112 = tpu.memref_slice %arg8[%add3A_97, %dma_start3A_111] : memref<40x125xi32, #tpu.memory_space<vmem>> -> memref<1x125xi32, #tpu.memory_space<vmem>>
        %dma_start3A_113 = tpu.memref_squeeze %dma_start3A_112 : memref<1x125xi32, #tpu.memory_space<vmem>> -> memref<125xi32, #tpu.memory_space<vmem>>
        %dma_start3A_114 = arith.constant 0 : i32
        %dma_start3A_115 = arith.constant 0 : i32
        %dma_start3A_116 = tpu.memref_slice %arg10[%dma_start3A_114, %dma_start3A_115] : memref<10240x128xf32, #tpu.memory_space<vmem_shared>> -> memref<10240x128xf32, #tpu.memory_space<vmem_shared>>
        tpu.enqueue_indirect_dma source(%dma_start3A_110 : memref<125x128xf32, #tpu.memory_space<vmem>>) target(%dma_start3A_116 : memref<10240x128xf32, #tpu.memory_space<vmem_shared>>) offsets(%dma_start3A_113 : memref<125xi32, #tpu.memory_space<vmem>>) semaphore(%run_scoped3A_106 : memref<!tpu.dma_semaphore, #tpu.memory_space<semaphore_mem>>) {add = true}
        %dma_wait3A_117 = arith.constant 0 : i32
        %dma_wait3A_118 = arith.constant 0 : i32
        %dma_wait3A_119 = tpu.memref_slice %arg9[%run_scoped3A_98, %dma_wait3A_117, %dma_wait3A_118] : memref<2x125x128xf32, #tpu.memory_space<vmem>> -> memref<1x125x128xf32, #tpu.memory_space<vmem>>
        %dma_wait3A_120 = tpu.memref_squeeze %dma_wait3A_119 : memref<1x125x128xf32, #tpu.memory_space<vmem>> -> memref<125x128xf32, #tpu.memory_space<vmem>>
        %dma_wait3A_121 = arith.constant 0 : i32
        %dma_wait3A_122 = tpu.memref_slice %arg8[%add3A_97, %dma_wait3A_121] : memref<40x125xi32, #tpu.memory_space<vmem>> -> memref<1x125xi32, #tpu.memory_space<vmem>>
        %dma_wait3A_123 = tpu.memref_squeeze %dma_wait3A_122 : memref<1x125xi32, #tpu.memory_space<vmem>> -> memref<125xi32, #tpu.memory_space<vmem>>
        %dma_wait3A_124 = arith.constant 0 : i32
        %dma_wait3A_125 = arith.constant 0 : i32
        %dma_wait3A_126 = tpu.memref_slice %arg10[%dma_wait3A_124, %dma_wait3A_125] : memref<10240x128xf32, #tpu.memory_space<vmem_shared>> -> memref<10240x128xf32, #tpu.memory_space<vmem_shared>>
        tpu.wait_indirect_dma semaphore(%run_scoped3A_106 : memref<!tpu.dma_semaphore, #tpu.memory_space<semaphore_mem>>) src(%dma_wait3A_120 : memref<125x128xf32, #tpu.memory_space<vmem>>) dst(%dma_wait3A_126 : memref<10240x128xf32, #tpu.memory_space<vmem_shared>>)
        tpu.yield
      }) : () -> ()
      %add3A_99 = arith.constant 3 : i32
      %add3A_100 = arith.addi %mul3A_67, %add3A_99 : i32
      %lt3A_101 = arith.constant 40 : i32
      %lt3A_102 = arith.cmpi slt, %add3A_100, %lt3A_101 : i32
      %convert_element_type3A_103 = arith.extui %lt3A_102 : i1 to i32
      %cond3A_104 = arith.constant 0 : i32
      %cond3A_105 = arith.cmpi ne, %convert_element_type3A_103, %cond3A_104 : i32
      scf.if %cond3A_105 {
        %add3A_106 = arith.constant 3 : i32
        %add3A_107 = arith.addi %mul3A_67, %add3A_106 : i32
        %dma_start3A_108 = arith.constant 1 : i32
        %dma_start3A_109 = arith.constant 0 : i32
        %dma_start3A_110 = arith.constant 0 : i32
        %dma_start3A_111 = tpu.memref_slice %arg9[%dma_start3A_108, %dma_start3A_109, %dma_start3A_110] : memref<2x125x128xf32, #tpu.memory_space<vmem>> -> memref<1x125x128xf32, #tpu.memory_space<vmem>>
        %dma_start3A_112 = tpu.memref_squeeze %dma_start3A_111 : memref<1x125x128xf32, #tpu.memory_space<vmem>> -> memref<125x128xf32, #tpu.memory_space<vmem>>
        %dma_start3A_113 = arith.constant 0 : i32
        %dma_start3A_114 = tpu.memref_slice %arg7[%add3A_107, %dma_start3A_113] : memref<40x125xi32, #tpu.memory_space<vmem>> -> memref<1x125xi32, #tpu.memory_space<vmem>>
        %dma_start3A_115 = tpu.memref_squeeze %dma_start3A_114 : memref<1x125xi32, #tpu.memory_space<vmem>> -> memref<125xi32, #tpu.memory_space<vmem>>
        %dma_start3A_116 = arith.constant 0 : i32
        %dma_start3A_117 = arith.constant 0 : i32
        %dma_start3A_118 = tpu.memref_slice %arg2[%dma_start3A_116, %dma_start3A_117] : memref<10000x128xf32, #tpu.memory_space<hbm>> -> memref<10000x128xf32, #tpu.memory_space<hbm>>
        tpu.enqueue_indirect_dma source(%dma_start3A_118 : memref<10000x128xf32, #tpu.memory_space<hbm>>) target(%dma_start3A_112 : memref<125x128xf32, #tpu.memory_space<vmem>>) offsets(%dma_start3A_115 : memref<125xi32, #tpu.memory_space<vmem>>) semaphore(%arg12 : memref<!tpu.dma_semaphore, #tpu.memory_space<semaphore_mem>>)
      } else {
      }
    }
    %scan3A_31 = arith.constant 20 : i32
    %run_scoped3A_32 = arith.constant 1 : i32
    "tpu.region"() ({
      %run_scoped3A_65 = tpu.sem_alloc : memref<!tpu.dma_semaphore, #tpu.memory_space<semaphore_mem>>
      %dma_start3A_66 = arith.constant 0 : i32
      %dma_start3A_67 = arith.constant 0 : i32
      %dma_start3A_68 = tpu.memref_slice %arg3[%add3A, %run_scoped3A_32, %dma_start3A_66, %dma_start3A_67] : memref<32x2x40x125xi32, #tpu.memory_space<hbm>> -> memref<1x1x40x125xi32, #tpu.memory_space<hbm>>
      %dma_start3A_69 = tpu.memref_squeeze %dma_start3A_68 : memref<1x1x40x125xi32, #tpu.memory_space<hbm>> -> memref<40x125xi32, #tpu.memory_space<hbm>>
      %dma_start3A_70 = arith.constant 0 : i32
      %dma_start3A_71 = arith.constant 0 : i32
      %dma_start3A_72 = tpu.memref_slice %arg3[%add3A, %run_scoped3A_32, %dma_start3A_70, %dma_start3A_71] : memref<32x2x40x125xi32, #tpu.memory_space<hbm>> -> memref<1x1x40x125xi32, #tpu.memory_space<hbm>>
      %dma_start3A_73 = tpu.memref_squeeze %dma_start3A_72 : memref<1x1x40x125xi32, #tpu.memory_space<hbm>> -> memref<40x125xi32, #tpu.memory_space<hbm>>
      tpu.enqueue_dma source(%dma_start3A_73 : memref<40x125xi32, #tpu.memory_space<hbm>>) target(%arg7 : memref<40x125xi32, #tpu.memory_space<vmem>>) target_semaphore(%run_scoped3A_65 : memref<!tpu.dma_semaphore, #tpu.memory_space<semaphore_mem>>)
      %dma_wait3A = arith.constant 0 : i32
      %dma_wait3A_74 = arith.constant 0 : i32
      %dma_wait3A_75 = tpu.memref_slice %arg3[%add3A, %run_scoped3A_32, %dma_wait3A, %dma_wait3A_74] : memref<32x2x40x125xi32, #tpu.memory_space<hbm>> -> memref<1x1x40x125xi32, #tpu.memory_space<hbm>>
      %dma_wait3A_76 = tpu.memref_squeeze %dma_wait3A_75 : memref<1x1x40x125xi32, #tpu.memory_space<hbm>> -> memref<40x125xi32, #tpu.memory_space<hbm>>
      %dma_wait3A_77 = arith.constant 0 : i32
      %dma_wait3A_78 = arith.constant 0 : i32
      %dma_wait3A_79 = tpu.memref_slice %arg3[%add3A, %run_scoped3A_32, %dma_wait3A_77, %dma_wait3A_78] : memref<32x2x40x125xi32, #tpu.memory_space<hbm>> -> memref<1x1x40x125xi32, #tpu.memory_space<hbm>>
      %dma_wait3A_80 = tpu.memref_squeeze %dma_wait3A_79 : memref<1x1x40x125xi32, #tpu.memory_space<hbm>> -> memref<40x125xi32, #tpu.memory_space<hbm>>
      tpu.wait_dma2 semaphore(%run_scoped3A_65 : memref<!tpu.dma_semaphore, #tpu.memory_space<semaphore_mem>>) src(%dma_wait3A_80 : memref<40x125xi32, #tpu.memory_space<hbm>>) dst(%arg7 : memref<40x125xi32, #tpu.memory_space<vmem>>)
      tpu.yield
    }) : () -> ()
    %run_scoped3A_33 = arith.constant 1 : i32
    "tpu.region"() ({
      %run_scoped3A_65 = tpu.sem_alloc : memref<!tpu.dma_semaphore, #tpu.memory_space<semaphore_mem>>
      %dma_start3A_66 = arith.constant 0 : i32
      %dma_start3A_67 = arith.constant 0 : i32
      %dma_start3A_68 = tpu.memref_slice %arg4[%add3A, %run_scoped3A_33, %dma_start3A_66, %dma_start3A_67] : memref<32x2x40x125xi32, #tpu.memory_space<hbm>> -> memref<1x1x40x125xi32, #tpu.memory_space<hbm>>
      %dma_start3A_69 = tpu.memref_squeeze %dma_start3A_68 : memref<1x1x40x125xi32, #tpu.memory_space<hbm>> -> memref<40x125xi32, #tpu.memory_space<hbm>>
      %dma_start3A_70 = arith.constant 0 : i32
      %dma_start3A_71 = arith.constant 0 : i32
      %dma_start3A_72 = tpu.memref_slice %arg4[%add3A, %run_scoped3A_33, %dma_start3A_70, %dma_start3A_71] : memref<32x2x40x125xi32, #tpu.memory_space<hbm>> -> memref<1x1x40x125xi32, #tpu.memory_space<hbm>>
      %dma_start3A_73 = tpu.memref_squeeze %dma_start3A_72 : memref<1x1x40x125xi32, #tpu.memory_space<hbm>> -> memref<40x125xi32, #tpu.memory_space<hbm>>
      tpu.enqueue_dma source(%dma_start3A_73 : memref<40x125xi32, #tpu.memory_space<hbm>>) target(%arg8 : memref<40x125xi32, #tpu.memory_space<vmem>>) target_semaphore(%run_scoped3A_65 : memref<!tpu.dma_semaphore, #tpu.memory_space<semaphore_mem>>)
      %dma_wait3A = arith.constant 0 : i32
      %dma_wait3A_74 = arith.constant 0 : i32
      %dma_wait3A_75 = tpu.memref_slice %arg4[%add3A, %run_scoped3A_33, %dma_wait3A, %dma_wait3A_74] : memref<32x2x40x125xi32, #tpu.memory_space<hbm>> -> memref<1x1x40x125xi32, #tpu.memory_space<hbm>>
      %dma_wait3A_76 = tpu.memref_squeeze %dma_wait3A_75 : memref<1x1x40x125xi32, #tpu.memory_space<hbm>> -> memref<40x125xi32, #tpu.memory_space<hbm>>
      %dma_wait3A_77 = arith.constant 0 : i32
      %dma_wait3A_78 = arith.constant 0 : i32
      %dma_wait3A_79 = tpu.memref_slice %arg4[%add3A, %run_scoped3A_33, %dma_wait3A_77, %dma_wait3A_78] : memref<32x2x40x125xi32, #tpu.memory_space<hbm>> -> memref<1x1x40x125xi32, #tpu.memory_space<hbm>>
      %dma_wait3A_80 = tpu.memref_squeeze %dma_wait3A_79 : memref<1x1x40x125xi32, #tpu.memory_space<hbm>> -> memref<40x125xi32, #tpu.memory_space<hbm>>
      tpu.wait_dma2 semaphore(%run_scoped3A_65 : memref<!tpu.dma_semaphore, #tpu.memory_space<semaphore_mem>>) src(%dma_wait3A_80 : memref<40x125xi32, #tpu.memory_space<hbm>>) dst(%arg8 : memref<40x125xi32, #tpu.memory_space<vmem>>)
      tpu.yield
    }) : () -> ()
    %dma_start3A_34 = arith.constant 0 : i32
    %dma_start3A_35 = arith.constant 0 : i32
    %dma_start3A_36 = arith.constant 0 : i32
    %dma_start3A_37 = arith.constant 0 : i32
    %dma_start3A_38 = tpu.memref_slice %arg9[%dma_start3A_35, %dma_start3A_36, %dma_start3A_37] : memref<2x125x128xf32, #tpu.memory_space<vmem>> -> memref<1x125x128xf32, #tpu.memory_space<vmem>>
    %dma_start3A_39 = tpu.memref_squeeze %dma_start3A_38 : memref<1x125x128xf32, #tpu.memory_space<vmem>> -> memref<125x128xf32, #tpu.memory_space<vmem>>
    %dma_start3A_40 = arith.constant 0 : i32
    %dma_start3A_41 = tpu.memref_slice %arg7[%dma_start3A_34, %dma_start3A_40] : memref<40x125xi32, #tpu.memory_space<vmem>> -> memref<1x125xi32, #tpu.memory_space<vmem>>
    %dma_start3A_42 = tpu.memref_squeeze %dma_start3A_41 : memref<1x125xi32, #tpu.memory_space<vmem>> -> memref<125xi32, #tpu.memory_space<vmem>>
    %dma_start3A_43 = arith.constant 0 : i32
    %dma_start3A_44 = arith.constant 0 : i32
    %dma_start3A_45 = tpu.memref_slice %arg2[%dma_start3A_43, %dma_start3A_44] : memref<10000x128xf32, #tpu.memory_space<hbm>> -> memref<10000x128xf32, #tpu.memory_space<hbm>>
    tpu.enqueue_indirect_dma source(%dma_start3A_45 : memref<10000x128xf32, #tpu.memory_space<hbm>>) target(%dma_start3A_39 : memref<125x128xf32, #tpu.memory_space<vmem>>) offsets(%dma_start3A_42 : memref<125xi32, #tpu.memory_space<vmem>>) semaphore(%arg11 : memref<!tpu.dma_semaphore, #tpu.memory_space<semaphore_mem>>)
    %dma_start3A_46 = arith.constant 1 : i32
    %dma_start3A_47 = arith.constant 1 : i32
    %dma_start3A_48 = arith.constant 0 : i32
    %dma_start3A_49 = arith.constant 0 : i32
    %dma_start3A_50 = tpu.memref_slice %arg9[%dma_start3A_47, %dma_start3A_48, %dma_start3A_49] : memref<2x125x128xf32, #tpu.memory_space<vmem>> -> memref<1x125x128xf32, #tpu.memory_space<vmem>>
    %dma_start3A_51 = tpu.memref_squeeze %dma_start3A_50 : memref<1x125x128xf32, #tpu.memory_space<vmem>> -> memref<125x128xf32, #tpu.memory_space<vmem>>
    %dma_start3A_52 = arith.constant 0 : i32
    %dma_start3A_53 = tpu.memref_slice %arg7[%dma_start3A_46, %dma_start3A_52] : memref<40x125xi32, #tpu.memory_space<vmem>> -> memref<1x125xi32, #tpu.memory_space<vmem>>
    %dma_start3A_54 = tpu.memref_squeeze %dma_start3A_53 : memref<1x125xi32, #tpu.memory_space<vmem>> -> memref<125xi32, #tpu.memory_space<vmem>>
    %dma_start3A_55 = arith.constant 0 : i32
    %dma_start3A_56 = arith.constant 0 : i32
    %dma_start3A_57 = tpu.memref_slice %arg2[%dma_start3A_55, %dma_start3A_56] : memref<10000x128xf32, #tpu.memory_space<hbm>> -> memref<10000x128xf32, #tpu.memory_space<hbm>>
    tpu.enqueue_indirect_dma source(%dma_start3A_57 : memref<10000x128xf32, #tpu.memory_space<hbm>>) target(%dma_start3A_51 : memref<125x128xf32, #tpu.memory_space<vmem>>) offsets(%dma_start3A_54 : memref<125xi32, #tpu.memory_space<vmem>>) semaphore(%arg12 : memref<!tpu.dma_semaphore, #tpu.memory_space<semaphore_mem>>)
    %scan3A_58 = arith.constant 0 : i32
    %scan3A_59 = arith.constant 0 : i32
    %scan3A_60 = arith.constant 20 : i32
    %scan3A_61 = arith.addi %scan3A_59, %scan3A_60 : i32
    %scan3A_62 = arith.constant 1 : i32
    scf.for %scan3A_65 = %scan3A_59 to %scan3A_61 step %scan3A_62  : i32 {
      %mul3A_66 = arith.constant 2 : i32
      %mul3A_67 = arith.muli %mul3A_66, %scan3A_65 : i32
      %dma_wait3A = arith.constant 0 : i32
      %dma_wait3A_68 = arith.constant 0 : i32
      %dma_wait3A_69 = arith.constant 0 : i32
      %dma_wait3A_70 = tpu.memref_slice %arg9[%dma_wait3A, %dma_wait3A_68, %dma_wait3A_69] : memref<2x125x128xf32, #tpu.memory_space<vmem>> -> memref<1x125x128xf32, #tpu.memory_space<vmem>>
      %dma_wait3A_71 = tpu.memref_squeeze %dma_wait3A_70 : memref<1x125x128xf32, #tpu.memory_space<vmem>> -> memref<125x128xf32, #tpu.memory_space<vmem>>
      %dma_wait3A_72 = arith.constant 0 : i32
      %dma_wait3A_73 = tpu.memref_slice %arg7[%mul3A_67, %dma_wait3A_72] : memref<40x125xi32, #tpu.memory_space<vmem>> -> memref<1x125xi32, #tpu.memory_space<vmem>>
      %dma_wait3A_74 = tpu.memref_squeeze %dma_wait3A_73 : memref<1x125xi32, #tpu.memory_space<vmem>> -> memref<125xi32, #tpu.memory_space<vmem>>
      %dma_wait3A_75 = arith.constant 0 : i32
      %dma_wait3A_76 = arith.constant 0 : i32
      %dma_wait3A_77 = tpu.memref_slice %arg2[%dma_wait3A_75, %dma_wait3A_76] : memref<10000x128xf32, #tpu.memory_space<hbm>> -> memref<10000x128xf32, #tpu.memory_space<hbm>>
      tpu.wait_indirect_dma semaphore(%arg11 : memref<!tpu.dma_semaphore, #tpu.memory_space<semaphore_mem>>) src(%dma_wait3A_77 : memref<10000x128xf32, #tpu.memory_space<hbm>>) dst(%dma_wait3A_71 : memref<125x128xf32, #tpu.memory_space<vmem>>)
      %run_scoped3A_78 = arith.constant 0 : i32
      "tpu.region"() ({
        %run_scoped3A_106 = tpu.sem_alloc : memref<!tpu.dma_semaphore, #tpu.memory_space<semaphore_mem>>
        %dma_start3A_107 = arith.constant 0 : i32
        %dma_start3A_108 = arith.constant 0 : i32
        %dma_start3A_109 = tpu.memref_slice %arg9[%run_scoped3A_78, %dma_start3A_107, %dma_start3A_108] : memref<2x125x128xf32, #tpu.memory_space<vmem>> -> memref<1x125x128xf32, #tpu.memory_space<vmem>>
        %dma_start3A_110 = tpu.memref_squeeze %dma_start3A_109 : memref<1x125x128xf32, #tpu.memory_space<vmem>> -> memref<125x128xf32, #tpu.memory_space<vmem>>
        %dma_start3A_111 = arith.constant 0 : i32
        %dma_start3A_112 = tpu.memref_slice %arg8[%mul3A_67, %dma_start3A_111] : memref<40x125xi32, #tpu.memory_space<vmem>> -> memref<1x125xi32, #tpu.memory_space<vmem>>
        %dma_start3A_113 = tpu.memref_squeeze %dma_start3A_112 : memref<1x125xi32, #tpu.memory_space<vmem>> -> memref<125xi32, #tpu.memory_space<vmem>>
        %dma_start3A_114 = arith.constant 0 : i32
        %dma_start3A_115 = arith.constant 0 : i32
        %dma_start3A_116 = tpu.memref_slice %arg10[%dma_start3A_114, %dma_start3A_115] : memref<10240x128xf32, #tpu.memory_space<vmem_shared>> -> memref<10240x128xf32, #tpu.memory_space<vmem_shared>>
        tpu.enqueue_indirect_dma source(%dma_start3A_110 : memref<125x128xf32, #tpu.memory_space<vmem>>) target(%dma_start3A_116 : memref<10240x128xf32, #tpu.memory_space<vmem_shared>>) offsets(%dma_start3A_113 : memref<125xi32, #tpu.memory_space<vmem>>) semaphore(%run_scoped3A_106 : memref<!tpu.dma_semaphore, #tpu.memory_space<semaphore_mem>>) {add = true}
        %dma_wait3A_117 = arith.constant 0 : i32
        %dma_wait3A_118 = arith.constant 0 : i32
        %dma_wait3A_119 = tpu.memref_slice %arg9[%run_scoped3A_78, %dma_wait3A_117, %dma_wait3A_118] : memref<2x125x128xf32, #tpu.memory_space<vmem>> -> memref<1x125x128xf32, #tpu.memory_space<vmem>>
        %dma_wait3A_120 = tpu.memref_squeeze %dma_wait3A_119 : memref<1x125x128xf32, #tpu.memory_space<vmem>> -> memref<125x128xf32, #tpu.memory_space<vmem>>
        %dma_wait3A_121 = arith.constant 0 : i32
        %dma_wait3A_122 = tpu.memref_slice %arg8[%mul3A_67, %dma_wait3A_121] : memref<40x125xi32, #tpu.memory_space<vmem>> -> memref<1x125xi32, #tpu.memory_space<vmem>>
        %dma_wait3A_123 = tpu.memref_squeeze %dma_wait3A_122 : memref<1x125xi32, #tpu.memory_space<vmem>> -> memref<125xi32, #tpu.memory_space<vmem>>
        %dma_wait3A_124 = arith.constant 0 : i32
        %dma_wait3A_125 = arith.constant 0 : i32
        %dma_wait3A_126 = tpu.memref_slice %arg10[%dma_wait3A_124, %dma_wait3A_125] : memref<10240x128xf32, #tpu.memory_space<vmem_shared>> -> memref<10240x128xf32, #tpu.memory_space<vmem_shared>>
        tpu.wait_indirect_dma semaphore(%run_scoped3A_106 : memref<!tpu.dma_semaphore, #tpu.memory_space<semaphore_mem>>) src(%dma_wait3A_120 : memref<125x128xf32, #tpu.memory_space<vmem>>) dst(%dma_wait3A_126 : memref<10240x128xf32, #tpu.memory_space<vmem_shared>>)
        tpu.yield
      }) : () -> ()
      %add3A_79 = arith.constant 2 : i32
      %add3A_80 = arith.addi %mul3A_67, %add3A_79 : i32
      %lt3A = arith.constant 40 : i32
      %lt3A_81 = arith.cmpi slt, %add3A_80, %lt3A : i32
      %convert_element_type3A = arith.extui %lt3A_81 : i1 to i32
      %cond3A = arith.constant 0 : i32
      %cond3A_82 = arith.cmpi ne, %convert_element_type3A, %cond3A : i32
      scf.if %cond3A_82 {
        %add3A_106 = arith.constant 2 : i32
        %add3A_107 = arith.addi %mul3A_67, %add3A_106 : i32
        %dma_start3A_108 = arith.constant 0 : i32
        %dma_start3A_109 = arith.constant 0 : i32
        %dma_start3A_110 = arith.constant 0 : i32
        %dma_start3A_111 = tpu.memref_slice %arg9[%dma_start3A_108, %dma_start3A_109, %dma_start3A_110] : memref<2x125x128xf32, #tpu.memory_space<vmem>> -> memref<1x125x128xf32, #tpu.memory_space<vmem>>
        %dma_start3A_112 = tpu.memref_squeeze %dma_start3A_111 : memref<1x125x128xf32, #tpu.memory_space<vmem>> -> memref<125x128xf32, #tpu.memory_space<vmem>>
        %dma_start3A_113 = arith.constant 0 : i32
        %dma_start3A_114 = tpu.memref_slice %arg7[%add3A_107, %dma_start3A_113] : memref<40x125xi32, #tpu.memory_space<vmem>> -> memref<1x125xi32, #tpu.memory_space<vmem>>
        %dma_start3A_115 = tpu.memref_squeeze %dma_start3A_114 : memref<1x125xi32, #tpu.memory_space<vmem>> -> memref<125xi32, #tpu.memory_space<vmem>>
        %dma_start3A_116 = arith.constant 0 : i32
        %dma_start3A_117 = arith.constant 0 : i32
        %dma_start3A_118 = tpu.memref_slice %arg2[%dma_start3A_116, %dma_start3A_117] : memref<10000x128xf32, #tpu.memory_space<hbm>> -> memref<10000x128xf32, #tpu.memory_space<hbm>>
        tpu.enqueue_indirect_dma source(%dma_start3A_118 : memref<10000x128xf32, #tpu.memory_space<hbm>>) target(%dma_start3A_112 : memref<125x128xf32, #tpu.memory_space<vmem>>) offsets(%dma_start3A_115 : memref<125xi32, #tpu.memory_space<vmem>>) semaphore(%arg11 : memref<!tpu.dma_semaphore, #tpu.memory_space<semaphore_mem>>)
      } else {
      }
      %add3A_83 = arith.constant 1 : i32
      %add3A_84 = arith.addi %mul3A_67, %add3A_83 : i32
      %dma_wait3A_85 = arith.constant 1 : i32
      %dma_wait3A_86 = arith.constant 0 : i32
      %dma_wait3A_87 = arith.constant 0 : i32
      %dma_wait3A_88 = tpu.memref_slice %arg9[%dma_wait3A_85, %dma_wait3A_86, %dma_wait3A_87] : memref<2x125x128xf32, #tpu.memory_space<vmem>> -> memref<1x125x128xf32, #tpu.memory_space<vmem>>
      %dma_wait3A_89 = tpu.memref_squeeze %dma_wait3A_88 : memref<1x125x128xf32, #tpu.memory_space<vmem>> -> memref<125x128xf32, #tpu.memory_space<vmem>>
      %dma_wait3A_90 = arith.constant 0 : i32
      %dma_wait3A_91 = tpu.memref_slice %arg7[%add3A_84, %dma_wait3A_90] : memref<40x125xi32, #tpu.memory_space<vmem>> -> memref<1x125xi32, #tpu.memory_space<vmem>>
      %dma_wait3A_92 = tpu.memref_squeeze %dma_wait3A_91 : memref<1x125xi32, #tpu.memory_space<vmem>> -> memref<125xi32, #tpu.memory_space<vmem>>
      %dma_wait3A_93 = arith.constant 0 : i32
      %dma_wait3A_94 = arith.constant 0 : i32
      %dma_wait3A_95 = tpu.memref_slice %arg2[%dma_wait3A_93, %dma_wait3A_94] : memref<10000x128xf32, #tpu.memory_space<hbm>> -> memref<10000x128xf32, #tpu.memory_space<hbm>>
      tpu.wait_indirect_dma semaphore(%arg12 : memref<!tpu.dma_semaphore, #tpu.memory_space<semaphore_mem>>) src(%dma_wait3A_95 : memref<10000x128xf32, #tpu.memory_space<hbm>>) dst(%dma_wait3A_89 : memref<125x128xf32, #tpu.memory_space<vmem>>)
      %add3A_96 = arith.constant 1 : i32
      %add3A_97 = arith.addi %mul3A_67, %add3A_96 : i32
      %run_scoped3A_98 = arith.constant 1 : i32
      "tpu.region"() ({
        %run_scoped3A_106 = tpu.sem_alloc : memref<!tpu.dma_semaphore, #tpu.memory_space<semaphore_mem>>
        %dma_start3A_107 = arith.constant 0 : i32
        %dma_start3A_108 = arith.constant 0 : i32
        %dma_start3A_109 = tpu.memref_slice %arg9[%run_scoped3A_98, %dma_start3A_107, %dma_start3A_108] : memref<2x125x128xf32, #tpu.memory_space<vmem>> -> memref<1x125x128xf32, #tpu.memory_space<vmem>>
        %dma_start3A_110 = tpu.memref_squeeze %dma_start3A_109 : memref<1x125x128xf32, #tpu.memory_space<vmem>> -> memref<125x128xf32, #tpu.memory_space<vmem>>
        %dma_start3A_111 = arith.constant 0 : i32
        %dma_start3A_112 = tpu.memref_slice %arg8[%add3A_97, %dma_start3A_111] : memref<40x125xi32, #tpu.memory_space<vmem>> -> memref<1x125xi32, #tpu.memory_space<vmem>>
        %dma_start3A_113 = tpu.memref_squeeze %dma_start3A_112 : memref<1x125xi32, #tpu.memory_space<vmem>> -> memref<125xi32, #tpu.memory_space<vmem>>
        %dma_start3A_114 = arith.constant 0 : i32
        %dma_start3A_115 = arith.constant 0 : i32
        %dma_start3A_116 = tpu.memref_slice %arg10[%dma_start3A_114, %dma_start3A_115] : memref<10240x128xf32, #tpu.memory_space<vmem_shared>> -> memref<10240x128xf32, #tpu.memory_space<vmem_shared>>
        tpu.enqueue_indirect_dma source(%dma_start3A_110 : memref<125x128xf32, #tpu.memory_space<vmem>>) target(%dma_start3A_116 : memref<10240x128xf32, #tpu.memory_space<vmem_shared>>) offsets(%dma_start3A_113 : memref<125xi32, #tpu.memory_space<vmem>>) semaphore(%run_scoped3A_106 : memref<!tpu.dma_semaphore, #tpu.memory_space<semaphore_mem>>) {add = true}
        %dma_wait3A_117 = arith.constant 0 : i32
        %dma_wait3A_118 = arith.constant 0 : i32
        %dma_wait3A_119 = tpu.memref_slice %arg9[%run_scoped3A_98, %dma_wait3A_117, %dma_wait3A_118] : memref<2x125x128xf32, #tpu.memory_space<vmem>> -> memref<1x125x128xf32, #tpu.memory_space<vmem>>
        %dma_wait3A_120 = tpu.memref_squeeze %dma_wait3A_119 : memref<1x125x128xf32, #tpu.memory_space<vmem>> -> memref<125x128xf32, #tpu.memory_space<vmem>>
        %dma_wait3A_121 = arith.constant 0 : i32
        %dma_wait3A_122 = tpu.memref_slice %arg8[%add3A_97, %dma_wait3A_121] : memref<40x125xi32, #tpu.memory_space<vmem>> -> memref<1x125xi32, #tpu.memory_space<vmem>>
        %dma_wait3A_123 = tpu.memref_squeeze %dma_wait3A_122 : memref<1x125xi32, #tpu.memory_space<vmem>> -> memref<125xi32, #tpu.memory_space<vmem>>
        %dma_wait3A_124 = arith.constant 0 : i32
        %dma_wait3A_125 = arith.constant 0 : i32
        %dma_wait3A_126 = tpu.memref_slice %arg10[%dma_wait3A_124, %dma_wait3A_125] : memref<10240x128xf32, #tpu.memory_space<vmem_shared>> -> memref<10240x128xf32, #tpu.memory_space<vmem_shared>>
        tpu.wait_indirect_dma semaphore(%run_scoped3A_106 : memref<!tpu.dma_semaphore, #tpu.memory_space<semaphore_mem>>) src(%dma_wait3A_120 : memref<125x128xf32, #tpu.memory_space<vmem>>) dst(%dma_wait3A_126 : memref<10240x128xf32, #tpu.memory_space<vmem_shared>>)
        tpu.yield
      }) : () -> ()
      %add3A_99 = arith.constant 3 : i32
      %add3A_100 = arith.addi %mul3A_67, %add3A_99 : i32
      %lt3A_101 = arith.constant 40 : i32
      %lt3A_102 = arith.cmpi slt, %add3A_100, %lt3A_101 : i32
      %convert_element_type3A_103 = arith.extui %lt3A_102 : i1 to i32
      %cond3A_104 = arith.constant 0 : i32
      %cond3A_105 = arith.cmpi ne, %convert_element_type3A_103, %cond3A_104 : i32
      scf.if %cond3A_105 {
        %add3A_106 = arith.constant 3 : i32
        %add3A_107 = arith.addi %mul3A_67, %add3A_106 : i32
        %dma_start3A_108 = arith.constant 1 : i32
        %dma_start3A_109 = arith.constant 0 : i32
        %dma_start3A_110 = arith.constant 0 : i32
        %dma_start3A_111 = tpu.memref_slice %arg9[%dma_start3A_108, %dma_start3A_109, %dma_start3A_110] : memref<2x125x128xf32, #tpu.memory_space<vmem>> -> memref<1x125x128xf32, #tpu.memory_space<vmem>>
        %dma_start3A_112 = tpu.memref_squeeze %dma_start3A_111 : memref<1x125x128xf32, #tpu.memory_space<vmem>> -> memref<125x128xf32, #tpu.memory_space<vmem>>
        %dma_start3A_113 = arith.constant 0 : i32
        %dma_start3A_114 = tpu.memref_slice %arg7[%add3A_107, %dma_start3A_113] : memref<40x125xi32, #tpu.memory_space<vmem>> -> memref<1x125xi32, #tpu.memory_space<vmem>>
        %dma_start3A_115 = tpu.memref_squeeze %dma_start3A_114 : memref<1x125xi32, #tpu.memory_space<vmem>> -> memref<125xi32, #tpu.memory_space<vmem>>
        %dma_start3A_116 = arith.constant 0 : i32
        %dma_start3A_117 = arith.constant 0 : i32
        %dma_start3A_118 = tpu.memref_slice %arg2[%dma_start3A_116, %dma_start3A_117] : memref<10000x128xf32, #tpu.memory_space<hbm>> -> memref<10000x128xf32, #tpu.memory_space<hbm>>
        tpu.enqueue_indirect_dma source(%dma_start3A_118 : memref<10000x128xf32, #tpu.memory_space<hbm>>) target(%dma_start3A_112 : memref<125x128xf32, #tpu.memory_space<vmem>>) offsets(%dma_start3A_115 : memref<125xi32, #tpu.memory_space<vmem>>) semaphore(%arg12 : memref<!tpu.dma_semaphore, #tpu.memory_space<semaphore_mem>>)
      } else {
      }
    }
    %scan3A_63 = arith.constant 20 : i32
    %barrier3A_64 = arith.constant 0 : index
    tpu.barrier barrier_id(%barrier3A_64)
    "tpu.region"() ({
      %run_scoped3A_65 = tpu.sem_alloc : memref<!tpu.dma_semaphore, #tpu.memory_space<semaphore_mem>>
      %dma_start3A_66 = arith.constant 0 : i32
      %dma_start3A_67 = tpu.memref_slice %arg6[%arg0, %multiple_of3A, %dma_start3A_66] : memref<2x10240x128xf32, #tpu.memory_space<hbm>> -> memref<1x640x128xf32, #tpu.memory_space<hbm>>
      %dma_start3A_68 = tpu.memref_squeeze %dma_start3A_67 : memref<1x640x128xf32, #tpu.memory_space<hbm>> -> memref<640x128xf32, #tpu.memory_space<hbm>>
      %dma_start3A_69 = arith.constant 0 : i32
      %dma_start3A_70 = tpu.memref_slice %arg10[%multiple_of3A, %dma_start3A_69] : memref<10240x128xf32, #tpu.memory_space<vmem_shared>> -> memref<640x128xf32, #tpu.memory_space<vmem_shared>>
      tpu.enqueue_dma source(%dma_start3A_70 : memref<640x128xf32, #tpu.memory_space<vmem_shared>>) target(%dma_start3A_68 : memref<640x128xf32, #tpu.memory_space<hbm>>) target_semaphore(%run_scoped3A_65 : memref<!tpu.dma_semaphore, #tpu.memory_space<semaphore_mem>>)
      %dma_wait3A = arith.constant 0 : i32
      %dma_wait3A_71 = tpu.memref_slice %arg6[%arg0, %multiple_of3A, %dma_wait3A] : memref<2x10240x128xf32, #tpu.memory_space<hbm>> -> memref<1x640x128xf32, #tpu.memory_space<hbm>>
      %dma_wait3A_72 = tpu.memref_squeeze %dma_wait3A_71 : memref<1x640x128xf32, #tpu.memory_space<hbm>> -> memref<640x128xf32, #tpu.memory_space<hbm>>
      %dma_wait3A_73 = arith.constant 0 : i32
      %dma_wait3A_74 = tpu.memref_slice %arg10[%multiple_of3A, %dma_wait3A_73] : memref<10240x128xf32, #tpu.memory_space<vmem_shared>> -> memref<640x128xf32, #tpu.memory_space<vmem_shared>>
      tpu.wait_dma2 semaphore(%run_scoped3A_65 : memref<!tpu.dma_semaphore, #tpu.memory_space<semaphore_mem>>) src(%dma_wait3A_74 : memref<640x128xf32, #tpu.memory_space<vmem_shared>>) dst(%dma_wait3A_72 : memref<640x128xf32, #tpu.memory_space<hbm>>)
      tpu.yield
    }) : () -> ()
    return
  }
}

#map = affine_map<(d0, d1) -> (0, 0)>
#map1 = affine_map<(d0, d1) -> (0, 0, 0, 0)>
#map2 = affine_map<(d0, d1) -> (0, 0, 0)>
module attributes {stable_mosaic.version = 14 : i64} {
  func.func @edge_kernel(%arg0: i32, %arg1: i32, %arg2: memref<10000x128xf32, #tpu.memory_space<hbm>>, %arg3: memref<32x2x40x125xi32, #tpu.memory_space<hbm>>, %arg4: memref<32x2x40x125xi32, #tpu.memory_space<hbm>>, %arg5: memref<10240x128xf32, #tpu.memory_space<hbm>>, %arg6: memref<2x10240x128xf32, #tpu.memory_space<hbm>>, %arg7: memref<40x125xi32, #tpu.memory_space<vmem>>, %arg8: memref<40x125xi32, #tpu.memory_space<vmem>>, %arg9: memref<2x125x128xf32, #tpu.memory_space<vmem>>, %arg10: memref<10240x128xf32, #tpu.memory_space<vmem_shared>>, %arg11: memref<!tpu.dma_semaphore, #tpu.memory_space<semaphore_mem>>, %arg12: memref<!tpu.dma_semaphore, #tpu.memory_space<semaphore_mem>>) attributes {dimension_semantics = [#tpu.dimension_semantics<core_parallel>, #tpu.dimension_semantics<subcore_parallel>], iteration_bounds = array<i64: 2, 16>, scalar_prefetch = 0 : i64, scratch_operands = 6 : i64, tpu.core_type = #tpu.core_type<sc_vector_subcore>, window_params = [{transform_indices = #map}, {transform_indices = #map1}, {transform_indices = #map1}, {transform_indices = #map}, {transform_indices = #map2}]} {
    %mul3A = arith.constant 16 : i32
    %mul3A_0 = arith.muli %arg0, %mul3A : i32
    %add3A = arith.addi %mul3A_0, %arg1 : i32
    %mul3A_1 = arith.constant 640 : i32
    %mul3A_2 = arith.muli %arg1, %mul3A_1 : i32
    %multiple_of3A = tpu.assume_multiple %mul3A_2, 8 : i32
    "tpu.region"() ({
      %run_scoped3A_65 = tpu.sem_alloc : memref<!tpu.dma_semaphore, #tpu.memory_space<semaphore_mem>>
      %dma_start3A_66 = arith.constant 0 : i32
      %dma_start3A_67 = tpu.memref_slice %arg10[%multiple_of3A, %dma_start3A_66] : memref<10240x128xf32, #tpu.memory_space<vmem_shared>> -> memref<640x128xf32, #tpu.memory_space<vmem_shared>>
      %dma_start3A_68 = arith.constant 0 : i32
      %dma_start3A_69 = tpu.memref_slice %arg5[%multiple_of3A, %dma_start3A_68] : memref<10240x128xf32, #tpu.memory_space<hbm>> -> memref<640x128xf32, #tpu.memory_space<hbm>>
      tpu.enqueue_dma source(%dma_start3A_69 : memref<640x128xf32, #tpu.memory_space<hbm>>) target(%dma_start3A_67 : memref<640x128xf32, #tpu.memory_space<vmem_shared>>) target_semaphore(%run_scoped3A_65 : memref<!tpu.dma_semaphore, #tpu.memory_space<semaphore_mem>>)
      %dma_wait3A = arith.constant 0 : i32
      %dma_wait3A_70 = tpu.memref_slice %arg10[%multiple_of3A, %dma_wait3A] : memref<10240x128xf32, #tpu.memory_space<vmem_shared>> -> memref<640x128xf32, #tpu.memory_space<vmem_shared>>
      %dma_wait3A_71 = arith.constant 0 : i32
      %dma_wait3A_72 = tpu.memref_slice %arg5[%multiple_of3A, %dma_wait3A_71] : memref<10240x128xf32, #tpu.memory_space<hbm>> -> memref<640x128xf32, #tpu.memory_space<hbm>>
      tpu.wait_dma2 semaphore(%run_scoped3A_65 : memref<!tpu.dma_semaphore, #tpu.memory_space<semaphore_mem>>) src(%dma_wait3A_72 : memref<640x128xf32, #tpu.memory_space<hbm>>) dst(%dma_wait3A_70 : memref<640x128xf32, #tpu.memory_space<vmem_shared>>)
      tpu.yield
    }) : () -> ()
    %barrier3A = arith.constant 0 : index
    tpu.barrier barrier_id(%barrier3A)
    %run_scoped3A = arith.constant 0 : i32
    "tpu.region"() ({
      %run_scoped3A_65 = tpu.sem_alloc : memref<!tpu.dma_semaphore, #tpu.memory_space<semaphore_mem>>
      %dma_start3A_66 = arith.constant 0 : i32
      %dma_start3A_67 = arith.constant 0 : i32
      %dma_start3A_68 = tpu.memref_slice %arg3[%add3A, %run_scoped3A, %dma_start3A_66, %dma_start3A_67] : memref<32x2x40x125xi32, #tpu.memory_space<hbm>> -> memref<1x1x40x125xi32, #tpu.memory_space<hbm>>
      %dma_start3A_69 = tpu.memref_squeeze %dma_start3A_68 : memref<1x1x40x125xi32, #tpu.memory_space<hbm>> -> memref<40x125xi32, #tpu.memory_space<hbm>>
      %dma_start3A_70 = arith.constant 0 : i32
      %dma_start3A_71 = arith.constant 0 : i32
      %dma_start3A_72 = tpu.memref_slice %arg3[%add3A, %run_scoped3A, %dma_start3A_70, %dma_start3A_71] : memref<32x2x40x125xi32, #tpu.memory_space<hbm>> -> memref<1x1x40x125xi32, #tpu.memory_space<hbm>>
      %dma_start3A_73 = tpu.memref_squeeze %dma_start3A_72 : memref<1x1x40x125xi32, #tpu.memory_space<hbm>> -> memref<40x125xi32, #tpu.memory_space<hbm>>
      tpu.enqueue_dma source(%dma_start3A_73 : memref<40x125xi32, #tpu.memory_space<hbm>>) target(%arg7 : memref<40x125xi32, #tpu.memory_space<vmem>>) target_semaphore(%run_scoped3A_65 : memref<!tpu.dma_semaphore, #tpu.memory_space<semaphore_mem>>)
      %dma_wait3A = arith.constant 0 : i32
      %dma_wait3A_74 = arith.constant 0 : i32
      %dma_wait3A_75 = tpu.memref_slice %arg3[%add3A, %run_scoped3A, %dma_wait3A, %dma_wait3A_74] : memref<32x2x40x125xi32, #tpu.memory_space<hbm>> -> memref<1x1x40x125xi32, #tpu.memory_space<hbm>>
      %dma_wait3A_76 = tpu.memref_squeeze %dma_wait3A_75 : memref<1x1x40x125xi32, #tpu.memory_space<hbm>> -> memref<40x125xi32, #tpu.memory_space<hbm>>
      %dma_wait3A_77 = arith.constant 0 : i32
      %dma_wait3A_78 = arith.constant 0 : i32
      %dma_wait3A_79 = tpu.memref_slice %arg3[%add3A, %run_scoped3A, %dma_wait3A_77, %dma_wait3A_78] : memref<32x2x40x125xi32, #tpu.memory_space<hbm>> -> memref<1x1x40x125xi32, #tpu.memory_space<hbm>>
      %dma_wait3A_80 = tpu.memref_squeeze %dma_wait3A_79 : memref<1x1x40x125xi32, #tpu.memory_space<hbm>> -> memref<40x125xi32, #tpu.memory_space<hbm>>
      tpu.wait_dma2 semaphore(%run_scoped3A_65 : memref<!tpu.dma_semaphore, #tpu.memory_space<semaphore_mem>>) src(%dma_wait3A_80 : memref<40x125xi32, #tpu.memory_space<hbm>>) dst(%arg7 : memref<40x125xi32, #tpu.memory_space<vmem>>)
      tpu.yield
    }) : () -> ()
    %run_scoped3A_3 = arith.constant 0 : i32
    "tpu.region"() ({
      %run_scoped3A_65 = tpu.sem_alloc : memref<!tpu.dma_semaphore, #tpu.memory_space<semaphore_mem>>
      %dma_start3A_66 = arith.constant 0 : i32
      %dma_start3A_67 = arith.constant 0 : i32
      %dma_start3A_68 = tpu.memref_slice %arg4[%add3A, %run_scoped3A_3, %dma_start3A_66, %dma_start3A_67] : memref<32x2x40x125xi32, #tpu.memory_space<hbm>> -> memref<1x1x40x125xi32, #tpu.memory_space<hbm>>
      %dma_start3A_69 = tpu.memref_squeeze %dma_start3A_68 : memref<1x1x40x125xi32, #tpu.memory_space<hbm>> -> memref<40x125xi32, #tpu.memory_space<hbm>>
      %dma_start3A_70 = arith.constant 0 : i32
      %dma_start3A_71 = arith.constant 0 : i32
      %dma_start3A_72 = tpu.memref_slice %arg4[%add3A, %run_scoped3A_3, %dma_start3A_70, %dma_start3A_71] : memref<32x2x40x125xi32, #tpu.memory_space<hbm>> -> memref<1x1x40x125xi32, #tpu.memory_space<hbm>>
      %dma_start3A_73 = tpu.memref_squeeze %dma_start3A_72 : memref<1x1x40x125xi32, #tpu.memory_space<hbm>> -> memref<40x125xi32, #tpu.memory_space<hbm>>
      tpu.enqueue_dma source(%dma_start3A_73 : memref<40x125xi32, #tpu.memory_space<hbm>>) target(%arg8 : memref<40x125xi32, #tpu.memory_space<vmem>>) target_semaphore(%run_scoped3A_65 : memref<!tpu.dma_semaphore, #tpu.memory_space<semaphore_mem>>)
      %dma_wait3A = arith.constant 0 : i32
      %dma_wait3A_74 = arith.constant 0 : i32
      %dma_wait3A_75 = tpu.memref_slice %arg4[%add3A, %run_scoped3A_3, %dma_wait3A, %dma_wait3A_74] : memref<32x2x40x125xi32, #tpu.memory_space<hbm>> -> memref<1x1x40x125xi32, #tpu.memory_space<hbm>>
      %dma_wait3A_76 = tpu.memref_squeeze %dma_wait3A_75 : memref<1x1x40x125xi32, #tpu.memory_space<hbm>> -> memref<40x125xi32, #tpu.memory_space<hbm>>
      %dma_wait3A_77 = arith.constant 0 : i32
      %dma_wait3A_78 = arith.constant 0 : i32
      %dma_wait3A_79 = tpu.memref_slice %arg4[%add3A, %run_scoped3A_3, %dma_wait3A_77, %dma_wait3A_78] : memref<32x2x40x125xi32, #tpu.memory_space<hbm>> -> memref<1x1x40x125xi32, #tpu.memory_space<hbm>>
      %dma_wait3A_80 = tpu.memref_squeeze %dma_wait3A_79 : memref<1x1x40x125xi32, #tpu.memory_space<hbm>> -> memref<40x125xi32, #tpu.memory_space<hbm>>
      tpu.wait_dma2 semaphore(%run_scoped3A_65 : memref<!tpu.dma_semaphore, #tpu.memory_space<semaphore_mem>>) src(%dma_wait3A_80 : memref<40x125xi32, #tpu.memory_space<hbm>>) dst(%arg8 : memref<40x125xi32, #tpu.memory_space<vmem>>)
      tpu.yield
    }) : () -> ()
    %dma_start3A = arith.constant 0 : i32
    %dma_start3A_4 = arith.constant 0 : i32
    %dma_start3A_5 = arith.constant 0 : i32
    %dma_start3A_6 = arith.constant 0 : i32
    %dma_start3A_7 = tpu.memref_slice %arg9[%dma_start3A_4, %dma_start3A_5, %dma_start3A_6] : memref<2x125x128xf32, #tpu.memory_space<vmem>> -> memref<1x125x128xf32, #tpu.memory_space<vmem>>
    %dma_start3A_8 = tpu.memref_squeeze %dma_start3A_7 : memref<1x125x128xf32, #tpu.memory_space<vmem>> -> memref<125x128xf32, #tpu.memory_space<vmem>>
    %dma_start3A_9 = arith.constant 0 : i32
    %dma_start3A_10 = tpu.memref_slice %arg7[%dma_start3A, %dma_start3A_9] : memref<40x125xi32, #tpu.memory_space<vmem>> -> memref<1x125xi32, #tpu.memory_space<vmem>>
    %dma_start3A_11 = tpu.memref_squeeze %dma_start3A_10 : memref<1x125xi32, #tpu.memory_space<vmem>> -> memref<125xi32, #tpu.memory_space<vmem>>
    %dma_start3A_12 = arith.constant 0 : i32
    %dma_start3A_13 = arith.constant 0 : i32
    %dma_start3A_14 = tpu.memref_slice %arg2[%dma_start3A_12, %dma_start3A_13] : memref<10000x128xf32, #tpu.memory_space<hbm>> -> memref<10000x128xf32, #tpu.memory_space<hbm>>
    tpu.enqueue_indirect_dma source(%dma_start3A_14 : memref<10000x128xf32, #tpu.memory_space<hbm>>) target(%dma_start3A_8 : memref<125x128xf32, #tpu.memory_space<vmem>>) offsets(%dma_start3A_11 : memref<125xi32, #tpu.memory_space<vmem>>) semaphore(%arg11 : memref<!tpu.dma_semaphore, #tpu.memory_space<semaphore_mem>>)
    %dma_start3A_15 = arith.constant 1 : i32
    %dma_start3A_16 = arith.constant 1 : i32
    %dma_start3A_17 = arith.constant 0 : i32
    %dma_start3A_18 = arith.constant 0 : i32
    %dma_start3A_19 = tpu.memref_slice %arg9[%dma_start3A_16, %dma_start3A_17, %dma_start3A_18] : memref<2x125x128xf32, #tpu.memory_space<vmem>> -> memref<1x125x128xf32, #tpu.memory_space<vmem>>
    %dma_start3A_20 = tpu.memref_squeeze %dma_start3A_19 : memref<1x125x128xf32, #tpu.memory_space<vmem>> -> memref<125x128xf32, #tpu.memory_space<vmem>>
    %dma_start3A_21 = arith.constant 0 : i32
    %dma_start3A_22 = tpu.memref_slice %arg7[%dma_start3A_15, %dma_start3A_21] : memref<40x125xi32, #tpu.memory_space<vmem>> -> memref<1x125xi32, #tpu.memory_space<vmem>>
    %dma_start3A_23 = tpu.memref_squeeze %dma_start3A_22 : memref<1x125xi32, #tpu.memory_space<vmem>> -> memref<125xi32, #tpu.memory_space<vmem>>
    %dma_start3A_24 = arith.constant 0 : i32
    %dma_start3A_25 = arith.constant 0 : i32
    %dma_start3A_26 = tpu.memref_slice %arg2[%dma_start3A_24, %dma_start3A_25] : memref<10000x128xf32, #tpu.memory_space<hbm>> -> memref<10000x128xf32, #tpu.memory_space<hbm>>
    tpu.enqueue_indirect_dma source(%dma_start3A_26 : memref<10000x128xf32, #tpu.memory_space<hbm>>) target(%dma_start3A_20 : memref<125x128xf32, #tpu.memory_space<vmem>>) offsets(%dma_start3A_23 : memref<125xi32, #tpu.memory_space<vmem>>) semaphore(%arg12 : memref<!tpu.dma_semaphore, #tpu.memory_space<semaphore_mem>>)
    %scan3A = arith.constant 0 : i32
    %scan3A_27 = arith.constant 0 : i32
    %scan3A_28 = arith.constant 20 : i32
    %scan3A_29 = arith.addi %scan3A_27, %scan3A_28 : i32
    %scan3A_30 = arith.constant 1 : i32
    scf.for %scan3A_65 = %scan3A_27 to %scan3A_29 step %scan3A_30  : i32 {
      %mul3A_66 = arith.constant 2 : i32
      %mul3A_67 = arith.muli %mul3A_66, %scan3A_65 : i32
      %dma_wait3A = arith.constant 0 : i32
      %dma_wait3A_68 = arith.constant 0 : i32
      %dma_wait3A_69 = arith.constant 0 : i32
      %dma_wait3A_70 = tpu.memref_slice %arg9[%dma_wait3A, %dma_wait3A_68, %dma_wait3A_69] : memref<2x125x128xf32, #tpu.memory_space<vmem>> -> memref<1x125x128xf32, #tpu.memory_space<vmem>>
      %dma_wait3A_71 = tpu.memref_squeeze %dma_wait3A_70 : memref<1x125x128xf32, #tpu.memory_space<vmem>> -> memref<125x128xf32, #tpu.memory_space<vmem>>
      %dma_wait3A_72 = arith.constant 0 : i32
      %dma_wait3A_73 = tpu.memref_slice %arg7[%mul3A_67, %dma_wait3A_72] : memref<40x125xi32, #tpu.memory_space<vmem>> -> memref<1x125xi32, #tpu.memory_space<vmem>>
      %dma_wait3A_74 = tpu.memref_squeeze %dma_wait3A_73 : memref<1x125xi32, #tpu.memory_space<vmem>> -> memref<125xi32, #tpu.memory_space<vmem>>
      %dma_wait3A_75 = arith.constant 0 : i32
      %dma_wait3A_76 = arith.constant 0 : i32
      %dma_wait3A_77 = tpu.memref_slice %arg2[%dma_wait3A_75, %dma_wait3A_76] : memref<10000x128xf32, #tpu.memory_space<hbm>> -> memref<10000x128xf32, #tpu.memory_space<hbm>>
      tpu.wait_indirect_dma semaphore(%arg11 : memref<!tpu.dma_semaphore, #tpu.memory_space<semaphore_mem>>) src(%dma_wait3A_77 : memref<10000x128xf32, #tpu.memory_space<hbm>>) dst(%dma_wait3A_71 : memref<125x128xf32, #tpu.memory_space<vmem>>)
      %run_scoped3A_78 = arith.constant 0 : i32
      "tpu.region"() ({
        %run_scoped3A_106 = tpu.sem_alloc : memref<!tpu.dma_semaphore, #tpu.memory_space<semaphore_mem>>
        %dma_start3A_107 = arith.constant 0 : i32
        %dma_start3A_108 = arith.constant 0 : i32
        %dma_start3A_109 = tpu.memref_slice %arg9[%run_scoped3A_78, %dma_start3A_107, %dma_start3A_108] : memref<2x125x128xf32, #tpu.memory_space<vmem>> -> memref<1x125x128xf32, #tpu.memory_space<vmem>>
        %dma_start3A_110 = tpu.memref_squeeze %dma_start3A_109 : memref<1x125x128xf32, #tpu.memory_space<vmem>> -> memref<125x128xf32, #tpu.memory_space<vmem>>
        %dma_start3A_111 = arith.constant 0 : i32
        %dma_start3A_112 = tpu.memref_slice %arg8[%mul3A_67, %dma_start3A_111] : memref<40x125xi32, #tpu.memory_space<vmem>> -> memref<1x125xi32, #tpu.memory_space<vmem>>
        %dma_start3A_113 = tpu.memref_squeeze %dma_start3A_112 : memref<1x125xi32, #tpu.memory_space<vmem>> -> memref<125xi32, #tpu.memory_space<vmem>>
        %dma_start3A_114 = arith.constant 0 : i32
        %dma_start3A_115 = arith.constant 0 : i32
        %dma_start3A_116 = tpu.memref_slice %arg10[%dma_start3A_114, %dma_start3A_115] : memref<10240x128xf32, #tpu.memory_space<vmem_shared>> -> memref<10240x128xf32, #tpu.memory_space<vmem_shared>>
        tpu.enqueue_indirect_dma source(%dma_start3A_110 : memref<125x128xf32, #tpu.memory_space<vmem>>) target(%dma_start3A_116 : memref<10240x128xf32, #tpu.memory_space<vmem_shared>>) offsets(%dma_start3A_113 : memref<125xi32, #tpu.memory_space<vmem>>) semaphore(%run_scoped3A_106 : memref<!tpu.dma_semaphore, #tpu.memory_space<semaphore_mem>>) {add = true}
        %dma_wait3A_117 = arith.constant 0 : i32
        %dma_wait3A_118 = arith.constant 0 : i32
        %dma_wait3A_119 = tpu.memref_slice %arg9[%run_scoped3A_78, %dma_wait3A_117, %dma_wait3A_118] : memref<2x125x128xf32, #tpu.memory_space<vmem>> -> memref<1x125x128xf32, #tpu.memory_space<vmem>>
        %dma_wait3A_120 = tpu.memref_squeeze %dma_wait3A_119 : memref<1x125x128xf32, #tpu.memory_space<vmem>> -> memref<125x128xf32, #tpu.memory_space<vmem>>
        %dma_wait3A_121 = arith.constant 0 : i32
        %dma_wait3A_122 = tpu.memref_slice %arg8[%mul3A_67, %dma_wait3A_121] : memref<40x125xi32, #tpu.memory_space<vmem>> -> memref<1x125xi32, #tpu.memory_space<vmem>>
        %dma_wait3A_123 = tpu.memref_squeeze %dma_wait3A_122 : memref<1x125xi32, #tpu.memory_space<vmem>> -> memref<125xi32, #tpu.memory_space<vmem>>
        %dma_wait3A_124 = arith.constant 0 : i32
        %dma_wait3A_125 = arith.constant 0 : i32
        %dma_wait3A_126 = tpu.memref_slice %arg10[%dma_wait3A_124, %dma_wait3A_125] : memref<10240x128xf32, #tpu.memory_space<vmem_shared>> -> memref<10240x128xf32, #tpu.memory_space<vmem_shared>>
        tpu.wait_indirect_dma semaphore(%run_scoped3A_106 : memref<!tpu.dma_semaphore, #tpu.memory_space<semaphore_mem>>) src(%dma_wait3A_120 : memref<125x128xf32, #tpu.memory_space<vmem>>) dst(%dma_wait3A_126 : memref<10240x128xf32, #tpu.memory_space<vmem_shared>>)
        tpu.yield
      }) : () -> ()
      %add3A_79 = arith.constant 2 : i32
      %add3A_80 = arith.addi %mul3A_67, %add3A_79 : i32
      %lt3A = arith.constant 40 : i32
      %lt3A_81 = arith.cmpi slt, %add3A_80, %lt3A : i32
      %convert_element_type3A = arith.extui %lt3A_81 : i1 to i32
      %cond3A = arith.constant 0 : i32
      %cond3A_82 = arith.cmpi ne, %convert_element_type3A, %cond3A : i32
      scf.if %cond3A_82 {
        %add3A_106 = arith.constant 2 : i32
        %add3A_107 = arith.addi %mul3A_67, %add3A_106 : i32
        %dma_start3A_108 = arith.constant 0 : i32
        %dma_start3A_109 = arith.constant 0 : i32
        %dma_start3A_110 = arith.constant 0 : i32
        %dma_start3A_111 = tpu.memref_slice %arg9[%dma_start3A_108, %dma_start3A_109, %dma_start3A_110] : memref<2x125x128xf32, #tpu.memory_space<vmem>> -> memref<1x125x128xf32, #tpu.memory_space<vmem>>
        %dma_start3A_112 = tpu.memref_squeeze %dma_start3A_111 : memref<1x125x128xf32, #tpu.memory_space<vmem>> -> memref<125x128xf32, #tpu.memory_space<vmem>>
        %dma_start3A_113 = arith.constant 0 : i32
        %dma_start3A_114 = tpu.memref_slice %arg7[%add3A_107, %dma_start3A_113] : memref<40x125xi32, #tpu.memory_space<vmem>> -> memref<1x125xi32, #tpu.memory_space<vmem>>
        %dma_start3A_115 = tpu.memref_squeeze %dma_start3A_114 : memref<1x125xi32, #tpu.memory_space<vmem>> -> memref<125xi32, #tpu.memory_space<vmem>>
        %dma_start3A_116 = arith.constant 0 : i32
        %dma_start3A_117 = arith.constant 0 : i32
        %dma_start3A_118 = tpu.memref_slice %arg2[%dma_start3A_116, %dma_start3A_117] : memref<10000x128xf32, #tpu.memory_space<hbm>> -> memref<10000x128xf32, #tpu.memory_space<hbm>>
        tpu.enqueue_indirect_dma source(%dma_start3A_118 : memref<10000x128xf32, #tpu.memory_space<hbm>>) target(%dma_start3A_112 : memref<125x128xf32, #tpu.memory_space<vmem>>) offsets(%dma_start3A_115 : memref<125xi32, #tpu.memory_space<vmem>>) semaphore(%arg11 : memref<!tpu.dma_semaphore, #tpu.memory_space<semaphore_mem>>)
      } else {
      }
      %add3A_83 = arith.constant 1 : i32
      %add3A_84 = arith.addi %mul3A_67, %add3A_83 : i32
      %dma_wait3A_85 = arith.constant 1 : i32
      %dma_wait3A_86 = arith.constant 0 : i32
      %dma_wait3A_87 = arith.constant 0 : i32
      %dma_wait3A_88 = tpu.memref_slice %arg9[%dma_wait3A_85, %dma_wait3A_86, %dma_wait3A_87] : memref<2x125x128xf32, #tpu.memory_space<vmem>> -> memref<1x125x128xf32, #tpu.memory_space<vmem>>
      %dma_wait3A_89 = tpu.memref_squeeze %dma_wait3A_88 : memref<1x125x128xf32, #tpu.memory_space<vmem>> -> memref<125x128xf32, #tpu.memory_space<vmem>>
      %dma_wait3A_90 = arith.constant 0 : i32
      %dma_wait3A_91 = tpu.memref_slice %arg7[%add3A_84, %dma_wait3A_90] : memref<40x125xi32, #tpu.memory_space<vmem>> -> memref<1x125xi32, #tpu.memory_space<vmem>>
      %dma_wait3A_92 = tpu.memref_squeeze %dma_wait3A_91 : memref<1x125xi32, #tpu.memory_space<vmem>> -> memref<125xi32, #tpu.memory_space<vmem>>
      %dma_wait3A_93 = arith.constant 0 : i32
      %dma_wait3A_94 = arith.constant 0 : i32
      %dma_wait3A_95 = tpu.memref_slice %arg2[%dma_wait3A_93, %dma_wait3A_94] : memref<10000x128xf32, #tpu.memory_space<hbm>> -> memref<10000x128xf32, #tpu.memory_space<hbm>>
      tpu.wait_indirect_dma semaphore(%arg12 : memref<!tpu.dma_semaphore, #tpu.memory_space<semaphore_mem>>) src(%dma_wait3A_95 : memref<10000x128xf32, #tpu.memory_space<hbm>>) dst(%dma_wait3A_89 : memref<125x128xf32, #tpu.memory_space<vmem>>)
      %add3A_96 = arith.constant 1 : i32
      %add3A_97 = arith.addi %mul3A_67, %add3A_96 : i32
      %run_scoped3A_98 = arith.constant 1 : i32
      "tpu.region"() ({
        %run_scoped3A_106 = tpu.sem_alloc : memref<!tpu.dma_semaphore, #tpu.memory_space<semaphore_mem>>
        %dma_start3A_107 = arith.constant 0 : i32
        %dma_start3A_108 = arith.constant 0 : i32
        %dma_start3A_109 = tpu.memref_slice %arg9[%run_scoped3A_98, %dma_start3A_107, %dma_start3A_108] : memref<2x125x128xf32, #tpu.memory_space<vmem>> -> memref<1x125x128xf32, #tpu.memory_space<vmem>>
        %dma_start3A_110 = tpu.memref_squeeze %dma_start3A_109 : memref<1x125x128xf32, #tpu.memory_space<vmem>> -> memref<125x128xf32, #tpu.memory_space<vmem>>
        %dma_start3A_111 = arith.constant 0 : i32
        %dma_start3A_112 = tpu.memref_slice %arg8[%add3A_97, %dma_start3A_111] : memref<40x125xi32, #tpu.memory_space<vmem>> -> memref<1x125xi32, #tpu.memory_space<vmem>>
        %dma_start3A_113 = tpu.memref_squeeze %dma_start3A_112 : memref<1x125xi32, #tpu.memory_space<vmem>> -> memref<125xi32, #tpu.memory_space<vmem>>
        %dma_start3A_114 = arith.constant 0 : i32
        %dma_start3A_115 = arith.constant 0 : i32
        %dma_start3A_116 = tpu.memref_slice %arg10[%dma_start3A_114, %dma_start3A_115] : memref<10240x128xf32, #tpu.memory_space<vmem_shared>> -> memref<10240x128xf32, #tpu.memory_space<vmem_shared>>
        tpu.enqueue_indirect_dma source(%dma_start3A_110 : memref<125x128xf32, #tpu.memory_space<vmem>>) target(%dma_start3A_116 : memref<10240x128xf32, #tpu.memory_space<vmem_shared>>) offsets(%dma_start3A_113 : memref<125xi32, #tpu.memory_space<vmem>>) semaphore(%run_scoped3A_106 : memref<!tpu.dma_semaphore, #tpu.memory_space<semaphore_mem>>) {add = true}
        %dma_wait3A_117 = arith.constant 0 : i32
        %dma_wait3A_118 = arith.constant 0 : i32
        %dma_wait3A_119 = tpu.memref_slice %arg9[%run_scoped3A_98, %dma_wait3A_117, %dma_wait3A_118] : memref<2x125x128xf32, #tpu.memory_space<vmem>> -> memref<1x125x128xf32, #tpu.memory_space<vmem>>
        %dma_wait3A_120 = tpu.memref_squeeze %dma_wait3A_119 : memref<1x125x128xf32, #tpu.memory_space<vmem>> -> memref<125x128xf32, #tpu.memory_space<vmem>>
        %dma_wait3A_121 = arith.constant 0 : i32
        %dma_wait3A_122 = tpu.memref_slice %arg8[%add3A_97, %dma_wait3A_121] : memref<40x125xi32, #tpu.memory_space<vmem>> -> memref<1x125xi32, #tpu.memory_space<vmem>>
        %dma_wait3A_123 = tpu.memref_squeeze %dma_wait3A_122 : memref<1x125xi32, #tpu.memory_space<vmem>> -> memref<125xi32, #tpu.memory_space<vmem>>
        %dma_wait3A_124 = arith.constant 0 : i32
        %dma_wait3A_125 = arith.constant 0 : i32
        %dma_wait3A_126 = tpu.memref_slice %arg10[%dma_wait3A_124, %dma_wait3A_125] : memref<10240x128xf32, #tpu.memory_space<vmem_shared>> -> memref<10240x128xf32, #tpu.memory_space<vmem_shared>>
        tpu.wait_indirect_dma semaphore(%run_scoped3A_106 : memref<!tpu.dma_semaphore, #tpu.memory_space<semaphore_mem>>) src(%dma_wait3A_120 : memref<125x128xf32, #tpu.memory_space<vmem>>) dst(%dma_wait3A_126 : memref<10240x128xf32, #tpu.memory_space<vmem_shared>>)
        tpu.yield
      }) : () -> ()
      %add3A_99 = arith.constant 3 : i32
      %add3A_100 = arith.addi %mul3A_67, %add3A_99 : i32
      %lt3A_101 = arith.constant 40 : i32
      %lt3A_102 = arith.cmpi slt, %add3A_100, %lt3A_101 : i32
      %convert_element_type3A_103 = arith.extui %lt3A_102 : i1 to i32
      %cond3A_104 = arith.constant 0 : i32
      %cond3A_105 = arith.cmpi ne, %convert_element_type3A_103, %cond3A_104 : i32
      scf.if %cond3A_105 {
        %add3A_106 = arith.constant 3 : i32
        %add3A_107 = arith.addi %mul3A_67, %add3A_106 : i32
        %dma_start3A_108 = arith.constant 1 : i32
        %dma_start3A_109 = arith.constant 0 : i32
        %dma_start3A_110 = arith.constant 0 : i32
        %dma_start3A_111 = tpu.memref_slice %arg9[%dma_start3A_108, %dma_start3A_109, %dma_start3A_110] : memref<2x125x128xf32, #tpu.memory_space<vmem>> -> memref<1x125x128xf32, #tpu.memory_space<vmem>>
        %dma_start3A_112 = tpu.memref_squeeze %dma_start3A_111 : memref<1x125x128xf32, #tpu.memory_space<vmem>> -> memref<125x128xf32, #tpu.memory_space<vmem>>
        %dma_start3A_113 = arith.constant 0 : i32
        %dma_start3A_114 = tpu.memref_slice %arg7[%add3A_107, %dma_start3A_113] : memref<40x125xi32, #tpu.memory_space<vmem>> -> memref<1x125xi32, #tpu.memory_space<vmem>>
        %dma_start3A_115 = tpu.memref_squeeze %dma_start3A_114 : memref<1x125xi32, #tpu.memory_space<vmem>> -> memref<125xi32, #tpu.memory_space<vmem>>
        %dma_start3A_116 = arith.constant 0 : i32
        %dma_start3A_117 = arith.constant 0 : i32
        %dma_start3A_118 = tpu.memref_slice %arg2[%dma_start3A_116, %dma_start3A_117] : memref<10000x128xf32, #tpu.memory_space<hbm>> -> memref<10000x128xf32, #tpu.memory_space<hbm>>
        tpu.enqueue_indirect_dma source(%dma_start3A_118 : memref<10000x128xf32, #tpu.memory_space<hbm>>) target(%dma_start3A_112 : memref<125x128xf32, #tpu.memory_space<vmem>>) offsets(%dma_start3A_115 : memref<125xi32, #tpu.memory_space<vmem>>) semaphore(%arg12 : memref<!tpu.dma_semaphore, #tpu.memory_space<semaphore_mem>>)
      } else {
      }
    }
    %scan3A_31 = arith.constant 20 : i32
    %run_scoped3A_32 = arith.constant 1 : i32
    "tpu.region"() ({
      %run_scoped3A_65 = tpu.sem_alloc : memref<!tpu.dma_semaphore, #tpu.memory_space<semaphore_mem>>
      %dma_start3A_66 = arith.constant 0 : i32
      %dma_start3A_67 = arith.constant 0 : i32
      %dma_start3A_68 = tpu.memref_slice %arg3[%add3A, %run_scoped3A_32, %dma_start3A_66, %dma_start3A_67] : memref<32x2x40x125xi32, #tpu.memory_space<hbm>> -> memref<1x1x40x125xi32, #tpu.memory_space<hbm>>
      %dma_start3A_69 = tpu.memref_squeeze %dma_start3A_68 : memref<1x1x40x125xi32, #tpu.memory_space<hbm>> -> memref<40x125xi32, #tpu.memory_space<hbm>>
      %dma_start3A_70 = arith.constant 0 : i32
      %dma_start3A_71 = arith.constant 0 : i32
      %dma_start3A_72 = tpu.memref_slice %arg3[%add3A, %run_scoped3A_32, %dma_start3A_70, %dma_start3A_71] : memref<32x2x40x125xi32, #tpu.memory_space<hbm>> -> memref<1x1x40x125xi32, #tpu.memory_space<hbm>>
      %dma_start3A_73 = tpu.memref_squeeze %dma_start3A_72 : memref<1x1x40x125xi32, #tpu.memory_space<hbm>> -> memref<40x125xi32, #tpu.memory_space<hbm>>
      tpu.enqueue_dma source(%dma_start3A_73 : memref<40x125xi32, #tpu.memory_space<hbm>>) target(%arg7 : memref<40x125xi32, #tpu.memory_space<vmem>>) target_semaphore(%run_scoped3A_65 : memref<!tpu.dma_semaphore, #tpu.memory_space<semaphore_mem>>)
      %dma_wait3A = arith.constant 0 : i32
      %dma_wait3A_74 = arith.constant 0 : i32
      %dma_wait3A_75 = tpu.memref_slice %arg3[%add3A, %run_scoped3A_32, %dma_wait3A, %dma_wait3A_74] : memref<32x2x40x125xi32, #tpu.memory_space<hbm>> -> memref<1x1x40x125xi32, #tpu.memory_space<hbm>>
      %dma_wait3A_76 = tpu.memref_squeeze %dma_wait3A_75 : memref<1x1x40x125xi32, #tpu.memory_space<hbm>> -> memref<40x125xi32, #tpu.memory_space<hbm>>
      %dma_wait3A_77 = arith.constant 0 : i32
      %dma_wait3A_78 = arith.constant 0 : i32
      %dma_wait3A_79 = tpu.memref_slice %arg3[%add3A, %run_scoped3A_32, %dma_wait3A_77, %dma_wait3A_78] : memref<32x2x40x125xi32, #tpu.memory_space<hbm>> -> memref<1x1x40x125xi32, #tpu.memory_space<hbm>>
      %dma_wait3A_80 = tpu.memref_squeeze %dma_wait3A_79 : memref<1x1x40x125xi32, #tpu.memory_space<hbm>> -> memref<40x125xi32, #tpu.memory_space<hbm>>
      tpu.wait_dma2 semaphore(%run_scoped3A_65 : memref<!tpu.dma_semaphore, #tpu.memory_space<semaphore_mem>>) src(%dma_wait3A_80 : memref<40x125xi32, #tpu.memory_space<hbm>>) dst(%arg7 : memref<40x125xi32, #tpu.memory_space<vmem>>)
      tpu.yield
    }) : () -> ()
    %run_scoped3A_33 = arith.constant 1 : i32
    "tpu.region"() ({
      %run_scoped3A_65 = tpu.sem_alloc : memref<!tpu.dma_semaphore, #tpu.memory_space<semaphore_mem>>
      %dma_start3A_66 = arith.constant 0 : i32
      %dma_start3A_67 = arith.constant 0 : i32
      %dma_start3A_68 = tpu.memref_slice %arg4[%add3A, %run_scoped3A_33, %dma_start3A_66, %dma_start3A_67] : memref<32x2x40x125xi32, #tpu.memory_space<hbm>> -> memref<1x1x40x125xi32, #tpu.memory_space<hbm>>
      %dma_start3A_69 = tpu.memref_squeeze %dma_start3A_68 : memref<1x1x40x125xi32, #tpu.memory_space<hbm>> -> memref<40x125xi32, #tpu.memory_space<hbm>>
      %dma_start3A_70 = arith.constant 0 : i32
      %dma_start3A_71 = arith.constant 0 : i32
      %dma_start3A_72 = tpu.memref_slice %arg4[%add3A, %run_scoped3A_33, %dma_start3A_70, %dma_start3A_71] : memref<32x2x40x125xi32, #tpu.memory_space<hbm>> -> memref<1x1x40x125xi32, #tpu.memory_space<hbm>>
      %dma_start3A_73 = tpu.memref_squeeze %dma_start3A_72 : memref<1x1x40x125xi32, #tpu.memory_space<hbm>> -> memref<40x125xi32, #tpu.memory_space<hbm>>
      tpu.enqueue_dma source(%dma_start3A_73 : memref<40x125xi32, #tpu.memory_space<hbm>>) target(%arg8 : memref<40x125xi32, #tpu.memory_space<vmem>>) target_semaphore(%run_scoped3A_65 : memref<!tpu.dma_semaphore, #tpu.memory_space<semaphore_mem>>)
      %dma_wait3A = arith.constant 0 : i32
      %dma_wait3A_74 = arith.constant 0 : i32
      %dma_wait3A_75 = tpu.memref_slice %arg4[%add3A, %run_scoped3A_33, %dma_wait3A, %dma_wait3A_74] : memref<32x2x40x125xi32, #tpu.memory_space<hbm>> -> memref<1x1x40x125xi32, #tpu.memory_space<hbm>>
      %dma_wait3A_76 = tpu.memref_squeeze %dma_wait3A_75 : memref<1x1x40x125xi32, #tpu.memory_space<hbm>> -> memref<40x125xi32, #tpu.memory_space<hbm>>
      %dma_wait3A_77 = arith.constant 0 : i32
      %dma_wait3A_78 = arith.constant 0 : i32
      %dma_wait3A_79 = tpu.memref_slice %arg4[%add3A, %run_scoped3A_33, %dma_wait3A_77, %dma_wait3A_78] : memref<32x2x40x125xi32, #tpu.memory_space<hbm>> -> memref<1x1x40x125xi32, #tpu.memory_space<hbm>>
      %dma_wait3A_80 = tpu.memref_squeeze %dma_wait3A_79 : memref<1x1x40x125xi32, #tpu.memory_space<hbm>> -> memref<40x125xi32, #tpu.memory_space<hbm>>
      tpu.wait_dma2 semaphore(%run_scoped3A_65 : memref<!tpu.dma_semaphore, #tpu.memory_space<semaphore_mem>>) src(%dma_wait3A_80 : memref<40x125xi32, #tpu.memory_space<hbm>>) dst(%arg8 : memref<40x125xi32, #tpu.memory_space<vmem>>)
      tpu.yield
    }) : () -> ()
    %dma_start3A_34 = arith.constant 0 : i32
    %dma_start3A_35 = arith.constant 0 : i32
    %dma_start3A_36 = arith.constant 0 : i32
    %dma_start3A_37 = arith.constant 0 : i32
    %dma_start3A_38 = tpu.memref_slice %arg9[%dma_start3A_35, %dma_start3A_36, %dma_start3A_37] : memref<2x125x128xf32, #tpu.memory_space<vmem>> -> memref<1x125x128xf32, #tpu.memory_space<vmem>>
    %dma_start3A_39 = tpu.memref_squeeze %dma_start3A_38 : memref<1x125x128xf32, #tpu.memory_space<vmem>> -> memref<125x128xf32, #tpu.memory_space<vmem>>
    %dma_start3A_40 = arith.constant 0 : i32
    %dma_start3A_41 = tpu.memref_slice %arg7[%dma_start3A_34, %dma_start3A_40] : memref<40x125xi32, #tpu.memory_space<vmem>> -> memref<1x125xi32, #tpu.memory_space<vmem>>
    %dma_start3A_42 = tpu.memref_squeeze %dma_start3A_41 : memref<1x125xi32, #tpu.memory_space<vmem>> -> memref<125xi32, #tpu.memory_space<vmem>>
    %dma_start3A_43 = arith.constant 0 : i32
    %dma_start3A_44 = arith.constant 0 : i32
    %dma_start3A_45 = tpu.memref_slice %arg2[%dma_start3A_43, %dma_start3A_44] : memref<10000x128xf32, #tpu.memory_space<hbm>> -> memref<10000x128xf32, #tpu.memory_space<hbm>>
    tpu.enqueue_indirect_dma source(%dma_start3A_45 : memref<10000x128xf32, #tpu.memory_space<hbm>>) target(%dma_start3A_39 : memref<125x128xf32, #tpu.memory_space<vmem>>) offsets(%dma_start3A_42 : memref<125xi32, #tpu.memory_space<vmem>>) semaphore(%arg11 : memref<!tpu.dma_semaphore, #tpu.memory_space<semaphore_mem>>)
    %dma_start3A_46 = arith.constant 1 : i32
    %dma_start3A_47 = arith.constant 1 : i32
    %dma_start3A_48 = arith.constant 0 : i32
    %dma_start3A_49 = arith.constant 0 : i32
    %dma_start3A_50 = tpu.memref_slice %arg9[%dma_start3A_47, %dma_start3A_48, %dma_start3A_49] : memref<2x125x128xf32, #tpu.memory_space<vmem>> -> memref<1x125x128xf32, #tpu.memory_space<vmem>>
    %dma_start3A_51 = tpu.memref_squeeze %dma_start3A_50 : memref<1x125x128xf32, #tpu.memory_space<vmem>> -> memref<125x128xf32, #tpu.memory_space<vmem>>
    %dma_start3A_52 = arith.constant 0 : i32
    %dma_start3A_53 = tpu.memref_slice %arg7[%dma_start3A_46, %dma_start3A_52] : memref<40x125xi32, #tpu.memory_space<vmem>> -> memref<1x125xi32, #tpu.memory_space<vmem>>
    %dma_start3A_54 = tpu.memref_squeeze %dma_start3A_53 : memref<1x125xi32, #tpu.memory_space<vmem>> -> memref<125xi32, #tpu.memory_space<vmem>>
    %dma_start3A_55 = arith.constant 0 : i32
    %dma_start3A_56 = arith.constant 0 : i32
    %dma_start3A_57 = tpu.memref_slice %arg2[%dma_start3A_55, %dma_start3A_56] : memref<10000x128xf32, #tpu.memory_space<hbm>> -> memref<10000x128xf32, #tpu.memory_space<hbm>>
    tpu.enqueue_indirect_dma source(%dma_start3A_57 : memref<10000x128xf32, #tpu.memory_space<hbm>>) target(%dma_start3A_51 : memref<125x128xf32, #tpu.memory_space<vmem>>) offsets(%dma_start3A_54 : memref<125xi32, #tpu.memory_space<vmem>>) semaphore(%arg12 : memref<!tpu.dma_semaphore, #tpu.memory_space<semaphore_mem>>)
    %scan3A_58 = arith.constant 0 : i32
    %scan3A_59 = arith.constant 0 : i32
    %scan3A_60 = arith.constant 20 : i32
    %scan3A_61 = arith.addi %scan3A_59, %scan3A_60 : i32
    %scan3A_62 = arith.constant 1 : i32
    scf.for %scan3A_65 = %scan3A_59 to %scan3A_61 step %scan3A_62  : i32 {
      %mul3A_66 = arith.constant 2 : i32
      %mul3A_67 = arith.muli %mul3A_66, %scan3A_65 : i32
      %dma_wait3A = arith.constant 0 : i32
      %dma_wait3A_68 = arith.constant 0 : i32
      %dma_wait3A_69 = arith.constant 0 : i32
      %dma_wait3A_70 = tpu.memref_slice %arg9[%dma_wait3A, %dma_wait3A_68, %dma_wait3A_69] : memref<2x125x128xf32, #tpu.memory_space<vmem>> -> memref<1x125x128xf32, #tpu.memory_space<vmem>>
      %dma_wait3A_71 = tpu.memref_squeeze %dma_wait3A_70 : memref<1x125x128xf32, #tpu.memory_space<vmem>> -> memref<125x128xf32, #tpu.memory_space<vmem>>
      %dma_wait3A_72 = arith.constant 0 : i32
      %dma_wait3A_73 = tpu.memref_slice %arg7[%mul3A_67, %dma_wait3A_72] : memref<40x125xi32, #tpu.memory_space<vmem>> -> memref<1x125xi32, #tpu.memory_space<vmem>>
      %dma_wait3A_74 = tpu.memref_squeeze %dma_wait3A_73 : memref<1x125xi32, #tpu.memory_space<vmem>> -> memref<125xi32, #tpu.memory_space<vmem>>
      %dma_wait3A_75 = arith.constant 0 : i32
      %dma_wait3A_76 = arith.constant 0 : i32
      %dma_wait3A_77 = tpu.memref_slice %arg2[%dma_wait3A_75, %dma_wait3A_76] : memref<10000x128xf32, #tpu.memory_space<hbm>> -> memref<10000x128xf32, #tpu.memory_space<hbm>>
      tpu.wait_indirect_dma semaphore(%arg11 : memref<!tpu.dma_semaphore, #tpu.memory_space<semaphore_mem>>) src(%dma_wait3A_77 : memref<10000x128xf32, #tpu.memory_space<hbm>>) dst(%dma_wait3A_71 : memref<125x128xf32, #tpu.memory_space<vmem>>)
      %run_scoped3A_78 = arith.constant 0 : i32
      "tpu.region"() ({
        %run_scoped3A_106 = tpu.sem_alloc : memref<!tpu.dma_semaphore, #tpu.memory_space<semaphore_mem>>
        %dma_start3A_107 = arith.constant 0 : i32
        %dma_start3A_108 = arith.constant 0 : i32
        %dma_start3A_109 = tpu.memref_slice %arg9[%run_scoped3A_78, %dma_start3A_107, %dma_start3A_108] : memref<2x125x128xf32, #tpu.memory_space<vmem>> -> memref<1x125x128xf32, #tpu.memory_space<vmem>>
        %dma_start3A_110 = tpu.memref_squeeze %dma_start3A_109 : memref<1x125x128xf32, #tpu.memory_space<vmem>> -> memref<125x128xf32, #tpu.memory_space<vmem>>
        %dma_start3A_111 = arith.constant 0 : i32
        %dma_start3A_112 = tpu.memref_slice %arg8[%mul3A_67, %dma_start3A_111] : memref<40x125xi32, #tpu.memory_space<vmem>> -> memref<1x125xi32, #tpu.memory_space<vmem>>
        %dma_start3A_113 = tpu.memref_squeeze %dma_start3A_112 : memref<1x125xi32, #tpu.memory_space<vmem>> -> memref<125xi32, #tpu.memory_space<vmem>>
        %dma_start3A_114 = arith.constant 0 : i32
        %dma_start3A_115 = arith.constant 0 : i32
        %dma_start3A_116 = tpu.memref_slice %arg10[%dma_start3A_114, %dma_start3A_115] : memref<10240x128xf32, #tpu.memory_space<vmem_shared>> -> memref<10240x128xf32, #tpu.memory_space<vmem_shared>>
        tpu.enqueue_indirect_dma source(%dma_start3A_110 : memref<125x128xf32, #tpu.memory_space<vmem>>) target(%dma_start3A_116 : memref<10240x128xf32, #tpu.memory_space<vmem_shared>>) offsets(%dma_start3A_113 : memref<125xi32, #tpu.memory_space<vmem>>) semaphore(%run_scoped3A_106 : memref<!tpu.dma_semaphore, #tpu.memory_space<semaphore_mem>>) {add = true}
        %dma_wait3A_117 = arith.constant 0 : i32
        %dma_wait3A_118 = arith.constant 0 : i32
        %dma_wait3A_119 = tpu.memref_slice %arg9[%run_scoped3A_78, %dma_wait3A_117, %dma_wait3A_118] : memref<2x125x128xf32, #tpu.memory_space<vmem>> -> memref<1x125x128xf32, #tpu.memory_space<vmem>>
        %dma_wait3A_120 = tpu.memref_squeeze %dma_wait3A_119 : memref<1x125x128xf32, #tpu.memory_space<vmem>> -> memref<125x128xf32, #tpu.memory_space<vmem>>
        %dma_wait3A_121 = arith.constant 0 : i32
        %dma_wait3A_122 = tpu.memref_slice %arg8[%mul3A_67, %dma_wait3A_121] : memref<40x125xi32, #tpu.memory_space<vmem>> -> memref<1x125xi32, #tpu.memory_space<vmem>>
        %dma_wait3A_123 = tpu.memref_squeeze %dma_wait3A_122 : memref<1x125xi32, #tpu.memory_space<vmem>> -> memref<125xi32, #tpu.memory_space<vmem>>
        %dma_wait3A_124 = arith.constant 0 : i32
        %dma_wait3A_125 = arith.constant 0 : i32
        %dma_wait3A_126 = tpu.memref_slice %arg10[%dma_wait3A_124, %dma_wait3A_125] : memref<10240x128xf32, #tpu.memory_space<vmem_shared>> -> memref<10240x128xf32, #tpu.memory_space<vmem_shared>>
        tpu.wait_indirect_dma semaphore(%run_scoped3A_106 : memref<!tpu.dma_semaphore, #tpu.memory_space<semaphore_mem>>) src(%dma_wait3A_120 : memref<125x128xf32, #tpu.memory_space<vmem>>) dst(%dma_wait3A_126 : memref<10240x128xf32, #tpu.memory_space<vmem_shared>>)
        tpu.yield
      }) : () -> ()
      %add3A_79 = arith.constant 2 : i32
      %add3A_80 = arith.addi %mul3A_67, %add3A_79 : i32
      %lt3A = arith.constant 40 : i32
      %lt3A_81 = arith.cmpi slt, %add3A_80, %lt3A : i32
      %convert_element_type3A = arith.extui %lt3A_81 : i1 to i32
      %cond3A = arith.constant 0 : i32
      %cond3A_82 = arith.cmpi ne, %convert_element_type3A, %cond3A : i32
      scf.if %cond3A_82 {
        %add3A_106 = arith.constant 2 : i32
        %add3A_107 = arith.addi %mul3A_67, %add3A_106 : i32
        %dma_start3A_108 = arith.constant 0 : i32
        %dma_start3A_109 = arith.constant 0 : i32
        %dma_start3A_110 = arith.constant 0 : i32
        %dma_start3A_111 = tpu.memref_slice %arg9[%dma_start3A_108, %dma_start3A_109, %dma_start3A_110] : memref<2x125x128xf32, #tpu.memory_space<vmem>> -> memref<1x125x128xf32, #tpu.memory_space<vmem>>
        %dma_start3A_112 = tpu.memref_squeeze %dma_start3A_111 : memref<1x125x128xf32, #tpu.memory_space<vmem>> -> memref<125x128xf32, #tpu.memory_space<vmem>>
        %dma_start3A_113 = arith.constant 0 : i32
        %dma_start3A_114 = tpu.memref_slice %arg7[%add3A_107, %dma_start3A_113] : memref<40x125xi32, #tpu.memory_space<vmem>> -> memref<1x125xi32, #tpu.memory_space<vmem>>
        %dma_start3A_115 = tpu.memref_squeeze %dma_start3A_114 : memref<1x125xi32, #tpu.memory_space<vmem>> -> memref<125xi32, #tpu.memory_space<vmem>>
        %dma_start3A_116 = arith.constant 0 : i32
        %dma_start3A_117 = arith.constant 0 : i32
        %dma_start3A_118 = tpu.memref_slice %arg2[%dma_start3A_116, %dma_start3A_117] : memref<10000x128xf32, #tpu.memory_space<hbm>> -> memref<10000x128xf32, #tpu.memory_space<hbm>>
        tpu.enqueue_indirect_dma source(%dma_start3A_118 : memref<10000x128xf32, #tpu.memory_space<hbm>>) target(%dma_start3A_112 : memref<125x128xf32, #tpu.memory_space<vmem>>) offsets(%dma_start3A_115 : memref<125xi32, #tpu.memory_space<vmem>>) semaphore(%arg11 : memref<!tpu.dma_semaphore, #tpu.memory_space<semaphore_mem>>)
      } else {
      }
      %add3A_83 = arith.constant 1 : i32
      %add3A_84 = arith.addi %mul3A_67, %add3A_83 : i32
      %dma_wait3A_85 = arith.constant 1 : i32
      %dma_wait3A_86 = arith.constant 0 : i32
      %dma_wait3A_87 = arith.constant 0 : i32
      %dma_wait3A_88 = tpu.memref_slice %arg9[%dma_wait3A_85, %dma_wait3A_86, %dma_wait3A_87] : memref<2x125x128xf32, #tpu.memory_space<vmem>> -> memref<1x125x128xf32, #tpu.memory_space<vmem>>
      %dma_wait3A_89 = tpu.memref_squeeze %dma_wait3A_88 : memref<1x125x128xf32, #tpu.memory_space<vmem>> -> memref<125x128xf32, #tpu.memory_space<vmem>>
      %dma_wait3A_90 = arith.constant 0 : i32
      %dma_wait3A_91 = tpu.memref_slice %arg7[%add3A_84, %dma_wait3A_90] : memref<40x125xi32, #tpu.memory_space<vmem>> -> memref<1x125xi32, #tpu.memory_space<vmem>>
      %dma_wait3A_92 = tpu.memref_squeeze %dma_wait3A_91 : memref<1x125xi32, #tpu.memory_space<vmem>> -> memref<125xi32, #tpu.memory_space<vmem>>
      %dma_wait3A_93 = arith.constant 0 : i32
      %dma_wait3A_94 = arith.constant 0 : i32
      %dma_wait3A_95 = tpu.memref_slice %arg2[%dma_wait3A_93, %dma_wait3A_94] : memref<10000x128xf32, #tpu.memory_space<hbm>> -> memref<10000x128xf32, #tpu.memory_space<hbm>>
      tpu.wait_indirect_dma semaphore(%arg12 : memref<!tpu.dma_semaphore, #tpu.memory_space<semaphore_mem>>) src(%dma_wait3A_95 : memref<10000x128xf32, #tpu.memory_space<hbm>>) dst(%dma_wait3A_89 : memref<125x128xf32, #tpu.memory_space<vmem>>)
      %add3A_96 = arith.constant 1 : i32
      %add3A_97 = arith.addi %mul3A_67, %add3A_96 : i32
      %run_scoped3A_98 = arith.constant 1 : i32
      "tpu.region"() ({
        %run_scoped3A_106 = tpu.sem_alloc : memref<!tpu.dma_semaphore, #tpu.memory_space<semaphore_mem>>
        %dma_start3A_107 = arith.constant 0 : i32
        %dma_start3A_108 = arith.constant 0 : i32
        %dma_start3A_109 = tpu.memref_slice %arg9[%run_scoped3A_98, %dma_start3A_107, %dma_start3A_108] : memref<2x125x128xf32, #tpu.memory_space<vmem>> -> memref<1x125x128xf32, #tpu.memory_space<vmem>>
        %dma_start3A_110 = tpu.memref_squeeze %dma_start3A_109 : memref<1x125x128xf32, #tpu.memory_space<vmem>> -> memref<125x128xf32, #tpu.memory_space<vmem>>
        %dma_start3A_111 = arith.constant 0 : i32
        %dma_start3A_112 = tpu.memref_slice %arg8[%add3A_97, %dma_start3A_111] : memref<40x125xi32, #tpu.memory_space<vmem>> -> memref<1x125xi32, #tpu.memory_space<vmem>>
        %dma_start3A_113 = tpu.memref_squeeze %dma_start3A_112 : memref<1x125xi32, #tpu.memory_space<vmem>> -> memref<125xi32, #tpu.memory_space<vmem>>
        %dma_start3A_114 = arith.constant 0 : i32
        %dma_start3A_115 = arith.constant 0 : i32
        %dma_start3A_116 = tpu.memref_slice %arg10[%dma_start3A_114, %dma_start3A_115] : memref<10240x128xf32, #tpu.memory_space<vmem_shared>> -> memref<10240x128xf32, #tpu.memory_space<vmem_shared>>
        tpu.enqueue_indirect_dma source(%dma_start3A_110 : memref<125x128xf32, #tpu.memory_space<vmem>>) target(%dma_start3A_116 : memref<10240x128xf32, #tpu.memory_space<vmem_shared>>) offsets(%dma_start3A_113 : memref<125xi32, #tpu.memory_space<vmem>>) semaphore(%run_scoped3A_106 : memref<!tpu.dma_semaphore, #tpu.memory_space<semaphore_mem>>) {add = true}
        %dma_wait3A_117 = arith.constant 0 : i32
        %dma_wait3A_118 = arith.constant 0 : i32
        %dma_wait3A_119 = tpu.memref_slice %arg9[%run_scoped3A_98, %dma_wait3A_117, %dma_wait3A_118] : memref<2x125x128xf32, #tpu.memory_space<vmem>> -> memref<1x125x128xf32, #tpu.memory_space<vmem>>
        %dma_wait3A_120 = tpu.memref_squeeze %dma_wait3A_119 : memref<1x125x128xf32, #tpu.memory_space<vmem>> -> memref<125x128xf32, #tpu.memory_space<vmem>>
        %dma_wait3A_121 = arith.constant 0 : i32
        %dma_wait3A_122 = tpu.memref_slice %arg8[%add3A_97, %dma_wait3A_121] : memref<40x125xi32, #tpu.memory_space<vmem>> -> memref<1x125xi32, #tpu.memory_space<vmem>>
        %dma_wait3A_123 = tpu.memref_squeeze %dma_wait3A_122 : memref<1x125xi32, #tpu.memory_space<vmem>> -> memref<125xi32, #tpu.memory_space<vmem>>
        %dma_wait3A_124 = arith.constant 0 : i32
        %dma_wait3A_125 = arith.constant 0 : i32
        %dma_wait3A_126 = tpu.memref_slice %arg10[%dma_wait3A_124, %dma_wait3A_125] : memref<10240x128xf32, #tpu.memory_space<vmem_shared>> -> memref<10240x128xf32, #tpu.memory_space<vmem_shared>>
        tpu.wait_indirect_dma semaphore(%run_scoped3A_106 : memref<!tpu.dma_semaphore, #tpu.memory_space<semaphore_mem>>) src(%dma_wait3A_120 : memref<125x128xf32, #tpu.memory_space<vmem>>) dst(%dma_wait3A_126 : memref<10240x128xf32, #tpu.memory_space<vmem_shared>>)
        tpu.yield
      }) : () -> ()
      %add3A_99 = arith.constant 3 : i32
      %add3A_100 = arith.addi %mul3A_67, %add3A_99 : i32
      %lt3A_101 = arith.constant 40 : i32
      %lt3A_102 = arith.cmpi slt, %add3A_100, %lt3A_101 : i32
      %convert_element_type3A_103 = arith.extui %lt3A_102 : i1 to i32
      %cond3A_104 = arith.constant 0 : i32
      %cond3A_105 = arith.cmpi ne, %convert_element_type3A_103, %cond3A_104 : i32
      scf.if %cond3A_105 {
        %add3A_106 = arith.constant 3 : i32
        %add3A_107 = arith.addi %mul3A_67, %add3A_106 : i32
        %dma_start3A_108 = arith.constant 1 : i32
        %dma_start3A_109 = arith.constant 0 : i32
        %dma_start3A_110 = arith.constant 0 : i32
        %dma_start3A_111 = tpu.memref_slice %arg9[%dma_start3A_108, %dma_start3A_109, %dma_start3A_110] : memref<2x125x128xf32, #tpu.memory_space<vmem>> -> memref<1x125x128xf32, #tpu.memory_space<vmem>>
        %dma_start3A_112 = tpu.memref_squeeze %dma_start3A_111 : memref<1x125x128xf32, #tpu.memory_space<vmem>> -> memref<125x128xf32, #tpu.memory_space<vmem>>
        %dma_start3A_113 = arith.constant 0 : i32
        %dma_start3A_114 = tpu.memref_slice %arg7[%add3A_107, %dma_start3A_113] : memref<40x125xi32, #tpu.memory_space<vmem>> -> memref<1x125xi32, #tpu.memory_space<vmem>>
        %dma_start3A_115 = tpu.memref_squeeze %dma_start3A_114 : memref<1x125xi32, #tpu.memory_space<vmem>> -> memref<125xi32, #tpu.memory_space<vmem>>
        %dma_start3A_116 = arith.constant 0 : i32
        %dma_start3A_117 = arith.constant 0 : i32
        %dma_start3A_118 = tpu.memref_slice %arg2[%dma_start3A_116, %dma_start3A_117] : memref<10000x128xf32, #tpu.memory_space<hbm>> -> memref<10000x128xf32, #tpu.memory_space<hbm>>
        tpu.enqueue_indirect_dma source(%dma_start3A_118 : memref<10000x128xf32, #tpu.memory_space<hbm>>) target(%dma_start3A_112 : memref<125x128xf32, #tpu.memory_space<vmem>>) offsets(%dma_start3A_115 : memref<125xi32, #tpu.memory_space<vmem>>) semaphore(%arg12 : memref<!tpu.dma_semaphore, #tpu.memory_space<semaphore_mem>>)
      } else {
      }
    }
    %scan3A_63 = arith.constant 20 : i32
    %barrier3A_64 = arith.constant 0 : index
    tpu.barrier barrier_id(%barrier3A_64)
    "tpu.region"() ({
      %run_scoped3A_65 = tpu.sem_alloc : memref<!tpu.dma_semaphore, #tpu.memory_space<semaphore_mem>>
      %dma_start3A_66 = arith.constant 0 : i32
      %dma_start3A_67 = tpu.memref_slice %arg6[%arg0, %multiple_of3A, %dma_start3A_66] : memref<2x10240x128xf32, #tpu.memory_space<hbm>> -> memref<1x640x128xf32, #tpu.memory_space<hbm>>
      %dma_start3A_68 = tpu.memref_squeeze %dma_start3A_67 : memref<1x640x128xf32, #tpu.memory_space<hbm>> -> memref<640x128xf32, #tpu.memory_space<hbm>>
      %dma_start3A_69 = arith.constant 0 : i32
      %dma_start3A_70 = tpu.memref_slice %arg10[%multiple_of3A, %dma_start3A_69] : memref<10240x128xf32, #tpu.memory_space<vmem_shared>> -> memref<640x128xf32, #tpu.memory_space<vmem_shared>>
      tpu.enqueue_dma source(%dma_start3A_70 : memref<640x128xf32, #tpu.memory_space<vmem_shared>>) target(%dma_start3A_68 : memref<640x128xf32, #tpu.memory_space<hbm>>) target_semaphore(%run_scoped3A_65 : memref<!tpu.dma_semaphore, #tpu.memory_space<semaphore_mem>>)
      %dma_wait3A = arith.constant 0 : i32
      %dma_wait3A_71 = tpu.memref_slice %arg6[%arg0, %multiple_of3A, %dma_wait3A] : memref<2x10240x128xf32, #tpu.memory_space<hbm>> -> memref<1x640x128xf32, #tpu.memory_space<hbm>>
      %dma_wait3A_72 = tpu.memref_squeeze %dma_wait3A_71 : memref<1x640x128xf32, #tpu.memory_space<hbm>> -> memref<640x128xf32, #tpu.memory_space<hbm>>
      %dma_wait3A_73 = arith.constant 0 : i32
      %dma_wait3A_74 = tpu.memref_slice %arg10[%multiple_of3A, %dma_wait3A_73] : memref<10240x128xf32, #tpu.memory_space<vmem_shared>> -> memref<640x128xf32, #tpu.memory_space<vmem_shared>>
      tpu.wait_dma2 semaphore(%run_scoped3A_65 : memref<!tpu.dma_semaphore, #tpu.memory_space<semaphore_mem>>) src(%dma_wait3A_74 : memref<640x128xf32, #tpu.memory_space<vmem_shared>>) dst(%dma_wait3A_72 : memref<640x128xf32, #tpu.memory_space<hbm>>)
      tpu.yield
    }) : () -> ()
    return
  }
}

#map = affine_map<(d0, d1) -> (0, 0)>
#map1 = affine_map<(d0, d1) -> (0, 0, 0, 0)>
#map2 = affine_map<(d0, d1) -> (0, 0, 0)>
module attributes {stable_mosaic.version = 14 : i64} {
  func.func @edge_kernel(%arg0: i32, %arg1: i32, %arg2: memref<10000x128xf32, #tpu.memory_space<hbm>>, %arg3: memref<32x2x40x125xi32, #tpu.memory_space<hbm>>, %arg4: memref<32x2x40x125xi32, #tpu.memory_space<hbm>>, %arg5: memref<10240x128xf32, #tpu.memory_space<hbm>>, %arg6: memref<2x10240x128xf32, #tpu.memory_space<hbm>>, %arg7: memref<40x125xi32, #tpu.memory_space<vmem>>, %arg8: memref<40x125xi32, #tpu.memory_space<vmem>>, %arg9: memref<2x125x128xf32, #tpu.memory_space<vmem>>, %arg10: memref<10240x128xf32, #tpu.memory_space<vmem_shared>>, %arg11: memref<!tpu.dma_semaphore, #tpu.memory_space<semaphore_mem>>, %arg12: memref<!tpu.dma_semaphore, #tpu.memory_space<semaphore_mem>>) attributes {dimension_semantics = [#tpu.dimension_semantics<core_parallel>, #tpu.dimension_semantics<subcore_parallel>], iteration_bounds = array<i64: 2, 16>, scalar_prefetch = 0 : i64, scratch_operands = 6 : i64, tpu.core_type = #tpu.core_type<sc_vector_subcore>, window_params = [{transform_indices = #map}, {transform_indices = #map1}, {transform_indices = #map1}, {transform_indices = #map}, {transform_indices = #map2}]} {
    %mul3A = arith.constant 16 : i32
    %mul3A_0 = arith.muli %arg0, %mul3A : i32
    %add3A = arith.addi %mul3A_0, %arg1 : i32
    %mul3A_1 = arith.constant 640 : i32
    %mul3A_2 = arith.muli %arg1, %mul3A_1 : i32
    %multiple_of3A = tpu.assume_multiple %mul3A_2, 8 : i32
    "tpu.region"() ({
      %run_scoped3A_65 = tpu.sem_alloc : memref<!tpu.dma_semaphore, #tpu.memory_space<semaphore_mem>>
      %dma_start3A_66 = arith.constant 0 : i32
      %dma_start3A_67 = tpu.memref_slice %arg10[%multiple_of3A, %dma_start3A_66] : memref<10240x128xf32, #tpu.memory_space<vmem_shared>> -> memref<640x128xf32, #tpu.memory_space<vmem_shared>>
      %dma_start3A_68 = arith.constant 0 : i32
      %dma_start3A_69 = tpu.memref_slice %arg5[%multiple_of3A, %dma_start3A_68] : memref<10240x128xf32, #tpu.memory_space<hbm>> -> memref<640x128xf32, #tpu.memory_space<hbm>>
      tpu.enqueue_dma source(%dma_start3A_69 : memref<640x128xf32, #tpu.memory_space<hbm>>) target(%dma_start3A_67 : memref<640x128xf32, #tpu.memory_space<vmem_shared>>) target_semaphore(%run_scoped3A_65 : memref<!tpu.dma_semaphore, #tpu.memory_space<semaphore_mem>>)
      %dma_wait3A = arith.constant 0 : i32
      %dma_wait3A_70 = tpu.memref_slice %arg10[%multiple_of3A, %dma_wait3A] : memref<10240x128xf32, #tpu.memory_space<vmem_shared>> -> memref<640x128xf32, #tpu.memory_space<vmem_shared>>
      %dma_wait3A_71 = arith.constant 0 : i32
      %dma_wait3A_72 = tpu.memref_slice %arg5[%multiple_of3A, %dma_wait3A_71] : memref<10240x128xf32, #tpu.memory_space<hbm>> -> memref<640x128xf32, #tpu.memory_space<hbm>>
      tpu.wait_dma2 semaphore(%run_scoped3A_65 : memref<!tpu.dma_semaphore, #tpu.memory_space<semaphore_mem>>) src(%dma_wait3A_72 : memref<640x128xf32, #tpu.memory_space<hbm>>) dst(%dma_wait3A_70 : memref<640x128xf32, #tpu.memory_space<vmem_shared>>)
      tpu.yield
    }) : () -> ()
    %barrier3A = arith.constant 0 : index
    tpu.barrier barrier_id(%barrier3A)
    %run_scoped3A = arith.constant 0 : i32
    "tpu.region"() ({
      %run_scoped3A_65 = tpu.sem_alloc : memref<!tpu.dma_semaphore, #tpu.memory_space<semaphore_mem>>
      %dma_start3A_66 = arith.constant 0 : i32
      %dma_start3A_67 = arith.constant 0 : i32
      %dma_start3A_68 = tpu.memref_slice %arg3[%add3A, %run_scoped3A, %dma_start3A_66, %dma_start3A_67] : memref<32x2x40x125xi32, #tpu.memory_space<hbm>> -> memref<1x1x40x125xi32, #tpu.memory_space<hbm>>
      %dma_start3A_69 = tpu.memref_squeeze %dma_start3A_68 : memref<1x1x40x125xi32, #tpu.memory_space<hbm>> -> memref<40x125xi32, #tpu.memory_space<hbm>>
      %dma_start3A_70 = arith.constant 0 : i32
      %dma_start3A_71 = arith.constant 0 : i32
      %dma_start3A_72 = tpu.memref_slice %arg3[%add3A, %run_scoped3A, %dma_start3A_70, %dma_start3A_71] : memref<32x2x40x125xi32, #tpu.memory_space<hbm>> -> memref<1x1x40x125xi32, #tpu.memory_space<hbm>>
      %dma_start3A_73 = tpu.memref_squeeze %dma_start3A_72 : memref<1x1x40x125xi32, #tpu.memory_space<hbm>> -> memref<40x125xi32, #tpu.memory_space<hbm>>
      tpu.enqueue_dma source(%dma_start3A_73 : memref<40x125xi32, #tpu.memory_space<hbm>>) target(%arg7 : memref<40x125xi32, #tpu.memory_space<vmem>>) target_semaphore(%run_scoped3A_65 : memref<!tpu.dma_semaphore, #tpu.memory_space<semaphore_mem>>)
      %dma_wait3A = arith.constant 0 : i32
      %dma_wait3A_74 = arith.constant 0 : i32
      %dma_wait3A_75 = tpu.memref_slice %arg3[%add3A, %run_scoped3A, %dma_wait3A, %dma_wait3A_74] : memref<32x2x40x125xi32, #tpu.memory_space<hbm>> -> memref<1x1x40x125xi32, #tpu.memory_space<hbm>>
      %dma_wait3A_76 = tpu.memref_squeeze %dma_wait3A_75 : memref<1x1x40x125xi32, #tpu.memory_space<hbm>> -> memref<40x125xi32, #tpu.memory_space<hbm>>
      %dma_wait3A_77 = arith.constant 0 : i32
      %dma_wait3A_78 = arith.constant 0 : i32
      %dma_wait3A_79 = tpu.memref_slice %arg3[%add3A, %run_scoped3A, %dma_wait3A_77, %dma_wait3A_78] : memref<32x2x40x125xi32, #tpu.memory_space<hbm>> -> memref<1x1x40x125xi32, #tpu.memory_space<hbm>>
      %dma_wait3A_80 = tpu.memref_squeeze %dma_wait3A_79 : memref<1x1x40x125xi32, #tpu.memory_space<hbm>> -> memref<40x125xi32, #tpu.memory_space<hbm>>
      tpu.wait_dma2 semaphore(%run_scoped3A_65 : memref<!tpu.dma_semaphore, #tpu.memory_space<semaphore_mem>>) src(%dma_wait3A_80 : memref<40x125xi32, #tpu.memory_space<hbm>>) dst(%arg7 : memref<40x125xi32, #tpu.memory_space<vmem>>)
      tpu.yield
    }) : () -> ()
    %run_scoped3A_3 = arith.constant 0 : i32
    "tpu.region"() ({
      %run_scoped3A_65 = tpu.sem_alloc : memref<!tpu.dma_semaphore, #tpu.memory_space<semaphore_mem>>
      %dma_start3A_66 = arith.constant 0 : i32
      %dma_start3A_67 = arith.constant 0 : i32
      %dma_start3A_68 = tpu.memref_slice %arg4[%add3A, %run_scoped3A_3, %dma_start3A_66, %dma_start3A_67] : memref<32x2x40x125xi32, #tpu.memory_space<hbm>> -> memref<1x1x40x125xi32, #tpu.memory_space<hbm>>
      %dma_start3A_69 = tpu.memref_squeeze %dma_start3A_68 : memref<1x1x40x125xi32, #tpu.memory_space<hbm>> -> memref<40x125xi32, #tpu.memory_space<hbm>>
      %dma_start3A_70 = arith.constant 0 : i32
      %dma_start3A_71 = arith.constant 0 : i32
      %dma_start3A_72 = tpu.memref_slice %arg4[%add3A, %run_scoped3A_3, %dma_start3A_70, %dma_start3A_71] : memref<32x2x40x125xi32, #tpu.memory_space<hbm>> -> memref<1x1x40x125xi32, #tpu.memory_space<hbm>>
      %dma_start3A_73 = tpu.memref_squeeze %dma_start3A_72 : memref<1x1x40x125xi32, #tpu.memory_space<hbm>> -> memref<40x125xi32, #tpu.memory_space<hbm>>
      tpu.enqueue_dma source(%dma_start3A_73 : memref<40x125xi32, #tpu.memory_space<hbm>>) target(%arg8 : memref<40x125xi32, #tpu.memory_space<vmem>>) target_semaphore(%run_scoped3A_65 : memref<!tpu.dma_semaphore, #tpu.memory_space<semaphore_mem>>)
      %dma_wait3A = arith.constant 0 : i32
      %dma_wait3A_74 = arith.constant 0 : i32
      %dma_wait3A_75 = tpu.memref_slice %arg4[%add3A, %run_scoped3A_3, %dma_wait3A, %dma_wait3A_74] : memref<32x2x40x125xi32, #tpu.memory_space<hbm>> -> memref<1x1x40x125xi32, #tpu.memory_space<hbm>>
      %dma_wait3A_76 = tpu.memref_squeeze %dma_wait3A_75 : memref<1x1x40x125xi32, #tpu.memory_space<hbm>> -> memref<40x125xi32, #tpu.memory_space<hbm>>
      %dma_wait3A_77 = arith.constant 0 : i32
      %dma_wait3A_78 = arith.constant 0 : i32
      %dma_wait3A_79 = tpu.memref_slice %arg4[%add3A, %run_scoped3A_3, %dma_wait3A_77, %dma_wait3A_78] : memref<32x2x40x125xi32, #tpu.memory_space<hbm>> -> memref<1x1x40x125xi32, #tpu.memory_space<hbm>>
      %dma_wait3A_80 = tpu.memref_squeeze %dma_wait3A_79 : memref<1x1x40x125xi32, #tpu.memory_space<hbm>> -> memref<40x125xi32, #tpu.memory_space<hbm>>
      tpu.wait_dma2 semaphore(%run_scoped3A_65 : memref<!tpu.dma_semaphore, #tpu.memory_space<semaphore_mem>>) src(%dma_wait3A_80 : memref<40x125xi32, #tpu.memory_space<hbm>>) dst(%arg8 : memref<40x125xi32, #tpu.memory_space<vmem>>)
      tpu.yield
    }) : () -> ()
    %dma_start3A = arith.constant 0 : i32
    %dma_start3A_4 = arith.constant 0 : i32
    %dma_start3A_5 = arith.constant 0 : i32
    %dma_start3A_6 = arith.constant 0 : i32
    %dma_start3A_7 = tpu.memref_slice %arg9[%dma_start3A_4, %dma_start3A_5, %dma_start3A_6] : memref<2x125x128xf32, #tpu.memory_space<vmem>> -> memref<1x125x128xf32, #tpu.memory_space<vmem>>
    %dma_start3A_8 = tpu.memref_squeeze %dma_start3A_7 : memref<1x125x128xf32, #tpu.memory_space<vmem>> -> memref<125x128xf32, #tpu.memory_space<vmem>>
    %dma_start3A_9 = arith.constant 0 : i32
    %dma_start3A_10 = tpu.memref_slice %arg7[%dma_start3A, %dma_start3A_9] : memref<40x125xi32, #tpu.memory_space<vmem>> -> memref<1x125xi32, #tpu.memory_space<vmem>>
    %dma_start3A_11 = tpu.memref_squeeze %dma_start3A_10 : memref<1x125xi32, #tpu.memory_space<vmem>> -> memref<125xi32, #tpu.memory_space<vmem>>
    %dma_start3A_12 = arith.constant 0 : i32
    %dma_start3A_13 = arith.constant 0 : i32
    %dma_start3A_14 = tpu.memref_slice %arg2[%dma_start3A_12, %dma_start3A_13] : memref<10000x128xf32, #tpu.memory_space<hbm>> -> memref<10000x128xf32, #tpu.memory_space<hbm>>
    tpu.enqueue_indirect_dma source(%dma_start3A_14 : memref<10000x128xf32, #tpu.memory_space<hbm>>) target(%dma_start3A_8 : memref<125x128xf32, #tpu.memory_space<vmem>>) offsets(%dma_start3A_11 : memref<125xi32, #tpu.memory_space<vmem>>) semaphore(%arg11 : memref<!tpu.dma_semaphore, #tpu.memory_space<semaphore_mem>>)
    %dma_start3A_15 = arith.constant 1 : i32
    %dma_start3A_16 = arith.constant 1 : i32
    %dma_start3A_17 = arith.constant 0 : i32
    %dma_start3A_18 = arith.constant 0 : i32
    %dma_start3A_19 = tpu.memref_slice %arg9[%dma_start3A_16, %dma_start3A_17, %dma_start3A_18] : memref<2x125x128xf32, #tpu.memory_space<vmem>> -> memref<1x125x128xf32, #tpu.memory_space<vmem>>
    %dma_start3A_20 = tpu.memref_squeeze %dma_start3A_19 : memref<1x125x128xf32, #tpu.memory_space<vmem>> -> memref<125x128xf32, #tpu.memory_space<vmem>>
    %dma_start3A_21 = arith.constant 0 : i32
    %dma_start3A_22 = tpu.memref_slice %arg7[%dma_start3A_15, %dma_start3A_21] : memref<40x125xi32, #tpu.memory_space<vmem>> -> memref<1x125xi32, #tpu.memory_space<vmem>>
    %dma_start3A_23 = tpu.memref_squeeze %dma_start3A_22 : memref<1x125xi32, #tpu.memory_space<vmem>> -> memref<125xi32, #tpu.memory_space<vmem>>
    %dma_start3A_24 = arith.constant 0 : i32
    %dma_start3A_25 = arith.constant 0 : i32
    %dma_start3A_26 = tpu.memref_slice %arg2[%dma_start3A_24, %dma_start3A_25] : memref<10000x128xf32, #tpu.memory_space<hbm>> -> memref<10000x128xf32, #tpu.memory_space<hbm>>
    tpu.enqueue_indirect_dma source(%dma_start3A_26 : memref<10000x128xf32, #tpu.memory_space<hbm>>) target(%dma_start3A_20 : memref<125x128xf32, #tpu.memory_space<vmem>>) offsets(%dma_start3A_23 : memref<125xi32, #tpu.memory_space<vmem>>) semaphore(%arg12 : memref<!tpu.dma_semaphore, #tpu.memory_space<semaphore_mem>>)
    %scan3A = arith.constant 0 : i32
    %scan3A_27 = arith.constant 0 : i32
    %scan3A_28 = arith.constant 20 : i32
    %scan3A_29 = arith.addi %scan3A_27, %scan3A_28 : i32
    %scan3A_30 = arith.constant 1 : i32
    scf.for %scan3A_65 = %scan3A_27 to %scan3A_29 step %scan3A_30  : i32 {
      %mul3A_66 = arith.constant 2 : i32
      %mul3A_67 = arith.muli %mul3A_66, %scan3A_65 : i32
      %dma_wait3A = arith.constant 0 : i32
      %dma_wait3A_68 = arith.constant 0 : i32
      %dma_wait3A_69 = arith.constant 0 : i32
      %dma_wait3A_70 = tpu.memref_slice %arg9[%dma_wait3A, %dma_wait3A_68, %dma_wait3A_69] : memref<2x125x128xf32, #tpu.memory_space<vmem>> -> memref<1x125x128xf32, #tpu.memory_space<vmem>>
      %dma_wait3A_71 = tpu.memref_squeeze %dma_wait3A_70 : memref<1x125x128xf32, #tpu.memory_space<vmem>> -> memref<125x128xf32, #tpu.memory_space<vmem>>
      %dma_wait3A_72 = arith.constant 0 : i32
      %dma_wait3A_73 = tpu.memref_slice %arg7[%mul3A_67, %dma_wait3A_72] : memref<40x125xi32, #tpu.memory_space<vmem>> -> memref<1x125xi32, #tpu.memory_space<vmem>>
      %dma_wait3A_74 = tpu.memref_squeeze %dma_wait3A_73 : memref<1x125xi32, #tpu.memory_space<vmem>> -> memref<125xi32, #tpu.memory_space<vmem>>
      %dma_wait3A_75 = arith.constant 0 : i32
      %dma_wait3A_76 = arith.constant 0 : i32
      %dma_wait3A_77 = tpu.memref_slice %arg2[%dma_wait3A_75, %dma_wait3A_76] : memref<10000x128xf32, #tpu.memory_space<hbm>> -> memref<10000x128xf32, #tpu.memory_space<hbm>>
      tpu.wait_indirect_dma semaphore(%arg11 : memref<!tpu.dma_semaphore, #tpu.memory_space<semaphore_mem>>) src(%dma_wait3A_77 : memref<10000x128xf32, #tpu.memory_space<hbm>>) dst(%dma_wait3A_71 : memref<125x128xf32, #tpu.memory_space<vmem>>)
      %run_scoped3A_78 = arith.constant 0 : i32
      "tpu.region"() ({
        %run_scoped3A_106 = tpu.sem_alloc : memref<!tpu.dma_semaphore, #tpu.memory_space<semaphore_mem>>
        %dma_start3A_107 = arith.constant 0 : i32
        %dma_start3A_108 = arith.constant 0 : i32
        %dma_start3A_109 = tpu.memref_slice %arg9[%run_scoped3A_78, %dma_start3A_107, %dma_start3A_108] : memref<2x125x128xf32, #tpu.memory_space<vmem>> -> memref<1x125x128xf32, #tpu.memory_space<vmem>>
        %dma_start3A_110 = tpu.memref_squeeze %dma_start3A_109 : memref<1x125x128xf32, #tpu.memory_space<vmem>> -> memref<125x128xf32, #tpu.memory_space<vmem>>
        %dma_start3A_111 = arith.constant 0 : i32
        %dma_start3A_112 = tpu.memref_slice %arg8[%mul3A_67, %dma_start3A_111] : memref<40x125xi32, #tpu.memory_space<vmem>> -> memref<1x125xi32, #tpu.memory_space<vmem>>
        %dma_start3A_113 = tpu.memref_squeeze %dma_start3A_112 : memref<1x125xi32, #tpu.memory_space<vmem>> -> memref<125xi32, #tpu.memory_space<vmem>>
        %dma_start3A_114 = arith.constant 0 : i32
        %dma_start3A_115 = arith.constant 0 : i32
        %dma_start3A_116 = tpu.memref_slice %arg10[%dma_start3A_114, %dma_start3A_115] : memref<10240x128xf32, #tpu.memory_space<vmem_shared>> -> memref<10240x128xf32, #tpu.memory_space<vmem_shared>>
        tpu.enqueue_indirect_dma source(%dma_start3A_110 : memref<125x128xf32, #tpu.memory_space<vmem>>) target(%dma_start3A_116 : memref<10240x128xf32, #tpu.memory_space<vmem_shared>>) offsets(%dma_start3A_113 : memref<125xi32, #tpu.memory_space<vmem>>) semaphore(%run_scoped3A_106 : memref<!tpu.dma_semaphore, #tpu.memory_space<semaphore_mem>>) {add = true}
        %dma_wait3A_117 = arith.constant 0 : i32
        %dma_wait3A_118 = arith.constant 0 : i32
        %dma_wait3A_119 = tpu.memref_slice %arg9[%run_scoped3A_78, %dma_wait3A_117, %dma_wait3A_118] : memref<2x125x128xf32, #tpu.memory_space<vmem>> -> memref<1x125x128xf32, #tpu.memory_space<vmem>>
        %dma_wait3A_120 = tpu.memref_squeeze %dma_wait3A_119 : memref<1x125x128xf32, #tpu.memory_space<vmem>> -> memref<125x128xf32, #tpu.memory_space<vmem>>
        %dma_wait3A_121 = arith.constant 0 : i32
        %dma_wait3A_122 = tpu.memref_slice %arg8[%mul3A_67, %dma_wait3A_121] : memref<40x125xi32, #tpu.memory_space<vmem>> -> memref<1x125xi32, #tpu.memory_space<vmem>>
        %dma_wait3A_123 = tpu.memref_squeeze %dma_wait3A_122 : memref<1x125xi32, #tpu.memory_space<vmem>> -> memref<125xi32, #tpu.memory_space<vmem>>
        %dma_wait3A_124 = arith.constant 0 : i32
        %dma_wait3A_125 = arith.constant 0 : i32
        %dma_wait3A_126 = tpu.memref_slice %arg10[%dma_wait3A_124, %dma_wait3A_125] : memref<10240x128xf32, #tpu.memory_space<vmem_shared>> -> memref<10240x128xf32, #tpu.memory_space<vmem_shared>>
        tpu.wait_indirect_dma semaphore(%run_scoped3A_106 : memref<!tpu.dma_semaphore, #tpu.memory_space<semaphore_mem>>) src(%dma_wait3A_120 : memref<125x128xf32, #tpu.memory_space<vmem>>) dst(%dma_wait3A_126 : memref<10240x128xf32, #tpu.memory_space<vmem_shared>>)
        tpu.yield
      }) : () -> ()
      %add3A_79 = arith.constant 2 : i32
      %add3A_80 = arith.addi %mul3A_67, %add3A_79 : i32
      %lt3A = arith.constant 40 : i32
      %lt3A_81 = arith.cmpi slt, %add3A_80, %lt3A : i32
      %convert_element_type3A = arith.extui %lt3A_81 : i1 to i32
      %cond3A = arith.constant 0 : i32
      %cond3A_82 = arith.cmpi ne, %convert_element_type3A, %cond3A : i32
      scf.if %cond3A_82 {
        %add3A_106 = arith.constant 2 : i32
        %add3A_107 = arith.addi %mul3A_67, %add3A_106 : i32
        %dma_start3A_108 = arith.constant 0 : i32
        %dma_start3A_109 = arith.constant 0 : i32
        %dma_start3A_110 = arith.constant 0 : i32
        %dma_start3A_111 = tpu.memref_slice %arg9[%dma_start3A_108, %dma_start3A_109, %dma_start3A_110] : memref<2x125x128xf32, #tpu.memory_space<vmem>> -> memref<1x125x128xf32, #tpu.memory_space<vmem>>
        %dma_start3A_112 = tpu.memref_squeeze %dma_start3A_111 : memref<1x125x128xf32, #tpu.memory_space<vmem>> -> memref<125x128xf32, #tpu.memory_space<vmem>>
        %dma_start3A_113 = arith.constant 0 : i32
        %dma_start3A_114 = tpu.memref_slice %arg7[%add3A_107, %dma_start3A_113] : memref<40x125xi32, #tpu.memory_space<vmem>> -> memref<1x125xi32, #tpu.memory_space<vmem>>
        %dma_start3A_115 = tpu.memref_squeeze %dma_start3A_114 : memref<1x125xi32, #tpu.memory_space<vmem>> -> memref<125xi32, #tpu.memory_space<vmem>>
        %dma_start3A_116 = arith.constant 0 : i32
        %dma_start3A_117 = arith.constant 0 : i32
        %dma_start3A_118 = tpu.memref_slice %arg2[%dma_start3A_116, %dma_start3A_117] : memref<10000x128xf32, #tpu.memory_space<hbm>> -> memref<10000x128xf32, #tpu.memory_space<hbm>>
        tpu.enqueue_indirect_dma source(%dma_start3A_118 : memref<10000x128xf32, #tpu.memory_space<hbm>>) target(%dma_start3A_112 : memref<125x128xf32, #tpu.memory_space<vmem>>) offsets(%dma_start3A_115 : memref<125xi32, #tpu.memory_space<vmem>>) semaphore(%arg11 : memref<!tpu.dma_semaphore, #tpu.memory_space<semaphore_mem>>)
      } else {
      }
      %add3A_83 = arith.constant 1 : i32
      %add3A_84 = arith.addi %mul3A_67, %add3A_83 : i32
      %dma_wait3A_85 = arith.constant 1 : i32
      %dma_wait3A_86 = arith.constant 0 : i32
      %dma_wait3A_87 = arith.constant 0 : i32
      %dma_wait3A_88 = tpu.memref_slice %arg9[%dma_wait3A_85, %dma_wait3A_86, %dma_wait3A_87] : memref<2x125x128xf32, #tpu.memory_space<vmem>> -> memref<1x125x128xf32, #tpu.memory_space<vmem>>
      %dma_wait3A_89 = tpu.memref_squeeze %dma_wait3A_88 : memref<1x125x128xf32, #tpu.memory_space<vmem>> -> memref<125x128xf32, #tpu.memory_space<vmem>>
      %dma_wait3A_90 = arith.constant 0 : i32
      %dma_wait3A_91 = tpu.memref_slice %arg7[%add3A_84, %dma_wait3A_90] : memref<40x125xi32, #tpu.memory_space<vmem>> -> memref<1x125xi32, #tpu.memory_space<vmem>>
      %dma_wait3A_92 = tpu.memref_squeeze %dma_wait3A_91 : memref<1x125xi32, #tpu.memory_space<vmem>> -> memref<125xi32, #tpu.memory_space<vmem>>
      %dma_wait3A_93 = arith.constant 0 : i32
      %dma_wait3A_94 = arith.constant 0 : i32
      %dma_wait3A_95 = tpu.memref_slice %arg2[%dma_wait3A_93, %dma_wait3A_94] : memref<10000x128xf32, #tpu.memory_space<hbm>> -> memref<10000x128xf32, #tpu.memory_space<hbm>>
      tpu.wait_indirect_dma semaphore(%arg12 : memref<!tpu.dma_semaphore, #tpu.memory_space<semaphore_mem>>) src(%dma_wait3A_95 : memref<10000x128xf32, #tpu.memory_space<hbm>>) dst(%dma_wait3A_89 : memref<125x128xf32, #tpu.memory_space<vmem>>)
      %add3A_96 = arith.constant 1 : i32
      %add3A_97 = arith.addi %mul3A_67, %add3A_96 : i32
      %run_scoped3A_98 = arith.constant 1 : i32
      "tpu.region"() ({
        %run_scoped3A_106 = tpu.sem_alloc : memref<!tpu.dma_semaphore, #tpu.memory_space<semaphore_mem>>
        %dma_start3A_107 = arith.constant 0 : i32
        %dma_start3A_108 = arith.constant 0 : i32
        %dma_start3A_109 = tpu.memref_slice %arg9[%run_scoped3A_98, %dma_start3A_107, %dma_start3A_108] : memref<2x125x128xf32, #tpu.memory_space<vmem>> -> memref<1x125x128xf32, #tpu.memory_space<vmem>>
        %dma_start3A_110 = tpu.memref_squeeze %dma_start3A_109 : memref<1x125x128xf32, #tpu.memory_space<vmem>> -> memref<125x128xf32, #tpu.memory_space<vmem>>
        %dma_start3A_111 = arith.constant 0 : i32
        %dma_start3A_112 = tpu.memref_slice %arg8[%add3A_97, %dma_start3A_111] : memref<40x125xi32, #tpu.memory_space<vmem>> -> memref<1x125xi32, #tpu.memory_space<vmem>>
        %dma_start3A_113 = tpu.memref_squeeze %dma_start3A_112 : memref<1x125xi32, #tpu.memory_space<vmem>> -> memref<125xi32, #tpu.memory_space<vmem>>
        %dma_start3A_114 = arith.constant 0 : i32
        %dma_start3A_115 = arith.constant 0 : i32
        %dma_start3A_116 = tpu.memref_slice %arg10[%dma_start3A_114, %dma_start3A_115] : memref<10240x128xf32, #tpu.memory_space<vmem_shared>> -> memref<10240x128xf32, #tpu.memory_space<vmem_shared>>
        tpu.enqueue_indirect_dma source(%dma_start3A_110 : memref<125x128xf32, #tpu.memory_space<vmem>>) target(%dma_start3A_116 : memref<10240x128xf32, #tpu.memory_space<vmem_shared>>) offsets(%dma_start3A_113 : memref<125xi32, #tpu.memory_space<vmem>>) semaphore(%run_scoped3A_106 : memref<!tpu.dma_semaphore, #tpu.memory_space<semaphore_mem>>) {add = true}
        %dma_wait3A_117 = arith.constant 0 : i32
        %dma_wait3A_118 = arith.constant 0 : i32
        %dma_wait3A_119 = tpu.memref_slice %arg9[%run_scoped3A_98, %dma_wait3A_117, %dma_wait3A_118] : memref<2x125x128xf32, #tpu.memory_space<vmem>> -> memref<1x125x128xf32, #tpu.memory_space<vmem>>
        %dma_wait3A_120 = tpu.memref_squeeze %dma_wait3A_119 : memref<1x125x128xf32, #tpu.memory_space<vmem>> -> memref<125x128xf32, #tpu.memory_space<vmem>>
        %dma_wait3A_121 = arith.constant 0 : i32
        %dma_wait3A_122 = tpu.memref_slice %arg8[%add3A_97, %dma_wait3A_121] : memref<40x125xi32, #tpu.memory_space<vmem>> -> memref<1x125xi32, #tpu.memory_space<vmem>>
        %dma_wait3A_123 = tpu.memref_squeeze %dma_wait3A_122 : memref<1x125xi32, #tpu.memory_space<vmem>> -> memref<125xi32, #tpu.memory_space<vmem>>
        %dma_wait3A_124 = arith.constant 0 : i32
        %dma_wait3A_125 = arith.constant 0 : i32
        %dma_wait3A_126 = tpu.memref_slice %arg10[%dma_wait3A_124, %dma_wait3A_125] : memref<10240x128xf32, #tpu.memory_space<vmem_shared>> -> memref<10240x128xf32, #tpu.memory_space<vmem_shared>>
        tpu.wait_indirect_dma semaphore(%run_scoped3A_106 : memref<!tpu.dma_semaphore, #tpu.memory_space<semaphore_mem>>) src(%dma_wait3A_120 : memref<125x128xf32, #tpu.memory_space<vmem>>) dst(%dma_wait3A_126 : memref<10240x128xf32, #tpu.memory_space<vmem_shared>>)
        tpu.yield
      }) : () -> ()
      %add3A_99 = arith.constant 3 : i32
      %add3A_100 = arith.addi %mul3A_67, %add3A_99 : i32
      %lt3A_101 = arith.constant 40 : i32
      %lt3A_102 = arith.cmpi slt, %add3A_100, %lt3A_101 : i32
      %convert_element_type3A_103 = arith.extui %lt3A_102 : i1 to i32
      %cond3A_104 = arith.constant 0 : i32
      %cond3A_105 = arith.cmpi ne, %convert_element_type3A_103, %cond3A_104 : i32
      scf.if %cond3A_105 {
        %add3A_106 = arith.constant 3 : i32
        %add3A_107 = arith.addi %mul3A_67, %add3A_106 : i32
        %dma_start3A_108 = arith.constant 1 : i32
        %dma_start3A_109 = arith.constant 0 : i32
        %dma_start3A_110 = arith.constant 0 : i32
        %dma_start3A_111 = tpu.memref_slice %arg9[%dma_start3A_108, %dma_start3A_109, %dma_start3A_110] : memref<2x125x128xf32, #tpu.memory_space<vmem>> -> memref<1x125x128xf32, #tpu.memory_space<vmem>>
        %dma_start3A_112 = tpu.memref_squeeze %dma_start3A_111 : memref<1x125x128xf32, #tpu.memory_space<vmem>> -> memref<125x128xf32, #tpu.memory_space<vmem>>
        %dma_start3A_113 = arith.constant 0 : i32
        %dma_start3A_114 = tpu.memref_slice %arg7[%add3A_107, %dma_start3A_113] : memref<40x125xi32, #tpu.memory_space<vmem>> -> memref<1x125xi32, #tpu.memory_space<vmem>>
        %dma_start3A_115 = tpu.memref_squeeze %dma_start3A_114 : memref<1x125xi32, #tpu.memory_space<vmem>> -> memref<125xi32, #tpu.memory_space<vmem>>
        %dma_start3A_116 = arith.constant 0 : i32
        %dma_start3A_117 = arith.constant 0 : i32
        %dma_start3A_118 = tpu.memref_slice %arg2[%dma_start3A_116, %dma_start3A_117] : memref<10000x128xf32, #tpu.memory_space<hbm>> -> memref<10000x128xf32, #tpu.memory_space<hbm>>
        tpu.enqueue_indirect_dma source(%dma_start3A_118 : memref<10000x128xf32, #tpu.memory_space<hbm>>) target(%dma_start3A_112 : memref<125x128xf32, #tpu.memory_space<vmem>>) offsets(%dma_start3A_115 : memref<125xi32, #tpu.memory_space<vmem>>) semaphore(%arg12 : memref<!tpu.dma_semaphore, #tpu.memory_space<semaphore_mem>>)
      } else {
      }
    }
    %scan3A_31 = arith.constant 20 : i32
    %run_scoped3A_32 = arith.constant 1 : i32
    "tpu.region"() ({
      %run_scoped3A_65 = tpu.sem_alloc : memref<!tpu.dma_semaphore, #tpu.memory_space<semaphore_mem>>
      %dma_start3A_66 = arith.constant 0 : i32
      %dma_start3A_67 = arith.constant 0 : i32
      %dma_start3A_68 = tpu.memref_slice %arg3[%add3A, %run_scoped3A_32, %dma_start3A_66, %dma_start3A_67] : memref<32x2x40x125xi32, #tpu.memory_space<hbm>> -> memref<1x1x40x125xi32, #tpu.memory_space<hbm>>
      %dma_start3A_69 = tpu.memref_squeeze %dma_start3A_68 : memref<1x1x40x125xi32, #tpu.memory_space<hbm>> -> memref<40x125xi32, #tpu.memory_space<hbm>>
      %dma_start3A_70 = arith.constant 0 : i32
      %dma_start3A_71 = arith.constant 0 : i32
      %dma_start3A_72 = tpu.memref_slice %arg3[%add3A, %run_scoped3A_32, %dma_start3A_70, %dma_start3A_71] : memref<32x2x40x125xi32, #tpu.memory_space<hbm>> -> memref<1x1x40x125xi32, #tpu.memory_space<hbm>>
      %dma_start3A_73 = tpu.memref_squeeze %dma_start3A_72 : memref<1x1x40x125xi32, #tpu.memory_space<hbm>> -> memref<40x125xi32, #tpu.memory_space<hbm>>
      tpu.enqueue_dma source(%dma_start3A_73 : memref<40x125xi32, #tpu.memory_space<hbm>>) target(%arg7 : memref<40x125xi32, #tpu.memory_space<vmem>>) target_semaphore(%run_scoped3A_65 : memref<!tpu.dma_semaphore, #tpu.memory_space<semaphore_mem>>)
      %dma_wait3A = arith.constant 0 : i32
      %dma_wait3A_74 = arith.constant 0 : i32
      %dma_wait3A_75 = tpu.memref_slice %arg3[%add3A, %run_scoped3A_32, %dma_wait3A, %dma_wait3A_74] : memref<32x2x40x125xi32, #tpu.memory_space<hbm>> -> memref<1x1x40x125xi32, #tpu.memory_space<hbm>>
      %dma_wait3A_76 = tpu.memref_squeeze %dma_wait3A_75 : memref<1x1x40x125xi32, #tpu.memory_space<hbm>> -> memref<40x125xi32, #tpu.memory_space<hbm>>
      %dma_wait3A_77 = arith.constant 0 : i32
      %dma_wait3A_78 = arith.constant 0 : i32
      %dma_wait3A_79 = tpu.memref_slice %arg3[%add3A, %run_scoped3A_32, %dma_wait3A_77, %dma_wait3A_78] : memref<32x2x40x125xi32, #tpu.memory_space<hbm>> -> memref<1x1x40x125xi32, #tpu.memory_space<hbm>>
      %dma_wait3A_80 = tpu.memref_squeeze %dma_wait3A_79 : memref<1x1x40x125xi32, #tpu.memory_space<hbm>> -> memref<40x125xi32, #tpu.memory_space<hbm>>
      tpu.wait_dma2 semaphore(%run_scoped3A_65 : memref<!tpu.dma_semaphore, #tpu.memory_space<semaphore_mem>>) src(%dma_wait3A_80 : memref<40x125xi32, #tpu.memory_space<hbm>>) dst(%arg7 : memref<40x125xi32, #tpu.memory_space<vmem>>)
      tpu.yield
    }) : () -> ()
    %run_scoped3A_33 = arith.constant 1 : i32
    "tpu.region"() ({
      %run_scoped3A_65 = tpu.sem_alloc : memref<!tpu.dma_semaphore, #tpu.memory_space<semaphore_mem>>
      %dma_start3A_66 = arith.constant 0 : i32
      %dma_start3A_67 = arith.constant 0 : i32
      %dma_start3A_68 = tpu.memref_slice %arg4[%add3A, %run_scoped3A_33, %dma_start3A_66, %dma_start3A_67] : memref<32x2x40x125xi32, #tpu.memory_space<hbm>> -> memref<1x1x40x125xi32, #tpu.memory_space<hbm>>
      %dma_start3A_69 = tpu.memref_squeeze %dma_start3A_68 : memref<1x1x40x125xi32, #tpu.memory_space<hbm>> -> memref<40x125xi32, #tpu.memory_space<hbm>>
      %dma_start3A_70 = arith.constant 0 : i32
      %dma_start3A_71 = arith.constant 0 : i32
      %dma_start3A_72 = tpu.memref_slice %arg4[%add3A, %run_scoped3A_33, %dma_start3A_70, %dma_start3A_71] : memref<32x2x40x125xi32, #tpu.memory_space<hbm>> -> memref<1x1x40x125xi32, #tpu.memory_space<hbm>>
      %dma_start3A_73 = tpu.memref_squeeze %dma_start3A_72 : memref<1x1x40x125xi32, #tpu.memory_space<hbm>> -> memref<40x125xi32, #tpu.memory_space<hbm>>
      tpu.enqueue_dma source(%dma_start3A_73 : memref<40x125xi32, #tpu.memory_space<hbm>>) target(%arg8 : memref<40x125xi32, #tpu.memory_space<vmem>>) target_semaphore(%run_scoped3A_65 : memref<!tpu.dma_semaphore, #tpu.memory_space<semaphore_mem>>)
      %dma_wait3A = arith.constant 0 : i32
      %dma_wait3A_74 = arith.constant 0 : i32
      %dma_wait3A_75 = tpu.memref_slice %arg4[%add3A, %run_scoped3A_33, %dma_wait3A, %dma_wait3A_74] : memref<32x2x40x125xi32, #tpu.memory_space<hbm>> -> memref<1x1x40x125xi32, #tpu.memory_space<hbm>>
      %dma_wait3A_76 = tpu.memref_squeeze %dma_wait3A_75 : memref<1x1x40x125xi32, #tpu.memory_space<hbm>> -> memref<40x125xi32, #tpu.memory_space<hbm>>
      %dma_wait3A_77 = arith.constant 0 : i32
      %dma_wait3A_78 = arith.constant 0 : i32
      %dma_wait3A_79 = tpu.memref_slice %arg4[%add3A, %run_scoped3A_33, %dma_wait3A_77, %dma_wait3A_78] : memref<32x2x40x125xi32, #tpu.memory_space<hbm>> -> memref<1x1x40x125xi32, #tpu.memory_space<hbm>>
      %dma_wait3A_80 = tpu.memref_squeeze %dma_wait3A_79 : memref<1x1x40x125xi32, #tpu.memory_space<hbm>> -> memref<40x125xi32, #tpu.memory_space<hbm>>
      tpu.wait_dma2 semaphore(%run_scoped3A_65 : memref<!tpu.dma_semaphore, #tpu.memory_space<semaphore_mem>>) src(%dma_wait3A_80 : memref<40x125xi32, #tpu.memory_space<hbm>>) dst(%arg8 : memref<40x125xi32, #tpu.memory_space<vmem>>)
      tpu.yield
    }) : () -> ()
    %dma_start3A_34 = arith.constant 0 : i32
    %dma_start3A_35 = arith.constant 0 : i32
    %dma_start3A_36 = arith.constant 0 : i32
    %dma_start3A_37 = arith.constant 0 : i32
    %dma_start3A_38 = tpu.memref_slice %arg9[%dma_start3A_35, %dma_start3A_36, %dma_start3A_37] : memref<2x125x128xf32, #tpu.memory_space<vmem>> -> memref<1x125x128xf32, #tpu.memory_space<vmem>>
    %dma_start3A_39 = tpu.memref_squeeze %dma_start3A_38 : memref<1x125x128xf32, #tpu.memory_space<vmem>> -> memref<125x128xf32, #tpu.memory_space<vmem>>
    %dma_start3A_40 = arith.constant 0 : i32
    %dma_start3A_41 = tpu.memref_slice %arg7[%dma_start3A_34, %dma_start3A_40] : memref<40x125xi32, #tpu.memory_space<vmem>> -> memref<1x125xi32, #tpu.memory_space<vmem>>
    %dma_start3A_42 = tpu.memref_squeeze %dma_start3A_41 : memref<1x125xi32, #tpu.memory_space<vmem>> -> memref<125xi32, #tpu.memory_space<vmem>>
    %dma_start3A_43 = arith.constant 0 : i32
    %dma_start3A_44 = arith.constant 0 : i32
    %dma_start3A_45 = tpu.memref_slice %arg2[%dma_start3A_43, %dma_start3A_44] : memref<10000x128xf32, #tpu.memory_space<hbm>> -> memref<10000x128xf32, #tpu.memory_space<hbm>>
    tpu.enqueue_indirect_dma source(%dma_start3A_45 : memref<10000x128xf32, #tpu.memory_space<hbm>>) target(%dma_start3A_39 : memref<125x128xf32, #tpu.memory_space<vmem>>) offsets(%dma_start3A_42 : memref<125xi32, #tpu.memory_space<vmem>>) semaphore(%arg11 : memref<!tpu.dma_semaphore, #tpu.memory_space<semaphore_mem>>)
    %dma_start3A_46 = arith.constant 1 : i32
    %dma_start3A_47 = arith.constant 1 : i32
    %dma_start3A_48 = arith.constant 0 : i32
    %dma_start3A_49 = arith.constant 0 : i32
    %dma_start3A_50 = tpu.memref_slice %arg9[%dma_start3A_47, %dma_start3A_48, %dma_start3A_49] : memref<2x125x128xf32, #tpu.memory_space<vmem>> -> memref<1x125x128xf32, #tpu.memory_space<vmem>>
    %dma_start3A_51 = tpu.memref_squeeze %dma_start3A_50 : memref<1x125x128xf32, #tpu.memory_space<vmem>> -> memref<125x128xf32, #tpu.memory_space<vmem>>
    %dma_start3A_52 = arith.constant 0 : i32
    %dma_start3A_53 = tpu.memref_slice %arg7[%dma_start3A_46, %dma_start3A_52] : memref<40x125xi32, #tpu.memory_space<vmem>> -> memref<1x125xi32, #tpu.memory_space<vmem>>
    %dma_start3A_54 = tpu.memref_squeeze %dma_start3A_53 : memref<1x125xi32, #tpu.memory_space<vmem>> -> memref<125xi32, #tpu.memory_space<vmem>>
    %dma_start3A_55 = arith.constant 0 : i32
    %dma_start3A_56 = arith.constant 0 : i32
    %dma_start3A_57 = tpu.memref_slice %arg2[%dma_start3A_55, %dma_start3A_56] : memref<10000x128xf32, #tpu.memory_space<hbm>> -> memref<10000x128xf32, #tpu.memory_space<hbm>>
    tpu.enqueue_indirect_dma source(%dma_start3A_57 : memref<10000x128xf32, #tpu.memory_space<hbm>>) target(%dma_start3A_51 : memref<125x128xf32, #tpu.memory_space<vmem>>) offsets(%dma_start3A_54 : memref<125xi32, #tpu.memory_space<vmem>>) semaphore(%arg12 : memref<!tpu.dma_semaphore, #tpu.memory_space<semaphore_mem>>)
    %scan3A_58 = arith.constant 0 : i32
    %scan3A_59 = arith.constant 0 : i32
    %scan3A_60 = arith.constant 20 : i32
    %scan3A_61 = arith.addi %scan3A_59, %scan3A_60 : i32
    %scan3A_62 = arith.constant 1 : i32
    scf.for %scan3A_65 = %scan3A_59 to %scan3A_61 step %scan3A_62  : i32 {
      %mul3A_66 = arith.constant 2 : i32
      %mul3A_67 = arith.muli %mul3A_66, %scan3A_65 : i32
      %dma_wait3A = arith.constant 0 : i32
      %dma_wait3A_68 = arith.constant 0 : i32
      %dma_wait3A_69 = arith.constant 0 : i32
      %dma_wait3A_70 = tpu.memref_slice %arg9[%dma_wait3A, %dma_wait3A_68, %dma_wait3A_69] : memref<2x125x128xf32, #tpu.memory_space<vmem>> -> memref<1x125x128xf32, #tpu.memory_space<vmem>>
      %dma_wait3A_71 = tpu.memref_squeeze %dma_wait3A_70 : memref<1x125x128xf32, #tpu.memory_space<vmem>> -> memref<125x128xf32, #tpu.memory_space<vmem>>
      %dma_wait3A_72 = arith.constant 0 : i32
      %dma_wait3A_73 = tpu.memref_slice %arg7[%mul3A_67, %dma_wait3A_72] : memref<40x125xi32, #tpu.memory_space<vmem>> -> memref<1x125xi32, #tpu.memory_space<vmem>>
      %dma_wait3A_74 = tpu.memref_squeeze %dma_wait3A_73 : memref<1x125xi32, #tpu.memory_space<vmem>> -> memref<125xi32, #tpu.memory_space<vmem>>
      %dma_wait3A_75 = arith.constant 0 : i32
      %dma_wait3A_76 = arith.constant 0 : i32
      %dma_wait3A_77 = tpu.memref_slice %arg2[%dma_wait3A_75, %dma_wait3A_76] : memref<10000x128xf32, #tpu.memory_space<hbm>> -> memref<10000x128xf32, #tpu.memory_space<hbm>>
      tpu.wait_indirect_dma semaphore(%arg11 : memref<!tpu.dma_semaphore, #tpu.memory_space<semaphore_mem>>) src(%dma_wait3A_77 : memref<10000x128xf32, #tpu.memory_space<hbm>>) dst(%dma_wait3A_71 : memref<125x128xf32, #tpu.memory_space<vmem>>)
      %run_scoped3A_78 = arith.constant 0 : i32
      "tpu.region"() ({
        %run_scoped3A_106 = tpu.sem_alloc : memref<!tpu.dma_semaphore, #tpu.memory_space<semaphore_mem>>
        %dma_start3A_107 = arith.constant 0 : i32
        %dma_start3A_108 = arith.constant 0 : i32
        %dma_start3A_109 = tpu.memref_slice %arg9[%run_scoped3A_78, %dma_start3A_107, %dma_start3A_108] : memref<2x125x128xf32, #tpu.memory_space<vmem>> -> memref<1x125x128xf32, #tpu.memory_space<vmem>>
        %dma_start3A_110 = tpu.memref_squeeze %dma_start3A_109 : memref<1x125x128xf32, #tpu.memory_space<vmem>> -> memref<125x128xf32, #tpu.memory_space<vmem>>
        %dma_start3A_111 = arith.constant 0 : i32
        %dma_start3A_112 = tpu.memref_slice %arg8[%mul3A_67, %dma_start3A_111] : memref<40x125xi32, #tpu.memory_space<vmem>> -> memref<1x125xi32, #tpu.memory_space<vmem>>
        %dma_start3A_113 = tpu.memref_squeeze %dma_start3A_112 : memref<1x125xi32, #tpu.memory_space<vmem>> -> memref<125xi32, #tpu.memory_space<vmem>>
        %dma_start3A_114 = arith.constant 0 : i32
        %dma_start3A_115 = arith.constant 0 : i32
        %dma_start3A_116 = tpu.memref_slice %arg10[%dma_start3A_114, %dma_start3A_115] : memref<10240x128xf32, #tpu.memory_space<vmem_shared>> -> memref<10240x128xf32, #tpu.memory_space<vmem_shared>>
        tpu.enqueue_indirect_dma source(%dma_start3A_110 : memref<125x128xf32, #tpu.memory_space<vmem>>) target(%dma_start3A_116 : memref<10240x128xf32, #tpu.memory_space<vmem_shared>>) offsets(%dma_start3A_113 : memref<125xi32, #tpu.memory_space<vmem>>) semaphore(%run_scoped3A_106 : memref<!tpu.dma_semaphore, #tpu.memory_space<semaphore_mem>>) {add = true}
        %dma_wait3A_117 = arith.constant 0 : i32
        %dma_wait3A_118 = arith.constant 0 : i32
        %dma_wait3A_119 = tpu.memref_slice %arg9[%run_scoped3A_78, %dma_wait3A_117, %dma_wait3A_118] : memref<2x125x128xf32, #tpu.memory_space<vmem>> -> memref<1x125x128xf32, #tpu.memory_space<vmem>>
        %dma_wait3A_120 = tpu.memref_squeeze %dma_wait3A_119 : memref<1x125x128xf32, #tpu.memory_space<vmem>> -> memref<125x128xf32, #tpu.memory_space<vmem>>
        %dma_wait3A_121 = arith.constant 0 : i32
        %dma_wait3A_122 = tpu.memref_slice %arg8[%mul3A_67, %dma_wait3A_121] : memref<40x125xi32, #tpu.memory_space<vmem>> -> memref<1x125xi32, #tpu.memory_space<vmem>>
        %dma_wait3A_123 = tpu.memref_squeeze %dma_wait3A_122 : memref<1x125xi32, #tpu.memory_space<vmem>> -> memref<125xi32, #tpu.memory_space<vmem>>
        %dma_wait3A_124 = arith.constant 0 : i32
        %dma_wait3A_125 = arith.constant 0 : i32
        %dma_wait3A_126 = tpu.memref_slice %arg10[%dma_wait3A_124, %dma_wait3A_125] : memref<10240x128xf32, #tpu.memory_space<vmem_shared>> -> memref<10240x128xf32, #tpu.memory_space<vmem_shared>>
        tpu.wait_indirect_dma semaphore(%run_scoped3A_106 : memref<!tpu.dma_semaphore, #tpu.memory_space<semaphore_mem>>) src(%dma_wait3A_120 : memref<125x128xf32, #tpu.memory_space<vmem>>) dst(%dma_wait3A_126 : memref<10240x128xf32, #tpu.memory_space<vmem_shared>>)
        tpu.yield
      }) : () -> ()
      %add3A_79 = arith.constant 2 : i32
      %add3A_80 = arith.addi %mul3A_67, %add3A_79 : i32
      %lt3A = arith.constant 40 : i32
      %lt3A_81 = arith.cmpi slt, %add3A_80, %lt3A : i32
      %convert_element_type3A = arith.extui %lt3A_81 : i1 to i32
      %cond3A = arith.constant 0 : i32
      %cond3A_82 = arith.cmpi ne, %convert_element_type3A, %cond3A : i32
      scf.if %cond3A_82 {
        %add3A_106 = arith.constant 2 : i32
        %add3A_107 = arith.addi %mul3A_67, %add3A_106 : i32
        %dma_start3A_108 = arith.constant 0 : i32
        %dma_start3A_109 = arith.constant 0 : i32
        %dma_start3A_110 = arith.constant 0 : i32
        %dma_start3A_111 = tpu.memref_slice %arg9[%dma_start3A_108, %dma_start3A_109, %dma_start3A_110] : memref<2x125x128xf32, #tpu.memory_space<vmem>> -> memref<1x125x128xf32, #tpu.memory_space<vmem>>
        %dma_start3A_112 = tpu.memref_squeeze %dma_start3A_111 : memref<1x125x128xf32, #tpu.memory_space<vmem>> -> memref<125x128xf32, #tpu.memory_space<vmem>>
        %dma_start3A_113 = arith.constant 0 : i32
        %dma_start3A_114 = tpu.memref_slice %arg7[%add3A_107, %dma_start3A_113] : memref<40x125xi32, #tpu.memory_space<vmem>> -> memref<1x125xi32, #tpu.memory_space<vmem>>
        %dma_start3A_115 = tpu.memref_squeeze %dma_start3A_114 : memref<1x125xi32, #tpu.memory_space<vmem>> -> memref<125xi32, #tpu.memory_space<vmem>>
        %dma_start3A_116 = arith.constant 0 : i32
        %dma_start3A_117 = arith.constant 0 : i32
        %dma_start3A_118 = tpu.memref_slice %arg2[%dma_start3A_116, %dma_start3A_117] : memref<10000x128xf32, #tpu.memory_space<hbm>> -> memref<10000x128xf32, #tpu.memory_space<hbm>>
        tpu.enqueue_indirect_dma source(%dma_start3A_118 : memref<10000x128xf32, #tpu.memory_space<hbm>>) target(%dma_start3A_112 : memref<125x128xf32, #tpu.memory_space<vmem>>) offsets(%dma_start3A_115 : memref<125xi32, #tpu.memory_space<vmem>>) semaphore(%arg11 : memref<!tpu.dma_semaphore, #tpu.memory_space<semaphore_mem>>)
      } else {
      }
      %add3A_83 = arith.constant 1 : i32
      %add3A_84 = arith.addi %mul3A_67, %add3A_83 : i32
      %dma_wait3A_85 = arith.constant 1 : i32
      %dma_wait3A_86 = arith.constant 0 : i32
      %dma_wait3A_87 = arith.constant 0 : i32
      %dma_wait3A_88 = tpu.memref_slice %arg9[%dma_wait3A_85, %dma_wait3A_86, %dma_wait3A_87] : memref<2x125x128xf32, #tpu.memory_space<vmem>> -> memref<1x125x128xf32, #tpu.memory_space<vmem>>
      %dma_wait3A_89 = tpu.memref_squeeze %dma_wait3A_88 : memref<1x125x128xf32, #tpu.memory_space<vmem>> -> memref<125x128xf32, #tpu.memory_space<vmem>>
      %dma_wait3A_90 = arith.constant 0 : i32
      %dma_wait3A_91 = tpu.memref_slice %arg7[%add3A_84, %dma_wait3A_90] : memref<40x125xi32, #tpu.memory_space<vmem>> -> memref<1x125xi32, #tpu.memory_space<vmem>>
      %dma_wait3A_92 = tpu.memref_squeeze %dma_wait3A_91 : memref<1x125xi32, #tpu.memory_space<vmem>> -> memref<125xi32, #tpu.memory_space<vmem>>
      %dma_wait3A_93 = arith.constant 0 : i32
      %dma_wait3A_94 = arith.constant 0 : i32
      %dma_wait3A_95 = tpu.memref_slice %arg2[%dma_wait3A_93, %dma_wait3A_94] : memref<10000x128xf32, #tpu.memory_space<hbm>> -> memref<10000x128xf32, #tpu.memory_space<hbm>>
      tpu.wait_indirect_dma semaphore(%arg12 : memref<!tpu.dma_semaphore, #tpu.memory_space<semaphore_mem>>) src(%dma_wait3A_95 : memref<10000x128xf32, #tpu.memory_space<hbm>>) dst(%dma_wait3A_89 : memref<125x128xf32, #tpu.memory_space<vmem>>)
      %add3A_96 = arith.constant 1 : i32
      %add3A_97 = arith.addi %mul3A_67, %add3A_96 : i32
      %run_scoped3A_98 = arith.constant 1 : i32
      "tpu.region"() ({
        %run_scoped3A_106 = tpu.sem_alloc : memref<!tpu.dma_semaphore, #tpu.memory_space<semaphore_mem>>
        %dma_start3A_107 = arith.constant 0 : i32
        %dma_start3A_108 = arith.constant 0 : i32
        %dma_start3A_109 = tpu.memref_slice %arg9[%run_scoped3A_98, %dma_start3A_107, %dma_start3A_108] : memref<2x125x128xf32, #tpu.memory_space<vmem>> -> memref<1x125x128xf32, #tpu.memory_space<vmem>>
        %dma_start3A_110 = tpu.memref_squeeze %dma_start3A_109 : memref<1x125x128xf32, #tpu.memory_space<vmem>> -> memref<125x128xf32, #tpu.memory_space<vmem>>
        %dma_start3A_111 = arith.constant 0 : i32
        %dma_start3A_112 = tpu.memref_slice %arg8[%add3A_97, %dma_start3A_111] : memref<40x125xi32, #tpu.memory_space<vmem>> -> memref<1x125xi32, #tpu.memory_space<vmem>>
        %dma_start3A_113 = tpu.memref_squeeze %dma_start3A_112 : memref<1x125xi32, #tpu.memory_space<vmem>> -> memref<125xi32, #tpu.memory_space<vmem>>
        %dma_start3A_114 = arith.constant 0 : i32
        %dma_start3A_115 = arith.constant 0 : i32
        %dma_start3A_116 = tpu.memref_slice %arg10[%dma_start3A_114, %dma_start3A_115] : memref<10240x128xf32, #tpu.memory_space<vmem_shared>> -> memref<10240x128xf32, #tpu.memory_space<vmem_shared>>
        tpu.enqueue_indirect_dma source(%dma_start3A_110 : memref<125x128xf32, #tpu.memory_space<vmem>>) target(%dma_start3A_116 : memref<10240x128xf32, #tpu.memory_space<vmem_shared>>) offsets(%dma_start3A_113 : memref<125xi32, #tpu.memory_space<vmem>>) semaphore(%run_scoped3A_106 : memref<!tpu.dma_semaphore, #tpu.memory_space<semaphore_mem>>) {add = true}
        %dma_wait3A_117 = arith.constant 0 : i32
        %dma_wait3A_118 = arith.constant 0 : i32
        %dma_wait3A_119 = tpu.memref_slice %arg9[%run_scoped3A_98, %dma_wait3A_117, %dma_wait3A_118] : memref<2x125x128xf32, #tpu.memory_space<vmem>> -> memref<1x125x128xf32, #tpu.memory_space<vmem>>
        %dma_wait3A_120 = tpu.memref_squeeze %dma_wait3A_119 : memref<1x125x128xf32, #tpu.memory_space<vmem>> -> memref<125x128xf32, #tpu.memory_space<vmem>>
        %dma_wait3A_121 = arith.constant 0 : i32
        %dma_wait3A_122 = tpu.memref_slice %arg8[%add3A_97, %dma_wait3A_121] : memref<40x125xi32, #tpu.memory_space<vmem>> -> memref<1x125xi32, #tpu.memory_space<vmem>>
        %dma_wait3A_123 = tpu.memref_squeeze %dma_wait3A_122 : memref<1x125xi32, #tpu.memory_space<vmem>> -> memref<125xi32, #tpu.memory_space<vmem>>
        %dma_wait3A_124 = arith.constant 0 : i32
        %dma_wait3A_125 = arith.constant 0 : i32
        %dma_wait3A_126 = tpu.memref_slice %arg10[%dma_wait3A_124, %dma_wait3A_125] : memref<10240x128xf32, #tpu.memory_space<vmem_shared>> -> memref<10240x128xf32, #tpu.memory_space<vmem_shared>>
        tpu.wait_indirect_dma semaphore(%run_scoped3A_106 : memref<!tpu.dma_semaphore, #tpu.memory_space<semaphore_mem>>) src(%dma_wait3A_120 : memref<125x128xf32, #tpu.memory_space<vmem>>) dst(%dma_wait3A_126 : memref<10240x128xf32, #tpu.memory_space<vmem_shared>>)
        tpu.yield
      }) : () -> ()
      %add3A_99 = arith.constant 3 : i32
      %add3A_100 = arith.addi %mul3A_67, %add3A_99 : i32
      %lt3A_101 = arith.constant 40 : i32
      %lt3A_102 = arith.cmpi slt, %add3A_100, %lt3A_101 : i32
      %convert_element_type3A_103 = arith.extui %lt3A_102 : i1 to i32
      %cond3A_104 = arith.constant 0 : i32
      %cond3A_105 = arith.cmpi ne, %convert_element_type3A_103, %cond3A_104 : i32
      scf.if %cond3A_105 {
        %add3A_106 = arith.constant 3 : i32
        %add3A_107 = arith.addi %mul3A_67, %add3A_106 : i32
        %dma_start3A_108 = arith.constant 1 : i32
        %dma_start3A_109 = arith.constant 0 : i32
        %dma_start3A_110 = arith.constant 0 : i32
        %dma_start3A_111 = tpu.memref_slice %arg9[%dma_start3A_108, %dma_start3A_109, %dma_start3A_110] : memref<2x125x128xf32, #tpu.memory_space<vmem>> -> memref<1x125x128xf32, #tpu.memory_space<vmem>>
        %dma_start3A_112 = tpu.memref_squeeze %dma_start3A_111 : memref<1x125x128xf32, #tpu.memory_space<vmem>> -> memref<125x128xf32, #tpu.memory_space<vmem>>
        %dma_start3A_113 = arith.constant 0 : i32
        %dma_start3A_114 = tpu.memref_slice %arg7[%add3A_107, %dma_start3A_113] : memref<40x125xi32, #tpu.memory_space<vmem>> -> memref<1x125xi32, #tpu.memory_space<vmem>>
        %dma_start3A_115 = tpu.memref_squeeze %dma_start3A_114 : memref<1x125xi32, #tpu.memory_space<vmem>> -> memref<125xi32, #tpu.memory_space<vmem>>
        %dma_start3A_116 = arith.constant 0 : i32
        %dma_start3A_117 = arith.constant 0 : i32
        %dma_start3A_118 = tpu.memref_slice %arg2[%dma_start3A_116, %dma_start3A_117] : memref<10000x128xf32, #tpu.memory_space<hbm>> -> memref<10000x128xf32, #tpu.memory_space<hbm>>
        tpu.enqueue_indirect_dma source(%dma_start3A_118 : memref<10000x128xf32, #tpu.memory_space<hbm>>) target(%dma_start3A_112 : memref<125x128xf32, #tpu.memory_space<vmem>>) offsets(%dma_start3A_115 : memref<125xi32, #tpu.memory_space<vmem>>) semaphore(%arg12 : memref<!tpu.dma_semaphore, #tpu.memory_space<semaphore_mem>>)
      } else {
      }
    }
    %scan3A_63 = arith.constant 20 : i32
    %barrier3A_64 = arith.constant 0 : index
    tpu.barrier barrier_id(%barrier3A_64)
    "tpu.region"() ({
      %run_scoped3A_65 = tpu.sem_alloc : memref<!tpu.dma_semaphore, #tpu.memory_space<semaphore_mem>>
      %dma_start3A_66 = arith.constant 0 : i32
      %dma_start3A_67 = tpu.memref_slice %arg6[%arg0, %multiple_of3A, %dma_start3A_66] : memref<2x10240x128xf32, #tpu.memory_space<hbm>> -> memref<1x640x128xf32, #tpu.memory_space<hbm>>
      %dma_start3A_68 = tpu.memref_squeeze %dma_start3A_67 : memref<1x640x128xf32, #tpu.memory_space<hbm>> -> memref<640x128xf32, #tpu.memory_space<hbm>>
      %dma_start3A_69 = arith.constant 0 : i32
      %dma_start3A_70 = tpu.memref_slice %arg10[%multiple_of3A, %dma_start3A_69] : memref<10240x128xf32, #tpu.memory_space<vmem_shared>> -> memref<640x128xf32, #tpu.memory_space<vmem_shared>>
      tpu.enqueue_dma source(%dma_start3A_70 : memref<640x128xf32, #tpu.memory_space<vmem_shared>>) target(%dma_start3A_68 : memref<640x128xf32, #tpu.memory_space<hbm>>) target_semaphore(%run_scoped3A_65 : memref<!tpu.dma_semaphore, #tpu.memory_space<semaphore_mem>>)
      %dma_wait3A = arith.constant 0 : i32
      %dma_wait3A_71 = tpu.memref_slice %arg6[%arg0, %multiple_of3A, %dma_wait3A] : memref<2x10240x128xf32, #tpu.memory_space<hbm>> -> memref<1x640x128xf32, #tpu.memory_space<hbm>>
      %dma_wait3A_72 = tpu.memref_squeeze %dma_wait3A_71 : memref<1x640x128xf32, #tpu.memory_space<hbm>> -> memref<640x128xf32, #tpu.memory_space<hbm>>
      %dma_wait3A_73 = arith.constant 0 : i32
      %dma_wait3A_74 = tpu.memref_slice %arg10[%multiple_of3A, %dma_wait3A_73] : memref<10240x128xf32, #tpu.memory_space<vmem_shared>> -> memref<640x128xf32, #tpu.memory_space<vmem_shared>>
      tpu.wait_dma2 semaphore(%run_scoped3A_65 : memref<!tpu.dma_semaphore, #tpu.memory_space<semaphore_mem>>) src(%dma_wait3A_74 : memref<640x128xf32, #tpu.memory_space<vmem_shared>>) dst(%dma_wait3A_72 : memref<640x128xf32, #tpu.memory_space<hbm>>)
      tpu.yield
    }) : () -> ()
    return
  }
}

module attributes {stable_mosaic.version = 14 : i64} {
  func.func @body(%arg0: i32, %arg1: memref<2x2000x128xf32, #tpu.memory_space<vmem>>, %arg2: memref<2x2000x128xf32, #tpu.memory_space<vmem>>, %arg3: memref<2000x128xf32, #tpu.memory_space<vmem>>, %arg4: memref<1x128xf32, #tpu.memory_space<vmem>>, %arg5: memref<128x128xf32, #tpu.memory_space<vmem>>, %arg6: memref<2000x128xf32, #tpu.memory_space<vmem>>) attributes {dimension_semantics = [#tpu.dimension_semantics<arbitrary>], iteration_bounds = array<i64: 5>, scalar_prefetch = 0 : i64, scratch_operands = 0 : i64, tpu.core_type = #tpu.core_type<tc>, window_params = [{transform_indices = @transform_0, window_bounds = array<i64: 2, 2000, 128>}, {transform_indices = @transform_1, window_bounds = array<i64: 2, 2000, 128>}, {transform_indices = @transform_2, window_bounds = array<i64: 2000, 128>}, {pipeline_mode = #tpu.pipeline_mode<synchronous>, transform_indices = @transform_3, window_bounds = array<i64: 1, 128>}, {pipeline_mode = #tpu.pipeline_mode<synchronous>, transform_indices = @transform_4, window_bounds = array<i64: 128, 128>}, {transform_indices = @transform_5, window_bounds = array<i64: 2000, 128>}]} {
    %get3A = arith.constant 0 : index
    %get3A_0 = arith.constant 0 : index
    %get3A_1 = arith.constant 0 : index
    %get3A_2 = vector.load %arg1[%get3A, %get3A_0, %get3A_1] : memref<2x2000x128xf32, #tpu.memory_space<vmem>>, vector<1x2000x1xf32>
    %get3A_3 = vector.shape_cast %get3A_2 : vector<1x2000x1xf32> to vector<2000x1xf32>
    %get3A_4 = arith.constant 1 : index
    %get3A_5 = arith.constant 0 : index
    %get3A_6 = arith.constant 0 : index
    %get3A_7 = vector.load %arg1[%get3A_4, %get3A_5, %get3A_6] : memref<2x2000x128xf32, #tpu.memory_space<vmem>>, vector<1x2000x1xf32>
    %get3A_8 = vector.shape_cast %get3A_7 : vector<1x2000x1xf32> to vector<2000x1xf32>
    %add3A = arith.addf %get3A_3, %get3A_8 : vector<2000x1xf32>
    %add3A_9 = arith.constant 1.000000e+00 : f32
    %add3A_10 = vector.broadcast %add3A_9 : f32 to vector<2000x1xf32>
    %add3A_11 = arith.addf %add3A, %add3A_10 : vector<2000x1xf32>
    %rsqrt3A = math.rsqrt %add3A_11 : vector<2000x1xf32>
    %get3A_12 = arith.constant 0 : index
    %get3A_13 = arith.constant 0 : index
    %get3A_14 = arith.constant 0 : index
    %get3A_15 = vector.load %arg2[%get3A_12, %get3A_13, %get3A_14] : memref<2x2000x128xf32, #tpu.memory_space<vmem>>, vector<1x2000x128xf32>
    %get3A_16 = vector.shape_cast %get3A_15 : vector<1x2000x128xf32> to vector<2000x128xf32>
    %get3A_17 = arith.constant 1 : index
    %get3A_18 = arith.constant 0 : index
    %get3A_19 = arith.constant 0 : index
    %get3A_20 = vector.load %arg2[%get3A_17, %get3A_18, %get3A_19] : memref<2x2000x128xf32, #tpu.memory_space<vmem>>, vector<1x2000x128xf32>
    %get3A_21 = vector.shape_cast %get3A_20 : vector<1x2000x128xf32> to vector<2000x128xf32>
    %add3A_22 = arith.addf %get3A_16, %get3A_21 : vector<2000x128xf32>
    %get3A_23 = arith.constant 0 : index
    %get3A_24 = arith.constant 0 : index
    %get3A_25 = vector.load %arg3[%get3A_23, %get3A_24] : memref<2000x128xf32, #tpu.memory_space<vmem>>, vector<2000x128xf32>
    %add3A_26 = arith.addf %add3A_22, %get3A_25 : vector<2000x128xf32>
    %mul3A = vector.broadcast %rsqrt3A : vector<2000x1xf32> to vector<2000x128xf32>
    %mul3A_27 = arith.mulf %mul3A, %add3A_26 : vector<2000x128xf32>
    %get3A_28 = arith.constant 0 : index
    %get3A_29 = arith.constant 0 : index
    %get3A_30 = vector.load %arg4[%get3A_28, %get3A_29] : memref<1x128xf32, #tpu.memory_space<vmem>>, vector<1x128xf32>
    %add3A_31 = vector.broadcast %get3A_30 : vector<1x128xf32> to vector<2000x128xf32>
    %add3A_32 = arith.addf %mul3A_27, %add3A_31 : vector<2000x128xf32>
    %max3A = arith.constant 0.000000e+00 : f32
    %max3A_33 = vector.broadcast %max3A : f32 to vector<2000x128xf32>
    %max3A_34 = arith.maximumf %add3A_32, %max3A_33 : vector<2000x128xf32>
    %get3A_35 = arith.constant 0 : index
    %get3A_36 = arith.constant 0 : index
    %get3A_37 = vector.load %arg5[%get3A_35, %get3A_36] : memref<128x128xf32, #tpu.memory_space<vmem>>, vector<128x128xf32>
    %dot_general3A = arith.constant dense<0.000000e+00> : vector<2000x128xf32>
    %dot_general3A_38 = tpu.matmul %max3A_34, %get3A_37, %dot_general3A {dimension_numbers = #tpu.dot_dimension_numbers<[1], [0], [0], [1], [0, 0, 1, 1], [], []>, transpose_lhs_hint = false} : vector<2000x128xf32>, vector<128x128xf32>, vector<2000x128xf32> -> vector<2000x128xf32>
    %mul3A_39 = vector.broadcast %rsqrt3A : vector<2000x1xf32> to vector<2000x128xf32>
    %mul3A_40 = arith.mulf %mul3A_39, %dot_general3A_38 : vector<2000x128xf32>
    %swap3A = arith.constant 0 : index
    %swap3A_41 = arith.constant 0 : index
    %swap3A_42 = vector.load %arg6[%swap3A, %swap3A_41] : memref<2000x128xf32, #tpu.memory_space<vmem>>, vector<2000x128xf32>
    tpu.vector_store %arg6[%swap3A, %swap3A_41], %mul3A_40 {strides = array<i32>} : memref<2000x128xf32, #tpu.memory_space<vmem>>, vector<2000x128xf32>,
    return
  }
  func.func @transform_0(%arg0: i32) -> (i32, i32, i32) {
    %c0_i32 = arith.constant 0 : i32
    %c0_i32_0 = arith.constant 0 : i32
    %c0_i32_1 = arith.constant 0 : i32
    return %c0_i32, %arg0, %c0_i32_0 : i32, i32, i32
  }
  func.func @transform_1(%arg0: i32) -> (i32, i32, i32) {
    %c0_i32 = arith.constant 0 : i32
    %c0_i32_0 = arith.constant 0 : i32
    %c0_i32_1 = arith.constant 0 : i32
    return %c0_i32, %arg0, %c0_i32_0 : i32, i32, i32
  }
  func.func @transform_2(%arg0: i32) -> (i32, i32) {
    %c0_i32 = arith.constant 0 : i32
    %c0_i32_0 = arith.constant 0 : i32
    return %arg0, %c0_i32 : i32, i32
  }
  func.func @transform_3(%arg0: i32) -> (i32, i32) {
    %c0_i32 = arith.constant 0 : i32
    %c0_i32_0 = arith.constant 0 : i32
    %c0_i32_1 = arith.constant 0 : i32
    return %c0_i32, %c0_i32_0 : i32, i32
  }
  func.func @transform_4(%arg0: i32) -> (i32, i32) {
    %c0_i32 = arith.constant 0 : i32
    %c0_i32_0 = arith.constant 0 : i32
    %c0_i32_1 = arith.constant 0 : i32
    return %c0_i32, %c0_i32_0 : i32, i32
  }
  func.func @transform_5(%arg0: i32) -> (i32, i32) {
    %c0_i32 = arith.constant 0 : i32
    %c0_i32_0 = arith.constant 0 : i32
    return %arg0, %c0_i32 : i32, i32
  }
}

module attributes {stable_mosaic.version = 14 : i64} {
  func.func @body(%arg0: i32, %arg1: memref<2x2000x128xf32, #tpu.memory_space<vmem>>, %arg2: memref<2000x128xf32, #tpu.memory_space<vmem>>, %arg3: memref<128x128xf32, #tpu.memory_space<vmem>>, %arg4: memref<2000x128xf32, #tpu.memory_space<vmem>>) attributes {dimension_semantics = [#tpu.dimension_semantics<arbitrary>], iteration_bounds = array<i64: 5>, scalar_prefetch = 0 : i64, scratch_operands = 0 : i64, tpu.core_type = #tpu.core_type<tc>, window_params = [{transform_indices = @transform_0, window_bounds = array<i64: 2, 2000, 128>}, {transform_indices = @transform_1, window_bounds = array<i64: 2000, 128>}, {pipeline_mode = #tpu.pipeline_mode<synchronous>, transform_indices = @transform_2, window_bounds = array<i64: 128, 128>}, {transform_indices = @transform_3, window_bounds = array<i64: 2000, 128>}]} {
    %get3A = arith.constant 0 : index
    %get3A_0 = arith.constant 0 : index
    %get3A_1 = arith.constant 0 : index
    %get3A_2 = vector.load %arg1[%get3A, %get3A_0, %get3A_1] : memref<2x2000x128xf32, #tpu.memory_space<vmem>>, vector<1x2000x1xf32>
    %get3A_3 = vector.shape_cast %get3A_2 : vector<1x2000x1xf32> to vector<2000x1xf32>
    %get3A_4 = arith.constant 1 : index
    %get3A_5 = arith.constant 0 : index
    %get3A_6 = arith.constant 0 : index
    %get3A_7 = vector.load %arg1[%get3A_4, %get3A_5, %get3A_6] : memref<2x2000x128xf32, #tpu.memory_space<vmem>>, vector<1x2000x1xf32>
    %get3A_8 = vector.shape_cast %get3A_7 : vector<1x2000x1xf32> to vector<2000x1xf32>
    %add3A = arith.addf %get3A_3, %get3A_8 : vector<2000x1xf32>
    %add3A_9 = arith.constant 1.000000e+00 : f32
    %add3A_10 = vector.broadcast %add3A_9 : f32 to vector<2000x1xf32>
    %add3A_11 = arith.addf %add3A, %add3A_10 : vector<2000x1xf32>
    %rsqrt3A = math.rsqrt %add3A_11 : vector<2000x1xf32>
    %get3A_12 = arith.constant 0 : index
    %get3A_13 = arith.constant 0 : index
    %get3A_14 = vector.load %arg2[%get3A_12, %get3A_13] : memref<2000x128xf32, #tpu.memory_space<vmem>>, vector<2000x128xf32>
    %get3A_15 = arith.constant 0 : index
    %get3A_16 = arith.constant 0 : index
    %get3A_17 = vector.load %arg3[%get3A_15, %get3A_16] : memref<128x128xf32, #tpu.memory_space<vmem>>, vector<128x128xf32>
    %dot_general3A = arith.constant dense<0.000000e+00> : vector<2000x128xf32>
    %dot_general3A_18 = tpu.matmul %get3A_14, %get3A_17, %dot_general3A {dimension_numbers = #tpu.dot_dimension_numbers<[1], [0], [0], [1], [0, 0, 1, 1], [], []>, transpose_lhs_hint = false} : vector<2000x128xf32>, vector<128x128xf32>, vector<2000x128xf32> -> vector<2000x128xf32>
    %mul3A = vector.broadcast %rsqrt3A : vector<2000x1xf32> to vector<2000x128xf32>
    %mul3A_19 = arith.mulf %mul3A, %dot_general3A_18 : vector<2000x128xf32>
    %swap3A = arith.constant 0 : index
    %swap3A_20 = arith.constant 0 : index
    %swap3A_21 = vector.load %arg4[%swap3A, %swap3A_20] : memref<2000x128xf32, #tpu.memory_space<vmem>>, vector<2000x128xf32>
    tpu.vector_store %arg4[%swap3A, %swap3A_20], %mul3A_19 {strides = array<i32>} : memref<2000x128xf32, #tpu.memory_space<vmem>>, vector<2000x128xf32>,
    return
  }
  func.func @transform_0(%arg0: i32) -> (i32, i32, i32) {
    %c0_i32 = arith.constant 0 : i32
    %c0_i32_0 = arith.constant 0 : i32
    %c0_i32_1 = arith.constant 0 : i32
    return %c0_i32, %arg0, %c0_i32_0 : i32, i32, i32
  }
  func.func @transform_1(%arg0: i32) -> (i32, i32) {
    %c0_i32 = arith.constant 0 : i32
    %c0_i32_0 = arith.constant 0 : i32
    return %arg0, %c0_i32 : i32, i32
  }
  func.func @transform_2(%arg0: i32) -> (i32, i32) {
    %c0_i32 = arith.constant 0 : i32
    %c0_i32_0 = arith.constant 0 : i32
    %c0_i32_1 = arith.constant 0 : i32
    return %c0_i32, %c0_i32_0 : i32, i32
  }
  func.func @transform_3(%arg0: i32) -> (i32, i32) {
    %c0_i32 = arith.constant 0 : i32
    %c0_i32_0 = arith.constant 0 : i32
    return %arg0, %c0_i32 : i32, i32
  }
}

module attributes {stable_mosaic.version = 14 : i64} {
  func.func @body(%arg0: i32, %arg1: memref<2x2000x128xf32, #tpu.memory_space<vmem>>, %arg2: memref<2x2000x128xf32, #tpu.memory_space<vmem>>, %arg3: memref<2000x128xf32, #tpu.memory_space<vmem>>, %arg4: memref<1x128xf32, #tpu.memory_space<vmem>>, %arg5: memref<2000x128xf32, #tpu.memory_space<vmem>>) attributes {dimension_semantics = [#tpu.dimension_semantics<arbitrary>], iteration_bounds = array<i64: 5>, scalar_prefetch = 0 : i64, scratch_operands = 0 : i64, tpu.core_type = #tpu.core_type<tc>, window_params = [{transform_indices = @transform_0, window_bounds = array<i64: 2, 2000, 128>}, {transform_indices = @transform_1, window_bounds = array<i64: 2, 2000, 128>}, {transform_indices = @transform_2, window_bounds = array<i64: 2000, 128>}, {pipeline_mode = #tpu.pipeline_mode<synchronous>, transform_indices = @transform_3, window_bounds = array<i64: 1, 128>}, {transform_indices = @transform_4, window_bounds = array<i64: 2000, 128>}]} {
    %get3A = arith.constant 0 : index
    %get3A_0 = arith.constant 0 : index
    %get3A_1 = arith.constant 0 : index
    %get3A_2 = vector.load %arg1[%get3A, %get3A_0, %get3A_1] : memref<2x2000x128xf32, #tpu.memory_space<vmem>>, vector<1x2000x1xf32>
    %get3A_3 = vector.shape_cast %get3A_2 : vector<1x2000x1xf32> to vector<2000x1xf32>
    %get3A_4 = arith.constant 1 : index
    %get3A_5 = arith.constant 0 : index
    %get3A_6 = arith.constant 0 : index
    %get3A_7 = vector.load %arg1[%get3A_4, %get3A_5, %get3A_6] : memref<2x2000x128xf32, #tpu.memory_space<vmem>>, vector<1x2000x1xf32>
    %get3A_8 = vector.shape_cast %get3A_7 : vector<1x2000x1xf32> to vector<2000x1xf32>
    %add3A = arith.addf %get3A_3, %get3A_8 : vector<2000x1xf32>
    %add3A_9 = arith.constant 1.000000e+00 : f32
    %add3A_10 = vector.broadcast %add3A_9 : f32 to vector<2000x1xf32>
    %add3A_11 = arith.addf %add3A, %add3A_10 : vector<2000x1xf32>
    %rsqrt3A = math.rsqrt %add3A_11 : vector<2000x1xf32>
    %get3A_12 = arith.constant 0 : index
    %get3A_13 = arith.constant 0 : index
    %get3A_14 = arith.constant 0 : index
    %get3A_15 = vector.load %arg2[%get3A_12, %get3A_13, %get3A_14] : memref<2x2000x128xf32, #tpu.memory_space<vmem>>, vector<1x2000x128xf32>
    %get3A_16 = vector.shape_cast %get3A_15 : vector<1x2000x128xf32> to vector<2000x128xf32>
    %get3A_17 = arith.constant 1 : index
    %get3A_18 = arith.constant 0 : index
    %get3A_19 = arith.constant 0 : index
    %get3A_20 = vector.load %arg2[%get3A_17, %get3A_18, %get3A_19] : memref<2x2000x128xf32, #tpu.memory_space<vmem>>, vector<1x2000x128xf32>
    %get3A_21 = vector.shape_cast %get3A_20 : vector<1x2000x128xf32> to vector<2000x128xf32>
    %add3A_22 = arith.addf %get3A_16, %get3A_21 : vector<2000x128xf32>
    %get3A_23 = arith.constant 0 : index
    %get3A_24 = arith.constant 0 : index
    %get3A_25 = vector.load %arg3[%get3A_23, %get3A_24] : memref<2000x128xf32, #tpu.memory_space<vmem>>, vector<2000x128xf32>
    %add3A_26 = arith.addf %add3A_22, %get3A_25 : vector<2000x128xf32>
    %mul3A = vector.broadcast %rsqrt3A : vector<2000x1xf32> to vector<2000x128xf32>
    %mul3A_27 = arith.mulf %mul3A, %add3A_26 : vector<2000x128xf32>
    %get3A_28 = arith.constant 0 : index
    %get3A_29 = arith.constant 0 : index
    %get3A_30 = vector.load %arg4[%get3A_28, %get3A_29] : memref<1x128xf32, #tpu.memory_space<vmem>>, vector<1x128xf32>
    %add3A_31 = vector.broadcast %get3A_30 : vector<1x128xf32> to vector<2000x128xf32>
    %add3A_32 = arith.addf %mul3A_27, %add3A_31 : vector<2000x128xf32>
    %max3A = arith.constant 0.000000e+00 : f32
    %max3A_33 = vector.broadcast %max3A : f32 to vector<2000x128xf32>
    %max3A_34 = arith.maximumf %add3A_32, %max3A_33 : vector<2000x128xf32>
    %swap3A = arith.constant 0 : index
    %swap3A_35 = arith.constant 0 : index
    %swap3A_36 = vector.load %arg5[%swap3A, %swap3A_35] : memref<2000x128xf32, #tpu.memory_space<vmem>>, vector<2000x128xf32>
    tpu.vector_store %arg5[%swap3A, %swap3A_35], %max3A_34 {strides = array<i32>} : memref<2000x128xf32, #tpu.memory_space<vmem>>, vector<2000x128xf32>,
    return
  }
  func.func @transform_0(%arg0: i32) -> (i32, i32, i32) {
    %c0_i32 = arith.constant 0 : i32
    %c0_i32_0 = arith.constant 0 : i32
    %c0_i32_1 = arith.constant 0 : i32
    return %c0_i32, %arg0, %c0_i32_0 : i32, i32, i32
  }
  func.func @transform_1(%arg0: i32) -> (i32, i32, i32) {
    %c0_i32 = arith.constant 0 : i32
    %c0_i32_0 = arith.constant 0 : i32
    %c0_i32_1 = arith.constant 0 : i32
    return %c0_i32, %arg0, %c0_i32_0 : i32, i32, i32
  }
  func.func @transform_2(%arg0: i32) -> (i32, i32) {
    %c0_i32 = arith.constant 0 : i32
    %c0_i32_0 = arith.constant 0 : i32
    return %arg0, %c0_i32 : i32, i32
  }
  func.func @transform_3(%arg0: i32) -> (i32, i32) {
    %c0_i32 = arith.constant 0 : i32
    %c0_i32_0 = arith.constant 0 : i32
    %c0_i32_1 = arith.constant 0 : i32
    return %c0_i32, %c0_i32_0 : i32, i32
  }
  func.func @transform_4(%arg0: i32) -> (i32, i32) {
    %c0_i32 = arith.constant 0 : i32
    %c0_i32_0 = arith.constant 0 : i32
    return %arg0, %c0_i32 : i32, i32
  }
}

</mosaic_0001>

<sc_bundles>
// kernel: kernel.12.cloned.1.call-start
scs
__scs_entry_jumppad:
0x0: {  	(pc) =	sbr.rel $0x88, $3  }
0x1: {  	(tag) =	ssettag $0x0;
	lr =	simm.s32 $0x1  }
0x2: {  	[smem:$0x3F97] =	sst lr;
	_ =	strace $0xD0000000  }
0x3: {  	_ = 	snop  }
0x4: {  	_ = 	snop  }
0x5: {  	_ = 	snop  }
0x6: {  	_ = 	snop  }
0x7: {  	_ = 	snop  }
__scs_overlays_trampoline_lowered:
0x8: {  	[smem:$0x3FA6] =	sst s0  }
0x9: {  	[smem:$0x3FA7] =	sst s1  }
0xa: {  	[smem:$0x3FA8] =	sst s2  }
0xb: {  	[smem:$0x3FA9] =	sst s3  }
0xc: {  	[smem:$0x3FAA] =	sst s4  }
0xd: {  	[smem:$0x3FAB] =	sst s5  }
0xe: {  	[smem:$0x3FAC] =	sst s6  }
0xf: {  	[smem:$0x3FAD] =	sst s7  }
0x10: {  	[smem:$0x3FAE] =	sst s8  }
0x11: {  	[smem:$0x3FAF] =	sst s9;
	s0 =	simm.s32 @!p0 $0x0  }
0x12: {  	s1 =	sld [smem:$0x3F95];
	s0 =	simm.s32 @p0 $0x1  }
0x13: {  	[smem:$0x3FB0] =	sst s0;
	s0 =	simm.s32 @!p1 $0x0  }
0x14: {  	s2 =	sld [smem:$0x3F94];
	s0 =	simm.s32 @p1 $0x1  }
0x15: {  	[smem:$0x3FB1] =	sst s0;
	s0 =	simm.s32 @!p2 $0x0  }
0x16: {  	s3 =	sld [smem:$0x3FDB];
	s0 =	simm.s32 @p2 $0x1  }
0x17: {  	s4 =	simm.s32 $0x1BF5;
	[smem:$0x3FB3] =	sst s0  }
0x18: {  	s0 =	sld [smem:$0x3F96];
	_ =	swait.ge [sflag:s4], $0x0  }
0x19: {  	s7 =	sld [smem:$0x3F97]  }
0x1a: {  	s8 =	sadd.s32 $0xFFFFE003, lr  }
0x1b: {  	s9 =	sadd.s32 $0xFFFFFEF7, lr;
	s5 =	simm.s32 $0xFFFFFFFF;
	p2 =	slt.u32 s8, $0xFFFFF086  }
0x1c: {  	p1 =	slt.u32 s9, $0xF7A;
	s5 =	simm.s32 @!p2 $0x0  }
0x1d: {  	s5 =	simm.s32 @p1 $0x1;
	p0 =	seq.s32 s7, s2  }
0x1e: {  	s7 =	smul.u32 @!p0 $0xF7A, s2;
	p2 =	seq.s32 @!p0 s5, $0x0  }
0x1f: {  	s9 =	smul.u32 $0xF7A, s1;
	s8 =	simm.s32 @!p0 $0x1BF5;
	p2 =	por !p2, p0  }
0x20: {  	[sflag:s8] =	ssyncset.s32 @!p0 $0xFFFFF086;
	s6 =	sadd.s32 @!p0 s3, s7;
	s7 =	simm.s32 @!p0 $0x108  }
0x21: {  	s3 =	sadd.s32 s3, s9;
	s6 =	sadd.s32 @!p0 $0x88, s6;
	s7 =	simm.s32 @p2 $0x1082  }
0x22: {  	[simem:s7], [sflag:s8] =	dma.local @!p0 [hbm:s6], $0xF7A  }
0x23: {  	s9 =	sor.u32 $0xD0000000, s2;
	s6 =	simm.s32 $0x108;
	_ =	swait.ge @!p0 [sflag:s8], $0x0  }
0x24: {  	s3 =	sadd.s32 $0x88, s3;
	s6 =	simm.s32 @!p1 $0x1082;
	[sflag:s4] =	ssyncset.s32 $0xFFFFF086  }
0x25: {  	[simem:s6], [sflag:s4] =	dma.local [hbm:s3], $0xF7A  }
0x26: {  	[smem:$0x3F97] =	sst s1;
	(tag) =	ssettag s2;
	_ =	strace s9  }
0x27: {  	s1 =	sld [smem:$0x3FA7]  }
0x28: {  	s2 =	sld [smem:$0x3FA8]  }
0x29: {  	s4 =	sld [smem:$0x3FAA]  }
0x2a: {  	p0 =	seq.s32 s5, $0x0;
	s5 =	sld [smem:$0x3FAB]  }
0x2b: {  	s6 =	sld [smem:$0x3FAC]  }
0x2c: {  	s7 =	sld [smem:$0x3FAD]  }
0x2d: {  	s3 =	simm.s32 $0x108;
	s8 =	sld [smem:$0x3FAE]  }
0x2e: {  	s3 =	simm.s32 @!p0 $0x1082;
	s9 =	sld [smem:$0x3FAF]  }
0x2f: {  	lr =	sadd.s32 s0, s3;
	s0 =	sld [smem:$0x3FA6]  }
0x30: {  	s3 =	sld [smem:$0x3FA9]  }
0x31: {  	[smem:$0x3FB2] =	sst s10  }
0x32: {  	s10 =	sld [smem:$0x3FB0];
	_ =	sdelay $0x3  }
0x33: {  	p0 =	seq.s32 s10, $0x1;
	s10 =	sld [smem:$0x3FB2];
	_ =	sdelay $0x3  }
0x34: {  	[smem:$0x3FB2] =	sst s10  }
0x35: {  	s10 =	sld [smem:$0x3FB1];
	_ =	sdelay $0x3  }
0x36: {  	p1 =	seq.s32 s10, $0x1;
	s10 =	sld [smem:$0x3FB2];
	_ =	sdelay $0x3  }
0x37: {  	[smem:$0x3FB2] =	sst s10  }
0x38: {  	s10 =	sld [smem:$0x3FB3]  }
0x39: {  	_ = 	snop;
	(pc) =	sbr.ind lr, $3  }
0x3a: {  	_ = 	snop  }
0x3b: {  	_ = 	snop  }
0x3c: {  	p2 =	seq.s32 s10, $0x1;
	s10 =	sld [smem:$0x3FB2]  }
0x3d: {  	_ =	shalt  }
0x3e: {  	_ =	shalt  }
0x3f: {  	_ =	shalt  }
0x40: {  	_ =	shalt  }
0x41: {  	_ =	shalt  }
0x42: {  	_ =	shalt  }
0x43: {  	_ =	shalt  }
0x44: {  	_ =	shalt  }
0x45: {  	_ =	shalt  }
0x46: {  	_ =	shalt  }
0x47: {  	_ =	shalt  }
0x48: {  	_ =	shalt  }
0x49: {  	_ =	shalt  }
0x4a: {  	_ =	shalt  }
0x4b: {  	_ =	shalt  }
0x4c: {  	_ =	shalt  }
0x4d: {  	_ =	shalt  }
0x4e: {  	_ =	shalt  }
0x4f: {  	_ =	shalt  }
0x50: {  	_ =	shalt  }
0x51: {  	_ =	shalt  }
0x52: {  	_ =	shalt  }
0x53: {  	_ =	shalt  }
0x54: {  	_ =	shalt  }
0x55: {  	_ =	shalt  }
0x56: {  	_ =	shalt  }
0x57: {  	_ =	shalt  }
0x58: {  	_ =	shalt  }
0x59: {  	_ =	shalt  }
0x5a: {  	_ =	shalt  }
0x5b: {  	_ =	shalt  }
0x5c: {  	_ =	shalt  }
0x5d: {  	_ =	shalt  }
0x5e: {  	_ =	shalt  }
0x5f: {  	_ =	shalt  }
0x60: {  	_ =	shalt  }
0x61: {  	_ =	shalt  }
0x62: {  	_ =	shalt  }
0x63: {  	_ =	shalt  }
0x64: {  	_ =	shalt  }
0x65: {  	_ =	shalt  }
0x66: {  	_ =	shalt  }
0x67: {  	_ =	shalt  }
0x68: {  	_ =	shalt  }
0x69: {  	_ =	shalt  }
0x6a: {  	_ =	shalt  }
0x6b: {  	_ =	shalt  }
0x6c: {  	_ =	shalt  }
0x6d: {  	_ =	shalt  }
0x6e: {  	_ =	shalt  }
0x6f: {  	_ =	shalt  }
0x70: {  	_ =	shalt  }
0x71: {  	_ =	shalt  }
0x72: {  	_ =	shalt  }
0x73: {  	_ =	shalt  }
0x74: {  	_ =	shalt  }
0x75: {  	_ =	shalt  }
0x76: {  	_ =	shalt  }
0x77: {  	_ =	shalt  }
0x78: {  	_ =	shalt  }
0x79: {  	_ =	shalt  }
0x7a: {  	_ =	shalt  }
0x7b: {  	_ =	shalt  }
0x7c: {  	_ =	shalt  }
0x7d: {  	_ =	shalt  }
0x7e: {  	_ =	shalt  }
0x7f: {  	_ =	shalt  }
0x80: {  	_ =	shalt  }
0x81: {  	_ =	shalt  }
0x82: {  	_ =	shalt  }
0x83: {  	_ =	shalt  }
0x84: {  	_ =	shalt  }
0x85: {  	_ =	shalt  }
0x86: {  	_ =	shalt  }
0x87: {  	_ =	shalt  }
.Lfunc_end0:
.L_simem_size_0:
called_computation_lowered:
.L_overlay_start_0:
0x88: {  	s2 =	sld [smem:$0x3FD9]  }
0x89: {  	s3 =	sld [smem:$0x3FFE];
	_ =	sdelay $0x1  }
0x8a: {  	s1 =	srdreg.scid  }
0x8b: {  	s0 =	sand.u32 $0x1, s1  }
0x8c: {  	s17 =	sshll.u32 s0, $0xA;
	s2 =	sadd.s32 s3, s2  }
0x8d: {  	s2 =	sadd.s32 s2, s17  }
0x8e: {  	[smem:$0x3FBE] =	sst s2  }
0x8f: {  	_ = 	snop  }
0x90: {  	s2 =	sld [smem:$0x3FD0];
	(tm) =	ssettm $0x1  }
0x91: {  	s18 =	sld [smem:$0x3FFB];
	_ =	sdelay $0x3  }
0x92: {  	_ =	strace s18  }
0x93: {  	s3 =	sld [smem:$0x3FFC];
	_ =	sdelay $0x3  }
0x94: {  	_ =	strace s3  }
0x95: {  	s3 =	sld [smem:$0x3FFD];
	_ =	sdelay $0x3  }
0x96: {  	_ =	strace s3  }
0x97: {  	_ =	strace $0x8FFFFFFF  }
0x98: {  	s19 =	sld [smem:$0x3FDB];
	_ =	sdelay $0x1  }
0x99: {  	s4 =	simm.s32 $_scs_section_size  }
0x9a: {  	s5 =	simm.s32 $_size__tile_overlayer_lowered;
	s6 =	simm.s32 $_tile_overlayer_lowered  }
0x9b: {  	s22 =	simm.s32 $0x1BFF;
	s21 =	sshll.u32 s6, $0x1;
	s3 =	sadd.s32 s4, s19  }
0x9c: {  	s7 =	simm.s32 $0x0;
	s20 =	sshll.u32 s5, $0x1;
	s5 =	sadd.s32 s21, s3  }
0x9d: {  	[timem:s7], [sflag:s22] =	dma.local [hbm:s5], s20  }
0x9e: {  	_ =	swait.ge [sflag:s22], s20  }
0x9f: {  	s4 =	ssub.s32 $0x0, s20;
	[sflag:s22] =	ssyncset.done $0x0  }
0xa0: {  	[sflag:s22] =	ssyncadd.s32 s4;
	_ =	sdelay $0x1  }
0xa1: {  	s23 =	simm.s32 $0x1B8B  }
0xa2: {  	_ =	swait.ge [sflag:s23], $0x1  }
0xa3: {  	[sflag:s23] =	ssyncset.done $0x0  }
0xa4: {  	s25 =	simm.s32 $0x1B8E;
	s24 =	sld [smem:$0x3FFE];
	[sflag:s23] =	ssyncadd.s32 $0xFFFFFFFF  }
0xa5: {  	s26 =	simm.s32 $execute0_lowered;
	[smem:$0x3FD2] =	sst s25  }
0xa6: {  	s5 =	sshll.u32 s26, $0x1;
	_ =	strace $0x80000046;
	[dreg:$0x1] =	wrdreg $0xFFFFFFFF  }
0xa7: {  	s28 =	simm.s32 $_size_execute0_lowered;
	s3 =	sadd.s32 s3, s5;
	[dreg:$0x0] =	wrdreg $0x0  }
0xa8: {  	s5 =	sshll.u32 s28, $0x1;
	[dreg:$0x2] =	wrdreg s3  }
0xa9: {  	[dreg:$0x3] =	wrdreg s5  }
0xaa: {  	[dreg:$0x4] =	wrdreg $0xC0  }
0xab: {  	_ =	task [dreg:s7], $0x5FFFF  }
0xac: {  	[dreg:$0x1] =	wrdreg $0xFFFFFFFF  }
0xad: {  	[dreg:$0x0] =	wrdreg $0x60  }
0xae: {  	[dreg:$0x2] =	wrdreg s24  }
0xaf: {  	[dreg:$0x3] =	wrdreg s2  }
0xb0: {  	[dreg:$0x4] =	wrdreg $0x54000  }
0xb1: {  	[dreg:$0x5] =	wrdreg $0x9  }
0xb2: {  	_ =	task.clear_ibuf [dreg:s7], $0x6FFFF;
	_ =	strace $0x90000046  }
0xb3: {  	s29 =	simm.s32 $0x9;
	_ =	strace $0x80000048  }
0xb4: {  	_ =	swait.ge [sflag:s29], $0x1  }
0xb5: {  	[sflag:s29] =	ssyncadd.s32 $0xFFFFFFFF  }
0xb6: {  	_ =	strace $0x90000048  }
0xb7: {  	_ =	sfence  }
0xb8: {  	s30 =	sld [smem:$0x0];
	_ =	sdelay $0x2  }
0xb9: {  	s31 =	sshll.u32 s1, $0xD;
	s1 =	sshrl.u32 s1, $0x2  }
0xba: {  	s3 =	sand.u32 $0x4000, s31;
	s1 =	sadd.s32 s1, s30  }
0xbb: {  	s0 =	sor.u32 s3, s0;
	s1 =	sshll.u32 s1, $0x11  }
0xbc: {  	s0 =	sor.u32 s1, s0  }
0xbd: {  	s0 =	sadd.s32 $0x8F2B, s0  }
0xbe: {  	[sflag:s0] =	ssyncadd.remote.s32 $0x1  }
0xbf: {  	_ =	sfence.sel $0xFFFF  }
0xc0: {  	[dreg:$0x0] =	wrdreg $0xFFFFFFFF;
	(pc) =	sbr.abs _section_cstart, $3  }
0xc1: {  	[dreg:$0x1] =	wrdreg $0xFFFFFFFF  }
0xc2: {  	_ =	task.clear_ibuf [dreg:s7], $0x2FFFF;
	_ =	strace $0x9FFFFFFF  }
0xc3: {  	(tm) =	ssettm $0x7FFFFFFF  }
tec
execute0_lowered:
.L_overlay_start_1:
0x0: {  	(tag) =	ssettag $0x1  }
0x1: {  	s5 =	rddreg [dreg:$0x0]  }
0x2: {  	s2 =	rddreg [dreg:$0x1]  }
0x3: {  	s0 =	srdreg.scid;
	s3 =	rddreg [dreg:$0x2]  }
0x4: {  	s4 =	simm.s32 $0x0;
	s6 =	sand.u32 $0x1, s0;
	s0 =	stileid.u32  }
0x5: {  	s14 =	simm.s32 $0x7D;
	s15 =	simm.s32 $0x0;
	s8 =	smul.u32 $0x14000, s0  }
0x6: {  	[smem:$0x7FF] =	sst s4;
	s1 =	sshll.u32 s6, $0x4;
	s9 =	smul.u32 $0x140000, s6  }
0x7: {  	s11 =	smul.u32 $0x50000, s0;
	s6 =	ssub.s32 $0x2, s6;
	s12 =	sshll.u32 s0, $0x6  }
0x8: {  	s7 =	sor.u32 s0, s1;
	s1 =	rddreg [dreg:$0x3];
	_ =	strace $0x80000047  }
0x9: {  	s31 =	sshrl.u32 s6, $0x1;
	s12 =	sor.u32 $0x1C01, s12;
	s7 =	smul.u32 $0x2800, s7  }
0xa: {  	s10 =	sshrl.u32 s8, $0x3;
	s8 =	sadd.s32 s8, s9;
	s11 =	sshrl.u32 s11, $0x2  }
0xb: {  	s9 =	ssub.s32 s6, s31;
	s10 =	sadd.s32 s10, s5;
	s8 =	sshrl.u32 s8, $0x3  }
0xc: {  	s13 =	sadd.s32 s11, s3;
	s9 =	smax.u32 s9, $0x1;
	s11 =	simm.s32 $0x1  }
0xd: {  	s7 =	sshrl.u32 s7, $0x3;
	s8 =	sadd.s32 s8, s5;
	s13 =	sshrl.u32 s13, $0x3  }
0xe: {  	s7 =	sadd.s32 s7, s5;
	s5 =	sadd.s32 $0xD600, s10;
	s8 =	sadd.s32 $0x35600, s8  }
0xf: {  	s10 =	simm.s32 $0x1400;
	s6 =	sadd.s32 $0x3600, s7;
	s7 =	sadd.s32 $0x3880, s7  }
.LBB2_1:
0x10: {  	[tilespmem:s10], [sflag:$0x1] =	stream.linear.gather [hbm4b:s2+s4], $0x3E80, $0x38;
	[tilespmem:$0x19400] =	vst v63  }
0x11: {  	_ =	swait.ge [sflag:s11], $0x3E80  }
0x12: {  	[sflag:s11] =	ssyncset.done $0x0  }
0x13: {  	[sflag:s11] =	ssyncadd.s32 $0xFFFFC180  }
0x14: {  	[spmem:s13], [sflag:s12] =	dma.local [hbm:s5], $0x2800  }
0x15: {  	_ =	swait.ge [sflag:s11], $0x2800  }
0x16: {  	[sflag:s11] =	ssyncset.done $0x0  }
0x17: {  	[sflag:s11] =	ssyncadd.s32 $0xFFFFD800  }
0x18: {  	[bflag:$0x0] =	sbarrier.arrive $0xFFFF  }
0x19: {  	[tilespmem:s4], [sflag:$0x1] =	stream.linear.gather [hbm4b:s6+s4], $0x1400, $0x38;
	[tilespmem:$0x19400] =	vst v63  }
0x1a: {  	_ =	swait.ge [sflag:s11], $0x1400  }
0x1b: {  	[sflag:s11] =	ssyncset.done $0x0  }
0x1c: {  	s16 =	simm.s32 $0x0;
	[sflag:s11] =	ssyncadd.s32 $0xFFFFEC00  }
0x1d: {  	[spmem:s3] =	stream.indirect.scatter.add.f32 [tilespmem:s10], [sflag:$0x1], $0x80, s16, s14, $0xb8;
	[tilespmem:$0x19400] =	vst v63  }
0x1e: {  	_ =	swait.ge [sflag:s11], $0x3E80  }
0x1f: {  	s16 =	simm.s32 $0x200;
	[sflag:s11] =	ssyncset.done $0x0  }
.LBB2_2:
0x20: {  	s17 =	sshra.s32 s16, $0x2;
	[sflag:s11] =	ssyncadd.s32 $0xFFFFC180;
	p0 =	sne.s32 s16, $0x4E00  }
0x21: {  	[spmem:s3] =	stream.indirect.scatter.add.f32 [tilespmem:s10], [sflag:$0x1], $0x80, s17, s14, $0xb8;
	[tilespmem:$0x19400] =	vst v63  }
.Ltmp0:
0x22: {  	_ = 	snop;
	(pc) =	sbr.rel @p0 .LBB2_2-.Ltmp0, $4  }
0x23: {  	_ = 	snop  }
0x24: {  	s16 =	sadd.s32 $0x200, s16  }
0x25: {  	_ =	swait.ge [sflag:s11], $0x3E80  }
0x26: {  	[sflag:s11] =	ssyncset.done $0x0  }
0x27: {  	[sflag:s11] =	ssyncadd.s32 $0xFFFFC180;
	s16 =	simm.s32 $0x0  }
0x28: {  	[tilespmem:s16], [sflag:$0x1] =	stream.linear.gather [hbm4b:s7+s16], $0x1400, $0x38;
	[tilespmem:$0x19400] =	vst v63  }
0x29: {  	_ =	swait.ge [sflag:s11], $0x1400  }
0x2a: {  	[sflag:s11] =	ssyncset.done $0x0  }
0x2b: {  	s31 =	simm.s32 $0x0;
	[sflag:s11] =	ssyncadd.s32 $0xFFFFEC00  }
0x2c: {  	[spmem:s3] =	stream.indirect.scatter.add.f32 [tilespmem:s10], [sflag:$0x1], $0x80, s31, s14, $0xb8;
	[tilespmem:$0x19400] =	vst v63  }
0x2d: {  	_ =	swait.ge [sflag:s11], $0x3E80  }
0x2e: {  	s16 =	simm.s32 $0x200;
	[sflag:s11] =	ssyncset.done $0x0  }
.LBB2_4:
0x2f: {  	s17 =	sshra.s32 s16, $0x2;
	[sflag:s11] =	ssyncadd.s32 $0xFFFFC180;
	p0 =	sne.s32 s16, $0x4E00  }
0x30: {  	[spmem:s3] =	stream.indirect.scatter.add.f32 [tilespmem:s10], [sflag:$0x1], $0x80, s17, s14, $0xb8;
	[tilespmem:$0x19400] =	vst v63  }
.Ltmp1:
0x31: {  	_ = 	snop;
	(pc) =	sbr.rel @p0 .LBB2_4-.Ltmp1, $4  }
0x32: {  	_ = 	snop  }
0x33: {  	s16 =	sadd.s32 $0x200, s16  }
0x34: {  	_ =	swait.ge [sflag:s11], $0x3E80  }
0x35: {  	[sflag:s11] =	ssyncset.done $0x0  }
0x36: {  	s15 =	sadd.s32 $0x1, s15  }
0x37: {  	[sflag:s11] =	ssyncadd.s32 $0xFFFFC180;
	p0 =	sne.s32 s15, s9  }
.Ltmp2:
0x38: {  	[bflag:$0x0] =	sbarrier.arrive $0xFFFF;
	(pc) =	sbr.rel @p0 .LBB2_1-.Ltmp2, $4  }
0x39: {  	[hbm:s8], [sflag:s12] =	dma.local [spmem:s13], $0x2800  }
0x3a: {  	_ =	swait.ge [sflag:s11], $0x2800  }
0x3b: {  	[sflag:s11] =	ssyncset.done $0x0  }
0x3c: {  	[sflag:s11] =	ssyncadd.s32 $0xFFFFD800  }
0x3d: {  	_ =	sfence.sel $0x180000  }
0x3e: {  	[bflag:$0x0] =	sbarrier.arrive $0xFFFF  }
0x3f: {  	p0 =	sne.s32 s0, $0x0;
	_ =	strace $0x90000047  }
0x40: {  	s0 =	sadd.s32 @!p0 $0x100000, s1;
	[bflag:$0x2] =	sbarrier.arrive $0xFFFF  }
0x41: {  	[sflag:s0] =	ssyncadd.tile.s32 @!p0 $0x1;
	_ =	shalt  }
.Lfunc_end2:
_tile_overlayer_lowered:
.L_overlay_start_2:
0x42: {  	(tag) =	ssettag $0x2  }
0x43: {  	s0 =	rddreg [dreg:$0x0];
	s2 =	stileid.u32  }
0x44: {  	s1 =	rddreg [dreg:$0x1];
	p0 =	sne.s32 s2, $0x0  }
0x45: {  	s3 =	rddreg [dreg:$0x2];
	[bflag:$0x3] =	sbarrier.arrive $0xFFFF;
	s2 =	simm.s32 @!p0 $0x1C01  }
0x46: {  	[timem:s3], [sflag:s2] =	dma.local @!p0 [hbm:s0], s1  }
0x47: {  	s0 =	simm.s32 @!p0 $0x1  }
0x48: {  	_ =	swait.ge @!p0 [sflag:s0], s1  }
0x49: {  	s1 =	ssub.s32 @!p0 $0x0, s1;
	[sflag:s0] =	ssyncset.done @!p0 $0x0  }
0x4a: {  	[sflag:s0] =	ssyncadd.s32 @!p0 s1  }
0x4b: {  	[bflag:$0x3] =	sbarrier.arrive $0xFFFF  }
0x4c: {  	_ =	shalt  }

// kernel: kernel.15.cloned.1.call-start
scs
__scs_entry_jumppad:
0x0: {  	(pc) =	sbr.rel $0x88, $3  }
0x1: {  	(tag) =	ssettag $0x0;
	lr =	simm.s32 $0x1  }
0x2: {  	[smem:$0x3F97] =	sst lr;
	_ =	strace $0xD0000000  }
0x3: {  	_ = 	snop  }
0x4: {  	_ = 	snop  }
0x5: {  	_ = 	snop  }
0x6: {  	_ = 	snop  }
0x7: {  	_ = 	snop  }
__scs_overlays_trampoline_lowered:
0x8: {  	[smem:$0x3FA6] =	sst s0  }
0x9: {  	[smem:$0x3FA7] =	sst s1  }
0xa: {  	[smem:$0x3FA8] =	sst s2  }
0xb: {  	[smem:$0x3FA9] =	sst s3  }
0xc: {  	[smem:$0x3FAA] =	sst s4  }
0xd: {  	[smem:$0x3FAB] =	sst s5  }
0xe: {  	[smem:$0x3FAC] =	sst s6  }
0xf: {  	[smem:$0x3FAD] =	sst s7  }
0x10: {  	[smem:$0x3FAE] =	sst s8  }
0x11: {  	[smem:$0x3FAF] =	sst s9;
	s0 =	simm.s32 @!p0 $0x0  }
0x12: {  	s1 =	sld [smem:$0x3F95];
	s0 =	simm.s32 @p0 $0x1  }
0x13: {  	[smem:$0x3FB0] =	sst s0;
	s0 =	simm.s32 @!p1 $0x0  }
0x14: {  	s2 =	sld [smem:$0x3F94];
	s0 =	simm.s32 @p1 $0x1  }
0x15: {  	[smem:$0x3FB1] =	sst s0;
	s0 =	simm.s32 @!p2 $0x0  }
0x16: {  	s3 =	sld [smem:$0x3FDB];
	s0 =	simm.s32 @p2 $0x1  }
0x17: {  	s4 =	simm.s32 $0x1BF5;
	[smem:$0x3FB3] =	sst s0  }
0x18: {  	s0 =	sld [smem:$0x3F96];
	_ =	swait.ge [sflag:s4], $0x0  }
0x19: {  	s7 =	sld [smem:$0x3F97]  }
0x1a: {  	s8 =	sadd.s32 $0xFFFFE003, lr  }
0x1b: {  	s9 =	sadd.s32 $0xFFFFFEF7, lr;
	s5 =	simm.s32 $0xFFFFFFFF;
	p2 =	slt.u32 s8, $0xFFFFF086  }
0x1c: {  	p1 =	slt.u32 s9, $0xF7A;
	s5 =	simm.s32 @!p2 $0x0  }
0x1d: {  	s5 =	simm.s32 @p1 $0x1;
	p0 =	seq.s32 s7, s2  }
0x1e: {  	s7 =	smul.u32 @!p0 $0xF7A, s2;
	p2 =	seq.s32 @!p0 s5, $0x0  }
0x1f: {  	s9 =	smul.u32 $0xF7A, s1;
	s8 =	simm.s32 @!p0 $0x1BF5;
	p2 =	por !p2, p0  }
0x20: {  	[sflag:s8] =	ssyncset.s32 @!p0 $0xFFFFF086;
	s6 =	sadd.s32 @!p0 s3, s7;
	s7 =	simm.s32 @!p0 $0x108  }
0x21: {  	s3 =	sadd.s32 s3, s9;
	s6 =	sadd.s32 @!p0 $0x88, s6;
	s7 =	simm.s32 @p2 $0x1082  }
0x22: {  	[simem:s7], [sflag:s8] =	dma.local @!p0 [hbm:s6], $0xF7A  }
0x23: {  	s9 =	sor.u32 $0xD0000000, s2;
	s6 =	simm.s32 $0x108;
	_ =	swait.ge @!p0 [sflag:s8], $0x0  }
0x24: {  	s3 =	sadd.s32 $0x88, s3;
	s6 =	simm.s32 @!p1 $0x1082;
	[sflag:s4] =	ssyncset.s32 $0xFFFFF086  }
0x25: {  	[simem:s6], [sflag:s4] =	dma.local [hbm:s3], $0xF7A  }
0x26: {  	[smem:$0x3F97] =	sst s1;
	(tag) =	ssettag s2;
	_ =	strace s9  }
0x27: {  	s1 =	sld [smem:$0x3FA7]  }
0x28: {  	s2 =	sld [smem:$0x3FA8]  }
0x29: {  	s4 =	sld [smem:$0x3FAA]  }
0x2a: {  	p0 =	seq.s32 s5, $0x0;
	s5 =	sld [smem:$0x3FAB]  }
0x2b: {  	s6 =	sld [smem:$0x3FAC]  }
0x2c: {  	s7 =	sld [smem:$0x3FAD]  }
0x2d: {  	s3 =	simm.s32 $0x108;
	s8 =	sld [smem:$0x3FAE]  }
0x2e: {  	s3 =	simm.s32 @!p0 $0x1082;
	s9 =	sld [smem:$0x3FAF]  }
0x2f: {  	lr =	sadd.s32 s0, s3;
	s0 =	sld [smem:$0x3FA6]  }
0x30: {  	s3 =	sld [smem:$0x3FA9]  }
0x31: {  	[smem:$0x3FB2] =	sst s10  }
0x32: {  	s10 =	sld [smem:$0x3FB0];
	_ =	sdelay $0x3  }
0x33: {  	p0 =	seq.s32 s10, $0x1;
	s10 =	sld [smem:$0x3FB2];
	_ =	sdelay $0x3  }
0x34: {  	[smem:$0x3FB2] =	sst s10  }
0x35: {  	s10 =	sld [smem:$0x3FB1];
	_ =	sdelay $0x3  }
0x36: {  	p1 =	seq.s32 s10, $0x1;
	s10 =	sld [smem:$0x3FB2];
	_ =	sdelay $0x3  }
0x37: {  	[smem:$0x3FB2] =	sst s10  }
0x38: {  	s10 =	sld [smem:$0x3FB3]  }
0x39: {  	_ = 	snop;
	(pc) =	sbr.ind lr, $3  }
0x3a: {  	_ = 	snop  }
0x3b: {  	_ = 	snop  }
0x3c: {  	p2 =	seq.s32 s10, $0x1;
	s10 =	sld [smem:$0x3FB2]  }
0x3d: {  	_ =	shalt  }
0x3e: {  	_ =	shalt  }
0x3f: {  	_ =	shalt  }
0x40: {  	_ =	shalt  }
0x41: {  	_ =	shalt  }
0x42: {  	_ =	shalt  }
0x43: {  	_ =	shalt  }
0x44: {  	_ =	shalt  }
0x45: {  	_ =	shalt  }
0x46: {  	_ =	shalt  }
0x47: {  	_ =	shalt  }
0x48: {  	_ =	shalt  }
0x49: {  	_ =	shalt  }
0x4a: {  	_ =	shalt  }
0x4b: {  	_ =	shalt  }
0x4c: {  	_ =	shalt  }
0x4d: {  	_ =	shalt  }
0x4e: {  	_ =	shalt  }
0x4f: {  	_ =	shalt  }
0x50: {  	_ =	shalt  }
0x51: {  	_ =	shalt  }
0x52: {  	_ =	shalt  }
0x53: {  	_ =	shalt  }
0x54: {  	_ =	shalt  }
0x55: {  	_ =	shalt  }
0x56: {  	_ =	shalt  }
0x57: {  	_ =	shalt  }
0x58: {  	_ =	shalt  }
0x59: {  	_ =	shalt  }
0x5a: {  	_ =	shalt  }
0x5b: {  	_ =	shalt  }
0x5c: {  	_ =	shalt  }
0x5d: {  	_ =	shalt  }
0x5e: {  	_ =	shalt  }
0x5f: {  	_ =	shalt  }
0x60: {  	_ =	shalt  }
0x61: {  	_ =	shalt  }
0x62: {  	_ =	shalt  }
0x63: {  	_ =	shalt  }
0x64: {  	_ =	shalt  }
0x65: {  	_ =	shalt  }
0x66: {  	_ =	shalt  }
0x67: {  	_ =	shalt  }
0x68: {  	_ =	shalt  }
0x69: {  	_ =	shalt  }
0x6a: {  	_ =	shalt  }
0x6b: {  	_ =	shalt  }
0x6c: {  	_ =	shalt  }
0x6d: {  	_ =	shalt  }
0x6e: {  	_ =	shalt  }
0x6f: {  	_ =	shalt  }
0x70: {  	_ =	shalt  }
0x71: {  	_ =	shalt  }
0x72: {  	_ =	shalt  }
0x73: {  	_ =	shalt  }
0x74: {  	_ =	shalt  }
0x75: {  	_ =	shalt  }
0x76: {  	_ =	shalt  }
0x77: {  	_ =	shalt  }
0x78: {  	_ =	shalt  }
0x79: {  	_ =	shalt  }
0x7a: {  	_ =	shalt  }
0x7b: {  	_ =	shalt  }
0x7c: {  	_ =	shalt  }
0x7d: {  	_ =	shalt  }
0x7e: {  	_ =	shalt  }
0x7f: {  	_ =	shalt  }
0x80: {  	_ =	shalt  }
0x81: {  	_ =	shalt  }
0x82: {  	_ =	shalt  }
0x83: {  	_ =	shalt  }
0x84: {  	_ =	shalt  }
0x85: {  	_ =	shalt  }
0x86: {  	_ =	shalt  }
0x87: {  	_ =	shalt  }
.Lfunc_end0:
.L_simem_size_0:
called_computation.1_lowered:
.L_overlay_start_0:
0x88: {  	s2 =	sld [smem:$0x3FD9]  }
0x89: {  	s3 =	sld [smem:$0x3FFE];
	_ =	sdelay $0x1  }
0x8a: {  	s1 =	srdreg.scid  }
0x8b: {  	s0 =	sand.u32 $0x1, s1  }
0x8c: {  	s17 =	sshll.u32 s0, $0xA;
	s2 =	sadd.s32 s3, s2  }
0x8d: {  	s2 =	sadd.s32 s2, s17  }
0x8e: {  	[smem:$0x3FBE] =	sst s2  }
0x8f: {  	_ = 	snop  }
0x90: {  	s2 =	sld [smem:$0x3FD0];
	(tm) =	ssettm $0x1  }
0x91: {  	s18 =	sld [smem:$0x3FFB];
	_ =	sdelay $0x3  }
0x92: {  	_ =	strace s18  }
0x93: {  	s3 =	sld [smem:$0x3FFC];
	_ =	sdelay $0x3  }
0x94: {  	_ =	strace s3  }
0x95: {  	s3 =	sld [smem:$0x3FFD];
	_ =	sdelay $0x3  }
0x96: {  	_ =	strace s3  }
0x97: {  	_ =	strace $0x8FFFFFFF  }
0x98: {  	s19 =	sld [smem:$0x3FDB];
	_ =	sdelay $0x1  }
0x99: {  	s4 =	simm.s32 $_scs_section_size  }
0x9a: {  	s5 =	simm.s32 $_size__tile_overlayer_lowered;
	s6 =	simm.s32 $_tile_overlayer_lowered  }
0x9b: {  	s22 =	simm.s32 $0x1BFF;
	s21 =	sshll.u32 s6, $0x1;
	s3 =	sadd.s32 s4, s19  }
0x9c: {  	s7 =	simm.s32 $0x0;
	s20 =	sshll.u32 s5, $0x1;
	s5 =	sadd.s32 s21, s3  }
0x9d: {  	[timem:s7], [sflag:s22] =	dma.local [hbm:s5], s20  }
0x9e: {  	_ =	swait.ge [sflag:s22], s20  }
0x9f: {  	s4 =	ssub.s32 $0x0, s20;
	[sflag:s22] =	ssyncset.done $0x0  }
0xa0: {  	[sflag:s22] =	ssyncadd.s32 s4;
	_ =	sdelay $0x1  }
0xa1: {  	s23 =	simm.s32 $0x1B8B  }
0xa2: {  	_ =	swait.ge [sflag:s23], $0x1  }
0xa3: {  	[sflag:s23] =	ssyncset.done $0x0  }
0xa4: {  	s25 =	simm.s32 $0x1B8E;
	s24 =	sld [smem:$0x3FFE];
	[sflag:s23] =	ssyncadd.s32 $0xFFFFFFFF  }
0xa5: {  	s26 =	simm.s32 $execute0_lowered;
	[smem:$0x3FD2] =	sst s25  }
0xa6: {  	s5 =	sshll.u32 s26, $0x1;
	_ =	strace $0x80000049;
	[dreg:$0x1] =	wrdreg $0xFFFFFFFF  }
0xa7: {  	s28 =	simm.s32 $_size_execute0_lowered;
	s3 =	sadd.s32 s3, s5;
	[dreg:$0x0] =	wrdreg $0x0  }
0xa8: {  	s5 =	sshll.u32 s28, $0x1;
	[dreg:$0x2] =	wrdreg s3  }
0xa9: {  	[dreg:$0x3] =	wrdreg s5  }
0xaa: {  	[dreg:$0x4] =	wrdreg $0xC0  }
0xab: {  	_ =	task [dreg:s7], $0x5FFFF  }
0xac: {  	[dreg:$0x1] =	wrdreg $0xFFFFFFFF  }
0xad: {  	[dreg:$0x0] =	wrdreg $0x60  }
0xae: {  	[dreg:$0x2] =	wrdreg s2  }
0xaf: {  	[dreg:$0x3] =	wrdreg s24  }
0xb0: {  	[dreg:$0x4] =	wrdreg $0xA8000  }
0xb1: {  	[dreg:$0x5] =	wrdreg $0x9  }
0xb2: {  	_ =	task.clear_ibuf [dreg:s7], $0x6FFFF;
	_ =	strace $0x90000049  }
0xb3: {  	s29 =	simm.s32 $0x9;
	_ =	strace $0x8000004B  }
0xb4: {  	_ =	swait.ge [sflag:s29], $0x1  }
0xb5: {  	[sflag:s29] =	ssyncadd.s32 $0xFFFFFFFF  }
0xb6: {  	_ =	strace $0x9000004B  }
0xb7: {  	_ =	sfence  }
0xb8: {  	s30 =	sld [smem:$0x0];
	_ =	sdelay $0x2  }
0xb9: {  	s31 =	sshll.u32 s1, $0xD;
	s1 =	sshrl.u32 s1, $0x2  }
0xba: {  	s3 =	sand.u32 $0x4000, s31;
	s1 =	sadd.s32 s1, s30  }
0xbb: {  	s0 =	sor.u32 s3, s0;
	s1 =	sshll.u32 s1, $0x11  }
0xbc: {  	s0 =	sor.u32 s1, s0  }
0xbd: {  	s0 =	sadd.s32 $0x8F2B, s0  }
0xbe: {  	[sflag:s0] =	ssyncadd.remote.s32 $0x1  }
0xbf: {  	_ =	sfence.sel $0xFFFF  }
0xc0: {  	[dreg:$0x0] =	wrdreg $0xFFFFFFFF;
	(pc) =	sbr.abs _section_cstart, $3  }
0xc1: {  	[dreg:$0x1] =	wrdreg $0xFFFFFFFF  }
0xc2: {  	_ =	task.clear_ibuf [dreg:s7], $0x2FFFF;
	_ =	strace $0x9FFFFFFF  }
0xc3: {  	(tm) =	ssettm $0x7FFFFFFF  }
tec
execute0_lowered:
.L_overlay_start_1:
0x0: {  	(tag) =	ssettag $0x1  }
0x1: {  	s1 =	rddreg [dreg:$0x0]  }
0x2: {  	s5 =	rddreg [dreg:$0x1]  }
0x3: {  	s3 =	rddreg [dreg:$0x2]  }
0x4: {  	s0 =	rddreg [dreg:$0x3];
	s4 =	simm.s32 $0x0;
	s2 =	stileid.u32  }
0x5: {  	s6 =	srdreg.scid;
	s16 =	simm.s32 $0x7D;
	s17 =	simm.s32 $0x2800  }
0x6: {  	s18 =	simm.s32 $0x80;
	s19 =	simm.s32 $0x6800;
	s20 =	simm.s32 $0x1  }
0x7: {  	s21 =	simm.s32 $0x2;
	s22 =	simm.s32 $0x2700;
	s23 =	simm.s32 $0x2780  }
0x8: {  	s24 =	simm.s32 $0x0;
	[smem:$0x7FF] =	sst s4;
	s7 =	smul.u32 $0x14000, s2  }
0x9: {  	s6 =	sand.u32 $0x1, s6;
	s9 =	sadd.s32 $0x85600, s5;
	s10 =	sadd.s32 $0x3600, s5  }
0xa: {  	s12 =	smul.u32 $0x50000, s2;
	s30 =	sshll.u32 s2, $0x6;
	_ =	strace $0x8000004A  }
0xb: {  	s8 =	smul.u32 $0x140000, s6;
	s28 =	sshll.u32 s6, $0x4;
	s6 =	ssub.s32 $0x2, s6  }
0xc: {  	s11 =	sshrl.u32 s7, $0x3;
	s13 =	sshrl.u32 s6, $0x1;
	s29 =	sshrl.u32 s12, $0x2  }
0xd: {  	s11 =	sadd.s32 s11, s5;
	s7 =	sadd.s32 s7, s8;
	s8 =	sor.u32 s2, s28  }
0xe: {  	s13 =	ssub.s32 s6, s13;
	s15 =	sadd.s32 s29, s3;
	s6 =	sor.u32 $0x1C03, s30  }
0xf: {  	s7 =	sshrl.u32 s7, $0x3;
	s8 =	smul.u32 $0x2800, s8;
	s12 =	smax.u32 s13, $0x1  }
0x10: {  	s13 =	sshrl.u32 s15, $0x3;
	s15 =	simm.s32 $0x1400;
	s14 =	sadd.s32 s7, s5  }
0x11: {  	s5 =	sadd.s32 $0xD600, s11;
	s8 =	sshrl.u32 s8, $0x3;
	s11 =	sadd.s32 $0x35600, s14  }
0x12: {  	s14 =	simm.s32 $0x3;
	s31 =	sadd.s32 $0x280, s8;
	s7 =	sadd.s32 s9, s8  }
0x13: {  	s8 =	sadd.s32 s10, s8;
	s9 =	sadd.s32 s9, s31;
	s10 =	sadd.s32 s10, s31  }
.LBB2_1:
0x14: {  	[spmem:s13], [sflag:s6] =	dma.local [hbm:s5], $0x2800  }
0x15: {  	_ =	swait.ge [sflag:s14], $0x2800  }
0x16: {  	[sflag:s14] =	ssyncset.done $0x0  }
0x17: {  	[sflag:s14] =	ssyncadd.s32 $0xFFFFD800  }
0x18: {  	[bflag:$0x0] =	sbarrier.arrive $0xFFFF  }
0x19: {  	[tilespmem:s4], [sflag:$0x3] =	stream.linear.gather [hbm4b:s7+s4], $0x1400, $0x38;
	[tilespmem:$0x1E800] =	vst v63  }
0x1a: {  	_ =	swait.ge [sflag:s14], $0x1400  }
0x1b: {  	[sflag:s14] =	ssyncset.done $0x0  }
0x1c: {  	[sflag:s14] =	ssyncadd.s32 $0xFFFFEC00  }
0x1d: {  	[tilespmem:s15], [sflag:$0x3] =	stream.linear.gather [hbm4b:s8+s4], $0x1400, $0x38;
	[tilespmem:$0x1E800] =	vst v63  }
0x1e: {  	_ =	swait.ge [sflag:s14], $0x1400  }
0x1f: {  	[sflag:s14] =	ssyncset.done $0x0  }
0x20: {  	[sflag:s14] =	ssyncadd.s32 $0xFFFFEC00  }
0x21: {  	[tilespmem:s17], [sflag:$0x1] =	stream.indirect.gather [hbm4b:s1+s16], $0x80, s4, s16, $0xb8;
	[tilespmem:$0x1E800] =	vst v63  }
0x22: {  	_ = 	snop  }
0x23: {  	[tilespmem:s19], [sflag:$0x2] =	stream.indirect.gather [hbm4b:s1+s16], $0x80, s18, s16, $0xb8;
	[tilespmem:$0x1E800] =	vst v63  }
0x24: {  	_ =	swait.ge [sflag:s20], $0x3E80  }
0x25: {  	[sflag:s20] =	ssyncset.done $0x0  }
0x26: {  	s25 =	simm.s32 $0x1400;
	[sflag:s20] =	ssyncadd.s32 $0xFFFFC180  }
0x27: {  	[spmem:s3] =	stream.indirect.scatter.add.f32 [tilespmem:s17], [sflag:$0x3], $0x80, s25, s16, $0xb8;
	[tilespmem:$0x1E800] =	vst v63  }
0x28: {  	_ =	swait.ge [sflag:s14], $0x3E80  }
0x29: {  	[sflag:s14] =	ssyncset.done $0x0  }
0x2a: {  	s30 =	simm.s32 $0x100;
	[sflag:s14] =	ssyncadd.s32 $0xFFFFC180  }
0x2b: {  	[tilespmem:s17], [sflag:$0x1] =	stream.indirect.gather [hbm4b:s1+s16], $0x80, s30, s16, $0xb8;
	[tilespmem:$0x1E800] =	vst v63  }
0x2c: {  	_ =	swait.ge [sflag:s21], $0x3E80  }
0x2d: {  	[sflag:s21] =	ssyncset.done $0x0  }
0x2e: {  	s31 =	simm.s32 $0x1480;
	[sflag:s21] =	ssyncadd.s32 $0xFFFFC180  }
0x2f: {  	[spmem:s3] =	stream.indirect.scatter.add.f32 [tilespmem:s19], [sflag:$0x3], $0x80, s31, s16, $0xb8;
	[tilespmem:$0x1E800] =	vst v63  }
0x30: {  	_ =	swait.ge [sflag:s14], $0x3E80  }
0x31: {  	[sflag:s14] =	ssyncset.done $0x0  }
0x32: {  	s26 =	simm.s32 $0x180;
	s25 =	simm.s32 $0x400;
	[sflag:s14] =	ssyncadd.s32 $0xFFFFC180  }
.LBB2_2:
0x33: {  	[tilespmem:s19], [sflag:$0x2] =	stream.indirect.gather [hbm4b:s1+s16], $0x80, s26, s16, $0xb8;
	[tilespmem:$0x1E800] =	vst v63  }
0x34: {  	s26 =	smov.u32 s25  }
0x35: {  	p0 =	sne.s32 s25, $0x4800;
	s25 =	sadd.s32 $0x400, s25;
	_ =	swait.ge [sflag:s20], $0x3E80  }
0x36: {  	s26 =	sshra.s32 s26, $0x2;
	[sflag:s20] =	ssyncset.done $0x0  }
0x37: {  	s28 =	sadd.s32 $0x1400, s26;
	[sflag:s20] =	ssyncadd.s32 $0xFFFFC180  }
0x38: {  	[spmem:s3] =	stream.indirect.scatter.add.f32 [tilespmem:s17], [sflag:$0x3], $0x80, s28, s16, $0xb8;
	[tilespmem:$0x1E800] =	vst v63  }
0x39: {  	_ =	swait.ge [sflag:s14], $0x3E80  }
0x3a: {  	[sflag:s14] =	ssyncset.done $0x0  }
0x3b: {  	s28 =	sadd.s32 $0x100, s26;
	[sflag:s14] =	ssyncadd.s32 $0xFFFFC180  }
0x3c: {  	[tilespmem:s17], [sflag:$0x1] =	stream.indirect.gather [hbm4b:s1+s16], $0x80, s28, s16, $0xb8;
	[tilespmem:$0x1E800] =	vst v63  }
0x3d: {  	_ =	swait.ge [sflag:s21], $0x3E80  }
0x3e: {  	[sflag:s21] =	ssyncset.done $0x0  }
.Ltmp0:
0x3f: {  	s28 =	sadd.s32 $0x1480, s26;
	[sflag:s21] =	ssyncadd.s32 $0xFFFFC180;
	(pc) =	sbr.rel @p0 .LBB2_2-.Ltmp0, $4  }
0x40: {  	[spmem:s3] =	stream.indirect.scatter.add.f32 [tilespmem:s19], [sflag:$0x3], $0x80, s28, s16, $0xb8;
	[tilespmem:$0x1E800] =	vst v63  }
0x41: {  	_ =	swait.ge [sflag:s14], $0x3E80  }
0x42: {  	[sflag:s14] =	ssyncset.done $0x0  }
0x43: {  	s26 =	sadd.s32 $0x180, s26;
	[sflag:s14] =	ssyncadd.s32 $0xFFFFC180  }
0x44: {  	[tilespmem:s19], [sflag:$0x2] =	stream.indirect.gather [hbm4b:s1+s16], $0x80, s26, s16, $0xb8;
	[tilespmem:$0x1E800] =	vst v63  }
0x45: {  	_ =	swait.ge [sflag:s20], $0x3E80  }
0x46: {  	[sflag:s20] =	ssyncset.done $0x0  }
0x47: {  	[sflag:s20] =	ssyncadd.s32 $0xFFFFC180  }
0x48: {  	[spmem:s3] =	stream.indirect.scatter.add.f32 [tilespmem:s17], [sflag:$0x3], $0x80, s22, s16, $0xb8;
	[tilespmem:$0x1E800] =	vst v63  }
0x49: {  	_ =	swait.ge [sflag:s14], $0x3E80  }
0x4a: {  	[sflag:s14] =	ssyncset.done $0x0  }
0x4b: {  	[sflag:s14] =	ssyncadd.s32 $0xFFFFC180  }
0x4c: {  	_ =	swait.ge [sflag:s21], $0x3E80  }
0x4d: {  	[sflag:s21] =	ssyncset.done $0x0  }
0x4e: {  	[sflag:s21] =	ssyncadd.s32 $0xFFFFC180  }
0x4f: {  	[spmem:s3] =	stream.indirect.scatter.add.f32 [tilespmem:s19], [sflag:$0x3], $0x80, s23, s16, $0xb8;
	[tilespmem:$0x1E800] =	vst v63  }
0x50: {  	_ =	swait.ge [sflag:s14], $0x3E80  }
0x51: {  	[sflag:s14] =	ssyncset.done $0x0  }
0x52: {  	s25 =	simm.s32 $0x0;
	[sflag:s14] =	ssyncadd.s32 $0xFFFFC180  }
0x53: {  	[tilespmem:s25], [sflag:$0x3] =	stream.linear.gather [hbm4b:s9+s25], $0x1400, $0x38;
	[tilespmem:$0x1E800] =	vst v63  }
0x54: {  	_ =	swait.ge [sflag:s14], $0x1400  }
0x55: {  	[sflag:s14] =	ssyncset.done $0x0  }
0x56: {  	[sflag:s14] =	ssyncadd.s32 $0xFFFFEC00  }
0x57: {  	[tilespmem:s15], [sflag:$0x3] =	stream.linear.gather [hbm4b:s10+s25], $0x1400, $0x38;
	[tilespmem:$0x1E800] =	vst v63  }
0x58: {  	_ =	swait.ge [sflag:s14], $0x1400  }
0x59: {  	[sflag:s14] =	ssyncset.done $0x0  }
0x5a: {  	[sflag:s14] =	ssyncadd.s32 $0xFFFFEC00  }
0x5b: {  	[tilespmem:s17], [sflag:$0x1] =	stream.indirect.gather [hbm4b:s1+s16], $0x80, s25, s16, $0xb8;
	[tilespmem:$0x1E800] =	vst v63  }
0x5c: {  	_ = 	snop  }
0x5d: {  	[tilespmem:s19], [sflag:$0x2] =	stream.indirect.gather [hbm4b:s1+s16], $0x80, s18, s16, $0xb8;
	[tilespmem:$0x1E800] =	vst v63  }
0x5e: {  	_ =	swait.ge [sflag:s20], $0x3E80  }
0x5f: {  	[sflag:s20] =	ssyncset.done $0x0  }
0x60: {  	s29 =	simm.s32 $0x1400;
	[sflag:s20] =	ssyncadd.s32 $0xFFFFC180  }
0x61: {  	[spmem:s3] =	stream.indirect.scatter.add.f32 [tilespmem:s17], [sflag:$0x3], $0x80, s29, s16, $0xb8;
	[tilespmem:$0x1E800] =	vst v63  }
0x62: {  	_ =	swait.ge [sflag:s14], $0x3E80  }
0x63: {  	[sflag:s14] =	ssyncset.done $0x0  }
0x64: {  	s30 =	simm.s32 $0x100;
	[sflag:s14] =	ssyncadd.s32 $0xFFFFC180  }
0x65: {  	[tilespmem:s17], [sflag:$0x1] =	stream.indirect.gather [hbm4b:s1+s16], $0x80, s30, s16, $0xb8;
	[tilespmem:$0x1E800] =	vst v63  }
0x66: {  	_ =	swait.ge [sflag:s21], $0x3E80  }
0x67: {  	[sflag:s21] =	ssyncset.done $0x0  }
0x68: {  	s31 =	simm.s32 $0x1480;
	[sflag:s21] =	ssyncadd.s32 $0xFFFFC180  }
0x69: {  	[spmem:s3] =	stream.indirect.scatter.add.f32 [tilespmem:s19], [sflag:$0x3], $0x80, s31, s16, $0xb8;
	[tilespmem:$0x1E800] =	vst v63  }
0x6a: {  	_ =	swait.ge [sflag:s14], $0x3E80  }
0x6b: {  	[sflag:s14] =	ssyncset.done $0x0  }
0x6c: {  	s26 =	simm.s32 $0x180;
	s25 =	simm.s32 $0x400;
	[sflag:s14] =	ssyncadd.s32 $0xFFFFC180  }
.LBB2_4:
0x6d: {  	[tilespmem:s19], [sflag:$0x2] =	stream.indirect.gather [hbm4b:s1+s16], $0x80, s26, s16, $0xb8;
	[tilespmem:$0x1E800] =	vst v63  }
0x6e: {  	s26 =	smov.u32 s25  }
0x6f: {  	p0 =	sne.s32 s25, $0x4800;
	s25 =	sadd.s32 $0x400, s25;
	_ =	swait.ge [sflag:s20], $0x3E80  }
0x70: {  	s26 =	sshra.s32 s26, $0x2;
	[sflag:s20] =	ssyncset.done $0x0  }
0x71: {  	s28 =	sadd.s32 $0x1400, s26;
	[sflag:s20] =	ssyncadd.s32 $0xFFFFC180  }
0x72: {  	[spmem:s3] =	stream.indirect.scatter.add.f32 [tilespmem:s17], [sflag:$0x3], $0x80, s28, s16, $0xb8;
	[tilespmem:$0x1E800] =	vst v63  }
0x73: {  	_ =	swait.ge [sflag:s14], $0x3E80  }
0x74: {  	[sflag:s14] =	ssyncset.done $0x0  }
0x75: {  	s28 =	sadd.s32 $0x100, s26;
	[sflag:s14] =	ssyncadd.s32 $0xFFFFC180  }
0x76: {  	[tilespmem:s17], [sflag:$0x1] =	stream.indirect.gather [hbm4b:s1+s16], $0x80, s28, s16, $0xb8;
	[tilespmem:$0x1E800] =	vst v63  }
0x77: {  	_ =	swait.ge [sflag:s21], $0x3E80  }
0x78: {  	[sflag:s21] =	ssyncset.done $0x0  }
.Ltmp1:
0x79: {  	s28 =	sadd.s32 $0x1480, s26;
	[sflag:s21] =	ssyncadd.s32 $0xFFFFC180;
	(pc) =	sbr.rel @p0 .LBB2_4-.Ltmp1, $4  }
0x7a: {  	[spmem:s3] =	stream.indirect.scatter.add.f32 [tilespmem:s19], [sflag:$0x3], $0x80, s28, s16, $0xb8;
	[tilespmem:$0x1E800] =	vst v63  }
0x7b: {  	_ =	swait.ge [sflag:s14], $0x3E80  }
0x7c: {  	[sflag:s14] =	ssyncset.done $0x0  }
0x7d: {  	s26 =	sadd.s32 $0x180, s26;
	[sflag:s14] =	ssyncadd.s32 $0xFFFFC180  }
0x7e: {  	[tilespmem:s19], [sflag:$0x2] =	stream.indirect.gather [hbm4b:s1+s16], $0x80, s26, s16, $0xb8;
	[tilespmem:$0x1E800] =	vst v63  }
0x7f: {  	_ =	swait.ge [sflag:s20], $0x3E80  }
0x80: {  	[sflag:s20] =	ssyncset.done $0x0  }
0x81: {  	[sflag:s20] =	ssyncadd.s32 $0xFFFFC180  }
0x82: {  	[spmem:s3] =	stream.indirect.scatter.add.f32 [tilespmem:s17], [sflag:$0x3], $0x80, s22, s16, $0xb8;
	[tilespmem:$0x1E800] =	vst v63  }
0x83: {  	_ =	swait.ge [sflag:s14], $0x3E80  }
0x84: {  	[sflag:s14] =	ssyncset.done $0x0  }
0x85: {  	[sflag:s14] =	ssyncadd.s32 $0xFFFFC180  }
0x86: {  	_ =	swait.ge [sflag:s21], $0x3E80  }
0x87: {  	[sflag:s21] =	ssyncset.done $0x0  }
0x88: {  	[sflag:s21] =	ssyncadd.s32 $0xFFFFC180  }
0x89: {  	[spmem:s3] =	stream.indirect.scatter.add.f32 [tilespmem:s19], [sflag:$0x3], $0x80, s23, s16, $0xb8;
	[tilespmem:$0x1E800] =	vst v63  }
0x8a: {  	_ =	swait.ge [sflag:s14], $0x3E80  }
0x8b: {  	s24 =	sadd.s32 $0x1, s24;
	[sflag:s14] =	ssyncset.done $0x0  }
0x8c: {  	p0 =	sne.s32 s24, s12;
	[sflag:s14] =	ssyncadd.s32 $0xFFFFC180  }
.Ltmp2:
0x8d: {  	[bflag:$0x0] =	sbarrier.arrive $0xFFFF;
	(pc) =	sbr.rel @p0 .LBB2_1-.Ltmp2, $4  }
0x8e: {  	[hbm:s11], [sflag:s6] =	dma.local [spmem:s13], $0x2800  }
0x8f: {  	_ =	swait.ge [sflag:s14], $0x2800  }
0x90: {  	[sflag:s14] =	ssyncset.done $0x0  }
0x91: {  	[sflag:s14] =	ssyncadd.s32 $0xFFFFD800  }
0x92: {  	_ =	sfence.sel $0x180000  }
0x93: {  	[bflag:$0x0] =	sbarrier.arrive $0xFFFF  }
0x94: {  	p0 =	sne.s32 s2, $0x0;
	_ =	strace $0x9000004A  }
0x95: {  	s0 =	sadd.s32 @!p0 $0x100000, s0;
	[bflag:$0x2] =	sbarrier.arrive $0xFFFF  }
0x96: {  	[sflag:s0] =	ssyncadd.tile.s32 @!p0 $0x1;
	_ =	shalt  }
.Lfunc_end2:
_tile_overlayer_lowered:
.L_overlay_start_2:
0x97: {  	(tag) =	ssettag $0x2  }
0x98: {  	s0 =	rddreg [dreg:$0x0];
	s2 =	stileid.u32  }
0x99: {  	s1 =	rddreg [dreg:$0x1];
	p0 =	sne.s32 s2, $0x0  }
0x9a: {  	s3 =	rddreg [dreg:$0x2];
	[bflag:$0x3] =	sbarrier.arrive $0xFFFF;
	s2 =	simm.s32 @!p0 $0x1C03  }
0x9b: {  	[timem:s3], [sflag:s2] =	dma.local @!p0 [hbm:s0], s1  }
0x9c: {  	s0 =	simm.s32 @!p0 $0x3  }
0x9d: {  	_ =	swait.ge @!p0 [sflag:s0], s1  }
0x9e: {  	s1 =	ssub.s32 @!p0 $0x0, s1;
	[sflag:s0] =	ssyncset.done @!p0 $0x0  }
0x9f: {  	[sflag:s0] =	ssyncadd.s32 @!p0 s1  }
0xa0: {  	[bflag:$0x3] =	sbarrier.arrive $0xFFFF  }
0xa1: {  	_ =	shalt  }

// kernel: kernel.18.cloned.1.call-start
scs
__scs_entry_jumppad:
0x0: {  	(pc) =	sbr.rel $0x88, $3  }
0x1: {  	(tag) =	ssettag $0x0;
	lr =	simm.s32 $0x1  }
0x2: {  	[smem:$0x3F97] =	sst lr;
	_ =	strace $0xD0000000  }
0x3: {  	_ = 	snop  }
0x4: {  	_ = 	snop  }
0x5: {  	_ = 	snop  }
0x6: {  	_ = 	snop  }
0x7: {  	_ = 	snop  }
__scs_overlays_trampoline_lowered:
0x8: {  	[smem:$0x3FA6] =	sst s0  }
0x9: {  	[smem:$0x3FA7] =	sst s1  }
0xa: {  	[smem:$0x3FA8] =	sst s2  }
0xb: {  	[smem:$0x3FA9] =	sst s3  }
0xc: {  	[smem:$0x3FAA] =	sst s4  }
0xd: {  	[smem:$0x3FAB] =	sst s5  }
0xe: {  	[smem:$0x3FAC] =	sst s6  }
0xf: {  	[smem:$0x3FAD] =	sst s7  }
0x10: {  	[smem:$0x3FAE] =	sst s8  }
0x11: {  	[smem:$0x3FAF] =	sst s9;
	s0 =	simm.s32 @!p0 $0x0  }
0x12: {  	s1 =	sld [smem:$0x3F95];
	s0 =	simm.s32 @p0 $0x1  }
0x13: {  	[smem:$0x3FB0] =	sst s0;
	s0 =	simm.s32 @!p1 $0x0  }
0x14: {  	s2 =	sld [smem:$0x3F94];
	s0 =	simm.s32 @p1 $0x1  }
0x15: {  	[smem:$0x3FB1] =	sst s0;
	s0 =	simm.s32 @!p2 $0x0  }
0x16: {  	s3 =	sld [smem:$0x3FDB];
	s0 =	simm.s32 @p2 $0x1  }
0x17: {  	s4 =	simm.s32 $0x1BF5;
	[smem:$0x3FB3] =	sst s0  }
0x18: {  	s0 =	sld [smem:$0x3F96];
	_ =	swait.ge [sflag:s4], $0x0  }
0x19: {  	s7 =	sld [smem:$0x3F97]  }
0x1a: {  	s8 =	sadd.s32 $0xFFFFE003, lr  }
0x1b: {  	s9 =	sadd.s32 $0xFFFFFEF7, lr;
	s5 =	simm.s32 $0xFFFFFFFF;
	p2 =	slt.u32 s8, $0xFFFFF086  }
0x1c: {  	p1 =	slt.u32 s9, $0xF7A;
	s5 =	simm.s32 @!p2 $0x0  }
0x1d: {  	s5 =	simm.s32 @p1 $0x1;
	p0 =	seq.s32 s7, s2  }
0x1e: {  	s7 =	smul.u32 @!p0 $0xF7A, s2;
	p2 =	seq.s32 @!p0 s5, $0x0  }
0x1f: {  	s9 =	smul.u32 $0xF7A, s1;
	s8 =	simm.s32 @!p0 $0x1BF5;
	p2 =	por !p2, p0  }
0x20: {  	[sflag:s8] =	ssyncset.s32 @!p0 $0xFFFFF086;
	s6 =	sadd.s32 @!p0 s3, s7;
	s7 =	simm.s32 @!p0 $0x108  }
0x21: {  	s3 =	sadd.s32 s3, s9;
	s6 =	sadd.s32 @!p0 $0x88, s6;
	s7 =	simm.s32 @p2 $0x1082  }
0x22: {  	[simem:s7], [sflag:s8] =	dma.local @!p0 [hbm:s6], $0xF7A  }
0x23: {  	s9 =	sor.u32 $0xD0000000, s2;
	s6 =	simm.s32 $0x108;
	_ =	swait.ge @!p0 [sflag:s8], $0x0  }
0x24: {  	s3 =	sadd.s32 $0x88, s3;
	s6 =	simm.s32 @!p1 $0x1082;
	[sflag:s4] =	ssyncset.s32 $0xFFFFF086  }
0x25: {  	[simem:s6], [sflag:s4] =	dma.local [hbm:s3], $0xF7A  }
0x26: {  	[smem:$0x3F97] =	sst s1;
	(tag) =	ssettag s2;
	_ =	strace s9  }
0x27: {  	s1 =	sld [smem:$0x3FA7]  }
0x28: {  	s2 =	sld [smem:$0x3FA8]  }
0x29: {  	s4 =	sld [smem:$0x3FAA]  }
0x2a: {  	p0 =	seq.s32 s5, $0x0;
	s5 =	sld [smem:$0x3FAB]  }
0x2b: {  	s6 =	sld [smem:$0x3FAC]  }
0x2c: {  	s7 =	sld [smem:$0x3FAD]  }
0x2d: {  	s3 =	simm.s32 $0x108;
	s8 =	sld [smem:$0x3FAE]  }
0x2e: {  	s3 =	simm.s32 @!p0 $0x1082;
	s9 =	sld [smem:$0x3FAF]  }
0x2f: {  	lr =	sadd.s32 s0, s3;
	s0 =	sld [smem:$0x3FA6]  }
0x30: {  	s3 =	sld [smem:$0x3FA9]  }
0x31: {  	[smem:$0x3FB2] =	sst s10  }
0x32: {  	s10 =	sld [smem:$0x3FB0];
	_ =	sdelay $0x3  }
0x33: {  	p0 =	seq.s32 s10, $0x1;
	s10 =	sld [smem:$0x3FB2];
	_ =	sdelay $0x3  }
0x34: {  	[smem:$0x3FB2] =	sst s10  }
0x35: {  	s10 =	sld [smem:$0x3FB1];
	_ =	sdelay $0x3  }
0x36: {  	p1 =	seq.s32 s10, $0x1;
	s10 =	sld [smem:$0x3FB2];
	_ =	sdelay $0x3  }
0x37: {  	[smem:$0x3FB2] =	sst s10  }
0x38: {  	s10 =	sld [smem:$0x3FB3]  }
0x39: {  	_ = 	snop;
	(pc) =	sbr.ind lr, $3  }
0x3a: {  	_ = 	snop  }
0x3b: {  	_ = 	snop  }
0x3c: {  	p2 =	seq.s32 s10, $0x1;
	s10 =	sld [smem:$0x3FB2]  }
0x3d: {  	_ =	shalt  }
0x3e: {  	_ =	shalt  }
0x3f: {  	_ =	shalt  }
0x40: {  	_ =	shalt  }
0x41: {  	_ =	shalt  }
0x42: {  	_ =	shalt  }
0x43: {  	_ =	shalt  }
0x44: {  	_ =	shalt  }
0x45: {  	_ =	shalt  }
0x46: {  	_ =	shalt  }
0x47: {  	_ =	shalt  }
0x48: {  	_ =	shalt  }
0x49: {  	_ =	shalt  }
0x4a: {  	_ =	shalt  }
0x4b: {  	_ =	shalt  }
0x4c: {  	_ =	shalt  }
0x4d: {  	_ =	shalt  }
0x4e: {  	_ =	shalt  }
0x4f: {  	_ =	shalt  }
0x50: {  	_ =	shalt  }
0x51: {  	_ =	shalt  }
0x52: {  	_ =	shalt  }
0x53: {  	_ =	shalt  }
0x54: {  	_ =	shalt  }
0x55: {  	_ =	shalt  }
0x56: {  	_ =	shalt  }
0x57: {  	_ =	shalt  }
0x58: {  	_ =	shalt  }
0x59: {  	_ =	shalt  }
0x5a: {  	_ =	shalt  }
0x5b: {  	_ =	shalt  }
0x5c: {  	_ =	shalt  }
0x5d: {  	_ =	shalt  }
0x5e: {  	_ =	shalt  }
0x5f: {  	_ =	shalt  }
0x60: {  	_ =	shalt  }
0x61: {  	_ =	shalt  }
0x62: {  	_ =	shalt  }
0x63: {  	_ =	shalt  }
0x64: {  	_ =	shalt  }
0x65: {  	_ =	shalt  }
0x66: {  	_ =	shalt  }
0x67: {  	_ =	shalt  }
0x68: {  	_ =	shalt  }
0x69: {  	_ =	shalt  }
0x6a: {  	_ =	shalt  }
0x6b: {  	_ =	shalt  }
0x6c: {  	_ =	shalt  }
0x6d: {  	_ =	shalt  }
0x6e: {  	_ =	shalt  }
0x6f: {  	_ =	shalt  }
0x70: {  	_ =	shalt  }
0x71: {  	_ =	shalt  }
0x72: {  	_ =	shalt  }
0x73: {  	_ =	shalt  }
0x74: {  	_ =	shalt  }
0x75: {  	_ =	shalt  }
0x76: {  	_ =	shalt  }
0x77: {  	_ =	shalt  }
0x78: {  	_ =	shalt  }
0x79: {  	_ =	shalt  }
0x7a: {  	_ =	shalt  }
0x7b: {  	_ =	shalt  }
0x7c: {  	_ =	shalt  }
0x7d: {  	_ =	shalt  }
0x7e: {  	_ =	shalt  }
0x7f: {  	_ =	shalt  }
0x80: {  	_ =	shalt  }
0x81: {  	_ =	shalt  }
0x82: {  	_ =	shalt  }
0x83: {  	_ =	shalt  }
0x84: {  	_ =	shalt  }
0x85: {  	_ =	shalt  }
0x86: {  	_ =	shalt  }
0x87: {  	_ =	shalt  }
.Lfunc_end0:
.L_simem_size_0:
called_computation.2_lowered:
.L_overlay_start_0:
0x88: {  	s2 =	sld [smem:$0x3FD9]  }
0x89: {  	s3 =	sld [smem:$0x3FFE];
	_ =	sdelay $0x1  }
0x8a: {  	s1 =	srdreg.scid  }
0x8b: {  	s0 =	sand.u32 $0x1, s1  }
0x8c: {  	s17 =	sshll.u32 s0, $0xA;
	s2 =	sadd.s32 s3, s2  }
0x8d: {  	s2 =	sadd.s32 s2, s17  }
0x8e: {  	[smem:$0x3FBE] =	sst s2  }
0x8f: {  	_ = 	snop  }
0x90: {  	s2 =	sld [smem:$0x3FD0];
	(tm) =	ssettm $0x1  }
0x91: {  	s18 =	sld [smem:$0x3FFB];
	_ =	sdelay $0x3  }
0x92: {  	_ =	strace s18  }
0x93: {  	s3 =	sld [smem:$0x3FFC];
	_ =	sdelay $0x3  }
0x94: {  	_ =	strace s3  }
0x95: {  	s3 =	sld [smem:$0x3FFD];
	_ =	sdelay $0x3  }
0x96: {  	_ =	strace s3  }
0x97: {  	_ =	strace $0x8FFFFFFF  }
0x98: {  	s19 =	sld [smem:$0x3FDB];
	_ =	sdelay $0x1  }
0x99: {  	s4 =	simm.s32 $_scs_section_size  }
0x9a: {  	s5 =	simm.s32 $_size__tile_overlayer_lowered;
	s6 =	simm.s32 $_tile_overlayer_lowered  }
0x9b: {  	s22 =	simm.s32 $0x1BFF;
	s21 =	sshll.u32 s6, $0x1;
	s3 =	sadd.s32 s4, s19  }
0x9c: {  	s7 =	simm.s32 $0x0;
	s20 =	sshll.u32 s5, $0x1;
	s5 =	sadd.s32 s21, s3  }
0x9d: {  	[timem:s7], [sflag:s22] =	dma.local [hbm:s5], s20  }
0x9e: {  	_ =	swait.ge [sflag:s22], s20  }
0x9f: {  	s4 =	ssub.s32 $0x0, s20;
	[sflag:s22] =	ssyncset.done $0x0  }
0xa0: {  	[sflag:s22] =	ssyncadd.s32 s4;
	_ =	sdelay $0x1  }
0xa1: {  	s23 =	simm.s32 $0x1B8B  }
0xa2: {  	_ =	swait.ge [sflag:s23], $0x1  }
0xa3: {  	[sflag:s23] =	ssyncset.done $0x0  }
0xa4: {  	s25 =	simm.s32 $0x1B8E;
	s24 =	sld [smem:$0x3FFE];
	[sflag:s23] =	ssyncadd.s32 $0xFFFFFFFF  }
0xa5: {  	s26 =	simm.s32 $execute0_lowered;
	[smem:$0x3FD2] =	sst s25  }
0xa6: {  	s5 =	sshll.u32 s26, $0x1;
	_ =	strace $0x8000004C;
	[dreg:$0x1] =	wrdreg $0xFFFFFFFF  }
0xa7: {  	s28 =	simm.s32 $_size_execute0_lowered;
	s3 =	sadd.s32 s3, s5;
	[dreg:$0x0] =	wrdreg $0x0  }
0xa8: {  	s5 =	sshll.u32 s28, $0x1;
	[dreg:$0x2] =	wrdreg s3  }
0xa9: {  	[dreg:$0x3] =	wrdreg s5  }
0xaa: {  	[dreg:$0x4] =	wrdreg $0xC0  }
0xab: {  	_ =	task [dreg:s7], $0x5FFFF  }
0xac: {  	[dreg:$0x1] =	wrdreg $0xFFFFFFFF  }
0xad: {  	[dreg:$0x0] =	wrdreg $0x60  }
0xae: {  	[dreg:$0x2] =	wrdreg s2  }
0xaf: {  	[dreg:$0x3] =	wrdreg s24  }
0xb0: {  	[dreg:$0x4] =	wrdreg $0xA8000  }
0xb1: {  	[dreg:$0x5] =	wrdreg $0x9  }
0xb2: {  	_ =	task.clear_ibuf [dreg:s7], $0x6FFFF;
	_ =	strace $0x9000004C  }
0xb3: {  	s29 =	simm.s32 $0x9;
	_ =	strace $0x8000004E  }
0xb4: {  	_ =	swait.ge [sflag:s29], $0x1  }
0xb5: {  	[sflag:s29] =	ssyncadd.s32 $0xFFFFFFFF  }
0xb6: {  	_ =	strace $0x9000004E  }
0xb7: {  	_ =	sfence  }
0xb8: {  	s30 =	sld [smem:$0x0];
	_ =	sdelay $0x2  }
0xb9: {  	s31 =	sshll.u32 s1, $0xD;
	s1 =	sshrl.u32 s1, $0x2  }
0xba: {  	s3 =	sand.u32 $0x4000, s31;
	s1 =	sadd.s32 s1, s30  }
0xbb: {  	s0 =	sor.u32 s3, s0;
	s1 =	sshll.u32 s1, $0x11  }
0xbc: {  	s0 =	sor.u32 s1, s0  }
0xbd: {  	s0 =	sadd.s32 $0x8F2B, s0  }
0xbe: {  	[sflag:s0] =	ssyncadd.remote.s32 $0x1  }
0xbf: {  	_ =	sfence.sel $0xFFFF  }
0xc0: {  	[dreg:$0x0] =	wrdreg $0xFFFFFFFF;
	(pc) =	sbr.abs _section_cstart, $3  }
0xc1: {  	[dreg:$0x1] =	wrdreg $0xFFFFFFFF  }
0xc2: {  	_ =	task.clear_ibuf [dreg:s7], $0x2FFFF;
	_ =	strace $0x9FFFFFFF  }
0xc3: {  	(tm) =	ssettm $0x7FFFFFFF  }
tec
execute0_lowered:
.L_overlay_start_1:
0x0: {  	(tag) =	ssettag $0x1  }
0x1: {  	s1 =	rddreg [dreg:$0x0]  }
0x2: {  	s5 =	rddreg [dreg:$0x1]  }
0x3: {  	s3 =	rddreg [dreg:$0x2]  }
0x4: {  	s0 =	rddreg [dreg:$0x3];
	s4 =	simm.s32 $0x0;
	s2 =	stileid.u32  }
0x5: {  	s6 =	srdreg.scid;
	s16 =	simm.s32 $0x7D;
	s17 =	simm.s32 $0x2800  }
0x6: {  	s18 =	simm.s32 $0x80;
	s19 =	simm.s32 $0x6800;
	s20 =	simm.s32 $0x1  }
0x7: {  	s21 =	simm.s32 $0x2;
	s22 =	simm.s32 $0x2700;
	s23 =	simm.s32 $0x2780  }
0x8: {  	s24 =	simm.s32 $0x0;
	[smem:$0x7FF] =	sst s4;
	s7 =	smul.u32 $0x14000, s2  }
0x9: {  	s6 =	sand.u32 $0x1, s6;
	s9 =	sadd.s32 $0x85600, s5;
	s10 =	sadd.s32 $0x3600, s5  }
0xa: {  	s12 =	smul.u32 $0x50000, s2;
	s30 =	sshll.u32 s2, $0x6;
	_ =	strace $0x8000004D  }
0xb: {  	s8 =	smul.u32 $0x140000, s6;
	s28 =	sshll.u32 s6, $0x4;
	s6 =	ssub.s32 $0x2, s6  }
0xc: {  	s11 =	sshrl.u32 s7, $0x3;
	s13 =	sshrl.u32 s6, $0x1;
	s29 =	sshrl.u32 s12, $0x2  }
0xd: {  	s11 =	sadd.s32 s11, s5;
	s7 =	sadd.s32 s7, s8;
	s8 =	sor.u32 s2, s28  }
0xe: {  	s13 =	ssub.s32 s6, s13;
	s15 =	sadd.s32 s29, s3;
	s6 =	sor.u32 $0x1C03, s30  }
0xf: {  	s7 =	sshrl.u32 s7, $0x3;
	s8 =	smul.u32 $0x2800, s8;
	s12 =	smax.u32 s13, $0x1  }
0x10: {  	s13 =	sshrl.u32 s15, $0x3;
	s15 =	simm.s32 $0x1400;
	s14 =	sadd.s32 s7, s5  }
0x11: {  	s5 =	sadd.s32 $0xD600, s11;
	s8 =	sshrl.u32 s8, $0x3;
	s11 =	sadd.s32 $0x35600, s14  }
0x12: {  	s14 =	simm.s32 $0x3;
	s31 =	sadd.s32 $0x280, s8;
	s7 =	sadd.s32 s9, s8  }
0x13: {  	s8 =	sadd.s32 s10, s8;
	s9 =	sadd.s32 s9, s31;
	s10 =	sadd.s32 s10, s31  }
.LBB2_1:
0x14: {  	[spmem:s13], [sflag:s6] =	dma.local [hbm:s5], $0x2800  }
0x15: {  	_ =	swait.ge [sflag:s14], $0x2800  }
0x16: {  	[sflag:s14] =	ssyncset.done $0x0  }
0x17: {  	[sflag:s14] =	ssyncadd.s32 $0xFFFFD800  }
0x18: {  	[bflag:$0x0] =	sbarrier.arrive $0xFFFF  }
0x19: {  	[tilespmem:s4], [sflag:$0x3] =	stream.linear.gather [hbm4b:s7+s4], $0x1400, $0x38;
	[tilespmem:$0x1E800] =	vst v63  }
0x1a: {  	_ =	swait.ge [sflag:s14], $0x1400  }
0x1b: {  	[sflag:s14] =	ssyncset.done $0x0  }
0x1c: {  	[sflag:s14] =	ssyncadd.s32 $0xFFFFEC00  }
0x1d: {  	[tilespmem:s15], [sflag:$0x3] =	stream.linear.gather [hbm4b:s8+s4], $0x1400, $0x38;
	[tilespmem:$0x1E800] =	vst v63  }
0x1e: {  	_ =	swait.ge [sflag:s14], $0x1400  }
0x1f: {  	[sflag:s14] =	ssyncset.done $0x0  }
0x20: {  	[sflag:s14] =	ssyncadd.s32 $0xFFFFEC00  }
0x21: {  	[tilespmem:s17], [sflag:$0x1] =	stream.indirect.gather [hbm4b:s1+s16], $0x80, s4, s16, $0xb8;
	[tilespmem:$0x1E800] =	vst v63  }
0x22: {  	_ = 	snop  }
0x23: {  	[tilespmem:s19], [sflag:$0x2] =	stream.indirect.gather [hbm4b:s1+s16], $0x80, s18, s16, $0xb8;
	[tilespmem:$0x1E800] =	vst v63  }
0x24: {  	_ =	swait.ge [sflag:s20], $0x3E80  }
0x25: {  	[sflag:s20] =	ssyncset.done $0x0  }
0x26: {  	s25 =	simm.s32 $0x1400;
	[sflag:s20] =	ssyncadd.s32 $0xFFFFC180  }
0x27: {  	[spmem:s3] =	stream.indirect.scatter.add.f32 [tilespmem:s17], [sflag:$0x3], $0x80, s25, s16, $0xb8;
	[tilespmem:$0x1E800] =	vst v63  }
0x28: {  	_ =	swait.ge [sflag:s14], $0x3E80  }
0x29: {  	[sflag:s14] =	ssyncset.done $0x0  }
0x2a: {  	s30 =	simm.s32 $0x100;
	[sflag:s14] =	ssyncadd.s32 $0xFFFFC180  }
0x2b: {  	[tilespmem:s17], [sflag:$0x1] =	stream.indirect.gather [hbm4b:s1+s16], $0x80, s30, s16, $0xb8;
	[tilespmem:$0x1E800] =	vst v63  }
0x2c: {  	_ =	swait.ge [sflag:s21], $0x3E80  }
0x2d: {  	[sflag:s21] =	ssyncset.done $0x0  }
0x2e: {  	s31 =	simm.s32 $0x1480;
	[sflag:s21] =	ssyncadd.s32 $0xFFFFC180  }
0x2f: {  	[spmem:s3] =	stream.indirect.scatter.add.f32 [tilespmem:s19], [sflag:$0x3], $0x80, s31, s16, $0xb8;
	[tilespmem:$0x1E800] =	vst v63  }
0x30: {  	_ =	swait.ge [sflag:s14], $0x3E80  }
0x31: {  	[sflag:s14] =	ssyncset.done $0x0  }
0x32: {  	s26 =	simm.s32 $0x180;
	s25 =	simm.s32 $0x400;
	[sflag:s14] =	ssyncadd.s32 $0xFFFFC180  }
.LBB2_2:
0x33: {  	[tilespmem:s19], [sflag:$0x2] =	stream.indirect.gather [hbm4b:s1+s16], $0x80, s26, s16, $0xb8;
	[tilespmem:$0x1E800] =	vst v63  }
0x34: {  	s26 =	smov.u32 s25  }
0x35: {  	p0 =	sne.s32 s25, $0x4800;
	s25 =	sadd.s32 $0x400, s25;
	_ =	swait.ge [sflag:s20], $0x3E80  }
0x36: {  	s26 =	sshra.s32 s26, $0x2;
	[sflag:s20] =	ssyncset.done $0x0  }
0x37: {  	s28 =	sadd.s32 $0x1400, s26;
	[sflag:s20] =	ssyncadd.s32 $0xFFFFC180  }
0x38: {  	[spmem:s3] =	stream.indirect.scatter.add.f32 [tilespmem:s17], [sflag:$0x3], $0x80, s28, s16, $0xb8;
	[tilespmem:$0x1E800] =	vst v63  }
0x39: {  	_ =	swait.ge [sflag:s14], $0x3E80  }
0x3a: {  	[sflag:s14] =	ssyncset.done $0x0  }
0x3b: {  	s28 =	sadd.s32 $0x100, s26;
	[sflag:s14] =	ssyncadd.s32 $0xFFFFC180  }
0x3c: {  	[tilespmem:s17], [sflag:$0x1] =	stream.indirect.gather [hbm4b:s1+s16], $0x80, s28, s16, $0xb8;
	[tilespmem:$0x1E800] =	vst v63  }
0x3d: {  	_ =	swait.ge [sflag:s21], $0x3E80  }
0x3e: {  	[sflag:s21] =	ssyncset.done $0x0  }
.Ltmp0:
0x3f: {  	s28 =	sadd.s32 $0x1480, s26;
	[sflag:s21] =	ssyncadd.s32 $0xFFFFC180;
	(pc) =	sbr.rel @p0 .LBB2_2-.Ltmp0, $4  }
0x40: {  	[spmem:s3] =	stream.indirect.scatter.add.f32 [tilespmem:s19], [sflag:$0x3], $0x80, s28, s16, $0xb8;
	[tilespmem:$0x1E800] =	vst v63  }
0x41: {  	_ =	swait.ge [sflag:s14], $0x3E80  }
0x42: {  	[sflag:s14] =	ssyncset.done $0x0  }
0x43: {  	s26 =	sadd.s32 $0x180, s26;
	[sflag:s14] =	ssyncadd.s32 $0xFFFFC180  }
0x44: {  	[tilespmem:s19], [sflag:$0x2] =	stream.indirect.gather [hbm4b:s1+s16], $0x80, s26, s16, $0xb8;
	[tilespmem:$0x1E800] =	vst v63  }
0x45: {  	_ =	swait.ge [sflag:s20], $0x3E80  }
0x46: {  	[sflag:s20] =	ssyncset.done $0x0  }
0x47: {  	[sflag:s20] =	ssyncadd.s32 $0xFFFFC180  }
0x48: {  	[spmem:s3] =	stream.indirect.scatter.add.f32 [tilespmem:s17], [sflag:$0x3], $0x80, s22, s16, $0xb8;
	[tilespmem:$0x1E800] =	vst v63  }
0x49: {  	_ =	swait.ge [sflag:s14], $0x3E80  }
0x4a: {  	[sflag:s14] =	ssyncset.done $0x0  }
0x4b: {  	[sflag:s14] =	ssyncadd.s32 $0xFFFFC180  }
0x4c: {  	_ =	swait.ge [sflag:s21], $0x3E80  }
0x4d: {  	[sflag:s21] =	ssyncset.done $0x0  }
0x4e: {  	[sflag:s21] =	ssyncadd.s32 $0xFFFFC180  }
0x4f: {  	[spmem:s3] =	stream.indirect.scatter.add.f32 [tilespmem:s19], [sflag:$0x3], $0x80, s23, s16, $0xb8;
	[tilespmem:$0x1E800] =	vst v63  }
0x50: {  	_ =	swait.ge [sflag:s14], $0x3E80  }
0x51: {  	[sflag:s14] =	ssyncset.done $0x0  }
0x52: {  	s25 =	simm.s32 $0x0;
	[sflag:s14] =	ssyncadd.s32 $0xFFFFC180  }
0x53: {  	[tilespmem:s25], [sflag:$0x3] =	stream.linear.gather [hbm4b:s9+s25], $0x1400, $0x38;
	[tilespmem:$0x1E800] =	vst v63  }
0x54: {  	_ =	swait.ge [sflag:s14], $0x1400  }
0x55: {  	[sflag:s14] =	ssyncset.done $0x0  }
0x56: {  	[sflag:s14] =	ssyncadd.s32 $0xFFFFEC00  }
0x57: {  	[tilespmem:s15], [sflag:$0x3] =	stream.linear.gather [hbm4b:s10+s25], $0x1400, $0x38;
	[tilespmem:$0x1E800] =	vst v63  }
0x58: {  	_ =	swait.ge [sflag:s14], $0x1400  }
0x59: {  	[sflag:s14] =	ssyncset.done $0x0  }
0x5a: {  	[sflag:s14] =	ssyncadd.s32 $0xFFFFEC00  }
0x5b: {  	[tilespmem:s17], [sflag:$0x1] =	stream.indirect.gather [hbm4b:s1+s16], $0x80, s25, s16, $0xb8;
	[tilespmem:$0x1E800] =	vst v63  }
0x5c: {  	_ = 	snop  }
0x5d: {  	[tilespmem:s19], [sflag:$0x2] =	stream.indirect.gather [hbm4b:s1+s16], $0x80, s18, s16, $0xb8;
	[tilespmem:$0x1E800] =	vst v63  }
0x5e: {  	_ =	swait.ge [sflag:s20], $0x3E80  }
0x5f: {  	[sflag:s20] =	ssyncset.done $0x0  }
0x60: {  	s29 =	simm.s32 $0x1400;
	[sflag:s20] =	ssyncadd.s32 $0xFFFFC180  }
0x61: {  	[spmem:s3] =	stream.indirect.scatter.add.f32 [tilespmem:s17], [sflag:$0x3], $0x80, s29, s16, $0xb8;
	[tilespmem:$0x1E800] =	vst v63  }
0x62: {  	_ =	swait.ge [sflag:s14], $0x3E80  }
0x63: {  	[sflag:s14] =	ssyncset.done $0x0  }
0x64: {  	s30 =	simm.s32 $0x100;
	[sflag:s14] =	ssyncadd.s32 $0xFFFFC180  }
0x65: {  	[tilespmem:s17], [sflag:$0x1] =	stream.indirect.gather [hbm4b:s1+s16], $0x80, s30, s16, $0xb8;
	[tilespmem:$0x1E800] =	vst v63  }
0x66: {  	_ =	swait.ge [sflag:s21], $0x3E80  }
0x67: {  	[sflag:s21] =	ssyncset.done $0x0  }
0x68: {  	s31 =	simm.s32 $0x1480;
	[sflag:s21] =	ssyncadd.s32 $0xFFFFC180  }
0x69: {  	[spmem:s3] =	stream.indirect.scatter.add.f32 [tilespmem:s19], [sflag:$0x3], $0x80, s31, s16, $0xb8;
	[tilespmem:$0x1E800] =	vst v63  }
0x6a: {  	_ =	swait.ge [sflag:s14], $0x3E80  }
0x6b: {  	[sflag:s14] =	ssyncset.done $0x0  }
0x6c: {  	s26 =	simm.s32 $0x180;
	s25 =	simm.s32 $0x400;
	[sflag:s14] =	ssyncadd.s32 $0xFFFFC180  }
.LBB2_4:
0x6d: {  	[tilespmem:s19], [sflag:$0x2] =	stream.indirect.gather [hbm4b:s1+s16], $0x80, s26, s16, $0xb8;
	[tilespmem:$0x1E800] =	vst v63  }
0x6e: {  	s26 =	smov.u32 s25  }
0x6f: {  	p0 =	sne.s32 s25, $0x4800;
	s25 =	sadd.s32 $0x400, s25;
	_ =	swait.ge [sflag:s20], $0x3E80  }
0x70: {  	s26 =	sshra.s32 s26, $0x2;
	[sflag:s20] =	ssyncset.done $0x0  }
0x71: {  	s28 =	sadd.s32 $0x1400, s26;
	[sflag:s20] =	ssyncadd.s32 $0xFFFFC180  }
0x72: {  	[spmem:s3] =	stream.indirect.scatter.add.f32 [tilespmem:s17], [sflag:$0x3], $0x80, s28, s16, $0xb8;
	[tilespmem:$0x1E800] =	vst v63  }
0x73: {  	_ =	swait.ge [sflag:s14], $0x3E80  }
0x74: {  	[sflag:s14] =	ssyncset.done $0x0  }
0x75: {  	s28 =	sadd.s32 $0x100, s26;
	[sflag:s14] =	ssyncadd.s32 $0xFFFFC180  }
0x76: {  	[tilespmem:s17], [sflag:$0x1] =	stream.indirect.gather [hbm4b:s1+s16], $0x80, s28, s16, $0xb8;
	[tilespmem:$0x1E800] =	vst v63  }
0x77: {  	_ =	swait.ge [sflag:s21], $0x3E80  }
0x78: {  	[sflag:s21] =	ssyncset.done $0x0  }
.Ltmp1:
0x79: {  	s28 =	sadd.s32 $0x1480, s26;
	[sflag:s21] =	ssyncadd.s32 $0xFFFFC180;
	(pc) =	sbr.rel @p0 .LBB2_4-.Ltmp1, $4  }
0x7a: {  	[spmem:s3] =	stream.indirect.scatter.add.f32 [tilespmem:s19], [sflag:$0x3], $0x80, s28, s16, $0xb8;
	[tilespmem:$0x1E800] =	vst v63  }
0x7b: {  	_ =	swait.ge [sflag:s14], $0x3E80  }
0x7c: {  	[sflag:s14] =	ssyncset.done $0x0  }
0x7d: {  	s26 =	sadd.s32 $0x180, s26;
	[sflag:s14] =	ssyncadd.s32 $0xFFFFC180  }
0x7e: {  	[tilespmem:s19], [sflag:$0x2] =	stream.indirect.gather [hbm4b:s1+s16], $0x80, s26, s16, $0xb8;
	[tilespmem:$0x1E800] =	vst v63  }
0x7f: {  	_ =	swait.ge [sflag:s20], $0x3E80  }
0x80: {  	[sflag:s20] =	ssyncset.done $0x0  }
0x81: {  	[sflag:s20] =	ssyncadd.s32 $0xFFFFC180  }
0x82: {  	[spmem:s3] =	stream.indirect.scatter.add.f32 [tilespmem:s17], [sflag:$0x3], $0x80, s22, s16, $0xb8;
	[tilespmem:$0x1E800] =	vst v63  }
0x83: {  	_ =	swait.ge [sflag:s14], $0x3E80  }
0x84: {  	[sflag:s14] =	ssyncset.done $0x0  }
0x85: {  	[sflag:s14] =	ssyncadd.s32 $0xFFFFC180  }
0x86: {  	_ =	swait.ge [sflag:s21], $0x3E80  }
0x87: {  	[sflag:s21] =	ssyncset.done $0x0  }
0x88: {  	[sflag:s21] =	ssyncadd.s32 $0xFFFFC180  }
0x89: {  	[spmem:s3] =	stream.indirect.scatter.add.f32 [tilespmem:s19], [sflag:$0x3], $0x80, s23, s16, $0xb8;
	[tilespmem:$0x1E800] =	vst v63  }
0x8a: {  	_ =	swait.ge [sflag:s14], $0x3E80  }
0x8b: {  	s24 =	sadd.s32 $0x1, s24;
	[sflag:s14] =	ssyncset.done $0x0  }
0x8c: {  	p0 =	sne.s32 s24, s12;
	[sflag:s14] =	ssyncadd.s32 $0xFFFFC180  }
.Ltmp2:
0x8d: {  	[bflag:$0x0] =	sbarrier.arrive $0xFFFF;
	(pc) =	sbr.rel @p0 .LBB2_1-.Ltmp2, $4  }
0x8e: {  	[hbm:s11], [sflag:s6] =	dma.local [spmem:s13], $0x2800  }
0x8f: {  	_ =	swait.ge [sflag:s14], $0x2800  }
0x90: {  	[sflag:s14] =	ssyncset.done $0x0  }
0x91: {  	[sflag:s14] =	ssyncadd.s32 $0xFFFFD800  }
0x92: {  	_ =	sfence.sel $0x180000  }
0x93: {  	[bflag:$0x0] =	sbarrier.arrive $0xFFFF  }
0x94: {  	p0 =	sne.s32 s2, $0x0;
	_ =	strace $0x9000004D  }
0x95: {  	s0 =	sadd.s32 @!p0 $0x100000, s0;
	[bflag:$0x2] =	sbarrier.arrive $0xFFFF  }
0x96: {  	[sflag:s0] =	ssyncadd.tile.s32 @!p0 $0x1;
	_ =	shalt  }
.Lfunc_end2:
_tile_overlayer_lowered:
.L_overlay_start_2:
0x97: {  	(tag) =	ssettag $0x2  }
0x98: {  	s0 =	rddreg [dreg:$0x0];
	s2 =	stileid.u32  }
0x99: {  	s1 =	rddreg [dreg:$0x1];
	p0 =	sne.s32 s2, $0x0  }
0x9a: {  	s3 =	rddreg [dreg:$0x2];
	[bflag:$0x3] =	sbarrier.arrive $0xFFFF;
	s2 =	simm.s32 @!p0 $0x1C03  }
0x9b: {  	[timem:s3], [sflag:s2] =	dma.local @!p0 [hbm:s0], s1  }
0x9c: {  	s0 =	simm.s32 @!p0 $0x3  }
0x9d: {  	_ =	swait.ge @!p0 [sflag:s0], s1  }
0x9e: {  	s1 =	ssub.s32 @!p0 $0x0, s1;
	[sflag:s0] =	ssyncset.done @!p0 $0x0  }
0x9f: {  	[sflag:s0] =	ssyncadd.s32 @!p0 s1  }
0xa0: {  	[bflag:$0x3] =	sbarrier.arrive $0xFFFF  }
0xa1: {  	_ =	shalt  }

// kernel: kernel.21.cloned.1.call-start
scs
__scs_entry_jumppad:
0x0: {  	(pc) =	sbr.rel $0x88, $3  }
0x1: {  	(tag) =	ssettag $0x0;
	lr =	simm.s32 $0x1  }
0x2: {  	[smem:$0x3F97] =	sst lr;
	_ =	strace $0xD0000000  }
0x3: {  	_ = 	snop  }
0x4: {  	_ = 	snop  }
0x5: {  	_ = 	snop  }
0x6: {  	_ = 	snop  }
0x7: {  	_ = 	snop  }
__scs_overlays_trampoline_lowered:
0x8: {  	[smem:$0x3FA6] =	sst s0  }
0x9: {  	[smem:$0x3FA7] =	sst s1  }
0xa: {  	[smem:$0x3FA8] =	sst s2  }
0xb: {  	[smem:$0x3FA9] =	sst s3  }
0xc: {  	[smem:$0x3FAA] =	sst s4  }
0xd: {  	[smem:$0x3FAB] =	sst s5  }
0xe: {  	[smem:$0x3FAC] =	sst s6  }
0xf: {  	[smem:$0x3FAD] =	sst s7  }
0x10: {  	[smem:$0x3FAE] =	sst s8  }
0x11: {  	[smem:$0x3FAF] =	sst s9;
	s0 =	simm.s32 @!p0 $0x0  }
0x12: {  	s1 =	sld [smem:$0x3F95];
	s0 =	simm.s32 @p0 $0x1  }
0x13: {  	[smem:$0x3FB0] =	sst s0;
	s0 =	simm.s32 @!p1 $0x0  }
0x14: {  	s2 =	sld [smem:$0x3F94];
	s0 =	simm.s32 @p1 $0x1  }
0x15: {  	[smem:$0x3FB1] =	sst s0;
	s0 =	simm.s32 @!p2 $0x0  }
0x16: {  	s3 =	sld [smem:$0x3FDB];
	s0 =	simm.s32 @p2 $0x1  }
0x17: {  	s4 =	simm.s32 $0x1BF5;
	[smem:$0x3FB3] =	sst s0  }
0x18: {  	s0 =	sld [smem:$0x3F96];
	_ =	swait.ge [sflag:s4], $0x0  }
0x19: {  	s7 =	sld [smem:$0x3F97]  }
0x1a: {  	s8 =	sadd.s32 $0xFFFFE003, lr  }
0x1b: {  	s9 =	sadd.s32 $0xFFFFFEF7, lr;
	s5 =	simm.s32 $0xFFFFFFFF;
	p2 =	slt.u32 s8, $0xFFFFF086  }
0x1c: {  	p1 =	slt.u32 s9, $0xF7A;
	s5 =	simm.s32 @!p2 $0x0  }
0x1d: {  	s5 =	simm.s32 @p1 $0x1;
	p0 =	seq.s32 s7, s2  }
0x1e: {  	s7 =	smul.u32 @!p0 $0xF7A, s2;
	p2 =	seq.s32 @!p0 s5, $0x0  }
0x1f: {  	s9 =	smul.u32 $0xF7A, s1;
	s8 =	simm.s32 @!p0 $0x1BF5;
	p2 =	por !p2, p0  }
0x20: {  	[sflag:s8] =	ssyncset.s32 @!p0 $0xFFFFF086;
	s6 =	sadd.s32 @!p0 s3, s7;
	s7 =	simm.s32 @!p0 $0x108  }
0x21: {  	s3 =	sadd.s32 s3, s9;
	s6 =	sadd.s32 @!p0 $0x88, s6;
	s7 =	simm.s32 @p2 $0x1082  }
0x22: {  	[simem:s7], [sflag:s8] =	dma.local @!p0 [hbm:s6], $0xF7A  }
0x23: {  	s9 =	sor.u32 $0xD0000000, s2;
	s6 =	simm.s32 $0x108;
	_ =	swait.ge @!p0 [sflag:s8], $0x0  }
0x24: {  	s3 =	sadd.s32 $0x88, s3;
	s6 =	simm.s32 @!p1 $0x1082;
	[sflag:s4] =	ssyncset.s32 $0xFFFFF086  }
0x25: {  	[simem:s6], [sflag:s4] =	dma.local [hbm:s3], $0xF7A  }
0x26: {  	[smem:$0x3F97] =	sst s1;
	(tag) =	ssettag s2;
	_ =	strace s9  }
0x27: {  	s1 =	sld [smem:$0x3FA7]  }
0x28: {  	s2 =	sld [smem:$0x3FA8]  }
0x29: {  	s4 =	sld [smem:$0x3FAA]  }
0x2a: {  	p0 =	seq.s32 s5, $0x0;
	s5 =	sld [smem:$0x3FAB]  }
0x2b: {  	s6 =	sld [smem:$0x3FAC]  }
0x2c: {  	s7 =	sld [smem:$0x3FAD]  }
0x2d: {  	s3 =	simm.s32 $0x108;
	s8 =	sld [smem:$0x3FAE]  }
0x2e: {  	s3 =	simm.s32 @!p0 $0x1082;
	s9 =	sld [smem:$0x3FAF]  }
0x2f: {  	lr =	sadd.s32 s0, s3;
	s0 =	sld [smem:$0x3FA6]  }
0x30: {  	s3 =	sld [smem:$0x3FA9]  }
0x31: {  	[smem:$0x3FB2] =	sst s10  }
0x32: {  	s10 =	sld [smem:$0x3FB0];
	_ =	sdelay $0x3  }
0x33: {  	p0 =	seq.s32 s10, $0x1;
	s10 =	sld [smem:$0x3FB2];
	_ =	sdelay $0x3  }
0x34: {  	[smem:$0x3FB2] =	sst s10  }
0x35: {  	s10 =	sld [smem:$0x3FB1];
	_ =	sdelay $0x3  }
0x36: {  	p1 =	seq.s32 s10, $0x1;
	s10 =	sld [smem:$0x3FB2];
	_ =	sdelay $0x3  }
0x37: {  	[smem:$0x3FB2] =	sst s10  }
0x38: {  	s10 =	sld [smem:$0x3FB3]  }
0x39: {  	_ = 	snop;
	(pc) =	sbr.ind lr, $3  }
0x3a: {  	_ = 	snop  }
0x3b: {  	_ = 	snop  }
0x3c: {  	p2 =	seq.s32 s10, $0x1;
	s10 =	sld [smem:$0x3FB2]  }
0x3d: {  	_ =	shalt  }
0x3e: {  	_ =	shalt  }
0x3f: {  	_ =	shalt  }
0x40: {  	_ =	shalt  }
0x41: {  	_ =	shalt  }
0x42: {  	_ =	shalt  }
0x43: {  	_ =	shalt  }
0x44: {  	_ =	shalt  }
0x45: {  	_ =	shalt  }
0x46: {  	_ =	shalt  }
0x47: {  	_ =	shalt  }
0x48: {  	_ =	shalt  }
0x49: {  	_ =	shalt  }
0x4a: {  	_ =	shalt  }
0x4b: {  	_ =	shalt  }
0x4c: {  	_ =	shalt  }
0x4d: {  	_ =	shalt  }
0x4e: {  	_ =	shalt  }
0x4f: {  	_ =	shalt  }
0x50: {  	_ =	shalt  }
0x51: {  	_ =	shalt  }
0x52: {  	_ =	shalt  }
0x53: {  	_ =	shalt  }
0x54: {  	_ =	shalt  }
0x55: {  	_ =	shalt  }
0x56: {  	_ =	shalt  }
0x57: {  	_ =	shalt  }
0x58: {  	_ =	shalt  }
0x59: {  	_ =	shalt  }
0x5a: {  	_ =	shalt  }
0x5b: {  	_ =	shalt  }
0x5c: {  	_ =	shalt  }
0x5d: {  	_ =	shalt  }
0x5e: {  	_ =	shalt  }
0x5f: {  	_ =	shalt  }
0x60: {  	_ =	shalt  }
0x61: {  	_ =	shalt  }
0x62: {  	_ =	shalt  }
0x63: {  	_ =	shalt  }
0x64: {  	_ =	shalt  }
0x65: {  	_ =	shalt  }
0x66: {  	_ =	shalt  }
0x67: {  	_ =	shalt  }
0x68: {  	_ =	shalt  }
0x69: {  	_ =	shalt  }
0x6a: {  	_ =	shalt  }
0x6b: {  	_ =	shalt  }
0x6c: {  	_ =	shalt  }
0x6d: {  	_ =	shalt  }
0x6e: {  	_ =	shalt  }
0x6f: {  	_ =	shalt  }
0x70: {  	_ =	shalt  }
0x71: {  	_ =	shalt  }
0x72: {  	_ =	shalt  }
0x73: {  	_ =	shalt  }
0x74: {  	_ =	shalt  }
0x75: {  	_ =	shalt  }
0x76: {  	_ =	shalt  }
0x77: {  	_ =	shalt  }
0x78: {  	_ =	shalt  }
0x79: {  	_ =	shalt  }
0x7a: {  	_ =	shalt  }
0x7b: {  	_ =	shalt  }
0x7c: {  	_ =	shalt  }
0x7d: {  	_ =	shalt  }
0x7e: {  	_ =	shalt  }
0x7f: {  	_ =	shalt  }
0x80: {  	_ =	shalt  }
0x81: {  	_ =	shalt  }
0x82: {  	_ =	shalt  }
0x83: {  	_ =	shalt  }
0x84: {  	_ =	shalt  }
0x85: {  	_ =	shalt  }
0x86: {  	_ =	shalt  }
0x87: {  	_ =	shalt  }
.Lfunc_end0:
.L_simem_size_0:
called_computation.3_lowered:
.L_overlay_start_0:
0x88: {  	s2 =	sld [smem:$0x3FD9]  }
0x89: {  	s3 =	sld [smem:$0x3FFE];
	_ =	sdelay $0x1  }
0x8a: {  	s1 =	srdreg.scid  }
0x8b: {  	s0 =	sand.u32 $0x1, s1  }
0x8c: {  	s17 =	sshll.u32 s0, $0xA;
	s2 =	sadd.s32 s3, s2  }
0x8d: {  	s2 =	sadd.s32 s2, s17  }
0x8e: {  	[smem:$0x3FBE] =	sst s2  }
0x8f: {  	_ = 	snop  }
0x90: {  	s2 =	sld [smem:$0x3FD0];
	(tm) =	ssettm $0x1  }
0x91: {  	s18 =	sld [smem:$0x3FFB];
	_ =	sdelay $0x3  }
0x92: {  	_ =	strace s18  }
0x93: {  	s3 =	sld [smem:$0x3FFC];
	_ =	sdelay $0x3  }
0x94: {  	_ =	strace s3  }
0x95: {  	s3 =	sld [smem:$0x3FFD];
	_ =	sdelay $0x3  }
0x96: {  	_ =	strace s3  }
0x97: {  	_ =	strace $0x8FFFFFFF  }
0x98: {  	s19 =	sld [smem:$0x3FDB];
	_ =	sdelay $0x1  }
0x99: {  	s4 =	simm.s32 $_scs_section_size  }
0x9a: {  	s5 =	simm.s32 $_size__tile_overlayer_lowered;
	s6 =	simm.s32 $_tile_overlayer_lowered  }
0x9b: {  	s22 =	simm.s32 $0x1BFF;
	s21 =	sshll.u32 s6, $0x1;
	s3 =	sadd.s32 s4, s19  }
0x9c: {  	s7 =	simm.s32 $0x0;
	s20 =	sshll.u32 s5, $0x1;
	s5 =	sadd.s32 s21, s3  }
0x9d: {  	[timem:s7], [sflag:s22] =	dma.local [hbm:s5], s20  }
0x9e: {  	_ =	swait.ge [sflag:s22], s20  }
0x9f: {  	s4 =	ssub.s32 $0x0, s20;
	[sflag:s22] =	ssyncset.done $0x0  }
0xa0: {  	[sflag:s22] =	ssyncadd.s32 s4;
	_ =	sdelay $0x1  }
0xa1: {  	s23 =	simm.s32 $0x1B8B  }
0xa2: {  	_ =	swait.ge [sflag:s23], $0x1  }
0xa3: {  	[sflag:s23] =	ssyncset.done $0x0  }
0xa4: {  	s25 =	simm.s32 $0x1B8E;
	s24 =	sld [smem:$0x3FFE];
	[sflag:s23] =	ssyncadd.s32 $0xFFFFFFFF  }
0xa5: {  	s26 =	simm.s32 $execute0_lowered;
	[smem:$0x3FD2] =	sst s25  }
0xa6: {  	s5 =	sshll.u32 s26, $0x1;
	_ =	strace $0x8000004F;
	[dreg:$0x1] =	wrdreg $0xFFFFFFFF  }
0xa7: {  	s28 =	simm.s32 $_size_execute0_lowered;
	s3 =	sadd.s32 s3, s5;
	[dreg:$0x0] =	wrdreg $0x0  }
0xa8: {  	s5 =	sshll.u32 s28, $0x1;
	[dreg:$0x2] =	wrdreg s3  }
0xa9: {  	[dreg:$0x3] =	wrdreg s5  }
0xaa: {  	[dreg:$0x4] =	wrdreg $0xC0  }
0xab: {  	_ =	task [dreg:s7], $0x5FFFF  }
0xac: {  	[dreg:$0x1] =	wrdreg $0xFFFFFFFF  }
0xad: {  	[dreg:$0x0] =	wrdreg $0x60  }
0xae: {  	[dreg:$0x2] =	wrdreg s2  }
0xaf: {  	[dreg:$0x3] =	wrdreg s24  }
0xb0: {  	[dreg:$0x4] =	wrdreg $0xA8000  }
0xb1: {  	[dreg:$0x5] =	wrdreg $0x9  }
0xb2: {  	_ =	task.clear_ibuf [dreg:s7], $0x6FFFF;
	_ =	strace $0x9000004F  }
0xb3: {  	s29 =	simm.s32 $0x9;
	_ =	strace $0x80000051  }
0xb4: {  	_ =	swait.ge [sflag:s29], $0x1  }
0xb5: {  	[sflag:s29] =	ssyncadd.s32 $0xFFFFFFFF  }
0xb6: {  	_ =	strace $0x90000051  }
0xb7: {  	_ =	sfence  }
0xb8: {  	s30 =	sld [smem:$0x0];
	_ =	sdelay $0x2  }
0xb9: {  	s31 =	sshll.u32 s1, $0xD;
	s1 =	sshrl.u32 s1, $0x2  }
0xba: {  	s3 =	sand.u32 $0x4000, s31;
	s1 =	sadd.s32 s1, s30  }
0xbb: {  	s0 =	sor.u32 s3, s0;
	s1 =	sshll.u32 s1, $0x11  }
0xbc: {  	s0 =	sor.u32 s1, s0  }
0xbd: {  	s0 =	sadd.s32 $0x8F2B, s0  }
0xbe: {  	[sflag:s0] =	ssyncadd.remote.s32 $0x1  }
0xbf: {  	_ =	sfence.sel $0xFFFF  }
0xc0: {  	[dreg:$0x0] =	wrdreg $0xFFFFFFFF;
	(pc) =	sbr.abs _section_cstart, $3  }
0xc1: {  	[dreg:$0x1] =	wrdreg $0xFFFFFFFF  }
0xc2: {  	_ =	task.clear_ibuf [dreg:s7], $0x2FFFF;
	_ =	strace $0x9FFFFFFF  }
0xc3: {  	(tm) =	ssettm $0x7FFFFFFF  }
tec
execute0_lowered:
.L_overlay_start_1:
0x0: {  	(tag) =	ssettag $0x1  }
0x1: {  	s1 =	rddreg [dreg:$0x0]  }
0x2: {  	s5 =	rddreg [dreg:$0x1]  }
0x3: {  	s3 =	rddreg [dreg:$0x2]  }
0x4: {  	s0 =	rddreg [dreg:$0x3];
	s4 =	simm.s32 $0x0;
	s2 =	stileid.u32  }
0x5: {  	s6 =	srdreg.scid;
	s16 =	simm.s32 $0x7D;
	s17 =	simm.s32 $0x2800  }
0x6: {  	s18 =	simm.s32 $0x80;
	s19 =	simm.s32 $0x6800;
	s20 =	simm.s32 $0x1  }
0x7: {  	s21 =	simm.s32 $0x2;
	s22 =	simm.s32 $0x2700;
	s23 =	simm.s32 $0x2780  }
0x8: {  	s24 =	simm.s32 $0x0;
	[smem:$0x7FF] =	sst s4;
	s7 =	smul.u32 $0x14000, s2  }
0x9: {  	s6 =	sand.u32 $0x1, s6;
	s9 =	sadd.s32 $0x85600, s5;
	s10 =	sadd.s32 $0x3600, s5  }
0xa: {  	s12 =	smul.u32 $0x50000, s2;
	s30 =	sshll.u32 s2, $0x6;
	_ =	strace $0x80000050  }
0xb: {  	s8 =	smul.u32 $0x140000, s6;
	s28 =	sshll.u32 s6, $0x4;
	s6 =	ssub.s32 $0x2, s6  }
0xc: {  	s11 =	sshrl.u32 s7, $0x3;
	s13 =	sshrl.u32 s6, $0x1;
	s29 =	sshrl.u32 s12, $0x2  }
0xd: {  	s11 =	sadd.s32 s11, s5;
	s7 =	sadd.s32 s7, s8;
	s8 =	sor.u32 s2, s28  }
0xe: {  	s13 =	ssub.s32 s6, s13;
	s15 =	sadd.s32 s29, s3;
	s6 =	sor.u32 $0x1C03, s30  }
0xf: {  	s7 =	sshrl.u32 s7, $0x3;
	s8 =	smul.u32 $0x2800, s8;
	s12 =	smax.u32 s13, $0x1  }
0x10: {  	s13 =	sshrl.u32 s15, $0x3;
	s15 =	simm.s32 $0x1400;
	s14 =	sadd.s32 s7, s5  }
0x11: {  	s5 =	sadd.s32 $0xD600, s11;
	s8 =	sshrl.u32 s8, $0x3;
	s11 =	sadd.s32 $0x35600, s14  }
0x12: {  	s14 =	simm.s32 $0x3;
	s31 =	sadd.s32 $0x280, s8;
	s7 =	sadd.s32 s9, s8  }
0x13: {  	s8 =	sadd.s32 s10, s8;
	s9 =	sadd.s32 s9, s31;
	s10 =	sadd.s32 s10, s31  }
.LBB2_1:
0x14: {  	[spmem:s13], [sflag:s6] =	dma.local [hbm:s5], $0x2800  }
0x15: {  	_ =	swait.ge [sflag:s14], $0x2800  }
0x16: {  	[sflag:s14] =	ssyncset.done $0x0  }
0x17: {  	[sflag:s14] =	ssyncadd.s32 $0xFFFFD800  }
0x18: {  	[bflag:$0x0] =	sbarrier.arrive $0xFFFF  }
0x19: {  	[tilespmem:s4], [sflag:$0x3] =	stream.linear.gather [hbm4b:s7+s4], $0x1400, $0x38;
	[tilespmem:$0x1E800] =	vst v63  }
0x1a: {  	_ =	swait.ge [sflag:s14], $0x1400  }
0x1b: {  	[sflag:s14] =	ssyncset.done $0x0  }
0x1c: {  	[sflag:s14] =	ssyncadd.s32 $0xFFFFEC00  }
0x1d: {  	[tilespmem:s15], [sflag:$0x3] =	stream.linear.gather [hbm4b:s8+s4], $0x1400, $0x38;
	[tilespmem:$0x1E800] =	vst v63  }
0x1e: {  	_ =	swait.ge [sflag:s14], $0x1400  }
0x1f: {  	[sflag:s14] =	ssyncset.done $0x0  }
0x20: {  	[sflag:s14] =	ssyncadd.s32 $0xFFFFEC00  }
0x21: {  	[tilespmem:s17], [sflag:$0x1] =	stream.indirect.gather [hbm4b:s1+s16], $0x80, s4, s16, $0xb8;
	[tilespmem:$0x1E800] =	vst v63  }
0x22: {  	_ = 	snop  }
0x23: {  	[tilespmem:s19], [sflag:$0x2] =	stream.indirect.gather [hbm4b:s1+s16], $0x80, s18, s16, $0xb8;
	[tilespmem:$0x1E800] =	vst v63  }
0x24: {  	_ =	swait.ge [sflag:s20], $0x3E80  }
0x25: {  	[sflag:s20] =	ssyncset.done $0x0  }
0x26: {  	s25 =	simm.s32 $0x1400;
	[sflag:s20] =	ssyncadd.s32 $0xFFFFC180  }
0x27: {  	[spmem:s3] =	stream.indirect.scatter.add.f32 [tilespmem:s17], [sflag:$0x3], $0x80, s25, s16, $0xb8;
	[tilespmem:$0x1E800] =	vst v63  }
0x28: {  	_ =	swait.ge [sflag:s14], $0x3E80  }
0x29: {  	[sflag:s14] =	ssyncset.done $0x0  }
0x2a: {  	s30 =	simm.s32 $0x100;
	[sflag:s14] =	ssyncadd.s32 $0xFFFFC180  }
0x2b: {  	[tilespmem:s17], [sflag:$0x1] =	stream.indirect.gather [hbm4b:s1+s16], $0x80, s30, s16, $0xb8;
	[tilespmem:$0x1E800] =	vst v63  }
0x2c: {  	_ =	swait.ge [sflag:s21], $0x3E80  }
0x2d: {  	[sflag:s21] =	ssyncset.done $0x0  }
0x2e: {  	s31 =	simm.s32 $0x1480;
	[sflag:s21] =	ssyncadd.s32 $0xFFFFC180  }
0x2f: {  	[spmem:s3] =	stream.indirect.scatter.add.f32 [tilespmem:s19], [sflag:$0x3], $0x80, s31, s16, $0xb8;
	[tilespmem:$0x1E800] =	vst v63  }
0x30: {  	_ =	swait.ge [sflag:s14], $0x3E80  }
0x31: {  	[sflag:s14] =	ssyncset.done $0x0  }
0x32: {  	s26 =	simm.s32 $0x180;
	s25 =	simm.s32 $0x400;
	[sflag:s14] =	ssyncadd.s32 $0xFFFFC180  }
.LBB2_2:
0x33: {  	[tilespmem:s19], [sflag:$0x2] =	stream.indirect.gather [hbm4b:s1+s16], $0x80, s26, s16, $0xb8;
	[tilespmem:$0x1E800] =	vst v63  }
0x34: {  	s26 =	smov.u32 s25  }
0x35: {  	p0 =	sne.s32 s25, $0x4800;
	s25 =	sadd.s32 $0x400, s25;
	_ =	swait.ge [sflag:s20], $0x3E80  }
0x36: {  	s26 =	sshra.s32 s26, $0x2;
	[sflag:s20] =	ssyncset.done $0x0  }
0x37: {  	s28 =	sadd.s32 $0x1400, s26;
	[sflag:s20] =	ssyncadd.s32 $0xFFFFC180  }
0x38: {  	[spmem:s3] =	stream.indirect.scatter.add.f32 [tilespmem:s17], [sflag:$0x3], $0x80, s28, s16, $0xb8;
	[tilespmem:$0x1E800] =	vst v63  }
0x39: {  	_ =	swait.ge [sflag:s14], $0x3E80  }
0x3a: {  	[sflag:s14] =	ssyncset.done $0x0  }
0x3b: {  	s28 =	sadd.s32 $0x100, s26;
	[sflag:s14] =	ssyncadd.s32 $0xFFFFC180  }
0x3c: {  	[tilespmem:s17], [sflag:$0x1] =	stream.indirect.gather [hbm4b:s1+s16], $0x80, s28, s16, $0xb8;
	[tilespmem:$0x1E800] =	vst v63  }
0x3d: {  	_ =	swait.ge [sflag:s21], $0x3E80  }
0x3e: {  	[sflag:s21] =	ssyncset.done $0x0  }
.Ltmp0:
0x3f: {  	s28 =	sadd.s32 $0x1480, s26;
	[sflag:s21] =	ssyncadd.s32 $0xFFFFC180;
	(pc) =	sbr.rel @p0 .LBB2_2-.Ltmp0, $4  }
0x40: {  	[spmem:s3] =	stream.indirect.scatter.add.f32 [tilespmem:s19], [sflag:$0x3], $0x80, s28, s16, $0xb8;
	[tilespmem:$0x1E800] =	vst v63  }
0x41: {  	_ =	swait.ge [sflag:s14], $0x3E80  }
0x42: {  	[sflag:s14] =	ssyncset.done $0x0  }
0x43: {  	s26 =	sadd.s32 $0x180, s26;
	[sflag:s14] =	ssyncadd.s32 $0xFFFFC180  }
0x44: {  	[tilespmem:s19], [sflag:$0x2] =	stream.indirect.gather [hbm4b:s1+s16], $0x80, s26, s16, $0xb8;
	[tilespmem:$0x1E800] =	vst v63  }
0x45: {  	_ =	swait.ge [sflag:s20], $0x3E80  }
0x46: {  	[sflag:s20] =	ssyncset.done $0x0  }
0x47: {  	[sflag:s20] =	ssyncadd.s32 $0xFFFFC180  }
0x48: {  	[spmem:s3] =	stream.indirect.scatter.add.f32 [tilespmem:s17], [sflag:$0x3], $0x80, s22, s16, $0xb8;
	[tilespmem:$0x1E800] =	vst v63  }
0x49: {  	_ =	swait.ge [sflag:s14], $0x3E80  }
0x4a: {  	[sflag:s14] =	ssyncset.done $0x0  }
0x4b: {  	[sflag:s14] =	ssyncadd.s32 $0xFFFFC180  }
0x4c: {  	_ =	swait.ge [sflag:s21], $0x3E80  }
0x4d: {  	[sflag:s21] =	ssyncset.done $0x0  }
0x4e: {  	[sflag:s21] =	ssyncadd.s32 $0xFFFFC180  }
0x4f: {  	[spmem:s3] =	stream.indirect.scatter.add.f32 [tilespmem:s19], [sflag:$0x3], $0x80, s23, s16, $0xb8;
	[tilespmem:$0x1E800] =	vst v63  }
0x50: {  	_ =	swait.ge [sflag:s14], $0x3E80  }
0x51: {  	[sflag:s14] =	ssyncset.done $0x0  }
0x52: {  	s25 =	simm.s32 $0x0;
	[sflag:s14] =	ssyncadd.s32 $0xFFFFC180  }
0x53: {  	[tilespmem:s25], [sflag:$0x3] =	stream.linear.gather [hbm4b:s9+s25], $0x1400, $0x38;
	[tilespmem:$0x1E800] =	vst v63  }
0x54: {  	_ =	swait.ge [sflag:s14], $0x1400  }
0x55: {  	[sflag:s14] =	ssyncset.done $0x0  }
0x56: {  	[sflag:s14] =	ssyncadd.s32 $0xFFFFEC00  }
0x57: {  	[tilespmem:s15], [sflag:$0x3] =	stream.linear.gather [hbm4b:s10+s25], $0x1400, $0x38;
	[tilespmem:$0x1E800] =	vst v63  }
0x58: {  	_ =	swait.ge [sflag:s14], $0x1400  }
0x59: {  	[sflag:s14] =	ssyncset.done $0x0  }
0x5a: {  	[sflag:s14] =	ssyncadd.s32 $0xFFFFEC00  }
0x5b: {  	[tilespmem:s17], [sflag:$0x1] =	stream.indirect.gather [hbm4b:s1+s16], $0x80, s25, s16, $0xb8;
	[tilespmem:$0x1E800] =	vst v63  }
0x5c: {  	_ = 	snop  }
0x5d: {  	[tilespmem:s19], [sflag:$0x2] =	stream.indirect.gather [hbm4b:s1+s16], $0x80, s18, s16, $0xb8;
	[tilespmem:$0x1E800] =	vst v63  }
0x5e: {  	_ =	swait.ge [sflag:s20], $0x3E80  }
0x5f: {  	[sflag:s20] =	ssyncset.done $0x0  }
0x60: {  	s29 =	simm.s32 $0x1400;
	[sflag:s20] =	ssyncadd.s32 $0xFFFFC180  }
0x61: {  	[spmem:s3] =	stream.indirect.scatter.add.f32 [tilespmem:s17], [sflag:$0x3], $0x80, s29, s16, $0xb8;
	[tilespmem:$0x1E800] =	vst v63  }
0x62: {  	_ =	swait.ge [sflag:s14], $0x3E80  }
0x63: {  	[sflag:s14] =	ssyncset.done $0x0  }
0x64: {  	s30 =	simm.s32 $0x100;
	[sflag:s14] =	ssyncadd.s32 $0xFFFFC180  }
0x65: {  	[tilespmem:s17], [sflag:$0x1] =	stream.indirect.gather [hbm4b:s1+s16], $0x80, s30, s16, $0xb8;
	[tilespmem:$0x1E800] =	vst v63  }
0x66: {  	_ =	swait.ge [sflag:s21], $0x3E80  }
0x67: {  	[sflag:s21] =	ssyncset.done $0x0  }
0x68: {  	s31 =	simm.s32 $0x1480;
	[sflag:s21] =	ssyncadd.s32 $0xFFFFC180  }
0x69: {  	[spmem:s3] =	stream.indirect.scatter.add.f32 [tilespmem:s19], [sflag:$0x3], $0x80, s31, s16, $0xb8;
	[tilespmem:$0x1E800] =	vst v63  }
0x6a: {  	_ =	swait.ge [sflag:s14], $0x3E80  }
0x6b: {  	[sflag:s14] =	ssyncset.done $0x0  }
0x6c: {  	s26 =	simm.s32 $0x180;
	s25 =	simm.s32 $0x400;
	[sflag:s14] =	ssyncadd.s32 $0xFFFFC180  }
.LBB2_4:
0x6d: {  	[tilespmem:s19], [sflag:$0x2] =	stream.indirect.gather [hbm4b:s1+s16], $0x80, s26, s16, $0xb8;
	[tilespmem:$0x1E800] =	vst v63  }
0x6e: {  	s26 =	smov.u32 s25  }
0x6f: {  	p0 =	sne.s32 s25, $0x4800;
	s25 =	sadd.s32 $0x400, s25;
	_ =	swait.ge [sflag:s20], $0x3E80  }
0x70: {  	s26 =	sshra.s32 s26, $0x2;
	[sflag:s20] =	ssyncset.done $0x0  }
0x71: {  	s28 =	sadd.s32 $0x1400, s26;
	[sflag:s20] =	ssyncadd.s32 $0xFFFFC180  }
0x72: {  	[spmem:s3] =	stream.indirect.scatter.add.f32 [tilespmem:s17], [sflag:$0x3], $0x80, s28, s16, $0xb8;
	[tilespmem:$0x1E800] =	vst v63  }
0x73: {  	_ =	swait.ge [sflag:s14], $0x3E80  }
0x74: {  	[sflag:s14] =	ssyncset.done $0x0  }
0x75: {  	s28 =	sadd.s32 $0x100, s26;
	[sflag:s14] =	ssyncadd.s32 $0xFFFFC180  }
0x76: {  	[tilespmem:s17], [sflag:$0x1] =	stream.indirect.gather [hbm4b:s1+s16], $0x80, s28, s16, $0xb8;
	[tilespmem:$0x1E800] =	vst v63  }
0x77: {  	_ =	swait.ge [sflag:s21], $0x3E80  }
0x78: {  	[sflag:s21] =	ssyncset.done $0x0  }
.Ltmp1:
0x79: {  	s28 =	sadd.s32 $0x1480, s26;
	[sflag:s21] =	ssyncadd.s32 $0xFFFFC180;
	(pc) =	sbr.rel @p0 .LBB2_4-.Ltmp1, $4  }
0x7a: {  	[spmem:s3] =	stream.indirect.scatter.add.f32 [tilespmem:s19], [sflag:$0x3], $0x80, s28, s16, $0xb8;
	[tilespmem:$0x1E800] =	vst v63  }
0x7b: {  	_ =	swait.ge [sflag:s14], $0x3E80  }
0x7c: {  	[sflag:s14] =	ssyncset.done $0x0  }
0x7d: {  	s26 =	sadd.s32 $0x180, s26;
	[sflag:s14] =	ssyncadd.s32 $0xFFFFC180  }
0x7e: {  	[tilespmem:s19], [sflag:$0x2] =	stream.indirect.gather [hbm4b:s1+s16], $0x80, s26, s16, $0xb8;
	[tilespmem:$0x1E800] =	vst v63  }
0x7f: {  	_ =	swait.ge [sflag:s20], $0x3E80  }
0x80: {  	[sflag:s20] =	ssyncset.done $0x0  }
0x81: {  	[sflag:s20] =	ssyncadd.s32 $0xFFFFC180  }
0x82: {  	[spmem:s3] =	stream.indirect.scatter.add.f32 [tilespmem:s17], [sflag:$0x3], $0x80, s22, s16, $0xb8;
	[tilespmem:$0x1E800] =	vst v63  }
0x83: {  	_ =	swait.ge [sflag:s14], $0x3E80  }
0x84: {  	[sflag:s14] =	ssyncset.done $0x0  }
0x85: {  	[sflag:s14] =	ssyncadd.s32 $0xFFFFC180  }
0x86: {  	_ =	swait.ge [sflag:s21], $0x3E80  }
0x87: {  	[sflag:s21] =	ssyncset.done $0x0  }
0x88: {  	[sflag:s21] =	ssyncadd.s32 $0xFFFFC180  }
0x89: {  	[spmem:s3] =	stream.indirect.scatter.add.f32 [tilespmem:s19], [sflag:$0x3], $0x80, s23, s16, $0xb8;
	[tilespmem:$0x1E800] =	vst v63  }
0x8a: {  	_ =	swait.ge [sflag:s14], $0x3E80  }
0x8b: {  	s24 =	sadd.s32 $0x1, s24;
	[sflag:s14] =	ssyncset.done $0x0  }
0x8c: {  	p0 =	sne.s32 s24, s12;
	[sflag:s14] =	ssyncadd.s32 $0xFFFFC180  }
.Ltmp2:
0x8d: {  	[bflag:$0x0] =	sbarrier.arrive $0xFFFF;
	(pc) =	sbr.rel @p0 .LBB2_1-.Ltmp2, $4  }
0x8e: {  	[hbm:s11], [sflag:s6] =	dma.local [spmem:s13], $0x2800  }
0x8f: {  	_ =	swait.ge [sflag:s14], $0x2800  }
0x90: {  	[sflag:s14] =	ssyncset.done $0x0  }
0x91: {  	[sflag:s14] =	ssyncadd.s32 $0xFFFFD800  }
0x92: {  	_ =	sfence.sel $0x180000  }
0x93: {  	[bflag:$0x0] =	sbarrier.arrive $0xFFFF  }
0x94: {  	p0 =	sne.s32 s2, $0x0;
	_ =	strace $0x90000050  }
0x95: {  	s0 =	sadd.s32 @!p0 $0x100000, s0;
	[bflag:$0x2] =	sbarrier.arrive $0xFFFF  }
0x96: {  	[sflag:s0] =	ssyncadd.tile.s32 @!p0 $0x1;
	_ =	shalt  }
.Lfunc_end2:
_tile_overlayer_lowered:
.L_overlay_start_2:
0x97: {  	(tag) =	ssettag $0x2  }
0x98: {  	s0 =	rddreg [dreg:$0x0];
	s2 =	stileid.u32  }
0x99: {  	s1 =	rddreg [dreg:$0x1];
	p0 =	sne.s32 s2, $0x0  }
0x9a: {  	s3 =	rddreg [dreg:$0x2];
	[bflag:$0x3] =	sbarrier.arrive $0xFFFF;
	s2 =	simm.s32 @!p0 $0x1C03  }
0x9b: {  	[timem:s3], [sflag:s2] =	dma.local @!p0 [hbm:s0], s1  }
0x9c: {  	s0 =	simm.s32 @!p0 $0x3  }
0x9d: {  	_ =	swait.ge @!p0 [sflag:s0], s1  }
0x9e: {  	s1 =	ssub.s32 @!p0 $0x0, s1;
	[sflag:s0] =	ssyncset.done @!p0 $0x0  }
0x9f: {  	[sflag:s0] =	ssyncadd.s32 @!p0 s1  }
0xa0: {  	[bflag:$0x3] =	sbarrier.arrive $0xFFFF  }
0xa1: {  	_ =	shalt  }

// kernel: kernel.24.cloned.1.call-start
scs
__scs_entry_jumppad:
0x0: {  	(pc) =	sbr.rel $0x88, $3  }
0x1: {  	(tag) =	ssettag $0x0;
	lr =	simm.s32 $0x1  }
0x2: {  	[smem:$0x3F97] =	sst lr;
	_ =	strace $0xD0000000  }
0x3: {  	_ = 	snop  }
0x4: {  	_ = 	snop  }
0x5: {  	_ = 	snop  }
0x6: {  	_ = 	snop  }
0x7: {  	_ = 	snop  }
__scs_overlays_trampoline_lowered:
0x8: {  	[smem:$0x3FA6] =	sst s0  }
0x9: {  	[smem:$0x3FA7] =	sst s1  }
0xa: {  	[smem:$0x3FA8] =	sst s2  }
0xb: {  	[smem:$0x3FA9] =	sst s3  }
0xc: {  	[smem:$0x3FAA] =	sst s4  }
0xd: {  	[smem:$0x3FAB] =	sst s5  }
0xe: {  	[smem:$0x3FAC] =	sst s6  }
0xf: {  	[smem:$0x3FAD] =	sst s7  }
0x10: {  	[smem:$0x3FAE] =	sst s8  }
0x11: {  	[smem:$0x3FAF] =	sst s9;
	s0 =	simm.s32 @!p0 $0x0  }
0x12: {  	s1 =	sld [smem:$0x3F95];
	s0 =	simm.s32 @p0 $0x1  }
0x13: {  	[smem:$0x3FB0] =	sst s0;
	s0 =	simm.s32 @!p1 $0x0  }
0x14: {  	s2 =	sld [smem:$0x3F94];
	s0 =	simm.s32 @p1 $0x1  }
0x15: {  	[smem:$0x3FB1] =	sst s0;
	s0 =	simm.s32 @!p2 $0x0  }
0x16: {  	s3 =	sld [smem:$0x3FDB];
	s0 =	simm.s32 @p2 $0x1  }
0x17: {  	s4 =	simm.s32 $0x1BF5;
	[smem:$0x3FB3] =	sst s0  }
0x18: {  	s0 =	sld [smem:$0x3F96];
	_ =	swait.ge [sflag:s4], $0x0  }
0x19: {  	s7 =	sld [smem:$0x3F97]  }
0x1a: {  	s8 =	sadd.s32 $0xFFFFE003, lr  }
0x1b: {  	s9 =	sadd.s32 $0xFFFFFEF7, lr;
	s5 =	simm.s32 $0xFFFFFFFF;
	p2 =	slt.u32 s8, $0xFFFFF086  }
0x1c: {  	p1 =	slt.u32 s9, $0xF7A;
	s5 =	simm.s32 @!p2 $0x0  }
0x1d: {  	s5 =	simm.s32 @p1 $0x1;
	p0 =	seq.s32 s7, s2  }
0x1e: {  	s7 =	smul.u32 @!p0 $0xF7A, s2;
	p2 =	seq.s32 @!p0 s5, $0x0  }
0x1f: {  	s9 =	smul.u32 $0xF7A, s1;
	s8 =	simm.s32 @!p0 $0x1BF5;
	p2 =	por !p2, p0  }
0x20: {  	[sflag:s8] =	ssyncset.s32 @!p0 $0xFFFFF086;
	s6 =	sadd.s32 @!p0 s3, s7;
	s7 =	simm.s32 @!p0 $0x108  }
0x21: {  	s3 =	sadd.s32 s3, s9;
	s6 =	sadd.s32 @!p0 $0x88, s6;
	s7 =	simm.s32 @p2 $0x1082  }
0x22: {  	[simem:s7], [sflag:s8] =	dma.local @!p0 [hbm:s6], $0xF7A  }
0x23: {  	s9 =	sor.u32 $0xD0000000, s2;
	s6 =	simm.s32 $0x108;
	_ =	swait.ge @!p0 [sflag:s8], $0x0  }
0x24: {  	s3 =	sadd.s32 $0x88, s3;
	s6 =	simm.s32 @!p1 $0x1082;
	[sflag:s4] =	ssyncset.s32 $0xFFFFF086  }
0x25: {  	[simem:s6], [sflag:s4] =	dma.local [hbm:s3], $0xF7A  }
0x26: {  	[smem:$0x3F97] =	sst s1;
	(tag) =	ssettag s2;
	_ =	strace s9  }
0x27: {  	s1 =	sld [smem:$0x3FA7]  }
0x28: {  	s2 =	sld [smem:$0x3FA8]  }
0x29: {  	s4 =	sld [smem:$0x3FAA]  }
0x2a: {  	p0 =	seq.s32 s5, $0x0;
	s5 =	sld [smem:$0x3FAB]  }
0x2b: {  	s6 =	sld [smem:$0x3FAC]  }
0x2c: {  	s7 =	sld [smem:$0x3FAD]  }
0x2d: {  	s3 =	simm.s32 $0x108;
	s8 =	sld [smem:$0x3FAE]  }
0x2e: {  	s3 =	simm.s32 @!p0 $0x1082;
	s9 =	sld [smem:$0x3FAF]  }
0x2f: {  	lr =	sadd.s32 s0, s3;
	s0 =	sld [smem:$0x3FA6]  }
0x30: {  	s3 =	sld [smem:$0x3FA9]  }
0x31: {  	[smem:$0x3FB2] =	sst s10  }
0x32: {  	s10 =	sld [smem:$0x3FB0];
	_ =	sdelay $0x3  }
0x33: {  	p0 =	seq.s32 s10, $0x1;
	s10 =	sld [smem:$0x3FB2];
	_ =	sdelay $0x3  }
0x34: {  	[smem:$0x3FB2] =	sst s10  }
0x35: {  	s10 =	sld [smem:$0x3FB1];
	_ =	sdelay $0x3  }
0x36: {  	p1 =	seq.s32 s10, $0x1;
	s10 =	sld [smem:$0x3FB2];
	_ =	sdelay $0x3  }
0x37: {  	[smem:$0x3FB2] =	sst s10  }
0x38: {  	s10 =	sld [smem:$0x3FB3]  }
0x39: {  	_ = 	snop;
	(pc) =	sbr.ind lr, $3  }
0x3a: {  	_ = 	snop  }
0x3b: {  	_ = 	snop  }
0x3c: {  	p2 =	seq.s32 s10, $0x1;
	s10 =	sld [smem:$0x3FB2]  }
0x3d: {  	_ =	shalt  }
0x3e: {  	_ =	shalt  }
0x3f: {  	_ =	shalt  }
0x40: {  	_ =	shalt  }
0x41: {  	_ =	shalt  }
0x42: {  	_ =	shalt  }
0x43: {  	_ =	shalt  }
0x44: {  	_ =	shalt  }
0x45: {  	_ =	shalt  }
0x46: {  	_ =	shalt  }
0x47: {  	_ =	shalt  }
0x48: {  	_ =	shalt  }
0x49: {  	_ =	shalt  }
0x4a: {  	_ =	shalt  }
0x4b: {  	_ =	shalt  }
0x4c: {  	_ =	shalt  }
0x4d: {  	_ =	shalt  }
0x4e: {  	_ =	shalt  }
0x4f: {  	_ =	shalt  }
0x50: {  	_ =	shalt  }
0x51: {  	_ =	shalt  }
0x52: {  	_ =	shalt  }
0x53: {  	_ =	shalt  }
0x54: {  	_ =	shalt  }
0x55: {  	_ =	shalt  }
0x56: {  	_ =	shalt  }
0x57: {  	_ =	shalt  }
0x58: {  	_ =	shalt  }
0x59: {  	_ =	shalt  }
0x5a: {  	_ =	shalt  }
0x5b: {  	_ =	shalt  }
0x5c: {  	_ =	shalt  }
0x5d: {  	_ =	shalt  }
0x5e: {  	_ =	shalt  }
0x5f: {  	_ =	shalt  }
0x60: {  	_ =	shalt  }
0x61: {  	_ =	shalt  }
0x62: {  	_ =	shalt  }
0x63: {  	_ =	shalt  }
0x64: {  	_ =	shalt  }
0x65: {  	_ =	shalt  }
0x66: {  	_ =	shalt  }
0x67: {  	_ =	shalt  }
0x68: {  	_ =	shalt  }
0x69: {  	_ =	shalt  }
0x6a: {  	_ =	shalt  }
0x6b: {  	_ =	shalt  }
0x6c: {  	_ =	shalt  }
0x6d: {  	_ =	shalt  }
0x6e: {  	_ =	shalt  }
0x6f: {  	_ =	shalt  }
0x70: {  	_ =	shalt  }
0x71: {  	_ =	shalt  }
0x72: {  	_ =	shalt  }
0x73: {  	_ =	shalt  }
0x74: {  	_ =	shalt  }
0x75: {  	_ =	shalt  }
0x76: {  	_ =	shalt  }
0x77: {  	_ =	shalt  }
0x78: {  	_ =	shalt  }
0x79: {  	_ =	shalt  }
0x7a: {  	_ =	shalt  }
0x7b: {  	_ =	shalt  }
0x7c: {  	_ =	shalt  }
0x7d: {  	_ =	shalt  }
0x7e: {  	_ =	shalt  }
0x7f: {  	_ =	shalt  }
0x80: {  	_ =	shalt  }
0x81: {  	_ =	shalt  }
0x82: {  	_ =	shalt  }
0x83: {  	_ =	shalt  }
0x84: {  	_ =	shalt  }
0x85: {  	_ =	shalt  }
0x86: {  	_ =	shalt  }
0x87: {  	_ =	shalt  }
.Lfunc_end0:
.L_simem_size_0:
called_computation.4_lowered:
.L_overlay_start_0:
0x88: {  	s2 =	sld [smem:$0x3FD9]  }
0x89: {  	s3 =	sld [smem:$0x3FFE];
	_ =	sdelay $0x1  }
0x8a: {  	s1 =	srdreg.scid  }
0x8b: {  	s0 =	sand.u32 $0x1, s1  }
0x8c: {  	s17 =	sshll.u32 s0, $0xA;
	s2 =	sadd.s32 s3, s2  }
0x8d: {  	s2 =	sadd.s32 s2, s17  }
0x8e: {  	[smem:$0x3FBE] =	sst s2  }
0x8f: {  	_ = 	snop  }
0x90: {  	s2 =	sld [smem:$0x3FD0];
	(tm) =	ssettm $0x1  }
0x91: {  	s18 =	sld [smem:$0x3FFB];
	_ =	sdelay $0x3  }
0x92: {  	_ =	strace s18  }
0x93: {  	s3 =	sld [smem:$0x3FFC];
	_ =	sdelay $0x3  }
0x94: {  	_ =	strace s3  }
0x95: {  	s3 =	sld [smem:$0x3FFD];
	_ =	sdelay $0x3  }
0x96: {  	_ =	strace s3  }
0x97: {  	_ =	strace $0x8FFFFFFF  }
0x98: {  	s19 =	sld [smem:$0x3FDB];
	_ =	sdelay $0x1  }
0x99: {  	s4 =	simm.s32 $_scs_section_size  }
0x9a: {  	s5 =	simm.s32 $_size__tile_overlayer_lowered;
	s6 =	simm.s32 $_tile_overlayer_lowered  }
0x9b: {  	s22 =	simm.s32 $0x1BFF;
	s21 =	sshll.u32 s6, $0x1;
	s3 =	sadd.s32 s4, s19  }
0x9c: {  	s7 =	simm.s32 $0x0;
	s20 =	sshll.u32 s5, $0x1;
	s5 =	sadd.s32 s21, s3  }
0x9d: {  	[timem:s7], [sflag:s22] =	dma.local [hbm:s5], s20  }
0x9e: {  	_ =	swait.ge [sflag:s22], s20  }
0x9f: {  	s4 =	ssub.s32 $0x0, s20;
	[sflag:s22] =	ssyncset.done $0x0  }
0xa0: {  	[sflag:s22] =	ssyncadd.s32 s4;
	_ =	sdelay $0x1  }
0xa1: {  	s23 =	simm.s32 $0x1B8B  }
0xa2: {  	_ =	swait.ge [sflag:s23], $0x1  }
0xa3: {  	[sflag:s23] =	ssyncset.done $0x0  }
0xa4: {  	s25 =	simm.s32 $0x1B8E;
	s24 =	sld [smem:$0x3FFE];
	[sflag:s23] =	ssyncadd.s32 $0xFFFFFFFF  }
0xa5: {  	s26 =	simm.s32 $execute0_lowered;
	[smem:$0x3FD2] =	sst s25  }
0xa6: {  	s5 =	sshll.u32 s26, $0x1;
	_ =	strace $0x80000052;
	[dreg:$0x1] =	wrdreg $0xFFFFFFFF  }
0xa7: {  	s28 =	simm.s32 $_size_execute0_lowered;
	s3 =	sadd.s32 s3, s5;
	[dreg:$0x0] =	wrdreg $0x0  }
0xa8: {  	s5 =	sshll.u32 s28, $0x1;
	[dreg:$0x2] =	wrdreg s3  }
0xa9: {  	[dreg:$0x3] =	wrdreg s5  }
0xaa: {  	[dreg:$0x4] =	wrdreg $0xC0  }
0xab: {  	_ =	task [dreg:s7], $0x5FFFF  }
0xac: {  	[dreg:$0x1] =	wrdreg $0xFFFFFFFF  }
0xad: {  	[dreg:$0x0] =	wrdreg $0x60  }
0xae: {  	[dreg:$0x2] =	wrdreg s2  }
0xaf: {  	[dreg:$0x3] =	wrdreg s24  }
0xb0: {  	[dreg:$0x4] =	wrdreg $0xA8000  }
0xb1: {  	[dreg:$0x5] =	wrdreg $0x9  }
0xb2: {  	_ =	task.clear_ibuf [dreg:s7], $0x6FFFF;
	_ =	strace $0x90000052  }
0xb3: {  	s29 =	simm.s32 $0x9;
	_ =	strace $0x80000054  }
0xb4: {  	_ =	swait.ge [sflag:s29], $0x1  }
0xb5: {  	[sflag:s29] =	ssyncadd.s32 $0xFFFFFFFF  }
0xb6: {  	_ =	strace $0x90000054  }
0xb7: {  	_ =	sfence  }
0xb8: {  	s30 =	sld [smem:$0x0];
	_ =	sdelay $0x2  }
0xb9: {  	s31 =	sshll.u32 s1, $0xD;
	s1 =	sshrl.u32 s1, $0x2  }
0xba: {  	s3 =	sand.u32 $0x4000, s31;
	s1 =	sadd.s32 s1, s30  }
0xbb: {  	s0 =	sor.u32 s3, s0;
	s1 =	sshll.u32 s1, $0x11  }
0xbc: {  	s0 =	sor.u32 s1, s0  }
0xbd: {  	s0 =	sadd.s32 $0x8F2B, s0  }
0xbe: {  	[sflag:s0] =	ssyncadd.remote.s32 $0x1  }
0xbf: {  	_ =	sfence.sel $0xFFFF  }
0xc0: {  	[dreg:$0x0] =	wrdreg $0xFFFFFFFF;
	(pc) =	sbr.abs _section_cstart, $3  }
0xc1: {  	[dreg:$0x1] =	wrdreg $0xFFFFFFFF  }
0xc2: {  	_ =	task.clear_ibuf [dreg:s7], $0x2FFFF;
	_ =	strace $0x9FFFFFFF  }
0xc3: {  	(tm) =	ssettm $0x7FFFFFFF  }
tec
execute0_lowered:
.L_overlay_start_1:
0x0: {  	(tag) =	ssettag $0x1  }
0x1: {  	s1 =	rddreg [dreg:$0x0]  }
0x2: {  	s5 =	rddreg [dreg:$0x1]  }
0x3: {  	s3 =	rddreg [dreg:$0x2]  }
0x4: {  	s0 =	rddreg [dreg:$0x3];
	s4 =	simm.s32 $0x0;
	s2 =	stileid.u32  }
0x5: {  	s6 =	srdreg.scid;
	s16 =	simm.s32 $0x7D;
	s17 =	simm.s32 $0x2800  }
0x6: {  	s18 =	simm.s32 $0x80;
	s19 =	simm.s32 $0x6800;
	s20 =	simm.s32 $0x1  }
0x7: {  	s21 =	simm.s32 $0x2;
	s22 =	simm.s32 $0x2700;
	s23 =	simm.s32 $0x2780  }
0x8: {  	s24 =	simm.s32 $0x0;
	[smem:$0x7FF] =	sst s4;
	s7 =	smul.u32 $0x14000, s2  }
0x9: {  	s6 =	sand.u32 $0x1, s6;
	s9 =	sadd.s32 $0x85600, s5;
	s10 =	sadd.s32 $0x3600, s5  }
0xa: {  	s12 =	smul.u32 $0x50000, s2;
	s30 =	sshll.u32 s2, $0x6;
	_ =	strace $0x80000053  }
0xb: {  	s8 =	smul.u32 $0x140000, s6;
	s28 =	sshll.u32 s6, $0x4;
	s6 =	ssub.s32 $0x2, s6  }
0xc: {  	s11 =	sshrl.u32 s7, $0x3;
	s13 =	sshrl.u32 s6, $0x1;
	s29 =	sshrl.u32 s12, $0x2  }
0xd: {  	s11 =	sadd.s32 s11, s5;
	s7 =	sadd.s32 s7, s8;
	s8 =	sor.u32 s2, s28  }
0xe: {  	s13 =	ssub.s32 s6, s13;
	s15 =	sadd.s32 s29, s3;
	s6 =	sor.u32 $0x1C03, s30  }
0xf: {  	s7 =	sshrl.u32 s7, $0x3;
	s8 =	smul.u32 $0x2800, s8;
	s12 =	smax.u32 s13, $0x1  }
0x10: {  	s13 =	sshrl.u32 s15, $0x3;
	s15 =	simm.s32 $0x1400;
	s14 =	sadd.s32 s7, s5  }
0x11: {  	s5 =	sadd.s32 $0xD600, s11;
	s8 =	sshrl.u32 s8, $0x3;
	s11 =	sadd.s32 $0x35600, s14  }
0x12: {  	s14 =	simm.s32 $0x3;
	s31 =	sadd.s32 $0x280, s8;
	s7 =	sadd.s32 s9, s8  }
0x13: {  	s8 =	sadd.s32 s10, s8;
	s9 =	sadd.s32 s9, s31;
	s10 =	sadd.s32 s10, s31  }
.LBB2_1:
0x14: {  	[spmem:s13], [sflag:s6] =	dma.local [hbm:s5], $0x2800  }
0x15: {  	_ =	swait.ge [sflag:s14], $0x2800  }
0x16: {  	[sflag:s14] =	ssyncset.done $0x0  }
0x17: {  	[sflag:s14] =	ssyncadd.s32 $0xFFFFD800  }
0x18: {  	[bflag:$0x0] =	sbarrier.arrive $0xFFFF  }
0x19: {  	[tilespmem:s4], [sflag:$0x3] =	stream.linear.gather [hbm4b:s7+s4], $0x1400, $0x38;
	[tilespmem:$0x1E800] =	vst v63  }
0x1a: {  	_ =	swait.ge [sflag:s14], $0x1400  }
0x1b: {  	[sflag:s14] =	ssyncset.done $0x0  }
0x1c: {  	[sflag:s14] =	ssyncadd.s32 $0xFFFFEC00  }
0x1d: {  	[tilespmem:s15], [sflag:$0x3] =	stream.linear.gather [hbm4b:s8+s4], $0x1400, $0x38;
	[tilespmem:$0x1E800] =	vst v63  }
0x1e: {  	_ =	swait.ge [sflag:s14], $0x1400  }
0x1f: {  	[sflag:s14] =	ssyncset.done $0x0  }
0x20: {  	[sflag:s14] =	ssyncadd.s32 $0xFFFFEC00  }
0x21: {  	[tilespmem:s17], [sflag:$0x1] =	stream.indirect.gather [hbm4b:s1+s16], $0x80, s4, s16, $0xb8;
	[tilespmem:$0x1E800] =	vst v63  }
0x22: {  	_ = 	snop  }
0x23: {  	[tilespmem:s19], [sflag:$0x2] =	stream.indirect.gather [hbm4b:s1+s16], $0x80, s18, s16, $0xb8;
	[tilespmem:$0x1E800] =	vst v63  }
0x24: {  	_ =	swait.ge [sflag:s20], $0x3E80  }
0x25: {  	[sflag:s20] =	ssyncset.done $0x0  }
0x26: {  	s25 =	simm.s32 $0x1400;
	[sflag:s20] =	ssyncadd.s32 $0xFFFFC180  }
0x27: {  	[spmem:s3] =	stream.indirect.scatter.add.f32 [tilespmem:s17], [sflag:$0x3], $0x80, s25, s16, $0xb8;
	[tilespmem:$0x1E800] =	vst v63  }
0x28: {  	_ =	swait.ge [sflag:s14], $0x3E80  }
0x29: {  	[sflag:s14] =	ssyncset.done $0x0  }
0x2a: {  	s30 =	simm.s32 $0x100;
	[sflag:s14] =	ssyncadd.s32 $0xFFFFC180  }
0x2b: {  	[tilespmem:s17], [sflag:$0x1] =	stream.indirect.gather [hbm4b:s1+s16], $0x80, s30, s16, $0xb8;
	[tilespmem:$0x1E800] =	vst v63  }
0x2c: {  	_ =	swait.ge [sflag:s21], $0x3E80  }
0x2d: {  	[sflag:s21] =	ssyncset.done $0x0  }
0x2e: {  	s31 =	simm.s32 $0x1480;
	[sflag:s21] =	ssyncadd.s32 $0xFFFFC180  }
0x2f: {  	[spmem:s3] =	stream.indirect.scatter.add.f32 [tilespmem:s19], [sflag:$0x3], $0x80, s31, s16, $0xb8;
	[tilespmem:$0x1E800] =	vst v63  }
0x30: {  	_ =	swait.ge [sflag:s14], $0x3E80  }
0x31: {  	[sflag:s14] =	ssyncset.done $0x0  }
0x32: {  	s26 =	simm.s32 $0x180;
	s25 =	simm.s32 $0x400;
	[sflag:s14] =	ssyncadd.s32 $0xFFFFC180  }
.LBB2_2:
0x33: {  	[tilespmem:s19], [sflag:$0x2] =	stream.indirect.gather [hbm4b:s1+s16], $0x80, s26, s16, $0xb8;
	[tilespmem:$0x1E800] =	vst v63  }
0x34: {  	s26 =	smov.u32 s25  }
0x35: {  	p0 =	sne.s32 s25, $0x4800;
	s25 =	sadd.s32 $0x400, s25;
	_ =	swait.ge [sflag:s20], $0x3E80  }
0x36: {  	s26 =	sshra.s32 s26, $0x2;
	[sflag:s20] =	ssyncset.done $0x0  }
0x37: {  	s28 =	sadd.s32 $0x1400, s26;
	[sflag:s20] =	ssyncadd.s32 $0xFFFFC180  }
0x38: {  	[spmem:s3] =	stream.indirect.scatter.add.f32 [tilespmem:s17], [sflag:$0x3], $0x80, s28, s16, $0xb8;
	[tilespmem:$0x1E800] =	vst v63  }
0x39: {  	_ =	swait.ge [sflag:s14], $0x3E80  }
0x3a: {  	[sflag:s14] =	ssyncset.done $0x0  }
0x3b: {  	s28 =	sadd.s32 $0x100, s26;
	[sflag:s14] =	ssyncadd.s32 $0xFFFFC180  }
0x3c: {  	[tilespmem:s17], [sflag:$0x1] =	stream.indirect.gather [hbm4b:s1+s16], $0x80, s28, s16, $0xb8;
	[tilespmem:$0x1E800] =	vst v63  }
0x3d: {  	_ =	swait.ge [sflag:s21], $0x3E80  }
0x3e: {  	[sflag:s21] =	ssyncset.done $0x0  }
.Ltmp0:
0x3f: {  	s28 =	sadd.s32 $0x1480, s26;
	[sflag:s21] =	ssyncadd.s32 $0xFFFFC180;
	(pc) =	sbr.rel @p0 .LBB2_2-.Ltmp0, $4  }
0x40: {  	[spmem:s3] =	stream.indirect.scatter.add.f32 [tilespmem:s19], [sflag:$0x3], $0x80, s28, s16, $0xb8;
	[tilespmem:$0x1E800] =	vst v63  }
0x41: {  	_ =	swait.ge [sflag:s14], $0x3E80  }
0x42: {  	[sflag:s14] =	ssyncset.done $0x0  }
0x43: {  	s26 =	sadd.s32 $0x180, s26;
	[sflag:s14] =	ssyncadd.s32 $0xFFFFC180  }
0x44: {  	[tilespmem:s19], [sflag:$0x2] =	stream.indirect.gather [hbm4b:s1+s16], $0x80, s26, s16, $0xb8;
	[tilespmem:$0x1E800] =	vst v63  }
0x45: {  	_ =	swait.ge [sflag:s20], $0x3E80  }
0x46: {  	[sflag:s20] =	ssyncset.done $0x0  }
0x47: {  	[sflag:s20] =	ssyncadd.s32 $0xFFFFC180  }
0x48: {  	[spmem:s3] =	stream.indirect.scatter.add.f32 [tilespmem:s17], [sflag:$0x3], $0x80, s22, s16, $0xb8;
	[tilespmem:$0x1E800] =	vst v63  }
0x49: {  	_ =	swait.ge [sflag:s14], $0x3E80  }
0x4a: {  	[sflag:s14] =	ssyncset.done $0x0  }
0x4b: {  	[sflag:s14] =	ssyncadd.s32 $0xFFFFC180  }
0x4c: {  	_ =	swait.ge [sflag:s21], $0x3E80  }
0x4d: {  	[sflag:s21] =	ssyncset.done $0x0  }
0x4e: {  	[sflag:s21] =	ssyncadd.s32 $0xFFFFC180  }
0x4f: {  	[spmem:s3] =	stream.indirect.scatter.add.f32 [tilespmem:s19], [sflag:$0x3], $0x80, s23, s16, $0xb8;
	[tilespmem:$0x1E800] =	vst v63  }
0x50: {  	_ =	swait.ge [sflag:s14], $0x3E80  }
0x51: {  	[sflag:s14] =	ssyncset.done $0x0  }
0x52: {  	s25 =	simm.s32 $0x0;
	[sflag:s14] =	ssyncadd.s32 $0xFFFFC180  }
0x53: {  	[tilespmem:s25], [sflag:$0x3] =	stream.linear.gather [hbm4b:s9+s25], $0x1400, $0x38;
	[tilespmem:$0x1E800] =	vst v63  }
0x54: {  	_ =	swait.ge [sflag:s14], $0x1400  }
0x55: {  	[sflag:s14] =	ssyncset.done $0x0  }
0x56: {  	[sflag:s14] =	ssyncadd.s32 $0xFFFFEC00  }
0x57: {  	[tilespmem:s15], [sflag:$0x3] =	stream.linear.gather [hbm4b:s10+s25], $0x1400, $0x38;
	[tilespmem:$0x1E800] =	vst v63  }
0x58: {  	_ =	swait.ge [sflag:s14], $0x1400  }
0x59: {  	[sflag:s14] =	ssyncset.done $0x0  }
0x5a: {  	[sflag:s14] =	ssyncadd.s32 $0xFFFFEC00  }
0x5b: {  	[tilespmem:s17], [sflag:$0x1] =	stream.indirect.gather [hbm4b:s1+s16], $0x80, s25, s16, $0xb8;
	[tilespmem:$0x1E800] =	vst v63  }
0x5c: {  	_ = 	snop  }
0x5d: {  	[tilespmem:s19], [sflag:$0x2] =	stream.indirect.gather [hbm4b:s1+s16], $0x80, s18, s16, $0xb8;
	[tilespmem:$0x1E800] =	vst v63  }
0x5e: {  	_ =	swait.ge [sflag:s20], $0x3E80  }
0x5f: {  	[sflag:s20] =	ssyncset.done $0x0  }
0x60: {  	s29 =	simm.s32 $0x1400;
	[sflag:s20] =	ssyncadd.s32 $0xFFFFC180  }
0x61: {  	[spmem:s3] =	stream.indirect.scatter.add.f32 [tilespmem:s17], [sflag:$0x3], $0x80, s29, s16, $0xb8;
	[tilespmem:$0x1E800] =	vst v63  }
0x62: {  	_ =	swait.ge [sflag:s14], $0x3E80  }
0x63: {  	[sflag:s14] =	ssyncset.done $0x0  }
0x64: {  	s30 =	simm.s32 $0x100;
	[sflag:s14] =	ssyncadd.s32 $0xFFFFC180  }
0x65: {  	[tilespmem:s17], [sflag:$0x1] =	stream.indirect.gather [hbm4b:s1+s16], $0x80, s30, s16, $0xb8;
	[tilespmem:$0x1E800] =	vst v63  }
0x66: {  	_ =	swait.ge [sflag:s21], $0x3E80  }
0x67: {  	[sflag:s21] =	ssyncset.done $0x0  }
0x68: {  	s31 =	simm.s32 $0x1480;
	[sflag:s21] =	ssyncadd.s32 $0xFFFFC180  }
0x69: {  	[spmem:s3] =	stream.indirect.scatter.add.f32 [tilespmem:s19], [sflag:$0x3], $0x80, s31, s16, $0xb8;
	[tilespmem:$0x1E800] =	vst v63  }
0x6a: {  	_ =	swait.ge [sflag:s14], $0x3E80  }
0x6b: {  	[sflag:s14] =	ssyncset.done $0x0  }
0x6c: {  	s26 =	simm.s32 $0x180;
	s25 =	simm.s32 $0x400;
	[sflag:s14] =	ssyncadd.s32 $0xFFFFC180  }
.LBB2_4:
0x6d: {  	[tilespmem:s19], [sflag:$0x2] =	stream.indirect.gather [hbm4b:s1+s16], $0x80, s26, s16, $0xb8;
	[tilespmem:$0x1E800] =	vst v63  }
0x6e: {  	s26 =	smov.u32 s25  }
0x6f: {  	p0 =	sne.s32 s25, $0x4800;
	s25 =	sadd.s32 $0x400, s25;
	_ =	swait.ge [sflag:s20], $0x3E80  }
0x70: {  	s26 =	sshra.s32 s26, $0x2;
	[sflag:s20] =	ssyncset.done $0x0  }
0x71: {  	s28 =	sadd.s32 $0x1400, s26;
	[sflag:s20] =	ssyncadd.s32 $0xFFFFC180  }
0x72: {  	[spmem:s3] =	stream.indirect.scatter.add.f32 [tilespmem:s17], [sflag:$0x3], $0x80, s28, s16, $0xb8;
	[tilespmem:$0x1E800] =	vst v63  }
0x73: {  	_ =	swait.ge [sflag:s14], $0x3E80  }
0x74: {  	[sflag:s14] =	ssyncset.done $0x0  }
0x75: {  	s28 =	sadd.s32 $0x100, s26;
	[sflag:s14] =	ssyncadd.s32 $0xFFFFC180  }
0x76: {  	[tilespmem:s17], [sflag:$0x1] =	stream.indirect.gather [hbm4b:s1+s16], $0x80, s28, s16, $0xb8;
	[tilespmem:$0x1E800] =	vst v63  }
0x77: {  	_ =	swait.ge [sflag:s21], $0x3E80  }
0x78: {  	[sflag:s21] =	ssyncset.done $0x0  }
.Ltmp1:
0x79: {  	s28 =	sadd.s32 $0x1480, s26;
	[sflag:s21] =	ssyncadd.s32 $0xFFFFC180;
	(pc) =	sbr.rel @p0 .LBB2_4-.Ltmp1, $4  }
0x7a: {  	[spmem:s3] =	stream.indirect.scatter.add.f32 [tilespmem:s19], [sflag:$0x3], $0x80, s28, s16, $0xb8;
	[tilespmem:$0x1E800] =	vst v63  }
0x7b: {  	_ =	swait.ge [sflag:s14], $0x3E80  }
0x7c: {  	[sflag:s14] =	ssyncset.done $0x0  }
0x7d: {  	s26 =	sadd.s32 $0x180, s26;
	[sflag:s14] =	ssyncadd.s32 $0xFFFFC180  }
0x7e: {  	[tilespmem:s19], [sflag:$0x2] =	stream.indirect.gather [hbm4b:s1+s16], $0x80, s26, s16, $0xb8;
	[tilespmem:$0x1E800] =	vst v63  }
0x7f: {  	_ =	swait.ge [sflag:s20], $0x3E80  }
0x80: {  	[sflag:s20] =	ssyncset.done $0x0  }
0x81: {  	[sflag:s20] =	ssyncadd.s32 $0xFFFFC180  }
0x82: {  	[spmem:s3] =	stream.indirect.scatter.add.f32 [tilespmem:s17], [sflag:$0x3], $0x80, s22, s16, $0xb8;
	[tilespmem:$0x1E800] =	vst v63  }
0x83: {  	_ =	swait.ge [sflag:s14], $0x3E80  }
0x84: {  	[sflag:s14] =	ssyncset.done $0x0  }
0x85: {  	[sflag:s14] =	ssyncadd.s32 $0xFFFFC180  }
0x86: {  	_ =	swait.ge [sflag:s21], $0x3E80  }
0x87: {  	[sflag:s21] =	ssyncset.done $0x0  }
0x88: {  	[sflag:s21] =	ssyncadd.s32 $0xFFFFC180  }
0x89: {  	[spmem:s3] =	stream.indirect.scatter.add.f32 [tilespmem:s19], [sflag:$0x3], $0x80, s23, s16, $0xb8;
	[tilespmem:$0x1E800] =	vst v63  }
0x8a: {  	_ =	swait.ge [sflag:s14], $0x3E80  }
0x8b: {  	s24 =	sadd.s32 $0x1, s24;
	[sflag:s14] =	ssyncset.done $0x0  }
0x8c: {  	p0 =	sne.s32 s24, s12;
	[sflag:s14] =	ssyncadd.s32 $0xFFFFC180  }
.Ltmp2:
0x8d: {  	[bflag:$0x0] =	sbarrier.arrive $0xFFFF;
	(pc) =	sbr.rel @p0 .LBB2_1-.Ltmp2, $4  }
0x8e: {  	[hbm:s11], [sflag:s6] =	dma.local [spmem:s13], $0x2800  }
0x8f: {  	_ =	swait.ge [sflag:s14], $0x2800  }
0x90: {  	[sflag:s14] =	ssyncset.done $0x0  }
0x91: {  	[sflag:s14] =	ssyncadd.s32 $0xFFFFD800  }
0x92: {  	_ =	sfence.sel $0x180000  }
0x93: {  	[bflag:$0x0] =	sbarrier.arrive $0xFFFF  }
0x94: {  	p0 =	sne.s32 s2, $0x0;
	_ =	strace $0x90000053  }
0x95: {  	s0 =	sadd.s32 @!p0 $0x100000, s0;
	[bflag:$0x2] =	sbarrier.arrive $0xFFFF  }
0x96: {  	[sflag:s0] =	ssyncadd.tile.s32 @!p0 $0x1;
	_ =	shalt  }
.Lfunc_end2:
_tile_overlayer_lowered:
.L_overlay_start_2:
0x97: {  	(tag) =	ssettag $0x2  }
0x98: {  	s0 =	rddreg [dreg:$0x0];
	s2 =	stileid.u32  }
0x99: {  	s1 =	rddreg [dreg:$0x1];
	p0 =	sne.s32 s2, $0x0  }
0x9a: {  	s3 =	rddreg [dreg:$0x2];
	[bflag:$0x3] =	sbarrier.arrive $0xFFFF;
	s2 =	simm.s32 @!p0 $0x1C03  }
0x9b: {  	[timem:s3], [sflag:s2] =	dma.local @!p0 [hbm:s0], s1  }
0x9c: {  	s0 =	simm.s32 @!p0 $0x3  }
0x9d: {  	_ =	swait.ge @!p0 [sflag:s0], s1  }
0x9e: {  	s1 =	ssub.s32 @!p0 $0x0, s1;
	[sflag:s0] =	ssyncset.done @!p0 $0x0  }
0x9f: {  	[sflag:s0] =	ssyncadd.s32 @!p0 s1  }
0xa0: {  	[bflag:$0x3] =	sbarrier.arrive $0xFFFF  }
0xa1: {  	_ =	shalt  }

</sc_bundles>
